<compile_context>
chip_gen: v7x
topology: tpu7x:2x2x1
jax: 0.10.2.dev20260603
libtpu: 0.0.44.dev20260713+nightly
codegen_flags: <defaults>
</compile_context>

<pallas_src>
import functools

import jax
import jax.numpy as jnp
from jax import lax
from jax.experimental import pallas as pl
from jax.experimental.pallas import tpu as pltpu
from jax.experimental.pallas import tpu_sc as plsc

L = 16
NC, NS = 2, 16
NW = NC * NS
B = 1024 * 1024
PT = B // NW
C = 1024
NCH = PT // C
NG = C // L
DIMS = (4096, 2048, 1024, 512)
NTAP = 16

_mesh = plsc.VectorSubcoreMesh(core_axis_name="c", subcore_axis_name="s")


@functools.partial(
    pl.kernel,
    mesh=_mesh,
    out_type=jax.ShapeDtypeStruct((B,), jnp.float32),
    scratch_types=[
        pltpu.VMEM((C,), jnp.float32),
        pltpu.VMEM((C,), jnp.float32),
        pltpu.VMEM((C,), jnp.float32),
        pltpu.VMEM((C,), jnp.float32),
        pltpu.VMEM((NTAP * C,), jnp.int32),
        pltpu.VMEM((NTAP * C,), jnp.float32),
        pltpu.VMEM((NTAP * C,), jnp.int32),
        pltpu.VMEM((NTAP * C,), jnp.float32),
        pltpu.VMEM((NTAP * C,), jnp.float32),
        pltpu.VMEM((NTAP * C,), jnp.float32),
        pltpu.VMEM((C,), jnp.float32),
        pltpu.VMEM((C,), jnp.float32),
        pltpu.SemaphoreType.DMA,
        pltpu.SemaphoreType.DMA,
        pltpu.SemaphoreType.DMA,
    ],
)
def _tex_sc(u_hbm, v_hbm, t1, t2, t3, t4, out_hbm,
            u0_v, v0_v, u1_v, v1_v, idx0_v, w0_v, idx1_v, w1_v,
            val0_v, val1_v, out0_v, out1_v, sem, sem_uv, sem_out):
    wid = lax.axis_index("s") * NC + lax.axis_index("c")
    tabs = (t1, t2, t3, t4)

    def uv_load(ci, u_v, v_v):
        base = wid * PT + ci * C
        return (
            pltpu.async_copy(u_hbm.at[pl.ds(base, C)], u_v, sem_uv),
            pltpu.async_copy(v_hbm.at[pl.ds(base, C)], v_v, sem_uv),
        )

    def compute_chunk(u_v, v_v, idx_v, w_v):
        def grp(g, c2):
            off = g * L
            uu = u_v[pl.ds(off, L)]
            vv = v_v[pl.ds(off, L)]
            for lvl in range(4):
                D = DIMS[lvl]
                fD = float(D)
                ix = uu * fD - 0.5
                iy = vv * fD - 0.5
                xt = ix.astype(jnp.int32)
                yt = iy.astype(jnp.int32)
                x0 = jnp.where(ix < xt.astype(jnp.float32), xt - 1, xt)
                y0 = jnp.where(iy < yt.astype(jnp.float32), yt - 1, yt)
                fx = ix - x0.astype(jnp.float32)
                fy = iy - y0.astype(jnp.float32)
                x1 = x0 + 1
                y1 = y0 + 1
                vx0 = (x0 >= 0) & (x0 <= D - 1)
                vx1 = (x1 >= 0) & (x1 <= D - 1)
                vy0 = (y0 >= 0) & (y0 <= D - 1)
                vy1 = (y1 >= 0) & (y1 <= D - 1)
                xc0 = jnp.clip(x0, 0, D - 1)
                xc1 = jnp.clip(x1, 0, D - 1)
                yb0 = jnp.clip(y0, 0, D - 1) * D
                yb1 = jnp.clip(y1, 0, D - 1) * D
                wx0 = 1.0 - fx
                wy0 = 1.0 - fy
                taps = (
                    (yb0 + xc0, wy0 * wx0, vy0 & vx0),
                    (yb0 + xc1, wy0 * fx, vy0 & vx1),
                    (yb1 + xc0, fy * wx0, vy1 & vx0),
                    (yb1 + xc1, fy * fx, vy1 & vx1),
                )
                for t, (fi, ww, vld) in enumerate(taps):
                    r = lvl * 4 + t
                    idx_v[pl.ds(r * C + off, L)] = fi
                    w_v[pl.ds(r * C + off, L)] = jnp.where(vld, ww, 0.0)
            return c2

        lax.fori_loop(0, NG, grp, 0)

    def fire(idx_v, val_v):
        return [
            pltpu.async_copy(
                tabs[l].at[idx_v.at[pl.ds(l * 4 * C, 4 * C)]],
                val_v.at[pl.ds(l * 4 * C, 4 * C)],
                sem,
            )
            for l in range(4)
        ]

    def drain_acc(ci, handles, val_v, w_v, out_v):
        for h in handles:
            h.wait()

        def acc(g, c2):
            off = g * L
            a = None
            for r in range(NTAP):
                term = (val_v[pl.ds(r * C + off, L)]
                        * w_v[pl.ds(r * C + off, L)])
                a = term if a is None else a + term
            out_v[pl.ds(off, L)] = a
            return c2

        lax.fori_loop(0, NG, acc, 0)
        return pltpu.async_copy(
            out_v, out_hbm.at[pl.ds(wid * PT + ci * C, C)], sem_out)

    for h in uv_load(0, u0_v, v0_v):
        h.wait()
    compute_chunk(u0_v, v0_v, idx0_v, w0_v)

    def pair_body(i, carry):
        c0 = 2 * i
        c1 = c0 + 1
        cn = jnp.where(c1 + 1 < NCH, c1 + 1, 0)
        hu1 = uv_load(c1, u1_v, v1_v)
        h0 = fire(idx0_v, val0_v)
        for h in hu1:
            h.wait()
        compute_chunk(u1_v, v1_v, idx1_v, w1_v)
        hu2 = uv_load(cn, u0_v, v0_v)
        h1 = fire(idx1_v, val1_v)
        ho0 = drain_acc(c0, h0, val0_v, w0_v, out0_v)
        for h in hu2:
            h.wait()
        compute_chunk(u0_v, v0_v, idx0_v, w0_v)
        ho1 = drain_acc(c1, h1, val1_v, w1_v, out1_v)
        ho0.wait()
        ho1.wait()
        return carry

    lax.fori_loop(0, NCH // 2, pair_body, 0)


def kernel(x, layer1, layer2, layer3, layer4):
    u = x[0, :, :, 0].reshape(-1)
    v = x[0, :, :, 1].reshape(-1)
    y = _tex_sc(u, v,
                layer1.reshape(-1), layer2.reshape(-1),
                layer3.reshape(-1), layer4.reshape(-1))
    return y.reshape(1, 1, 1024, 1024)

# --- scband reference (transcript-rebuilt; emitter-appended) ---
"""Pipeline reference for scband-texture-15831249453087 (READ-ONLY COPY).

The authoritative reference and input builder live on the scoring server;
editing this copy changes nothing except your own understanding.
"""

import jax, jax.numpy as jnp
import numpy as np

W, H = 4096, 4096

def setup_inputs(seed: int = 0) -> dict:
    key = jax.random.key(seed)
    k1, k2, k3, k4, k5 = jax.random.split(key, 5)
    return {
        "x": jax.random.uniform(k1, (1, 1024, 1024, 2), dtype=jnp.float32),
        "layer1": jax.random.normal(k2, (W, H), dtype=jnp.float32),
        "layer2": jax.random.normal(k3, (W // 2, H // 2), dtype=jnp.float32),
        "layer3": jax.random.normal(k4, (W // 4, H // 4), dtype=jnp.float32),
        "layer4": jax.random.normal(k5, (W // 8, H // 8), dtype=jnp.float32),
    }

def _grid_sample(tex, grid):
    # tex: (H_in, W_in) single-channel texture, i.e. torch input (1, 1, H_in, W_in)
    # grid: (Hg, Wg, 2) normalized coords in [-1, 1]; grid[...,0]=x (width), grid[...,1]=y (height)
    # bilinear, padding_mode='zeros', align_corners=False (torch grid_sample defaults)
    H_in, W_in = tex.shape
    gx = grid[..., 0]
    gy = grid[..., 1]
    ix = ((gx + 1.0) * W_in - 1.0) / 2.0
    iy = ((gy + 1.0) * H_in - 1.0) / 2.0
    x0 = jnp.floor(ix)
    y0 = jnp.floor(iy)
    x1 = x0 + 1.0
    y1 = y0 + 1.0
    wx1 = ix - x0
    wx0 = 1.0 - wx1
    wy1 = iy - y0
    wy0 = 1.0 - wy1
    def tap(yy, xx):
        valid = (yy >= 0) & (yy <= H_in - 1) & (xx >= 0) & (xx <= W_in - 1)
        yc = jnp.clip(yy, 0, H_in - 1).astype(jnp.int32)
        xc = jnp.clip(xx, 0, W_in - 1).astype(jnp.int32)
        v = tex[yc, xc]
        return jnp.where(valid, v, 0.0)
    return (tap(y0, x0) * wy0 * wx0 + tap(y0, x1) * wy0 * wx1 +
            tap(y1, x0) * wy1 * wx0 + tap(y1, x1) * wy1 * wx1)

def reference(x, layer1, layer2, layer3, layer4):
    g = x * 2.0 - 1.0  # map [0,1] UVs to [-1,1] like the torch module
    grid = g[0]        # (Hg, Wg, 2)
    y = (_grid_sample(layer1, grid) + _grid_sample(layer2, grid) +
         _grid_sample(layer3, grid) + _grid_sample(layer4, grid))
    return y[None, None]  # (1, 1, Hg, Wg)

if __name__ == "__main__":
    import jax
    _d = setup_inputs()
    print(jax.jit(kernel)(*tuple(_d.values())))

</pallas_src>

<mosaic_0001>
#map = affine_map<(d0, d1) -> (0)>
module attributes {stable_mosaic.version = 14 : i64} {
  func.func @_tex_sc(%arg0: i32, %arg1: i32, %arg2: memref<1048576xf32, #tpu.memory_space<hbm>>, %arg3: memref<1048576xf32, #tpu.memory_space<hbm>>, %arg4: memref<16777216xf32, #tpu.memory_space<hbm>>, %arg5: memref<4194304xf32, #tpu.memory_space<hbm>>, %arg6: memref<1048576xf32, #tpu.memory_space<hbm>>, %arg7: memref<262144xf32, #tpu.memory_space<hbm>>, %arg8: memref<1048576xf32, #tpu.memory_space<hbm>>, %arg9: memref<1024xf32, #tpu.memory_space<vmem>>, %arg10: memref<1024xf32, #tpu.memory_space<vmem>>, %arg11: memref<1024xf32, #tpu.memory_space<vmem>>, %arg12: memref<1024xf32, #tpu.memory_space<vmem>>, %arg13: memref<16384xi32, #tpu.memory_space<vmem>>, %arg14: memref<16384xf32, #tpu.memory_space<vmem>>, %arg15: memref<16384xi32, #tpu.memory_space<vmem>>, %arg16: memref<16384xf32, #tpu.memory_space<vmem>>, %arg17: memref<16384xf32, #tpu.memory_space<vmem>>, %arg18: memref<16384xf32, #tpu.memory_space<vmem>>, %arg19: memref<1024xf32, #tpu.memory_space<vmem>>, %arg20: memref<1024xf32, #tpu.memory_space<vmem>>, %arg21: memref<!tpu.dma_semaphore, #tpu.memory_space<semaphore_mem>>, %arg22: memref<!tpu.dma_semaphore, #tpu.memory_space<semaphore_mem>>, %arg23: memref<!tpu.dma_semaphore, #tpu.memory_space<semaphore_mem>>) attributes {dimension_semantics = [#tpu.dimension_semantics<core_parallel>, #tpu.dimension_semantics<subcore_parallel>], iteration_bounds = array<i64: 2, 16>, scalar_prefetch = 0 : i64, scratch_operands = 15 : i64, tpu.core_type = #tpu.core_type<sc_vector_subcore>, window_params = [{transform_indices = #map}, {transform_indices = #map}, {transform_indices = #map}, {transform_indices = #map}, {transform_indices = #map}, {transform_indices = #map}, {transform_indices = #map}]} {
    %mul3A = arith.constant 2 : i32
    %mul3A_0 = arith.muli %arg1, %mul3A : i32
    %add3A = arith.addi %mul3A_0, %arg0 : i32
    %mul3A_1 = arith.constant 32768 : i32
    %mul3A_2 = arith.muli %add3A, %mul3A_1 : i32
    %add3A_3 = arith.constant 0 : i32
    %add3A_4 = arith.addi %mul3A_2, %add3A_3 : i32
    %dma_start3A = tpu.memref_slice %arg2[%add3A_4] : memref<1048576xf32, #tpu.memory_space<hbm>> -> memref<1024xf32, #tpu.memory_space<hbm>>
    %dma_start3A_5 = tpu.memref_slice %arg2[%add3A_4] : memref<1048576xf32, #tpu.memory_space<hbm>> -> memref<1024xf32, #tpu.memory_space<hbm>>
    tpu.enqueue_dma source(%dma_start3A_5 : memref<1024xf32, #tpu.memory_space<hbm>>) target(%arg9 : memref<1024xf32, #tpu.memory_space<vmem>>) target_semaphore(%arg22 : memref<!tpu.dma_semaphore, #tpu.memory_space<semaphore_mem>>)
    %dma_start3A_6 = tpu.memref_slice %arg3[%add3A_4] : memref<1048576xf32, #tpu.memory_space<hbm>> -> memref<1024xf32, #tpu.memory_space<hbm>>
    %dma_start3A_7 = tpu.memref_slice %arg3[%add3A_4] : memref<1048576xf32, #tpu.memory_space<hbm>> -> memref<1024xf32, #tpu.memory_space<hbm>>
    tpu.enqueue_dma source(%dma_start3A_7 : memref<1024xf32, #tpu.memory_space<hbm>>) target(%arg10 : memref<1024xf32, #tpu.memory_space<vmem>>) target_semaphore(%arg22 : memref<!tpu.dma_semaphore, #tpu.memory_space<semaphore_mem>>)
    %dma_wait3A = tpu.memref_slice %arg2[%add3A_4] : memref<1048576xf32, #tpu.memory_space<hbm>> -> memref<1024xf32, #tpu.memory_space<hbm>>
    %dma_wait3A_8 = tpu.memref_slice %arg2[%add3A_4] : memref<1048576xf32, #tpu.memory_space<hbm>> -> memref<1024xf32, #tpu.memory_space<hbm>>
    tpu.wait_dma2 semaphore(%arg22 : memref<!tpu.dma_semaphore, #tpu.memory_space<semaphore_mem>>) src(%dma_wait3A_8 : memref<1024xf32, #tpu.memory_space<hbm>>) dst(%arg9 : memref<1024xf32, #tpu.memory_space<vmem>>)
    %dma_wait3A_9 = tpu.memref_slice %arg3[%add3A_4] : memref<1048576xf32, #tpu.memory_space<hbm>> -> memref<1024xf32, #tpu.memory_space<hbm>>
    %dma_wait3A_10 = tpu.memref_slice %arg3[%add3A_4] : memref<1048576xf32, #tpu.memory_space<hbm>> -> memref<1024xf32, #tpu.memory_space<hbm>>
    tpu.wait_dma2 semaphore(%arg22 : memref<!tpu.dma_semaphore, #tpu.memory_space<semaphore_mem>>) src(%dma_wait3A_10 : memref<1024xf32, #tpu.memory_space<hbm>>) dst(%arg10 : memref<1024xf32, #tpu.memory_space<vmem>>)
    %scan3A = arith.constant 0 : i32
    %scan3A_11 = arith.constant 0 : i32
    %scan3A_12 = arith.constant 64 : i32
    %scan3A_13 = arith.addi %scan3A_11, %scan3A_12 : i32
    %scan3A_14 = arith.constant 1 : i32
    scf.for %scan3A_22 = %scan3A_11 to %scan3A_13 step %scan3A_14  : i32 {
      %mul3A_23 = arith.constant 16 : i32
      %mul3A_24 = arith.muli %scan3A_22, %mul3A_23 : i32
      %get3A = arith.index_cast %mul3A_24 : i32 to index
      %get3A_25 = tpu.vector_load %arg9[%get3A] {strides = array<i32>} : memref<1024xf32, #tpu.memory_space<vmem>>, vector<16xf32>,
      %get3A_26 = vector.shape_cast %get3A_25 : vector<16xf32> to vector<16xf32>
      %get3A_27 = arith.index_cast %mul3A_24 : i32 to index
      %get3A_28 = tpu.vector_load %arg10[%get3A_27] {strides = array<i32>} : memref<1024xf32, #tpu.memory_space<vmem>>, vector<16xf32>,
      %get3A_29 = vector.shape_cast %get3A_28 : vector<16xf32> to vector<16xf32>
      %mul3A_30 = arith.constant 4.096000e+03 : f32
      %mul3A_31 = vector.broadcast %mul3A_30 : f32 to vector<16xf32>
      %mul3A_32 = arith.mulf %get3A_26, %mul3A_31 : vector<16xf32>
      %sub3A = arith.constant 5.000000e-01 : f32
      %sub3A_33 = vector.broadcast %sub3A : f32 to vector<16xf32>
      %sub3A_34 = arith.subf %mul3A_32, %sub3A_33 : vector<16xf32>
      %mul3A_35 = arith.constant 4.096000e+03 : f32
      %mul3A_36 = vector.broadcast %mul3A_35 : f32 to vector<16xf32>
      %mul3A_37 = arith.mulf %get3A_29, %mul3A_36 : vector<16xf32>
      %sub3A_38 = arith.constant 5.000000e-01 : f32
      %sub3A_39 = vector.broadcast %sub3A_38 : f32 to vector<16xf32>
      %sub3A_40 = arith.subf %mul3A_37, %sub3A_39 : vector<16xf32>
      %convert_element_type3A = arith.fptosi %sub3A_34 : vector<16xf32> to vector<16xi32>
      %convert_element_type3A_41 = arith.fptosi %sub3A_40 : vector<16xf32> to vector<16xi32>
      %convert_element_type3A_42 = arith.sitofp %convert_element_type3A : vector<16xi32> to vector<16xf32>
      %lt3A = arith.cmpf olt, %sub3A_34, %convert_element_type3A_42 : vector<16xf32>
      %sub3A_43 = arith.constant 1 : i32
      %sub3A_44 = vector.broadcast %sub3A_43 : i32 to vector<16xi32>
      %sub3A_45 = arith.subi %convert_element_type3A, %sub3A_44 : vector<16xi32>
      %select_n3A = arith.select %lt3A, %sub3A_45, %convert_element_type3A : vector<16xi1>, vector<16xi32>
      %convert_element_type3A_46 = arith.sitofp %convert_element_type3A_41 : vector<16xi32> to vector<16xf32>
      %lt3A_47 = arith.cmpf olt, %sub3A_40, %convert_element_type3A_46 : vector<16xf32>
      %sub3A_48 = arith.constant 1 : i32
      %sub3A_49 = vector.broadcast %sub3A_48 : i32 to vector<16xi32>
      %sub3A_50 = arith.subi %convert_element_type3A_41, %sub3A_49 : vector<16xi32>
      %select_n3A_51 = arith.select %lt3A_47, %sub3A_50, %convert_element_type3A_41 : vector<16xi1>, vector<16xi32>
      %convert_element_type3A_52 = arith.sitofp %select_n3A : vector<16xi32> to vector<16xf32>
      %sub3A_53 = arith.subf %sub3A_34, %convert_element_type3A_52 : vector<16xf32>
      %convert_element_type3A_54 = arith.sitofp %select_n3A_51 : vector<16xi32> to vector<16xf32>
      %sub3A_55 = arith.subf %sub3A_40, %convert_element_type3A_54 : vector<16xf32>
      %add3A_56 = arith.constant 1 : i32
      %add3A_57 = vector.broadcast %add3A_56 : i32 to vector<16xi32>
      %add3A_58 = arith.addi %select_n3A, %add3A_57 : vector<16xi32>
      %add3A_59 = arith.constant 1 : i32
      %add3A_60 = vector.broadcast %add3A_59 : i32 to vector<16xi32>
      %add3A_61 = arith.addi %select_n3A_51, %add3A_60 : vector<16xi32>
      %ge3A = arith.constant 0 : i32
      %ge3A_62 = vector.broadcast %ge3A : i32 to vector<16xi32>
      %ge3A_63 = arith.cmpi sge, %select_n3A, %ge3A_62 : vector<16xi32>
      %le3A = arith.constant 4095 : i32
      %le3A_64 = vector.broadcast %le3A : i32 to vector<16xi32>
      %le3A_65 = arith.cmpi sle, %select_n3A, %le3A_64 : vector<16xi32>
      %and3A = arith.andi %ge3A_63, %le3A_65 : vector<16xi1>
      %ge3A_66 = arith.constant 0 : i32
      %ge3A_67 = vector.broadcast %ge3A_66 : i32 to vector<16xi32>
      %ge3A_68 = arith.cmpi sge, %add3A_58, %ge3A_67 : vector<16xi32>
      %le3A_69 = arith.constant 4095 : i32
      %le3A_70 = vector.broadcast %le3A_69 : i32 to vector<16xi32>
      %le3A_71 = arith.cmpi sle, %add3A_58, %le3A_70 : vector<16xi32>
      %and3A_72 = arith.andi %ge3A_68, %le3A_71 : vector<16xi1>
      %ge3A_73 = arith.constant 0 : i32
      %ge3A_74 = vector.broadcast %ge3A_73 : i32 to vector<16xi32>
      %ge3A_75 = arith.cmpi sge, %select_n3A_51, %ge3A_74 : vector<16xi32>
      %le3A_76 = arith.constant 4095 : i32
      %le3A_77 = vector.broadcast %le3A_76 : i32 to vector<16xi32>
      %le3A_78 = arith.cmpi sle, %select_n3A_51, %le3A_77 : vector<16xi32>
      %and3A_79 = arith.andi %ge3A_75, %le3A_78 : vector<16xi1>
      %ge3A_80 = arith.constant 0 : i32
      %ge3A_81 = vector.broadcast %ge3A_80 : i32 to vector<16xi32>
      %ge3A_82 = arith.cmpi sge, %add3A_61, %ge3A_81 : vector<16xi32>
      %le3A_83 = arith.constant 4095 : i32
      %le3A_84 = vector.broadcast %le3A_83 : i32 to vector<16xi32>
      %le3A_85 = arith.cmpi sle, %add3A_61, %le3A_84 : vector<16xi32>
      %and3A_86 = arith.andi %ge3A_82, %le3A_85 : vector<16xi1>
      %jit3A = arith.constant 0 : i32
      %jit3A_87 = arith.constant 4095 : i32
      %max3A = vector.broadcast %jit3A : i32 to vector<16xi32>
      %max3A_88 = arith.maxsi %max3A, %select_n3A : vector<16xi32>
      %min3A = vector.broadcast %jit3A_87 : i32 to vector<16xi32>
      %min3A_89 = arith.minsi %min3A, %max3A_88 : vector<16xi32>
      %jit3A_90 = arith.constant 0 : i32
      %jit3A_91 = arith.constant 4095 : i32
      %max3A_92 = vector.broadcast %jit3A_90 : i32 to vector<16xi32>
      %max3A_93 = arith.maxsi %max3A_92, %add3A_58 : vector<16xi32>
      %min3A_94 = vector.broadcast %jit3A_91 : i32 to vector<16xi32>
      %min3A_95 = arith.minsi %min3A_94, %max3A_93 : vector<16xi32>
      %jit3A_96 = arith.constant 0 : i32
      %jit3A_97 = arith.constant 4095 : i32
      %max3A_98 = vector.broadcast %jit3A_96 : i32 to vector<16xi32>
      %max3A_99 = arith.maxsi %max3A_98, %select_n3A_51 : vector<16xi32>
      %min3A_100 = vector.broadcast %jit3A_97 : i32 to vector<16xi32>
      %min3A_101 = arith.minsi %min3A_100, %max3A_99 : vector<16xi32>
      %mul3A_102 = arith.constant 4096 : i32
      %mul3A_103 = vector.broadcast %mul3A_102 : i32 to vector<16xi32>
      %mul3A_104 = arith.muli %min3A_101, %mul3A_103 : vector<16xi32>
      %jit3A_105 = arith.constant 0 : i32
      %jit3A_106 = arith.constant 4095 : i32
      %max3A_107 = vector.broadcast %jit3A_105 : i32 to vector<16xi32>
      %max3A_108 = arith.maxsi %max3A_107, %add3A_61 : vector<16xi32>
      %min3A_109 = vector.broadcast %jit3A_106 : i32 to vector<16xi32>
      %min3A_110 = arith.minsi %min3A_109, %max3A_108 : vector<16xi32>
      %mul3A_111 = arith.constant 4096 : i32
      %mul3A_112 = vector.broadcast %mul3A_111 : i32 to vector<16xi32>
      %mul3A_113 = arith.muli %min3A_110, %mul3A_112 : vector<16xi32>
      %sub3A_114 = arith.constant 1.000000e+00 : f32
      %sub3A_115 = vector.broadcast %sub3A_114 : f32 to vector<16xf32>
      %sub3A_116 = arith.subf %sub3A_115, %sub3A_53 : vector<16xf32>
      %sub3A_117 = arith.constant 1.000000e+00 : f32
      %sub3A_118 = vector.broadcast %sub3A_117 : f32 to vector<16xf32>
      %sub3A_119 = arith.subf %sub3A_118, %sub3A_55 : vector<16xf32>
      %add3A_120 = arith.addi %mul3A_104, %min3A_89 : vector<16xi32>
      %mul3A_121 = arith.mulf %sub3A_119, %sub3A_116 : vector<16xf32>
      %and3A_122 = arith.andi %and3A_79, %and3A : vector<16xi1>
      %add3A_123 = arith.addi %mul3A_104, %min3A_95 : vector<16xi32>
      %mul3A_124 = arith.mulf %sub3A_119, %sub3A_53 : vector<16xf32>
      %and3A_125 = arith.andi %and3A_79, %and3A_72 : vector<16xi1>
      %add3A_126 = arith.addi %mul3A_113, %min3A_89 : vector<16xi32>
      %mul3A_127 = arith.mulf %sub3A_55, %sub3A_116 : vector<16xf32>
      %and3A_128 = arith.andi %and3A_86, %and3A : vector<16xi1>
      %add3A_129 = arith.addi %mul3A_113, %min3A_95 : vector<16xi32>
      %mul3A_130 = arith.mulf %sub3A_55, %sub3A_53 : vector<16xf32>
      %and3A_131 = arith.andi %and3A_86, %and3A_72 : vector<16xi1>
      %add3A_132 = arith.constant 0 : i32
      %add3A_133 = arith.addi %add3A_132, %mul3A_24 : i32
      %swap3A = arith.index_cast %add3A_133 : i32 to index
      %swap3A_134 = tpu.vector_load %arg13[%swap3A] {strides = array<i32>} : memref<16384xi32, #tpu.memory_space<vmem>>, vector<16xi32>,
      %swap3A_135 = vector.shape_cast %swap3A_134 : vector<16xi32> to vector<16xi32>
      %swap3A_136 = vector.shape_cast %add3A_120 : vector<16xi32> to vector<16xi32>
      tpu.vector_store %arg13[%swap3A], %swap3A_136 {strides = array<i32>} : memref<16384xi32, #tpu.memory_space<vmem>>, vector<16xi32>,
      %jit3A_137 = arith.constant 0.000000e+00 : f32
      %broadcast_in_dim3A = vector.broadcast %jit3A_137 : f32 to vector<16xf32>
      %select_n3A_138 = arith.select %and3A_122, %mul3A_121, %broadcast_in_dim3A : vector<16xi1>, vector<16xf32>
      %add3A_139 = arith.constant 0 : i32
      %add3A_140 = arith.addi %add3A_139, %mul3A_24 : i32
      %swap3A_141 = arith.index_cast %add3A_140 : i32 to index
      %swap3A_142 = tpu.vector_load %arg14[%swap3A_141] {strides = array<i32>} : memref<16384xf32, #tpu.memory_space<vmem>>, vector<16xf32>,
      %swap3A_143 = vector.shape_cast %swap3A_142 : vector<16xf32> to vector<16xf32>
      %swap3A_144 = vector.shape_cast %select_n3A_138 : vector<16xf32> to vector<16xf32>
      tpu.vector_store %arg14[%swap3A_141], %swap3A_144 {strides = array<i32>} : memref<16384xf32, #tpu.memory_space<vmem>>, vector<16xf32>,
      %add3A_145 = arith.constant 1024 : i32
      %add3A_146 = arith.addi %add3A_145, %mul3A_24 : i32
      %swap3A_147 = arith.index_cast %add3A_146 : i32 to index
      %swap3A_148 = tpu.vector_load %arg13[%swap3A_147] {strides = array<i32>} : memref<16384xi32, #tpu.memory_space<vmem>>, vector<16xi32>,
      %swap3A_149 = vector.shape_cast %swap3A_148 : vector<16xi32> to vector<16xi32>
      %swap3A_150 = vector.shape_cast %add3A_123 : vector<16xi32> to vector<16xi32>
      tpu.vector_store %arg13[%swap3A_147], %swap3A_150 {strides = array<i32>} : memref<16384xi32, #tpu.memory_space<vmem>>, vector<16xi32>,
      %jit3A_151 = arith.constant 0.000000e+00 : f32
      %broadcast_in_dim3A_152 = vector.broadcast %jit3A_151 : f32 to vector<16xf32>
      %select_n3A_153 = arith.select %and3A_125, %mul3A_124, %broadcast_in_dim3A_152 : vector<16xi1>, vector<16xf32>
      %add3A_154 = arith.constant 1024 : i32
      %add3A_155 = arith.addi %add3A_154, %mul3A_24 : i32
      %swap3A_156 = arith.index_cast %add3A_155 : i32 to index
      %swap3A_157 = tpu.vector_load %arg14[%swap3A_156] {strides = array<i32>} : memref<16384xf32, #tpu.memory_space<vmem>>, vector<16xf32>,
      %swap3A_158 = vector.shape_cast %swap3A_157 : vector<16xf32> to vector<16xf32>
      %swap3A_159 = vector.shape_cast %select_n3A_153 : vector<16xf32> to vector<16xf32>
      tpu.vector_store %arg14[%swap3A_156], %swap3A_159 {strides = array<i32>} : memref<16384xf32, #tpu.memory_space<vmem>>, vector<16xf32>,
      %add3A_160 = arith.constant 2048 : i32
      %add3A_161 = arith.addi %add3A_160, %mul3A_24 : i32
      %swap3A_162 = arith.index_cast %add3A_161 : i32 to index
      %swap3A_163 = tpu.vector_load %arg13[%swap3A_162] {strides = array<i32>} : memref<16384xi32, #tpu.memory_space<vmem>>, vector<16xi32>,
      %swap3A_164 = vector.shape_cast %swap3A_163 : vector<16xi32> to vector<16xi32>
      %swap3A_165 = vector.shape_cast %add3A_126 : vector<16xi32> to vector<16xi32>
      tpu.vector_store %arg13[%swap3A_162], %swap3A_165 {strides = array<i32>} : memref<16384xi32, #tpu.memory_space<vmem>>, vector<16xi32>,
      %jit3A_166 = arith.constant 0.000000e+00 : f32
      %broadcast_in_dim3A_167 = vector.broadcast %jit3A_166 : f32 to vector<16xf32>
      %select_n3A_168 = arith.select %and3A_128, %mul3A_127, %broadcast_in_dim3A_167 : vector<16xi1>, vector<16xf32>
      %add3A_169 = arith.constant 2048 : i32
      %add3A_170 = arith.addi %add3A_169, %mul3A_24 : i32
      %swap3A_171 = arith.index_cast %add3A_170 : i32 to index
      %swap3A_172 = tpu.vector_load %arg14[%swap3A_171] {strides = array<i32>} : memref<16384xf32, #tpu.memory_space<vmem>>, vector<16xf32>,
      %swap3A_173 = vector.shape_cast %swap3A_172 : vector<16xf32> to vector<16xf32>
      %swap3A_174 = vector.shape_cast %select_n3A_168 : vector<16xf32> to vector<16xf32>
      tpu.vector_store %arg14[%swap3A_171], %swap3A_174 {strides = array<i32>} : memref<16384xf32, #tpu.memory_space<vmem>>, vector<16xf32>,
      %add3A_175 = arith.constant 3072 : i32
      %add3A_176 = arith.addi %add3A_175, %mul3A_24 : i32
      %swap3A_177 = arith.index_cast %add3A_176 : i32 to index
      %swap3A_178 = tpu.vector_load %arg13[%swap3A_177] {strides = array<i32>} : memref<16384xi32, #tpu.memory_space<vmem>>, vector<16xi32>,
      %swap3A_179 = vector.shape_cast %swap3A_178 : vector<16xi32> to vector<16xi32>
      %swap3A_180 = vector.shape_cast %add3A_129 : vector<16xi32> to vector<16xi32>
      tpu.vector_store %arg13[%swap3A_177], %swap3A_180 {strides = array<i32>} : memref<16384xi32, #tpu.memory_space<vmem>>, vector<16xi32>,
      %jit3A_181 = arith.constant 0.000000e+00 : f32
      %broadcast_in_dim3A_182 = vector.broadcast %jit3A_181 : f32 to vector<16xf32>
      %select_n3A_183 = arith.select %and3A_131, %mul3A_130, %broadcast_in_dim3A_182 : vector<16xi1>, vector<16xf32>
      %add3A_184 = arith.constant 3072 : i32
      %add3A_185 = arith.addi %add3A_184, %mul3A_24 : i32
      %swap3A_186 = arith.index_cast %add3A_185 : i32 to index
      %swap3A_187 = tpu.vector_load %arg14[%swap3A_186] {strides = array<i32>} : memref<16384xf32, #tpu.memory_space<vmem>>, vector<16xf32>,
      %swap3A_188 = vector.shape_cast %swap3A_187 : vector<16xf32> to vector<16xf32>
      %swap3A_189 = vector.shape_cast %select_n3A_183 : vector<16xf32> to vector<16xf32>
      tpu.vector_store %arg14[%swap3A_186], %swap3A_189 {strides = array<i32>} : memref<16384xf32, #tpu.memory_space<vmem>>, vector<16xf32>,
      %mul3A_190 = arith.constant 2.048000e+03 : f32
      %mul3A_191 = vector.broadcast %mul3A_190 : f32 to vector<16xf32>
      %mul3A_192 = arith.mulf %get3A_26, %mul3A_191 : vector<16xf32>
      %sub3A_193 = arith.constant 5.000000e-01 : f32
      %sub3A_194 = vector.broadcast %sub3A_193 : f32 to vector<16xf32>
      %sub3A_195 = arith.subf %mul3A_192, %sub3A_194 : vector<16xf32>
      %mul3A_196 = arith.constant 2.048000e+03 : f32
      %mul3A_197 = vector.broadcast %mul3A_196 : f32 to vector<16xf32>
      %mul3A_198 = arith.mulf %get3A_29, %mul3A_197 : vector<16xf32>
      %sub3A_199 = arith.constant 5.000000e-01 : f32
      %sub3A_200 = vector.broadcast %sub3A_199 : f32 to vector<16xf32>
      %sub3A_201 = arith.subf %mul3A_198, %sub3A_200 : vector<16xf32>
      %convert_element_type3A_202 = arith.fptosi %sub3A_195 : vector<16xf32> to vector<16xi32>
      %convert_element_type3A_203 = arith.fptosi %sub3A_201 : vector<16xf32> to vector<16xi32>
      %convert_element_type3A_204 = arith.sitofp %convert_element_type3A_202 : vector<16xi32> to vector<16xf32>
      %lt3A_205 = arith.cmpf olt, %sub3A_195, %convert_element_type3A_204 : vector<16xf32>
      %sub3A_206 = arith.constant 1 : i32
      %sub3A_207 = vector.broadcast %sub3A_206 : i32 to vector<16xi32>
      %sub3A_208 = arith.subi %convert_element_type3A_202, %sub3A_207 : vector<16xi32>
      %select_n3A_209 = arith.select %lt3A_205, %sub3A_208, %convert_element_type3A_202 : vector<16xi1>, vector<16xi32>
      %convert_element_type3A_210 = arith.sitofp %convert_element_type3A_203 : vector<16xi32> to vector<16xf32>
      %lt3A_211 = arith.cmpf olt, %sub3A_201, %convert_element_type3A_210 : vector<16xf32>
      %sub3A_212 = arith.constant 1 : i32
      %sub3A_213 = vector.broadcast %sub3A_212 : i32 to vector<16xi32>
      %sub3A_214 = arith.subi %convert_element_type3A_203, %sub3A_213 : vector<16xi32>
      %select_n3A_215 = arith.select %lt3A_211, %sub3A_214, %convert_element_type3A_203 : vector<16xi1>, vector<16xi32>
      %convert_element_type3A_216 = arith.sitofp %select_n3A_209 : vector<16xi32> to vector<16xf32>
      %sub3A_217 = arith.subf %sub3A_195, %convert_element_type3A_216 : vector<16xf32>
      %convert_element_type3A_218 = arith.sitofp %select_n3A_215 : vector<16xi32> to vector<16xf32>
      %sub3A_219 = arith.subf %sub3A_201, %convert_element_type3A_218 : vector<16xf32>
      %add3A_220 = arith.constant 1 : i32
      %add3A_221 = vector.broadcast %add3A_220 : i32 to vector<16xi32>
      %add3A_222 = arith.addi %select_n3A_209, %add3A_221 : vector<16xi32>
      %add3A_223 = arith.constant 1 : i32
      %add3A_224 = vector.broadcast %add3A_223 : i32 to vector<16xi32>
      %add3A_225 = arith.addi %select_n3A_215, %add3A_224 : vector<16xi32>
      %ge3A_226 = arith.constant 0 : i32
      %ge3A_227 = vector.broadcast %ge3A_226 : i32 to vector<16xi32>
      %ge3A_228 = arith.cmpi sge, %select_n3A_209, %ge3A_227 : vector<16xi32>
      %le3A_229 = arith.constant 2047 : i32
      %le3A_230 = vector.broadcast %le3A_229 : i32 to vector<16xi32>
      %le3A_231 = arith.cmpi sle, %select_n3A_209, %le3A_230 : vector<16xi32>
      %and3A_232 = arith.andi %ge3A_228, %le3A_231 : vector<16xi1>
      %ge3A_233 = arith.constant 0 : i32
      %ge3A_234 = vector.broadcast %ge3A_233 : i32 to vector<16xi32>
      %ge3A_235 = arith.cmpi sge, %add3A_222, %ge3A_234 : vector<16xi32>
      %le3A_236 = arith.constant 2047 : i32
      %le3A_237 = vector.broadcast %le3A_236 : i32 to vector<16xi32>
      %le3A_238 = arith.cmpi sle, %add3A_222, %le3A_237 : vector<16xi32>
      %and3A_239 = arith.andi %ge3A_235, %le3A_238 : vector<16xi1>
      %ge3A_240 = arith.constant 0 : i32
      %ge3A_241 = vector.broadcast %ge3A_240 : i32 to vector<16xi32>
      %ge3A_242 = arith.cmpi sge, %select_n3A_215, %ge3A_241 : vector<16xi32>
      %le3A_243 = arith.constant 2047 : i32
      %le3A_244 = vector.broadcast %le3A_243 : i32 to vector<16xi32>
      %le3A_245 = arith.cmpi sle, %select_n3A_215, %le3A_244 : vector<16xi32>
      %and3A_246 = arith.andi %ge3A_242, %le3A_245 : vector<16xi1>
      %ge3A_247 = arith.constant 0 : i32
      %ge3A_248 = vector.broadcast %ge3A_247 : i32 to vector<16xi32>
      %ge3A_249 = arith.cmpi sge, %add3A_225, %ge3A_248 : vector<16xi32>
      %le3A_250 = arith.constant 2047 : i32
      %le3A_251 = vector.broadcast %le3A_250 : i32 to vector<16xi32>
      %le3A_252 = arith.cmpi sle, %add3A_225, %le3A_251 : vector<16xi32>
      %and3A_253 = arith.andi %ge3A_249, %le3A_252 : vector<16xi1>
      %jit3A_254 = arith.constant 0 : i32
      %jit3A_255 = arith.constant 2047 : i32
      %max3A_256 = vector.broadcast %jit3A_254 : i32 to vector<16xi32>
      %max3A_257 = arith.maxsi %max3A_256, %select_n3A_209 : vector<16xi32>
      %min3A_258 = vector.broadcast %jit3A_255 : i32 to vector<16xi32>
      %min3A_259 = arith.minsi %min3A_258, %max3A_257 : vector<16xi32>
      %jit3A_260 = arith.constant 0 : i32
      %jit3A_261 = arith.constant 2047 : i32
      %max3A_262 = vector.broadcast %jit3A_260 : i32 to vector<16xi32>
      %max3A_263 = arith.maxsi %max3A_262, %add3A_222 : vector<16xi32>
      %min3A_264 = vector.broadcast %jit3A_261 : i32 to vector<16xi32>
      %min3A_265 = arith.minsi %min3A_264, %max3A_263 : vector<16xi32>
      %jit3A_266 = arith.constant 0 : i32
      %jit3A_267 = arith.constant 2047 : i32
      %max3A_268 = vector.broadcast %jit3A_266 : i32 to vector<16xi32>
      %max3A_269 = arith.maxsi %max3A_268, %select_n3A_215 : vector<16xi32>
      %min3A_270 = vector.broadcast %jit3A_267 : i32 to vector<16xi32>
      %min3A_271 = arith.minsi %min3A_270, %max3A_269 : vector<16xi32>
      %mul3A_272 = arith.constant 2048 : i32
      %mul3A_273 = vector.broadcast %mul3A_272 : i32 to vector<16xi32>
      %mul3A_274 = arith.muli %min3A_271, %mul3A_273 : vector<16xi32>
      %jit3A_275 = arith.constant 0 : i32
      %jit3A_276 = arith.constant 2047 : i32
      %max3A_277 = vector.broadcast %jit3A_275 : i32 to vector<16xi32>
      %max3A_278 = arith.maxsi %max3A_277, %add3A_225 : vector<16xi32>
      %min3A_279 = vector.broadcast %jit3A_276 : i32 to vector<16xi32>
      %min3A_280 = arith.minsi %min3A_279, %max3A_278 : vector<16xi32>
      %mul3A_281 = arith.constant 2048 : i32
      %mul3A_282 = vector.broadcast %mul3A_281 : i32 to vector<16xi32>
      %mul3A_283 = arith.muli %min3A_280, %mul3A_282 : vector<16xi32>
      %sub3A_284 = arith.constant 1.000000e+00 : f32
      %sub3A_285 = vector.broadcast %sub3A_284 : f32 to vector<16xf32>
      %sub3A_286 = arith.subf %sub3A_285, %sub3A_217 : vector<16xf32>
      %sub3A_287 = arith.constant 1.000000e+00 : f32
      %sub3A_288 = vector.broadcast %sub3A_287 : f32 to vector<16xf32>
      %sub3A_289 = arith.subf %sub3A_288, %sub3A_219 : vector<16xf32>
      %add3A_290 = arith.addi %mul3A_274, %min3A_259 : vector<16xi32>
      %mul3A_291 = arith.mulf %sub3A_289, %sub3A_286 : vector<16xf32>
      %and3A_292 = arith.andi %and3A_246, %and3A_232 : vector<16xi1>
      %add3A_293 = arith.addi %mul3A_274, %min3A_265 : vector<16xi32>
      %mul3A_294 = arith.mulf %sub3A_289, %sub3A_217 : vector<16xf32>
      %and3A_295 = arith.andi %and3A_246, %and3A_239 : vector<16xi1>
      %add3A_296 = arith.addi %mul3A_283, %min3A_259 : vector<16xi32>
      %mul3A_297 = arith.mulf %sub3A_219, %sub3A_286 : vector<16xf32>
      %and3A_298 = arith.andi %and3A_253, %and3A_232 : vector<16xi1>
      %add3A_299 = arith.addi %mul3A_283, %min3A_265 : vector<16xi32>
      %mul3A_300 = arith.mulf %sub3A_219, %sub3A_217 : vector<16xf32>
      %and3A_301 = arith.andi %and3A_253, %and3A_239 : vector<16xi1>
      %add3A_302 = arith.constant 4096 : i32
      %add3A_303 = arith.addi %add3A_302, %mul3A_24 : i32
      %swap3A_304 = arith.index_cast %add3A_303 : i32 to index
      %swap3A_305 = tpu.vector_load %arg13[%swap3A_304] {strides = array<i32>} : memref<16384xi32, #tpu.memory_space<vmem>>, vector<16xi32>,
      %swap3A_306 = vector.shape_cast %swap3A_305 : vector<16xi32> to vector<16xi32>
      %swap3A_307 = vector.shape_cast %add3A_290 : vector<16xi32> to vector<16xi32>
      tpu.vector_store %arg13[%swap3A_304], %swap3A_307 {strides = array<i32>} : memref<16384xi32, #tpu.memory_space<vmem>>, vector<16xi32>,
      %jit3A_308 = arith.constant 0.000000e+00 : f32
      %broadcast_in_dim3A_309 = vector.broadcast %jit3A_308 : f32 to vector<16xf32>
      %select_n3A_310 = arith.select %and3A_292, %mul3A_291, %broadcast_in_dim3A_309 : vector<16xi1>, vector<16xf32>
      %add3A_311 = arith.constant 4096 : i32
      %add3A_312 = arith.addi %add3A_311, %mul3A_24 : i32
      %swap3A_313 = arith.index_cast %add3A_312 : i32 to index
      %swap3A_314 = tpu.vector_load %arg14[%swap3A_313] {strides = array<i32>} : memref<16384xf32, #tpu.memory_space<vmem>>, vector<16xf32>,
      %swap3A_315 = vector.shape_cast %swap3A_314 : vector<16xf32> to vector<16xf32>
      %swap3A_316 = vector.shape_cast %select_n3A_310 : vector<16xf32> to vector<16xf32>
      tpu.vector_store %arg14[%swap3A_313], %swap3A_316 {strides = array<i32>} : memref<16384xf32, #tpu.memory_space<vmem>>, vector<16xf32>,
      %add3A_317 = arith.constant 5120 : i32
      %add3A_318 = arith.addi %add3A_317, %mul3A_24 : i32
      %swap3A_319 = arith.index_cast %add3A_318 : i32 to index
      %swap3A_320 = tpu.vector_load %arg13[%swap3A_319] {strides = array<i32>} : memref<16384xi32, #tpu.memory_space<vmem>>, vector<16xi32>,
      %swap3A_321 = vector.shape_cast %swap3A_320 : vector<16xi32> to vector<16xi32>
      %swap3A_322 = vector.shape_cast %add3A_293 : vector<16xi32> to vector<16xi32>
      tpu.vector_store %arg13[%swap3A_319], %swap3A_322 {strides = array<i32>} : memref<16384xi32, #tpu.memory_space<vmem>>, vector<16xi32>,
      %jit3A_323 = arith.constant 0.000000e+00 : f32
      %broadcast_in_dim3A_324 = vector.broadcast %jit3A_323 : f32 to vector<16xf32>
      %select_n3A_325 = arith.select %and3A_295, %mul3A_294, %broadcast_in_dim3A_324 : vector<16xi1>, vector<16xf32>
      %add3A_326 = arith.constant 5120 : i32
      %add3A_327 = arith.addi %add3A_326, %mul3A_24 : i32
      %swap3A_328 = arith.index_cast %add3A_327 : i32 to index
      %swap3A_329 = tpu.vector_load %arg14[%swap3A_328] {strides = array<i32>} : memref<16384xf32, #tpu.memory_space<vmem>>, vector<16xf32>,
      %swap3A_330 = vector.shape_cast %swap3A_329 : vector<16xf32> to vector<16xf32>
      %swap3A_331 = vector.shape_cast %select_n3A_325 : vector<16xf32> to vector<16xf32>
      tpu.vector_store %arg14[%swap3A_328], %swap3A_331 {strides = array<i32>} : memref<16384xf32, #tpu.memory_space<vmem>>, vector<16xf32>,
      %add3A_332 = arith.constant 6144 : i32
      %add3A_333 = arith.addi %add3A_332, %mul3A_24 : i32
      %swap3A_334 = arith.index_cast %add3A_333 : i32 to index
      %swap3A_335 = tpu.vector_load %arg13[%swap3A_334] {strides = array<i32>} : memref<16384xi32, #tpu.memory_space<vmem>>, vector<16xi32>,
      %swap3A_336 = vector.shape_cast %swap3A_335 : vector<16xi32> to vector<16xi32>
      %swap3A_337 = vector.shape_cast %add3A_296 : vector<16xi32> to vector<16xi32>
      tpu.vector_store %arg13[%swap3A_334], %swap3A_337 {strides = array<i32>} : memref<16384xi32, #tpu.memory_space<vmem>>, vector<16xi32>,
      %jit3A_338 = arith.constant 0.000000e+00 : f32
      %broadcast_in_dim3A_339 = vector.broadcast %jit3A_338 : f32 to vector<16xf32>
      %select_n3A_340 = arith.select %and3A_298, %mul3A_297, %broadcast_in_dim3A_339 : vector<16xi1>, vector<16xf32>
      %add3A_341 = arith.constant 6144 : i32
      %add3A_342 = arith.addi %add3A_341, %mul3A_24 : i32
      %swap3A_343 = arith.index_cast %add3A_342 : i32 to index
      %swap3A_344 = tpu.vector_load %arg14[%swap3A_343] {strides = array<i32>} : memref<16384xf32, #tpu.memory_space<vmem>>, vector<16xf32>,
      %swap3A_345 = vector.shape_cast %swap3A_344 : vector<16xf32> to vector<16xf32>
      %swap3A_346 = vector.shape_cast %select_n3A_340 : vector<16xf32> to vector<16xf32>
      tpu.vector_store %arg14[%swap3A_343], %swap3A_346 {strides = array<i32>} : memref<16384xf32, #tpu.memory_space<vmem>>, vector<16xf32>,
      %add3A_347 = arith.constant 7168 : i32
      %add3A_348 = arith.addi %add3A_347, %mul3A_24 : i32
      %swap3A_349 = arith.index_cast %add3A_348 : i32 to index
      %swap3A_350 = tpu.vector_load %arg13[%swap3A_349] {strides = array<i32>} : memref<16384xi32, #tpu.memory_space<vmem>>, vector<16xi32>,
      %swap3A_351 = vector.shape_cast %swap3A_350 : vector<16xi32> to vector<16xi32>
      %swap3A_352 = vector.shape_cast %add3A_299 : vector<16xi32> to vector<16xi32>
      tpu.vector_store %arg13[%swap3A_349], %swap3A_352 {strides = array<i32>} : memref<16384xi32, #tpu.memory_space<vmem>>, vector<16xi32>,
      %jit3A_353 = arith.constant 0.000000e+00 : f32
      %broadcast_in_dim3A_354 = vector.broadcast %jit3A_353 : f32 to vector<16xf32>
      %select_n3A_355 = arith.select %and3A_301, %mul3A_300, %broadcast_in_dim3A_354 : vector<16xi1>, vector<16xf32>
      %add3A_356 = arith.constant 7168 : i32
      %add3A_357 = arith.addi %add3A_356, %mul3A_24 : i32
      %swap3A_358 = arith.index_cast %add3A_357 : i32 to index
      %swap3A_359 = tpu.vector_load %arg14[%swap3A_358] {strides = array<i32>} : memref<16384xf32, #tpu.memory_space<vmem>>, vector<16xf32>,
      %swap3A_360 = vector.shape_cast %swap3A_359 : vector<16xf32> to vector<16xf32>
      %swap3A_361 = vector.shape_cast %select_n3A_355 : vector<16xf32> to vector<16xf32>
      tpu.vector_store %arg14[%swap3A_358], %swap3A_361 {strides = array<i32>} : memref<16384xf32, #tpu.memory_space<vmem>>, vector<16xf32>,
      %mul3A_362 = arith.constant 1.024000e+03 : f32
      %mul3A_363 = vector.broadcast %mul3A_362 : f32 to vector<16xf32>
      %mul3A_364 = arith.mulf %get3A_26, %mul3A_363 : vector<16xf32>
      %sub3A_365 = arith.constant 5.000000e-01 : f32
      %sub3A_366 = vector.broadcast %sub3A_365 : f32 to vector<16xf32>
      %sub3A_367 = arith.subf %mul3A_364, %sub3A_366 : vector<16xf32>
      %mul3A_368 = arith.constant 1.024000e+03 : f32
      %mul3A_369 = vector.broadcast %mul3A_368 : f32 to vector<16xf32>
      %mul3A_370 = arith.mulf %get3A_29, %mul3A_369 : vector<16xf32>
      %sub3A_371 = arith.constant 5.000000e-01 : f32
      %sub3A_372 = vector.broadcast %sub3A_371 : f32 to vector<16xf32>
      %sub3A_373 = arith.subf %mul3A_370, %sub3A_372 : vector<16xf32>
      %convert_element_type3A_374 = arith.fptosi %sub3A_367 : vector<16xf32> to vector<16xi32>
      %convert_element_type3A_375 = arith.fptosi %sub3A_373 : vector<16xf32> to vector<16xi32>
      %convert_element_type3A_376 = arith.sitofp %convert_element_type3A_374 : vector<16xi32> to vector<16xf32>
      %lt3A_377 = arith.cmpf olt, %sub3A_367, %convert_element_type3A_376 : vector<16xf32>
      %sub3A_378 = arith.constant 1 : i32
      %sub3A_379 = vector.broadcast %sub3A_378 : i32 to vector<16xi32>
      %sub3A_380 = arith.subi %convert_element_type3A_374, %sub3A_379 : vector<16xi32>
      %select_n3A_381 = arith.select %lt3A_377, %sub3A_380, %convert_element_type3A_374 : vector<16xi1>, vector<16xi32>
      %convert_element_type3A_382 = arith.sitofp %convert_element_type3A_375 : vector<16xi32> to vector<16xf32>
      %lt3A_383 = arith.cmpf olt, %sub3A_373, %convert_element_type3A_382 : vector<16xf32>
      %sub3A_384 = arith.constant 1 : i32
      %sub3A_385 = vector.broadcast %sub3A_384 : i32 to vector<16xi32>
      %sub3A_386 = arith.subi %convert_element_type3A_375, %sub3A_385 : vector<16xi32>
      %select_n3A_387 = arith.select %lt3A_383, %sub3A_386, %convert_element_type3A_375 : vector<16xi1>, vector<16xi32>
      %convert_element_type3A_388 = arith.sitofp %select_n3A_381 : vector<16xi32> to vector<16xf32>
      %sub3A_389 = arith.subf %sub3A_367, %convert_element_type3A_388 : vector<16xf32>
      %convert_element_type3A_390 = arith.sitofp %select_n3A_387 : vector<16xi32> to vector<16xf32>
      %sub3A_391 = arith.subf %sub3A_373, %convert_element_type3A_390 : vector<16xf32>
      %add3A_392 = arith.constant 1 : i32
      %add3A_393 = vector.broadcast %add3A_392 : i32 to vector<16xi32>
      %add3A_394 = arith.addi %select_n3A_381, %add3A_393 : vector<16xi32>
      %add3A_395 = arith.constant 1 : i32
      %add3A_396 = vector.broadcast %add3A_395 : i32 to vector<16xi32>
      %add3A_397 = arith.addi %select_n3A_387, %add3A_396 : vector<16xi32>
      %ge3A_398 = arith.constant 0 : i32
      %ge3A_399 = vector.broadcast %ge3A_398 : i32 to vector<16xi32>
      %ge3A_400 = arith.cmpi sge, %select_n3A_381, %ge3A_399 : vector<16xi32>
      %le3A_401 = arith.constant 1023 : i32
      %le3A_402 = vector.broadcast %le3A_401 : i32 to vector<16xi32>
      %le3A_403 = arith.cmpi sle, %select_n3A_381, %le3A_402 : vector<16xi32>
      %and3A_404 = arith.andi %ge3A_400, %le3A_403 : vector<16xi1>
      %ge3A_405 = arith.constant 0 : i32
      %ge3A_406 = vector.broadcast %ge3A_405 : i32 to vector<16xi32>
      %ge3A_407 = arith.cmpi sge, %add3A_394, %ge3A_406 : vector<16xi32>
      %le3A_408 = arith.constant 1023 : i32
      %le3A_409 = vector.broadcast %le3A_408 : i32 to vector<16xi32>
      %le3A_410 = arith.cmpi sle, %add3A_394, %le3A_409 : vector<16xi32>
      %and3A_411 = arith.andi %ge3A_407, %le3A_410 : vector<16xi1>
      %ge3A_412 = arith.constant 0 : i32
      %ge3A_413 = vector.broadcast %ge3A_412 : i32 to vector<16xi32>
      %ge3A_414 = arith.cmpi sge, %select_n3A_387, %ge3A_413 : vector<16xi32>
      %le3A_415 = arith.constant 1023 : i32
      %le3A_416 = vector.broadcast %le3A_415 : i32 to vector<16xi32>
      %le3A_417 = arith.cmpi sle, %select_n3A_387, %le3A_416 : vector<16xi32>
      %and3A_418 = arith.andi %ge3A_414, %le3A_417 : vector<16xi1>
      %ge3A_419 = arith.constant 0 : i32
      %ge3A_420 = vector.broadcast %ge3A_419 : i32 to vector<16xi32>
      %ge3A_421 = arith.cmpi sge, %add3A_397, %ge3A_420 : vector<16xi32>
      %le3A_422 = arith.constant 1023 : i32
      %le3A_423 = vector.broadcast %le3A_422 : i32 to vector<16xi32>
      %le3A_424 = arith.cmpi sle, %add3A_397, %le3A_423 : vector<16xi32>
      %and3A_425 = arith.andi %ge3A_421, %le3A_424 : vector<16xi1>
      %jit3A_426 = arith.constant 0 : i32
      %jit3A_427 = arith.constant 1023 : i32
      %max3A_428 = vector.broadcast %jit3A_426 : i32 to vector<16xi32>
      %max3A_429 = arith.maxsi %max3A_428, %select_n3A_381 : vector<16xi32>
      %min3A_430 = vector.broadcast %jit3A_427 : i32 to vector<16xi32>
      %min3A_431 = arith.minsi %min3A_430, %max3A_429 : vector<16xi32>
      %jit3A_432 = arith.constant 0 : i32
      %jit3A_433 = arith.constant 1023 : i32
      %max3A_434 = vector.broadcast %jit3A_432 : i32 to vector<16xi32>
      %max3A_435 = arith.maxsi %max3A_434, %add3A_394 : vector<16xi32>
      %min3A_436 = vector.broadcast %jit3A_433 : i32 to vector<16xi32>
      %min3A_437 = arith.minsi %min3A_436, %max3A_435 : vector<16xi32>
      %jit3A_438 = arith.constant 0 : i32
      %jit3A_439 = arith.constant 1023 : i32
      %max3A_440 = vector.broadcast %jit3A_438 : i32 to vector<16xi32>
      %max3A_441 = arith.maxsi %max3A_440, %select_n3A_387 : vector<16xi32>
      %min3A_442 = vector.broadcast %jit3A_439 : i32 to vector<16xi32>
      %min3A_443 = arith.minsi %min3A_442, %max3A_441 : vector<16xi32>
      %mul3A_444 = arith.constant 1024 : i32
      %mul3A_445 = vector.broadcast %mul3A_444 : i32 to vector<16xi32>
      %mul3A_446 = arith.muli %min3A_443, %mul3A_445 : vector<16xi32>
      %jit3A_447 = arith.constant 0 : i32
      %jit3A_448 = arith.constant 1023 : i32
      %max3A_449 = vector.broadcast %jit3A_447 : i32 to vector<16xi32>
      %max3A_450 = arith.maxsi %max3A_449, %add3A_397 : vector<16xi32>
      %min3A_451 = vector.broadcast %jit3A_448 : i32 to vector<16xi32>
      %min3A_452 = arith.minsi %min3A_451, %max3A_450 : vector<16xi32>
      %mul3A_453 = arith.constant 1024 : i32
      %mul3A_454 = vector.broadcast %mul3A_453 : i32 to vector<16xi32>
      %mul3A_455 = arith.muli %min3A_452, %mul3A_454 : vector<16xi32>
      %sub3A_456 = arith.constant 1.000000e+00 : f32
      %sub3A_457 = vector.broadcast %sub3A_456 : f32 to vector<16xf32>
      %sub3A_458 = arith.subf %sub3A_457, %sub3A_389 : vector<16xf32>
      %sub3A_459 = arith.constant 1.000000e+00 : f32
      %sub3A_460 = vector.broadcast %sub3A_459 : f32 to vector<16xf32>
      %sub3A_461 = arith.subf %sub3A_460, %sub3A_391 : vector<16xf32>
      %add3A_462 = arith.addi %mul3A_446, %min3A_431 : vector<16xi32>
      %mul3A_463 = arith.mulf %sub3A_461, %sub3A_458 : vector<16xf32>
      %and3A_464 = arith.andi %and3A_418, %and3A_404 : vector<16xi1>
      %add3A_465 = arith.addi %mul3A_446, %min3A_437 : vector<16xi32>
      %mul3A_466 = arith.mulf %sub3A_461, %sub3A_389 : vector<16xf32>
      %and3A_467 = arith.andi %and3A_418, %and3A_411 : vector<16xi1>
      %add3A_468 = arith.addi %mul3A_455, %min3A_431 : vector<16xi32>
      %mul3A_469 = arith.mulf %sub3A_391, %sub3A_458 : vector<16xf32>
      %and3A_470 = arith.andi %and3A_425, %and3A_404 : vector<16xi1>
      %add3A_471 = arith.addi %mul3A_455, %min3A_437 : vector<16xi32>
      %mul3A_472 = arith.mulf %sub3A_391, %sub3A_389 : vector<16xf32>
      %and3A_473 = arith.andi %and3A_425, %and3A_411 : vector<16xi1>
      %add3A_474 = arith.constant 8192 : i32
      %add3A_475 = arith.addi %add3A_474, %mul3A_24 : i32
      %swap3A_476 = arith.index_cast %add3A_475 : i32 to index
      %swap3A_477 = tpu.vector_load %arg13[%swap3A_476] {strides = array<i32>} : memref<16384xi32, #tpu.memory_space<vmem>>, vector<16xi32>,
      %swap3A_478 = vector.shape_cast %swap3A_477 : vector<16xi32> to vector<16xi32>
      %swap3A_479 = vector.shape_cast %add3A_462 : vector<16xi32> to vector<16xi32>
      tpu.vector_store %arg13[%swap3A_476], %swap3A_479 {strides = array<i32>} : memref<16384xi32, #tpu.memory_space<vmem>>, vector<16xi32>,
      %jit3A_480 = arith.constant 0.000000e+00 : f32
      %broadcast_in_dim3A_481 = vector.broadcast %jit3A_480 : f32 to vector<16xf32>
      %select_n3A_482 = arith.select %and3A_464, %mul3A_463, %broadcast_in_dim3A_481 : vector<16xi1>, vector<16xf32>
      %add3A_483 = arith.constant 8192 : i32
      %add3A_484 = arith.addi %add3A_483, %mul3A_24 : i32
      %swap3A_485 = arith.index_cast %add3A_484 : i32 to index
      %swap3A_486 = tpu.vector_load %arg14[%swap3A_485] {strides = array<i32>} : memref<16384xf32, #tpu.memory_space<vmem>>, vector<16xf32>,
      %swap3A_487 = vector.shape_cast %swap3A_486 : vector<16xf32> to vector<16xf32>
      %swap3A_488 = vector.shape_cast %select_n3A_482 : vector<16xf32> to vector<16xf32>
      tpu.vector_store %arg14[%swap3A_485], %swap3A_488 {strides = array<i32>} : memref<16384xf32, #tpu.memory_space<vmem>>, vector<16xf32>,
      %add3A_489 = arith.constant 9216 : i32
      %add3A_490 = arith.addi %add3A_489, %mul3A_24 : i32
      %swap3A_491 = arith.index_cast %add3A_490 : i32 to index
      %swap3A_492 = tpu.vector_load %arg13[%swap3A_491] {strides = array<i32>} : memref<16384xi32, #tpu.memory_space<vmem>>, vector<16xi32>,
      %swap3A_493 = vector.shape_cast %swap3A_492 : vector<16xi32> to vector<16xi32>
      %swap3A_494 = vector.shape_cast %add3A_465 : vector<16xi32> to vector<16xi32>
      tpu.vector_store %arg13[%swap3A_491], %swap3A_494 {strides = array<i32>} : memref<16384xi32, #tpu.memory_space<vmem>>, vector<16xi32>,
      %jit3A_495 = arith.constant 0.000000e+00 : f32
      %broadcast_in_dim3A_496 = vector.broadcast %jit3A_495 : f32 to vector<16xf32>
      %select_n3A_497 = arith.select %and3A_467, %mul3A_466, %broadcast_in_dim3A_496 : vector<16xi1>, vector<16xf32>
      %add3A_498 = arith.constant 9216 : i32
      %add3A_499 = arith.addi %add3A_498, %mul3A_24 : i32
      %swap3A_500 = arith.index_cast %add3A_499 : i32 to index
      %swap3A_501 = tpu.vector_load %arg14[%swap3A_500] {strides = array<i32>} : memref<16384xf32, #tpu.memory_space<vmem>>, vector<16xf32>,
      %swap3A_502 = vector.shape_cast %swap3A_501 : vector<16xf32> to vector<16xf32>
      %swap3A_503 = vector.shape_cast %select_n3A_497 : vector<16xf32> to vector<16xf32>
      tpu.vector_store %arg14[%swap3A_500], %swap3A_503 {strides = array<i32>} : memref<16384xf32, #tpu.memory_space<vmem>>, vector<16xf32>,
      %add3A_504 = arith.constant 10240 : i32
      %add3A_505 = arith.addi %add3A_504, %mul3A_24 : i32
      %swap3A_506 = arith.index_cast %add3A_505 : i32 to index
      %swap3A_507 = tpu.vector_load %arg13[%swap3A_506] {strides = array<i32>} : memref<16384xi32, #tpu.memory_space<vmem>>, vector<16xi32>,
      %swap3A_508 = vector.shape_cast %swap3A_507 : vector<16xi32> to vector<16xi32>
      %swap3A_509 = vector.shape_cast %add3A_468 : vector<16xi32> to vector<16xi32>
      tpu.vector_store %arg13[%swap3A_506], %swap3A_509 {strides = array<i32>} : memref<16384xi32, #tpu.memory_space<vmem>>, vector<16xi32>,
      %jit3A_510 = arith.constant 0.000000e+00 : f32
      %broadcast_in_dim3A_511 = vector.broadcast %jit3A_510 : f32 to vector<16xf32>
      %select_n3A_512 = arith.select %and3A_470, %mul3A_469, %broadcast_in_dim3A_511 : vector<16xi1>, vector<16xf32>
      %add3A_513 = arith.constant 10240 : i32
      %add3A_514 = arith.addi %add3A_513, %mul3A_24 : i32
      %swap3A_515 = arith.index_cast %add3A_514 : i32 to index
      %swap3A_516 = tpu.vector_load %arg14[%swap3A_515] {strides = array<i32>} : memref<16384xf32, #tpu.memory_space<vmem>>, vector<16xf32>,
      %swap3A_517 = vector.shape_cast %swap3A_516 : vector<16xf32> to vector<16xf32>
      %swap3A_518 = vector.shape_cast %select_n3A_512 : vector<16xf32> to vector<16xf32>
      tpu.vector_store %arg14[%swap3A_515], %swap3A_518 {strides = array<i32>} : memref<16384xf32, #tpu.memory_space<vmem>>, vector<16xf32>,
      %add3A_519 = arith.constant 11264 : i32
      %add3A_520 = arith.addi %add3A_519, %mul3A_24 : i32
      %swap3A_521 = arith.index_cast %add3A_520 : i32 to index
      %swap3A_522 = tpu.vector_load %arg13[%swap3A_521] {strides = array<i32>} : memref<16384xi32, #tpu.memory_space<vmem>>, vector<16xi32>,
      %swap3A_523 = vector.shape_cast %swap3A_522 : vector<16xi32> to vector<16xi32>
      %swap3A_524 = vector.shape_cast %add3A_471 : vector<16xi32> to vector<16xi32>
      tpu.vector_store %arg13[%swap3A_521], %swap3A_524 {strides = array<i32>} : memref<16384xi32, #tpu.memory_space<vmem>>, vector<16xi32>,
      %jit3A_525 = arith.constant 0.000000e+00 : f32
      %broadcast_in_dim3A_526 = vector.broadcast %jit3A_525 : f32 to vector<16xf32>
      %select_n3A_527 = arith.select %and3A_473, %mul3A_472, %broadcast_in_dim3A_526 : vector<16xi1>, vector<16xf32>
      %add3A_528 = arith.constant 11264 : i32
      %add3A_529 = arith.addi %add3A_528, %mul3A_24 : i32
      %swap3A_530 = arith.index_cast %add3A_529 : i32 to index
      %swap3A_531 = tpu.vector_load %arg14[%swap3A_530] {strides = array<i32>} : memref<16384xf32, #tpu.memory_space<vmem>>, vector<16xf32>,
      %swap3A_532 = vector.shape_cast %swap3A_531 : vector<16xf32> to vector<16xf32>
      %swap3A_533 = vector.shape_cast %select_n3A_527 : vector<16xf32> to vector<16xf32>
      tpu.vector_store %arg14[%swap3A_530], %swap3A_533 {strides = array<i32>} : memref<16384xf32, #tpu.memory_space<vmem>>, vector<16xf32>,
      %mul3A_534 = arith.constant 5.120000e+02 : f32
      %mul3A_535 = vector.broadcast %mul3A_534 : f32 to vector<16xf32>
      %mul3A_536 = arith.mulf %get3A_26, %mul3A_535 : vector<16xf32>
      %sub3A_537 = arith.constant 5.000000e-01 : f32
      %sub3A_538 = vector.broadcast %sub3A_537 : f32 to vector<16xf32>
      %sub3A_539 = arith.subf %mul3A_536, %sub3A_538 : vector<16xf32>
      %mul3A_540 = arith.constant 5.120000e+02 : f32
      %mul3A_541 = vector.broadcast %mul3A_540 : f32 to vector<16xf32>
      %mul3A_542 = arith.mulf %get3A_29, %mul3A_541 : vector<16xf32>
      %sub3A_543 = arith.constant 5.000000e-01 : f32
      %sub3A_544 = vector.broadcast %sub3A_543 : f32 to vector<16xf32>
      %sub3A_545 = arith.subf %mul3A_542, %sub3A_544 : vector<16xf32>
      %convert_element_type3A_546 = arith.fptosi %sub3A_539 : vector<16xf32> to vector<16xi32>
      %convert_element_type3A_547 = arith.fptosi %sub3A_545 : vector<16xf32> to vector<16xi32>
      %convert_element_type3A_548 = arith.sitofp %convert_element_type3A_546 : vector<16xi32> to vector<16xf32>
      %lt3A_549 = arith.cmpf olt, %sub3A_539, %convert_element_type3A_548 : vector<16xf32>
      %sub3A_550 = arith.constant 1 : i32
      %sub3A_551 = vector.broadcast %sub3A_550 : i32 to vector<16xi32>
      %sub3A_552 = arith.subi %convert_element_type3A_546, %sub3A_551 : vector<16xi32>
      %select_n3A_553 = arith.select %lt3A_549, %sub3A_552, %convert_element_type3A_546 : vector<16xi1>, vector<16xi32>
      %convert_element_type3A_554 = arith.sitofp %convert_element_type3A_547 : vector<16xi32> to vector<16xf32>
      %lt3A_555 = arith.cmpf olt, %sub3A_545, %convert_element_type3A_554 : vector<16xf32>
      %sub3A_556 = arith.constant 1 : i32
      %sub3A_557 = vector.broadcast %sub3A_556 : i32 to vector<16xi32>
      %sub3A_558 = arith.subi %convert_element_type3A_547, %sub3A_557 : vector<16xi32>
      %select_n3A_559 = arith.select %lt3A_555, %sub3A_558, %convert_element_type3A_547 : vector<16xi1>, vector<16xi32>
      %convert_element_type3A_560 = arith.sitofp %select_n3A_553 : vector<16xi32> to vector<16xf32>
      %sub3A_561 = arith.subf %sub3A_539, %convert_element_type3A_560 : vector<16xf32>
      %convert_element_type3A_562 = arith.sitofp %select_n3A_559 : vector<16xi32> to vector<16xf32>
      %sub3A_563 = arith.subf %sub3A_545, %convert_element_type3A_562 : vector<16xf32>
      %add3A_564 = arith.constant 1 : i32
      %add3A_565 = vector.broadcast %add3A_564 : i32 to vector<16xi32>
      %add3A_566 = arith.addi %select_n3A_553, %add3A_565 : vector<16xi32>
      %add3A_567 = arith.constant 1 : i32
      %add3A_568 = vector.broadcast %add3A_567 : i32 to vector<16xi32>
      %add3A_569 = arith.addi %select_n3A_559, %add3A_568 : vector<16xi32>
      %ge3A_570 = arith.constant 0 : i32
      %ge3A_571 = vector.broadcast %ge3A_570 : i32 to vector<16xi32>
      %ge3A_572 = arith.cmpi sge, %select_n3A_553, %ge3A_571 : vector<16xi32>
      %le3A_573 = arith.constant 511 : i32
      %le3A_574 = vector.broadcast %le3A_573 : i32 to vector<16xi32>
      %le3A_575 = arith.cmpi sle, %select_n3A_553, %le3A_574 : vector<16xi32>
      %and3A_576 = arith.andi %ge3A_572, %le3A_575 : vector<16xi1>
      %ge3A_577 = arith.constant 0 : i32
      %ge3A_578 = vector.broadcast %ge3A_577 : i32 to vector<16xi32>
      %ge3A_579 = arith.cmpi sge, %add3A_566, %ge3A_578 : vector<16xi32>
      %le3A_580 = arith.constant 511 : i32
      %le3A_581 = vector.broadcast %le3A_580 : i32 to vector<16xi32>
      %le3A_582 = arith.cmpi sle, %add3A_566, %le3A_581 : vector<16xi32>
      %and3A_583 = arith.andi %ge3A_579, %le3A_582 : vector<16xi1>
      %ge3A_584 = arith.constant 0 : i32
      %ge3A_585 = vector.broadcast %ge3A_584 : i32 to vector<16xi32>
      %ge3A_586 = arith.cmpi sge, %select_n3A_559, %ge3A_585 : vector<16xi32>
      %le3A_587 = arith.constant 511 : i32
      %le3A_588 = vector.broadcast %le3A_587 : i32 to vector<16xi32>
      %le3A_589 = arith.cmpi sle, %select_n3A_559, %le3A_588 : vector<16xi32>
      %and3A_590 = arith.andi %ge3A_586, %le3A_589 : vector<16xi1>
      %ge3A_591 = arith.constant 0 : i32
      %ge3A_592 = vector.broadcast %ge3A_591 : i32 to vector<16xi32>
      %ge3A_593 = arith.cmpi sge, %add3A_569, %ge3A_592 : vector<16xi32>
      %le3A_594 = arith.constant 511 : i32
      %le3A_595 = vector.broadcast %le3A_594 : i32 to vector<16xi32>
      %le3A_596 = arith.cmpi sle, %add3A_569, %le3A_595 : vector<16xi32>
      %and3A_597 = arith.andi %ge3A_593, %le3A_596 : vector<16xi1>
      %jit3A_598 = arith.constant 0 : i32
      %jit3A_599 = arith.constant 511 : i32
      %max3A_600 = vector.broadcast %jit3A_598 : i32 to vector<16xi32>
      %max3A_601 = arith.maxsi %max3A_600, %select_n3A_553 : vector<16xi32>
      %min3A_602 = vector.broadcast %jit3A_599 : i32 to vector<16xi32>
      %min3A_603 = arith.minsi %min3A_602, %max3A_601 : vector<16xi32>
      %jit3A_604 = arith.constant 0 : i32
      %jit3A_605 = arith.constant 511 : i32
      %max3A_606 = vector.broadcast %jit3A_604 : i32 to vector<16xi32>
      %max3A_607 = arith.maxsi %max3A_606, %add3A_566 : vector<16xi32>
      %min3A_608 = vector.broadcast %jit3A_605 : i32 to vector<16xi32>
      %min3A_609 = arith.minsi %min3A_608, %max3A_607 : vector<16xi32>
      %jit3A_610 = arith.constant 0 : i32
      %jit3A_611 = arith.constant 511 : i32
      %max3A_612 = vector.broadcast %jit3A_610 : i32 to vector<16xi32>
      %max3A_613 = arith.maxsi %max3A_612, %select_n3A_559 : vector<16xi32>
      %min3A_614 = vector.broadcast %jit3A_611 : i32 to vector<16xi32>
      %min3A_615 = arith.minsi %min3A_614, %max3A_613 : vector<16xi32>
      %mul3A_616 = arith.constant 512 : i32
      %mul3A_617 = vector.broadcast %mul3A_616 : i32 to vector<16xi32>
      %mul3A_618 = arith.muli %min3A_615, %mul3A_617 : vector<16xi32>
      %jit3A_619 = arith.constant 0 : i32
      %jit3A_620 = arith.constant 511 : i32
      %max3A_621 = vector.broadcast %jit3A_619 : i32 to vector<16xi32>
      %max3A_622 = arith.maxsi %max3A_621, %add3A_569 : vector<16xi32>
      %min3A_623 = vector.broadcast %jit3A_620 : i32 to vector<16xi32>
      %min3A_624 = arith.minsi %min3A_623, %max3A_622 : vector<16xi32>
      %mul3A_625 = arith.constant 512 : i32
      %mul3A_626 = vector.broadcast %mul3A_625 : i32 to vector<16xi32>
      %mul3A_627 = arith.muli %min3A_624, %mul3A_626 : vector<16xi32>
      %sub3A_628 = arith.constant 1.000000e+00 : f32
      %sub3A_629 = vector.broadcast %sub3A_628 : f32 to vector<16xf32>
      %sub3A_630 = arith.subf %sub3A_629, %sub3A_561 : vector<16xf32>
      %sub3A_631 = arith.constant 1.000000e+00 : f32
      %sub3A_632 = vector.broadcast %sub3A_631 : f32 to vector<16xf32>
      %sub3A_633 = arith.subf %sub3A_632, %sub3A_563 : vector<16xf32>
      %add3A_634 = arith.addi %mul3A_618, %min3A_603 : vector<16xi32>
      %mul3A_635 = arith.mulf %sub3A_633, %sub3A_630 : vector<16xf32>
      %and3A_636 = arith.andi %and3A_590, %and3A_576 : vector<16xi1>
      %add3A_637 = arith.addi %mul3A_618, %min3A_609 : vector<16xi32>
      %mul3A_638 = arith.mulf %sub3A_633, %sub3A_561 : vector<16xf32>
      %and3A_639 = arith.andi %and3A_590, %and3A_583 : vector<16xi1>
      %add3A_640 = arith.addi %mul3A_627, %min3A_603 : vector<16xi32>
      %mul3A_641 = arith.mulf %sub3A_563, %sub3A_630 : vector<16xf32>
      %and3A_642 = arith.andi %and3A_597, %and3A_576 : vector<16xi1>
      %add3A_643 = arith.addi %mul3A_627, %min3A_609 : vector<16xi32>
      %mul3A_644 = arith.mulf %sub3A_563, %sub3A_561 : vector<16xf32>
      %and3A_645 = arith.andi %and3A_597, %and3A_583 : vector<16xi1>
      %add3A_646 = arith.constant 12288 : i32
      %add3A_647 = arith.addi %add3A_646, %mul3A_24 : i32
      %swap3A_648 = arith.index_cast %add3A_647 : i32 to index
      %swap3A_649 = tpu.vector_load %arg13[%swap3A_648] {strides = array<i32>} : memref<16384xi32, #tpu.memory_space<vmem>>, vector<16xi32>,
      %swap3A_650 = vector.shape_cast %swap3A_649 : vector<16xi32> to vector<16xi32>
      %swap3A_651 = vector.shape_cast %add3A_634 : vector<16xi32> to vector<16xi32>
      tpu.vector_store %arg13[%swap3A_648], %swap3A_651 {strides = array<i32>} : memref<16384xi32, #tpu.memory_space<vmem>>, vector<16xi32>,
      %jit3A_652 = arith.constant 0.000000e+00 : f32
      %broadcast_in_dim3A_653 = vector.broadcast %jit3A_652 : f32 to vector<16xf32>
      %select_n3A_654 = arith.select %and3A_636, %mul3A_635, %broadcast_in_dim3A_653 : vector<16xi1>, vector<16xf32>
      %add3A_655 = arith.constant 12288 : i32
      %add3A_656 = arith.addi %add3A_655, %mul3A_24 : i32
      %swap3A_657 = arith.index_cast %add3A_656 : i32 to index
      %swap3A_658 = tpu.vector_load %arg14[%swap3A_657] {strides = array<i32>} : memref<16384xf32, #tpu.memory_space<vmem>>, vector<16xf32>,
      %swap3A_659 = vector.shape_cast %swap3A_658 : vector<16xf32> to vector<16xf32>
      %swap3A_660 = vector.shape_cast %select_n3A_654 : vector<16xf32> to vector<16xf32>
      tpu.vector_store %arg14[%swap3A_657], %swap3A_660 {strides = array<i32>} : memref<16384xf32, #tpu.memory_space<vmem>>, vector<16xf32>,
      %add3A_661 = arith.constant 13312 : i32
      %add3A_662 = arith.addi %add3A_661, %mul3A_24 : i32
      %swap3A_663 = arith.index_cast %add3A_662 : i32 to index
      %swap3A_664 = tpu.vector_load %arg13[%swap3A_663] {strides = array<i32>} : memref<16384xi32, #tpu.memory_space<vmem>>, vector<16xi32>,
      %swap3A_665 = vector.shape_cast %swap3A_664 : vector<16xi32> to vector<16xi32>
      %swap3A_666 = vector.shape_cast %add3A_637 : vector<16xi32> to vector<16xi32>
      tpu.vector_store %arg13[%swap3A_663], %swap3A_666 {strides = array<i32>} : memref<16384xi32, #tpu.memory_space<vmem>>, vector<16xi32>,
      %jit3A_667 = arith.constant 0.000000e+00 : f32
      %broadcast_in_dim3A_668 = vector.broadcast %jit3A_667 : f32 to vector<16xf32>
      %select_n3A_669 = arith.select %and3A_639, %mul3A_638, %broadcast_in_dim3A_668 : vector<16xi1>, vector<16xf32>
      %add3A_670 = arith.constant 13312 : i32
      %add3A_671 = arith.addi %add3A_670, %mul3A_24 : i32
      %swap3A_672 = arith.index_cast %add3A_671 : i32 to index
      %swap3A_673 = tpu.vector_load %arg14[%swap3A_672] {strides = array<i32>} : memref<16384xf32, #tpu.memory_space<vmem>>, vector<16xf32>,
      %swap3A_674 = vector.shape_cast %swap3A_673 : vector<16xf32> to vector<16xf32>
      %swap3A_675 = vector.shape_cast %select_n3A_669 : vector<16xf32> to vector<16xf32>
      tpu.vector_store %arg14[%swap3A_672], %swap3A_675 {strides = array<i32>} : memref<16384xf32, #tpu.memory_space<vmem>>, vector<16xf32>,
      %add3A_676 = arith.constant 14336 : i32
      %add3A_677 = arith.addi %add3A_676, %mul3A_24 : i32
      %swap3A_678 = arith.index_cast %add3A_677 : i32 to index
      %swap3A_679 = tpu.vector_load %arg13[%swap3A_678] {strides = array<i32>} : memref<16384xi32, #tpu.memory_space<vmem>>, vector<16xi32>,
      %swap3A_680 = vector.shape_cast %swap3A_679 : vector<16xi32> to vector<16xi32>
      %swap3A_681 = vector.shape_cast %add3A_640 : vector<16xi32> to vector<16xi32>
      tpu.vector_store %arg13[%swap3A_678], %swap3A_681 {strides = array<i32>} : memref<16384xi32, #tpu.memory_space<vmem>>, vector<16xi32>,
      %jit3A_682 = arith.constant 0.000000e+00 : f32
      %broadcast_in_dim3A_683 = vector.broadcast %jit3A_682 : f32 to vector<16xf32>
      %select_n3A_684 = arith.select %and3A_642, %mul3A_641, %broadcast_in_dim3A_683 : vector<16xi1>, vector<16xf32>
      %add3A_685 = arith.constant 14336 : i32
      %add3A_686 = arith.addi %add3A_685, %mul3A_24 : i32
      %swap3A_687 = arith.index_cast %add3A_686 : i32 to index
      %swap3A_688 = tpu.vector_load %arg14[%swap3A_687] {strides = array<i32>} : memref<16384xf32, #tpu.memory_space<vmem>>, vector<16xf32>,
      %swap3A_689 = vector.shape_cast %swap3A_688 : vector<16xf32> to vector<16xf32>
      %swap3A_690 = vector.shape_cast %select_n3A_684 : vector<16xf32> to vector<16xf32>
      tpu.vector_store %arg14[%swap3A_687], %swap3A_690 {strides = array<i32>} : memref<16384xf32, #tpu.memory_space<vmem>>, vector<16xf32>,
      %add3A_691 = arith.constant 15360 : i32
      %add3A_692 = arith.addi %add3A_691, %mul3A_24 : i32
      %swap3A_693 = arith.index_cast %add3A_692 : i32 to index
      %swap3A_694 = tpu.vector_load %arg13[%swap3A_693] {strides = array<i32>} : memref<16384xi32, #tpu.memory_space<vmem>>, vector<16xi32>,
      %swap3A_695 = vector.shape_cast %swap3A_694 : vector<16xi32> to vector<16xi32>
      %swap3A_696 = vector.shape_cast %add3A_643 : vector<16xi32> to vector<16xi32>
      tpu.vector_store %arg13[%swap3A_693], %swap3A_696 {strides = array<i32>} : memref<16384xi32, #tpu.memory_space<vmem>>, vector<16xi32>,
      %jit3A_697 = arith.constant 0.000000e+00 : f32
      %broadcast_in_dim3A_698 = vector.broadcast %jit3A_697 : f32 to vector<16xf32>
      %select_n3A_699 = arith.select %and3A_645, %mul3A_644, %broadcast_in_dim3A_698 : vector<16xi1>, vector<16xf32>
      %add3A_700 = arith.constant 15360 : i32
      %add3A_701 = arith.addi %add3A_700, %mul3A_24 : i32
      %swap3A_702 = arith.index_cast %add3A_701 : i32 to index
      %swap3A_703 = tpu.vector_load %arg14[%swap3A_702] {strides = array<i32>} : memref<16384xf32, #tpu.memory_space<vmem>>, vector<16xf32>,
      %swap3A_704 = vector.shape_cast %swap3A_703 : vector<16xf32> to vector<16xf32>
      %swap3A_705 = vector.shape_cast %select_n3A_699 : vector<16xf32> to vector<16xf32>
      tpu.vector_store %arg14[%swap3A_702], %swap3A_705 {strides = array<i32>} : memref<16384xf32, #tpu.memory_space<vmem>>, vector<16xf32>,
    }
    %scan3A_15 = arith.constant 64 : i32
    %scan3A_16 = arith.constant 0 : i32
    %scan3A_17 = arith.constant 0 : i32
    %scan3A_18 = arith.constant 16 : i32
    %scan3A_19 = arith.addi %scan3A_17, %scan3A_18 : i32
    %scan3A_20 = arith.constant 1 : i32
    scf.for %scan3A_22 = %scan3A_17 to %scan3A_19 step %scan3A_20  : i32 {
      %mul3A_23 = arith.constant 2 : i32
      %mul3A_24 = arith.muli %mul3A_23, %scan3A_22 : i32
      %add3A_25 = arith.constant 1 : i32
      %add3A_26 = arith.addi %mul3A_24, %add3A_25 : i32
      %add3A_27 = arith.constant 1 : i32
      %add3A_28 = arith.addi %add3A_26, %add3A_27 : i32
      %lt3A = arith.constant 32 : i32
      %lt3A_29 = arith.cmpi slt, %add3A_28, %lt3A : i32
      %add3A_30 = arith.constant 1 : i32
      %add3A_31 = arith.addi %add3A_26, %add3A_30 : i32
      %jit3A = arith.constant 0 : i32
      %select_n3A = arith.select %lt3A_29, %add3A_31, %jit3A : i32
      %mul3A_32 = arith.constant 32768 : i32
      %mul3A_33 = arith.muli %add3A, %mul3A_32 : i32
      %mul3A_34 = arith.constant 1024 : i32
      %mul3A_35 = arith.muli %add3A_26, %mul3A_34 : i32
      %add3A_36 = arith.addi %mul3A_33, %mul3A_35 : i32
      %dma_start3A_37 = tpu.memref_slice %arg2[%add3A_36] : memref<1048576xf32, #tpu.memory_space<hbm>> -> memref<1024xf32, #tpu.memory_space<hbm>>
      %dma_start3A_38 = tpu.memref_slice %arg2[%add3A_36] : memref<1048576xf32, #tpu.memory_space<hbm>> -> memref<1024xf32, #tpu.memory_space<hbm>>
      tpu.enqueue_dma source(%dma_start3A_38 : memref<1024xf32, #tpu.memory_space<hbm>>) target(%arg11 : memref<1024xf32, #tpu.memory_space<vmem>>) target_semaphore(%arg22 : memref<!tpu.dma_semaphore, #tpu.memory_space<semaphore_mem>>)
      %dma_start3A_39 = tpu.memref_slice %arg3[%add3A_36] : memref<1048576xf32, #tpu.memory_space<hbm>> -> memref<1024xf32, #tpu.memory_space<hbm>>
      %dma_start3A_40 = tpu.memref_slice %arg3[%add3A_36] : memref<1048576xf32, #tpu.memory_space<hbm>> -> memref<1024xf32, #tpu.memory_space<hbm>>
      tpu.enqueue_dma source(%dma_start3A_40 : memref<1024xf32, #tpu.memory_space<hbm>>) target(%arg12 : memref<1024xf32, #tpu.memory_space<vmem>>) target_semaphore(%arg22 : memref<!tpu.dma_semaphore, #tpu.memory_space<semaphore_mem>>)
      %dma_start3A_41 = arith.constant 0 : i32
      %dma_start3A_42 = tpu.memref_slice %arg17[%dma_start3A_41] : memref<16384xf32, #tpu.memory_space<vmem>> -> memref<4096xf32, #tpu.memory_space<vmem>>
      %dma_start3A_43 = arith.constant 0 : i32
      %dma_start3A_44 = tpu.memref_slice %arg13[%dma_start3A_43] : memref<16384xi32, #tpu.memory_space<vmem>> -> memref<4096xi32, #tpu.memory_space<vmem>>
      %dma_start3A_45 = arith.constant 0 : i32
      %dma_start3A_46 = tpu.memref_slice %arg4[%dma_start3A_45] : memref<16777216xf32, #tpu.memory_space<hbm>> -> memref<16777216xf32, #tpu.memory_space<hbm>>
      tpu.enqueue_indirect_dma source(%dma_start3A_46 : memref<16777216xf32, #tpu.memory_space<hbm>>) target(%dma_start3A_42 : memref<4096xf32, #tpu.memory_space<vmem>>) offsets(%dma_start3A_44 : memref<4096xi32, #tpu.memory_space<vmem>>) semaphore(%arg21 : memref<!tpu.dma_semaphore, #tpu.memory_space<semaphore_mem>>)
      %dma_start3A_47 = arith.constant 4096 : i32
      %dma_start3A_48 = tpu.memref_slice %arg17[%dma_start3A_47] : memref<16384xf32, #tpu.memory_space<vmem>> -> memref<4096xf32, #tpu.memory_space<vmem>>
      %dma_start3A_49 = arith.constant 4096 : i32
      %dma_start3A_50 = tpu.memref_slice %arg13[%dma_start3A_49] : memref<16384xi32, #tpu.memory_space<vmem>> -> memref<4096xi32, #tpu.memory_space<vmem>>
      %dma_start3A_51 = arith.constant 0 : i32
      %dma_start3A_52 = tpu.memref_slice %arg5[%dma_start3A_51] : memref<4194304xf32, #tpu.memory_space<hbm>> -> memref<4194304xf32, #tpu.memory_space<hbm>>
      tpu.enqueue_indirect_dma source(%dma_start3A_52 : memref<4194304xf32, #tpu.memory_space<hbm>>) target(%dma_start3A_48 : memref<4096xf32, #tpu.memory_space<vmem>>) offsets(%dma_start3A_50 : memref<4096xi32, #tpu.memory_space<vmem>>) semaphore(%arg21 : memref<!tpu.dma_semaphore, #tpu.memory_space<semaphore_mem>>)
      %dma_start3A_53 = arith.constant 8192 : i32
      %dma_start3A_54 = tpu.memref_slice %arg17[%dma_start3A_53] : memref<16384xf32, #tpu.memory_space<vmem>> -> memref<4096xf32, #tpu.memory_space<vmem>>
      %dma_start3A_55 = arith.constant 8192 : i32
      %dma_start3A_56 = tpu.memref_slice %arg13[%dma_start3A_55] : memref<16384xi32, #tpu.memory_space<vmem>> -> memref<4096xi32, #tpu.memory_space<vmem>>
      %dma_start3A_57 = arith.constant 0 : i32
      %dma_start3A_58 = tpu.memref_slice %arg6[%dma_start3A_57] : memref<1048576xf32, #tpu.memory_space<hbm>> -> memref<1048576xf32, #tpu.memory_space<hbm>>
      tpu.enqueue_indirect_dma source(%dma_start3A_58 : memref<1048576xf32, #tpu.memory_space<hbm>>) target(%dma_start3A_54 : memref<4096xf32, #tpu.memory_space<vmem>>) offsets(%dma_start3A_56 : memref<4096xi32, #tpu.memory_space<vmem>>) semaphore(%arg21 : memref<!tpu.dma_semaphore, #tpu.memory_space<semaphore_mem>>)
      %dma_start3A_59 = arith.constant 12288 : i32
      %dma_start3A_60 = tpu.memref_slice %arg17[%dma_start3A_59] : memref<16384xf32, #tpu.memory_space<vmem>> -> memref<4096xf32, #tpu.memory_space<vmem>>
      %dma_start3A_61 = arith.constant 12288 : i32
      %dma_start3A_62 = tpu.memref_slice %arg13[%dma_start3A_61] : memref<16384xi32, #tpu.memory_space<vmem>> -> memref<4096xi32, #tpu.memory_space<vmem>>
      %dma_start3A_63 = arith.constant 0 : i32
      %dma_start3A_64 = tpu.memref_slice %arg7[%dma_start3A_63] : memref<262144xf32, #tpu.memory_space<hbm>> -> memref<262144xf32, #tpu.memory_space<hbm>>
      tpu.enqueue_indirect_dma source(%dma_start3A_64 : memref<262144xf32, #tpu.memory_space<hbm>>) target(%dma_start3A_60 : memref<4096xf32, #tpu.memory_space<vmem>>) offsets(%dma_start3A_62 : memref<4096xi32, #tpu.memory_space<vmem>>) semaphore(%arg21 : memref<!tpu.dma_semaphore, #tpu.memory_space<semaphore_mem>>)
      %dma_wait3A_65 = tpu.memref_slice %arg2[%add3A_36] : memref<1048576xf32, #tpu.memory_space<hbm>> -> memref<1024xf32, #tpu.memory_space<hbm>>
      %dma_wait3A_66 = tpu.memref_slice %arg2[%add3A_36] : memref<1048576xf32, #tpu.memory_space<hbm>> -> memref<1024xf32, #tpu.memory_space<hbm>>
      tpu.wait_dma2 semaphore(%arg22 : memref<!tpu.dma_semaphore, #tpu.memory_space<semaphore_mem>>) src(%dma_wait3A_66 : memref<1024xf32, #tpu.memory_space<hbm>>) dst(%arg11 : memref<1024xf32, #tpu.memory_space<vmem>>)
      %dma_wait3A_67 = tpu.memref_slice %arg3[%add3A_36] : memref<1048576xf32, #tpu.memory_space<hbm>> -> memref<1024xf32, #tpu.memory_space<hbm>>
      %dma_wait3A_68 = tpu.memref_slice %arg3[%add3A_36] : memref<1048576xf32, #tpu.memory_space<hbm>> -> memref<1024xf32, #tpu.memory_space<hbm>>
      tpu.wait_dma2 semaphore(%arg22 : memref<!tpu.dma_semaphore, #tpu.memory_space<semaphore_mem>>) src(%dma_wait3A_68 : memref<1024xf32, #tpu.memory_space<hbm>>) dst(%arg12 : memref<1024xf32, #tpu.memory_space<vmem>>)
      %scan3A_69 = arith.constant 0 : i32
      %scan3A_70 = arith.constant 0 : i32
      %scan3A_71 = arith.constant 64 : i32
      %scan3A_72 = arith.addi %scan3A_70, %scan3A_71 : i32
      %scan3A_73 = arith.constant 1 : i32
      scf.for %scan3A_196 = %scan3A_70 to %scan3A_72 step %scan3A_73  : i32 {
        %mul3A_197 = arith.constant 16 : i32
        %mul3A_198 = arith.muli %scan3A_196, %mul3A_197 : i32
        %get3A = arith.index_cast %mul3A_198 : i32 to index
        %get3A_199 = tpu.vector_load %arg11[%get3A] {strides = array<i32>} : memref<1024xf32, #tpu.memory_space<vmem>>, vector<16xf32>,
        %get3A_200 = vector.shape_cast %get3A_199 : vector<16xf32> to vector<16xf32>
        %get3A_201 = arith.index_cast %mul3A_198 : i32 to index
        %get3A_202 = tpu.vector_load %arg12[%get3A_201] {strides = array<i32>} : memref<1024xf32, #tpu.memory_space<vmem>>, vector<16xf32>,
        %get3A_203 = vector.shape_cast %get3A_202 : vector<16xf32> to vector<16xf32>
        %mul3A_204 = arith.constant 4.096000e+03 : f32
        %mul3A_205 = vector.broadcast %mul3A_204 : f32 to vector<16xf32>
        %mul3A_206 = arith.mulf %get3A_200, %mul3A_205 : vector<16xf32>
        %sub3A = arith.constant 5.000000e-01 : f32
        %sub3A_207 = vector.broadcast %sub3A : f32 to vector<16xf32>
        %sub3A_208 = arith.subf %mul3A_206, %sub3A_207 : vector<16xf32>
        %mul3A_209 = arith.constant 4.096000e+03 : f32
        %mul3A_210 = vector.broadcast %mul3A_209 : f32 to vector<16xf32>
        %mul3A_211 = arith.mulf %get3A_203, %mul3A_210 : vector<16xf32>
        %sub3A_212 = arith.constant 5.000000e-01 : f32
        %sub3A_213 = vector.broadcast %sub3A_212 : f32 to vector<16xf32>
        %sub3A_214 = arith.subf %mul3A_211, %sub3A_213 : vector<16xf32>
        %convert_element_type3A = arith.fptosi %sub3A_208 : vector<16xf32> to vector<16xi32>
        %convert_element_type3A_215 = arith.fptosi %sub3A_214 : vector<16xf32> to vector<16xi32>
        %convert_element_type3A_216 = arith.sitofp %convert_element_type3A : vector<16xi32> to vector<16xf32>
        %lt3A_217 = arith.cmpf olt, %sub3A_208, %convert_element_type3A_216 : vector<16xf32>
        %sub3A_218 = arith.constant 1 : i32
        %sub3A_219 = vector.broadcast %sub3A_218 : i32 to vector<16xi32>
        %sub3A_220 = arith.subi %convert_element_type3A, %sub3A_219 : vector<16xi32>
        %select_n3A_221 = arith.select %lt3A_217, %sub3A_220, %convert_element_type3A : vector<16xi1>, vector<16xi32>
        %convert_element_type3A_222 = arith.sitofp %convert_element_type3A_215 : vector<16xi32> to vector<16xf32>
        %lt3A_223 = arith.cmpf olt, %sub3A_214, %convert_element_type3A_222 : vector<16xf32>
        %sub3A_224 = arith.constant 1 : i32
        %sub3A_225 = vector.broadcast %sub3A_224 : i32 to vector<16xi32>
        %sub3A_226 = arith.subi %convert_element_type3A_215, %sub3A_225 : vector<16xi32>
        %select_n3A_227 = arith.select %lt3A_223, %sub3A_226, %convert_element_type3A_215 : vector<16xi1>, vector<16xi32>
        %convert_element_type3A_228 = arith.sitofp %select_n3A_221 : vector<16xi32> to vector<16xf32>
        %sub3A_229 = arith.subf %sub3A_208, %convert_element_type3A_228 : vector<16xf32>
        %convert_element_type3A_230 = arith.sitofp %select_n3A_227 : vector<16xi32> to vector<16xf32>
        %sub3A_231 = arith.subf %sub3A_214, %convert_element_type3A_230 : vector<16xf32>
        %add3A_232 = arith.constant 1 : i32
        %add3A_233 = vector.broadcast %add3A_232 : i32 to vector<16xi32>
        %add3A_234 = arith.addi %select_n3A_221, %add3A_233 : vector<16xi32>
        %add3A_235 = arith.constant 1 : i32
        %add3A_236 = vector.broadcast %add3A_235 : i32 to vector<16xi32>
        %add3A_237 = arith.addi %select_n3A_227, %add3A_236 : vector<16xi32>
        %ge3A = arith.constant 0 : i32
        %ge3A_238 = vector.broadcast %ge3A : i32 to vector<16xi32>
        %ge3A_239 = arith.cmpi sge, %select_n3A_221, %ge3A_238 : vector<16xi32>
        %le3A = arith.constant 4095 : i32
        %le3A_240 = vector.broadcast %le3A : i32 to vector<16xi32>
        %le3A_241 = arith.cmpi sle, %select_n3A_221, %le3A_240 : vector<16xi32>
        %and3A = arith.andi %ge3A_239, %le3A_241 : vector<16xi1>
        %ge3A_242 = arith.constant 0 : i32
        %ge3A_243 = vector.broadcast %ge3A_242 : i32 to vector<16xi32>
        %ge3A_244 = arith.cmpi sge, %add3A_234, %ge3A_243 : vector<16xi32>
        %le3A_245 = arith.constant 4095 : i32
        %le3A_246 = vector.broadcast %le3A_245 : i32 to vector<16xi32>
        %le3A_247 = arith.cmpi sle, %add3A_234, %le3A_246 : vector<16xi32>
        %and3A_248 = arith.andi %ge3A_244, %le3A_247 : vector<16xi1>
        %ge3A_249 = arith.constant 0 : i32
        %ge3A_250 = vector.broadcast %ge3A_249 : i32 to vector<16xi32>
        %ge3A_251 = arith.cmpi sge, %select_n3A_227, %ge3A_250 : vector<16xi32>
        %le3A_252 = arith.constant 4095 : i32
        %le3A_253 = vector.broadcast %le3A_252 : i32 to vector<16xi32>
        %le3A_254 = arith.cmpi sle, %select_n3A_227, %le3A_253 : vector<16xi32>
        %and3A_255 = arith.andi %ge3A_251, %le3A_254 : vector<16xi1>
        %ge3A_256 = arith.constant 0 : i32
        %ge3A_257 = vector.broadcast %ge3A_256 : i32 to vector<16xi32>
        %ge3A_258 = arith.cmpi sge, %add3A_237, %ge3A_257 : vector<16xi32>
        %le3A_259 = arith.constant 4095 : i32
        %le3A_260 = vector.broadcast %le3A_259 : i32 to vector<16xi32>
        %le3A_261 = arith.cmpi sle, %add3A_237, %le3A_260 : vector<16xi32>
        %and3A_262 = arith.andi %ge3A_258, %le3A_261 : vector<16xi1>
        %jit3A_263 = arith.constant 0 : i32
        %jit3A_264 = arith.constant 4095 : i32
        %max3A = vector.broadcast %jit3A_263 : i32 to vector<16xi32>
        %max3A_265 = arith.maxsi %max3A, %select_n3A_221 : vector<16xi32>
        %min3A = vector.broadcast %jit3A_264 : i32 to vector<16xi32>
        %min3A_266 = arith.minsi %min3A, %max3A_265 : vector<16xi32>
        %jit3A_267 = arith.constant 0 : i32
        %jit3A_268 = arith.constant 4095 : i32
        %max3A_269 = vector.broadcast %jit3A_267 : i32 to vector<16xi32>
        %max3A_270 = arith.maxsi %max3A_269, %add3A_234 : vector<16xi32>
        %min3A_271 = vector.broadcast %jit3A_268 : i32 to vector<16xi32>
        %min3A_272 = arith.minsi %min3A_271, %max3A_270 : vector<16xi32>
        %jit3A_273 = arith.constant 0 : i32
        %jit3A_274 = arith.constant 4095 : i32
        %max3A_275 = vector.broadcast %jit3A_273 : i32 to vector<16xi32>
        %max3A_276 = arith.maxsi %max3A_275, %select_n3A_227 : vector<16xi32>
        %min3A_277 = vector.broadcast %jit3A_274 : i32 to vector<16xi32>
        %min3A_278 = arith.minsi %min3A_277, %max3A_276 : vector<16xi32>
        %mul3A_279 = arith.constant 4096 : i32
        %mul3A_280 = vector.broadcast %mul3A_279 : i32 to vector<16xi32>
        %mul3A_281 = arith.muli %min3A_278, %mul3A_280 : vector<16xi32>
        %jit3A_282 = arith.constant 0 : i32
        %jit3A_283 = arith.constant 4095 : i32
        %max3A_284 = vector.broadcast %jit3A_282 : i32 to vector<16xi32>
        %max3A_285 = arith.maxsi %max3A_284, %add3A_237 : vector<16xi32>
        %min3A_286 = vector.broadcast %jit3A_283 : i32 to vector<16xi32>
        %min3A_287 = arith.minsi %min3A_286, %max3A_285 : vector<16xi32>
        %mul3A_288 = arith.constant 4096 : i32
        %mul3A_289 = vector.broadcast %mul3A_288 : i32 to vector<16xi32>
        %mul3A_290 = arith.muli %min3A_287, %mul3A_289 : vector<16xi32>
        %sub3A_291 = arith.constant 1.000000e+00 : f32
        %sub3A_292 = vector.broadcast %sub3A_291 : f32 to vector<16xf32>
        %sub3A_293 = arith.subf %sub3A_292, %sub3A_229 : vector<16xf32>
        %sub3A_294 = arith.constant 1.000000e+00 : f32
        %sub3A_295 = vector.broadcast %sub3A_294 : f32 to vector<16xf32>
        %sub3A_296 = arith.subf %sub3A_295, %sub3A_231 : vector<16xf32>
        %add3A_297 = arith.addi %mul3A_281, %min3A_266 : vector<16xi32>
        %mul3A_298 = arith.mulf %sub3A_296, %sub3A_293 : vector<16xf32>
        %and3A_299 = arith.andi %and3A_255, %and3A : vector<16xi1>
        %add3A_300 = arith.addi %mul3A_281, %min3A_272 : vector<16xi32>
        %mul3A_301 = arith.mulf %sub3A_296, %sub3A_229 : vector<16xf32>
        %and3A_302 = arith.andi %and3A_255, %and3A_248 : vector<16xi1>
        %add3A_303 = arith.addi %mul3A_290, %min3A_266 : vector<16xi32>
        %mul3A_304 = arith.mulf %sub3A_231, %sub3A_293 : vector<16xf32>
        %and3A_305 = arith.andi %and3A_262, %and3A : vector<16xi1>
        %add3A_306 = arith.addi %mul3A_290, %min3A_272 : vector<16xi32>
        %mul3A_307 = arith.mulf %sub3A_231, %sub3A_229 : vector<16xf32>
        %and3A_308 = arith.andi %and3A_262, %and3A_248 : vector<16xi1>
        %add3A_309 = arith.constant 0 : i32
        %add3A_310 = arith.addi %add3A_309, %mul3A_198 : i32
        %swap3A = arith.index_cast %add3A_310 : i32 to index
        %swap3A_311 = tpu.vector_load %arg15[%swap3A] {strides = array<i32>} : memref<16384xi32, #tpu.memory_space<vmem>>, vector<16xi32>,
        %swap3A_312 = vector.shape_cast %swap3A_311 : vector<16xi32> to vector<16xi32>
        %swap3A_313 = vector.shape_cast %add3A_297 : vector<16xi32> to vector<16xi32>
        tpu.vector_store %arg15[%swap3A], %swap3A_313 {strides = array<i32>} : memref<16384xi32, #tpu.memory_space<vmem>>, vector<16xi32>,
        %jit3A_314 = arith.constant 0.000000e+00 : f32
        %broadcast_in_dim3A = vector.broadcast %jit3A_314 : f32 to vector<16xf32>
        %select_n3A_315 = arith.select %and3A_299, %mul3A_298, %broadcast_in_dim3A : vector<16xi1>, vector<16xf32>
        %add3A_316 = arith.constant 0 : i32
        %add3A_317 = arith.addi %add3A_316, %mul3A_198 : i32
        %swap3A_318 = arith.index_cast %add3A_317 : i32 to index
        %swap3A_319 = tpu.vector_load %arg16[%swap3A_318] {strides = array<i32>} : memref<16384xf32, #tpu.memory_space<vmem>>, vector<16xf32>,
        %swap3A_320 = vector.shape_cast %swap3A_319 : vector<16xf32> to vector<16xf32>
        %swap3A_321 = vector.shape_cast %select_n3A_315 : vector<16xf32> to vector<16xf32>
        tpu.vector_store %arg16[%swap3A_318], %swap3A_321 {strides = array<i32>} : memref<16384xf32, #tpu.memory_space<vmem>>, vector<16xf32>,
        %add3A_322 = arith.constant 1024 : i32
        %add3A_323 = arith.addi %add3A_322, %mul3A_198 : i32
        %swap3A_324 = arith.index_cast %add3A_323 : i32 to index
        %swap3A_325 = tpu.vector_load %arg15[%swap3A_324] {strides = array<i32>} : memref<16384xi32, #tpu.memory_space<vmem>>, vector<16xi32>,
        %swap3A_326 = vector.shape_cast %swap3A_325 : vector<16xi32> to vector<16xi32>
        %swap3A_327 = vector.shape_cast %add3A_300 : vector<16xi32> to vector<16xi32>
        tpu.vector_store %arg15[%swap3A_324], %swap3A_327 {strides = array<i32>} : memref<16384xi32, #tpu.memory_space<vmem>>, vector<16xi32>,
        %jit3A_328 = arith.constant 0.000000e+00 : f32
        %broadcast_in_dim3A_329 = vector.broadcast %jit3A_328 : f32 to vector<16xf32>
        %select_n3A_330 = arith.select %and3A_302, %mul3A_301, %broadcast_in_dim3A_329 : vector<16xi1>, vector<16xf32>
        %add3A_331 = arith.constant 1024 : i32
        %add3A_332 = arith.addi %add3A_331, %mul3A_198 : i32
        %swap3A_333 = arith.index_cast %add3A_332 : i32 to index
        %swap3A_334 = tpu.vector_load %arg16[%swap3A_333] {strides = array<i32>} : memref<16384xf32, #tpu.memory_space<vmem>>, vector<16xf32>,
        %swap3A_335 = vector.shape_cast %swap3A_334 : vector<16xf32> to vector<16xf32>
        %swap3A_336 = vector.shape_cast %select_n3A_330 : vector<16xf32> to vector<16xf32>
        tpu.vector_store %arg16[%swap3A_333], %swap3A_336 {strides = array<i32>} : memref<16384xf32, #tpu.memory_space<vmem>>, vector<16xf32>,
        %add3A_337 = arith.constant 2048 : i32
        %add3A_338 = arith.addi %add3A_337, %mul3A_198 : i32
        %swap3A_339 = arith.index_cast %add3A_338 : i32 to index
        %swap3A_340 = tpu.vector_load %arg15[%swap3A_339] {strides = array<i32>} : memref<16384xi32, #tpu.memory_space<vmem>>, vector<16xi32>,
        %swap3A_341 = vector.shape_cast %swap3A_340 : vector<16xi32> to vector<16xi32>
        %swap3A_342 = vector.shape_cast %add3A_303 : vector<16xi32> to vector<16xi32>
        tpu.vector_store %arg15[%swap3A_339], %swap3A_342 {strides = array<i32>} : memref<16384xi32, #tpu.memory_space<vmem>>, vector<16xi32>,
        %jit3A_343 = arith.constant 0.000000e+00 : f32
        %broadcast_in_dim3A_344 = vector.broadcast %jit3A_343 : f32 to vector<16xf32>
        %select_n3A_345 = arith.select %and3A_305, %mul3A_304, %broadcast_in_dim3A_344 : vector<16xi1>, vector<16xf32>
        %add3A_346 = arith.constant 2048 : i32
        %add3A_347 = arith.addi %add3A_346, %mul3A_198 : i32
        %swap3A_348 = arith.index_cast %add3A_347 : i32 to index
        %swap3A_349 = tpu.vector_load %arg16[%swap3A_348] {strides = array<i32>} : memref<16384xf32, #tpu.memory_space<vmem>>, vector<16xf32>,
        %swap3A_350 = vector.shape_cast %swap3A_349 : vector<16xf32> to vector<16xf32>
        %swap3A_351 = vector.shape_cast %select_n3A_345 : vector<16xf32> to vector<16xf32>
        tpu.vector_store %arg16[%swap3A_348], %swap3A_351 {strides = array<i32>} : memref<16384xf32, #tpu.memory_space<vmem>>, vector<16xf32>,
        %add3A_352 = arith.constant 3072 : i32
        %add3A_353 = arith.addi %add3A_352, %mul3A_198 : i32
        %swap3A_354 = arith.index_cast %add3A_353 : i32 to index
        %swap3A_355 = tpu.vector_load %arg15[%swap3A_354] {strides = array<i32>} : memref<16384xi32, #tpu.memory_space<vmem>>, vector<16xi32>,
        %swap3A_356 = vector.shape_cast %swap3A_355 : vector<16xi32> to vector<16xi32>
        %swap3A_357 = vector.shape_cast %add3A_306 : vector<16xi32> to vector<16xi32>
        tpu.vector_store %arg15[%swap3A_354], %swap3A_357 {strides = array<i32>} : memref<16384xi32, #tpu.memory_space<vmem>>, vector<16xi32>,
        %jit3A_358 = arith.constant 0.000000e+00 : f32
        %broadcast_in_dim3A_359 = vector.broadcast %jit3A_358 : f32 to vector<16xf32>
        %select_n3A_360 = arith.select %and3A_308, %mul3A_307, %broadcast_in_dim3A_359 : vector<16xi1>, vector<16xf32>
        %add3A_361 = arith.constant 3072 : i32
        %add3A_362 = arith.addi %add3A_361, %mul3A_198 : i32
        %swap3A_363 = arith.index_cast %add3A_362 : i32 to index
        %swap3A_364 = tpu.vector_load %arg16[%swap3A_363] {strides = array<i32>} : memref<16384xf32, #tpu.memory_space<vmem>>, vector<16xf32>,
        %swap3A_365 = vector.shape_cast %swap3A_364 : vector<16xf32> to vector<16xf32>
        %swap3A_366 = vector.shape_cast %select_n3A_360 : vector<16xf32> to vector<16xf32>
        tpu.vector_store %arg16[%swap3A_363], %swap3A_366 {strides = array<i32>} : memref<16384xf32, #tpu.memory_space<vmem>>, vector<16xf32>,
        %mul3A_367 = arith.constant 2.048000e+03 : f32
        %mul3A_368 = vector.broadcast %mul3A_367 : f32 to vector<16xf32>
        %mul3A_369 = arith.mulf %get3A_200, %mul3A_368 : vector<16xf32>
        %sub3A_370 = arith.constant 5.000000e-01 : f32
        %sub3A_371 = vector.broadcast %sub3A_370 : f32 to vector<16xf32>
        %sub3A_372 = arith.subf %mul3A_369, %sub3A_371 : vector<16xf32>
        %mul3A_373 = arith.constant 2.048000e+03 : f32
        %mul3A_374 = vector.broadcast %mul3A_373 : f32 to vector<16xf32>
        %mul3A_375 = arith.mulf %get3A_203, %mul3A_374 : vector<16xf32>
        %sub3A_376 = arith.constant 5.000000e-01 : f32
        %sub3A_377 = vector.broadcast %sub3A_376 : f32 to vector<16xf32>
        %sub3A_378 = arith.subf %mul3A_375, %sub3A_377 : vector<16xf32>
        %convert_element_type3A_379 = arith.fptosi %sub3A_372 : vector<16xf32> to vector<16xi32>
        %convert_element_type3A_380 = arith.fptosi %sub3A_378 : vector<16xf32> to vector<16xi32>
        %convert_element_type3A_381 = arith.sitofp %convert_element_type3A_379 : vector<16xi32> to vector<16xf32>
        %lt3A_382 = arith.cmpf olt, %sub3A_372, %convert_element_type3A_381 : vector<16xf32>
        %sub3A_383 = arith.constant 1 : i32
        %sub3A_384 = vector.broadcast %sub3A_383 : i32 to vector<16xi32>
        %sub3A_385 = arith.subi %convert_element_type3A_379, %sub3A_384 : vector<16xi32>
        %select_n3A_386 = arith.select %lt3A_382, %sub3A_385, %convert_element_type3A_379 : vector<16xi1>, vector<16xi32>
        %convert_element_type3A_387 = arith.sitofp %convert_element_type3A_380 : vector<16xi32> to vector<16xf32>
        %lt3A_388 = arith.cmpf olt, %sub3A_378, %convert_element_type3A_387 : vector<16xf32>
        %sub3A_389 = arith.constant 1 : i32
        %sub3A_390 = vector.broadcast %sub3A_389 : i32 to vector<16xi32>
        %sub3A_391 = arith.subi %convert_element_type3A_380, %sub3A_390 : vector<16xi32>
        %select_n3A_392 = arith.select %lt3A_388, %sub3A_391, %convert_element_type3A_380 : vector<16xi1>, vector<16xi32>
        %convert_element_type3A_393 = arith.sitofp %select_n3A_386 : vector<16xi32> to vector<16xf32>
        %sub3A_394 = arith.subf %sub3A_372, %convert_element_type3A_393 : vector<16xf32>
        %convert_element_type3A_395 = arith.sitofp %select_n3A_392 : vector<16xi32> to vector<16xf32>
        %sub3A_396 = arith.subf %sub3A_378, %convert_element_type3A_395 : vector<16xf32>
        %add3A_397 = arith.constant 1 : i32
        %add3A_398 = vector.broadcast %add3A_397 : i32 to vector<16xi32>
        %add3A_399 = arith.addi %select_n3A_386, %add3A_398 : vector<16xi32>
        %add3A_400 = arith.constant 1 : i32
        %add3A_401 = vector.broadcast %add3A_400 : i32 to vector<16xi32>
        %add3A_402 = arith.addi %select_n3A_392, %add3A_401 : vector<16xi32>
        %ge3A_403 = arith.constant 0 : i32
        %ge3A_404 = vector.broadcast %ge3A_403 : i32 to vector<16xi32>
        %ge3A_405 = arith.cmpi sge, %select_n3A_386, %ge3A_404 : vector<16xi32>
        %le3A_406 = arith.constant 2047 : i32
        %le3A_407 = vector.broadcast %le3A_406 : i32 to vector<16xi32>
        %le3A_408 = arith.cmpi sle, %select_n3A_386, %le3A_407 : vector<16xi32>
        %and3A_409 = arith.andi %ge3A_405, %le3A_408 : vector<16xi1>
        %ge3A_410 = arith.constant 0 : i32
        %ge3A_411 = vector.broadcast %ge3A_410 : i32 to vector<16xi32>
        %ge3A_412 = arith.cmpi sge, %add3A_399, %ge3A_411 : vector<16xi32>
        %le3A_413 = arith.constant 2047 : i32
        %le3A_414 = vector.broadcast %le3A_413 : i32 to vector<16xi32>
        %le3A_415 = arith.cmpi sle, %add3A_399, %le3A_414 : vector<16xi32>
        %and3A_416 = arith.andi %ge3A_412, %le3A_415 : vector<16xi1>
        %ge3A_417 = arith.constant 0 : i32
        %ge3A_418 = vector.broadcast %ge3A_417 : i32 to vector<16xi32>
        %ge3A_419 = arith.cmpi sge, %select_n3A_392, %ge3A_418 : vector<16xi32>
        %le3A_420 = arith.constant 2047 : i32
        %le3A_421 = vector.broadcast %le3A_420 : i32 to vector<16xi32>
        %le3A_422 = arith.cmpi sle, %select_n3A_392, %le3A_421 : vector<16xi32>
        %and3A_423 = arith.andi %ge3A_419, %le3A_422 : vector<16xi1>
        %ge3A_424 = arith.constant 0 : i32
        %ge3A_425 = vector.broadcast %ge3A_424 : i32 to vector<16xi32>
        %ge3A_426 = arith.cmpi sge, %add3A_402, %ge3A_425 : vector<16xi32>
        %le3A_427 = arith.constant 2047 : i32
        %le3A_428 = vector.broadcast %le3A_427 : i32 to vector<16xi32>
        %le3A_429 = arith.cmpi sle, %add3A_402, %le3A_428 : vector<16xi32>
        %and3A_430 = arith.andi %ge3A_426, %le3A_429 : vector<16xi1>
        %jit3A_431 = arith.constant 0 : i32
        %jit3A_432 = arith.constant 2047 : i32
        %max3A_433 = vector.broadcast %jit3A_431 : i32 to vector<16xi32>
        %max3A_434 = arith.maxsi %max3A_433, %select_n3A_386 : vector<16xi32>
        %min3A_435 = vector.broadcast %jit3A_432 : i32 to vector<16xi32>
        %min3A_436 = arith.minsi %min3A_435, %max3A_434 : vector<16xi32>
        %jit3A_437 = arith.constant 0 : i32
        %jit3A_438 = arith.constant 2047 : i32
        %max3A_439 = vector.broadcast %jit3A_437 : i32 to vector<16xi32>
        %max3A_440 = arith.maxsi %max3A_439, %add3A_399 : vector<16xi32>
        %min3A_441 = vector.broadcast %jit3A_438 : i32 to vector<16xi32>
        %min3A_442 = arith.minsi %min3A_441, %max3A_440 : vector<16xi32>
        %jit3A_443 = arith.constant 0 : i32
        %jit3A_444 = arith.constant 2047 : i32
        %max3A_445 = vector.broadcast %jit3A_443 : i32 to vector<16xi32>
        %max3A_446 = arith.maxsi %max3A_445, %select_n3A_392 : vector<16xi32>
        %min3A_447 = vector.broadcast %jit3A_444 : i32 to vector<16xi32>
        %min3A_448 = arith.minsi %min3A_447, %max3A_446 : vector<16xi32>
        %mul3A_449 = arith.constant 2048 : i32
        %mul3A_450 = vector.broadcast %mul3A_449 : i32 to vector<16xi32>
        %mul3A_451 = arith.muli %min3A_448, %mul3A_450 : vector<16xi32>
        %jit3A_452 = arith.constant 0 : i32
        %jit3A_453 = arith.constant 2047 : i32
        %max3A_454 = vector.broadcast %jit3A_452 : i32 to vector<16xi32>
        %max3A_455 = arith.maxsi %max3A_454, %add3A_402 : vector<16xi32>
        %min3A_456 = vector.broadcast %jit3A_453 : i32 to vector<16xi32>
        %min3A_457 = arith.minsi %min3A_456, %max3A_455 : vector<16xi32>
        %mul3A_458 = arith.constant 2048 : i32
        %mul3A_459 = vector.broadcast %mul3A_458 : i32 to vector<16xi32>
        %mul3A_460 = arith.muli %min3A_457, %mul3A_459 : vector<16xi32>
        %sub3A_461 = arith.constant 1.000000e+00 : f32
        %sub3A_462 = vector.broadcast %sub3A_461 : f32 to vector<16xf32>
        %sub3A_463 = arith.subf %sub3A_462, %sub3A_394 : vector<16xf32>
        %sub3A_464 = arith.constant 1.000000e+00 : f32
        %sub3A_465 = vector.broadcast %sub3A_464 : f32 to vector<16xf32>
        %sub3A_466 = arith.subf %sub3A_465, %sub3A_396 : vector<16xf32>
        %add3A_467 = arith.addi %mul3A_451, %min3A_436 : vector<16xi32>
        %mul3A_468 = arith.mulf %sub3A_466, %sub3A_463 : vector<16xf32>
        %and3A_469 = arith.andi %and3A_423, %and3A_409 : vector<16xi1>
        %add3A_470 = arith.addi %mul3A_451, %min3A_442 : vector<16xi32>
        %mul3A_471 = arith.mulf %sub3A_466, %sub3A_394 : vector<16xf32>
        %and3A_472 = arith.andi %and3A_423, %and3A_416 : vector<16xi1>
        %add3A_473 = arith.addi %mul3A_460, %min3A_436 : vector<16xi32>
        %mul3A_474 = arith.mulf %sub3A_396, %sub3A_463 : vector<16xf32>
        %and3A_475 = arith.andi %and3A_430, %and3A_409 : vector<16xi1>
        %add3A_476 = arith.addi %mul3A_460, %min3A_442 : vector<16xi32>
        %mul3A_477 = arith.mulf %sub3A_396, %sub3A_394 : vector<16xf32>
        %and3A_478 = arith.andi %and3A_430, %and3A_416 : vector<16xi1>
        %add3A_479 = arith.constant 4096 : i32
        %add3A_480 = arith.addi %add3A_479, %mul3A_198 : i32
        %swap3A_481 = arith.index_cast %add3A_480 : i32 to index
        %swap3A_482 = tpu.vector_load %arg15[%swap3A_481] {strides = array<i32>} : memref<16384xi32, #tpu.memory_space<vmem>>, vector<16xi32>,
        %swap3A_483 = vector.shape_cast %swap3A_482 : vector<16xi32> to vector<16xi32>
        %swap3A_484 = vector.shape_cast %add3A_467 : vector<16xi32> to vector<16xi32>
        tpu.vector_store %arg15[%swap3A_481], %swap3A_484 {strides = array<i32>} : memref<16384xi32, #tpu.memory_space<vmem>>, vector<16xi32>,
        %jit3A_485 = arith.constant 0.000000e+00 : f32
        %broadcast_in_dim3A_486 = vector.broadcast %jit3A_485 : f32 to vector<16xf32>
        %select_n3A_487 = arith.select %and3A_469, %mul3A_468, %broadcast_in_dim3A_486 : vector<16xi1>, vector<16xf32>
        %add3A_488 = arith.constant 4096 : i32
        %add3A_489 = arith.addi %add3A_488, %mul3A_198 : i32
        %swap3A_490 = arith.index_cast %add3A_489 : i32 to index
        %swap3A_491 = tpu.vector_load %arg16[%swap3A_490] {strides = array<i32>} : memref<16384xf32, #tpu.memory_space<vmem>>, vector<16xf32>,
        %swap3A_492 = vector.shape_cast %swap3A_491 : vector<16xf32> to vector<16xf32>
        %swap3A_493 = vector.shape_cast %select_n3A_487 : vector<16xf32> to vector<16xf32>
        tpu.vector_store %arg16[%swap3A_490], %swap3A_493 {strides = array<i32>} : memref<16384xf32, #tpu.memory_space<vmem>>, vector<16xf32>,
        %add3A_494 = arith.constant 5120 : i32
        %add3A_495 = arith.addi %add3A_494, %mul3A_198 : i32
        %swap3A_496 = arith.index_cast %add3A_495 : i32 to index
        %swap3A_497 = tpu.vector_load %arg15[%swap3A_496] {strides = array<i32>} : memref<16384xi32, #tpu.memory_space<vmem>>, vector<16xi32>,
        %swap3A_498 = vector.shape_cast %swap3A_497 : vector<16xi32> to vector<16xi32>
        %swap3A_499 = vector.shape_cast %add3A_470 : vector<16xi32> to vector<16xi32>
        tpu.vector_store %arg15[%swap3A_496], %swap3A_499 {strides = array<i32>} : memref<16384xi32, #tpu.memory_space<vmem>>, vector<16xi32>,
        %jit3A_500 = arith.constant 0.000000e+00 : f32
        %broadcast_in_dim3A_501 = vector.broadcast %jit3A_500 : f32 to vector<16xf32>
        %select_n3A_502 = arith.select %and3A_472, %mul3A_471, %broadcast_in_dim3A_501 : vector<16xi1>, vector<16xf32>
        %add3A_503 = arith.constant 5120 : i32
        %add3A_504 = arith.addi %add3A_503, %mul3A_198 : i32
        %swap3A_505 = arith.index_cast %add3A_504 : i32 to index
        %swap3A_506 = tpu.vector_load %arg16[%swap3A_505] {strides = array<i32>} : memref<16384xf32, #tpu.memory_space<vmem>>, vector<16xf32>,
        %swap3A_507 = vector.shape_cast %swap3A_506 : vector<16xf32> to vector<16xf32>
        %swap3A_508 = vector.shape_cast %select_n3A_502 : vector<16xf32> to vector<16xf32>
        tpu.vector_store %arg16[%swap3A_505], %swap3A_508 {strides = array<i32>} : memref<16384xf32, #tpu.memory_space<vmem>>, vector<16xf32>,
        %add3A_509 = arith.constant 6144 : i32
        %add3A_510 = arith.addi %add3A_509, %mul3A_198 : i32
        %swap3A_511 = arith.index_cast %add3A_510 : i32 to index
        %swap3A_512 = tpu.vector_load %arg15[%swap3A_511] {strides = array<i32>} : memref<16384xi32, #tpu.memory_space<vmem>>, vector<16xi32>,
        %swap3A_513 = vector.shape_cast %swap3A_512 : vector<16xi32> to vector<16xi32>
        %swap3A_514 = vector.shape_cast %add3A_473 : vector<16xi32> to vector<16xi32>
        tpu.vector_store %arg15[%swap3A_511], %swap3A_514 {strides = array<i32>} : memref<16384xi32, #tpu.memory_space<vmem>>, vector<16xi32>,
        %jit3A_515 = arith.constant 0.000000e+00 : f32
        %broadcast_in_dim3A_516 = vector.broadcast %jit3A_515 : f32 to vector<16xf32>
        %select_n3A_517 = arith.select %and3A_475, %mul3A_474, %broadcast_in_dim3A_516 : vector<16xi1>, vector<16xf32>
        %add3A_518 = arith.constant 6144 : i32
        %add3A_519 = arith.addi %add3A_518, %mul3A_198 : i32
        %swap3A_520 = arith.index_cast %add3A_519 : i32 to index
        %swap3A_521 = tpu.vector_load %arg16[%swap3A_520] {strides = array<i32>} : memref<16384xf32, #tpu.memory_space<vmem>>, vector<16xf32>,
        %swap3A_522 = vector.shape_cast %swap3A_521 : vector<16xf32> to vector<16xf32>
        %swap3A_523 = vector.shape_cast %select_n3A_517 : vector<16xf32> to vector<16xf32>
        tpu.vector_store %arg16[%swap3A_520], %swap3A_523 {strides = array<i32>} : memref<16384xf32, #tpu.memory_space<vmem>>, vector<16xf32>,
        %add3A_524 = arith.constant 7168 : i32
        %add3A_525 = arith.addi %add3A_524, %mul3A_198 : i32
        %swap3A_526 = arith.index_cast %add3A_525 : i32 to index
        %swap3A_527 = tpu.vector_load %arg15[%swap3A_526] {strides = array<i32>} : memref<16384xi32, #tpu.memory_space<vmem>>, vector<16xi32>,
        %swap3A_528 = vector.shape_cast %swap3A_527 : vector<16xi32> to vector<16xi32>
        %swap3A_529 = vector.shape_cast %add3A_476 : vector<16xi32> to vector<16xi32>
        tpu.vector_store %arg15[%swap3A_526], %swap3A_529 {strides = array<i32>} : memref<16384xi32, #tpu.memory_space<vmem>>, vector<16xi32>,
        %jit3A_530 = arith.constant 0.000000e+00 : f32
        %broadcast_in_dim3A_531 = vector.broadcast %jit3A_530 : f32 to vector<16xf32>
        %select_n3A_532 = arith.select %and3A_478, %mul3A_477, %broadcast_in_dim3A_531 : vector<16xi1>, vector<16xf32>
        %add3A_533 = arith.constant 7168 : i32
        %add3A_534 = arith.addi %add3A_533, %mul3A_198 : i32
        %swap3A_535 = arith.index_cast %add3A_534 : i32 to index
        %swap3A_536 = tpu.vector_load %arg16[%swap3A_535] {strides = array<i32>} : memref<16384xf32, #tpu.memory_space<vmem>>, vector<16xf32>,
        %swap3A_537 = vector.shape_cast %swap3A_536 : vector<16xf32> to vector<16xf32>
        %swap3A_538 = vector.shape_cast %select_n3A_532 : vector<16xf32> to vector<16xf32>
        tpu.vector_store %arg16[%swap3A_535], %swap3A_538 {strides = array<i32>} : memref<16384xf32, #tpu.memory_space<vmem>>, vector<16xf32>,
        %mul3A_539 = arith.constant 1.024000e+03 : f32
        %mul3A_540 = vector.broadcast %mul3A_539 : f32 to vector<16xf32>
        %mul3A_541 = arith.mulf %get3A_200, %mul3A_540 : vector<16xf32>
        %sub3A_542 = arith.constant 5.000000e-01 : f32
        %sub3A_543 = vector.broadcast %sub3A_542 : f32 to vector<16xf32>
        %sub3A_544 = arith.subf %mul3A_541, %sub3A_543 : vector<16xf32>
        %mul3A_545 = arith.constant 1.024000e+03 : f32
        %mul3A_546 = vector.broadcast %mul3A_545 : f32 to vector<16xf32>
        %mul3A_547 = arith.mulf %get3A_203, %mul3A_546 : vector<16xf32>
        %sub3A_548 = arith.constant 5.000000e-01 : f32
        %sub3A_549 = vector.broadcast %sub3A_548 : f32 to vector<16xf32>
        %sub3A_550 = arith.subf %mul3A_547, %sub3A_549 : vector<16xf32>
        %convert_element_type3A_551 = arith.fptosi %sub3A_544 : vector<16xf32> to vector<16xi32>
        %convert_element_type3A_552 = arith.fptosi %sub3A_550 : vector<16xf32> to vector<16xi32>
        %convert_element_type3A_553 = arith.sitofp %convert_element_type3A_551 : vector<16xi32> to vector<16xf32>
        %lt3A_554 = arith.cmpf olt, %sub3A_544, %convert_element_type3A_553 : vector<16xf32>
        %sub3A_555 = arith.constant 1 : i32
        %sub3A_556 = vector.broadcast %sub3A_555 : i32 to vector<16xi32>
        %sub3A_557 = arith.subi %convert_element_type3A_551, %sub3A_556 : vector<16xi32>
        %select_n3A_558 = arith.select %lt3A_554, %sub3A_557, %convert_element_type3A_551 : vector<16xi1>, vector<16xi32>
        %convert_element_type3A_559 = arith.sitofp %convert_element_type3A_552 : vector<16xi32> to vector<16xf32>
        %lt3A_560 = arith.cmpf olt, %sub3A_550, %convert_element_type3A_559 : vector<16xf32>
        %sub3A_561 = arith.constant 1 : i32
        %sub3A_562 = vector.broadcast %sub3A_561 : i32 to vector<16xi32>
        %sub3A_563 = arith.subi %convert_element_type3A_552, %sub3A_562 : vector<16xi32>
        %select_n3A_564 = arith.select %lt3A_560, %sub3A_563, %convert_element_type3A_552 : vector<16xi1>, vector<16xi32>
        %convert_element_type3A_565 = arith.sitofp %select_n3A_558 : vector<16xi32> to vector<16xf32>
        %sub3A_566 = arith.subf %sub3A_544, %convert_element_type3A_565 : vector<16xf32>
        %convert_element_type3A_567 = arith.sitofp %select_n3A_564 : vector<16xi32> to vector<16xf32>
        %sub3A_568 = arith.subf %sub3A_550, %convert_element_type3A_567 : vector<16xf32>
        %add3A_569 = arith.constant 1 : i32
        %add3A_570 = vector.broadcast %add3A_569 : i32 to vector<16xi32>
        %add3A_571 = arith.addi %select_n3A_558, %add3A_570 : vector<16xi32>
        %add3A_572 = arith.constant 1 : i32
        %add3A_573 = vector.broadcast %add3A_572 : i32 to vector<16xi32>
        %add3A_574 = arith.addi %select_n3A_564, %add3A_573 : vector<16xi32>
        %ge3A_575 = arith.constant 0 : i32
        %ge3A_576 = vector.broadcast %ge3A_575 : i32 to vector<16xi32>
        %ge3A_577 = arith.cmpi sge, %select_n3A_558, %ge3A_576 : vector<16xi32>
        %le3A_578 = arith.constant 1023 : i32
        %le3A_579 = vector.broadcast %le3A_578 : i32 to vector<16xi32>
        %le3A_580 = arith.cmpi sle, %select_n3A_558, %le3A_579 : vector<16xi32>
        %and3A_581 = arith.andi %ge3A_577, %le3A_580 : vector<16xi1>
        %ge3A_582 = arith.constant 0 : i32
        %ge3A_583 = vector.broadcast %ge3A_582 : i32 to vector<16xi32>
        %ge3A_584 = arith.cmpi sge, %add3A_571, %ge3A_583 : vector<16xi32>
        %le3A_585 = arith.constant 1023 : i32
        %le3A_586 = vector.broadcast %le3A_585 : i32 to vector<16xi32>
        %le3A_587 = arith.cmpi sle, %add3A_571, %le3A_586 : vector<16xi32>
        %and3A_588 = arith.andi %ge3A_584, %le3A_587 : vector<16xi1>
        %ge3A_589 = arith.constant 0 : i32
        %ge3A_590 = vector.broadcast %ge3A_589 : i32 to vector<16xi32>
        %ge3A_591 = arith.cmpi sge, %select_n3A_564, %ge3A_590 : vector<16xi32>
        %le3A_592 = arith.constant 1023 : i32
        %le3A_593 = vector.broadcast %le3A_592 : i32 to vector<16xi32>
        %le3A_594 = arith.cmpi sle, %select_n3A_564, %le3A_593 : vector<16xi32>
        %and3A_595 = arith.andi %ge3A_591, %le3A_594 : vector<16xi1>
        %ge3A_596 = arith.constant 0 : i32
        %ge3A_597 = vector.broadcast %ge3A_596 : i32 to vector<16xi32>
        %ge3A_598 = arith.cmpi sge, %add3A_574, %ge3A_597 : vector<16xi32>
        %le3A_599 = arith.constant 1023 : i32
        %le3A_600 = vector.broadcast %le3A_599 : i32 to vector<16xi32>
        %le3A_601 = arith.cmpi sle, %add3A_574, %le3A_600 : vector<16xi32>
        %and3A_602 = arith.andi %ge3A_598, %le3A_601 : vector<16xi1>
        %jit3A_603 = arith.constant 0 : i32
        %jit3A_604 = arith.constant 1023 : i32
        %max3A_605 = vector.broadcast %jit3A_603 : i32 to vector<16xi32>
        %max3A_606 = arith.maxsi %max3A_605, %select_n3A_558 : vector<16xi32>
        %min3A_607 = vector.broadcast %jit3A_604 : i32 to vector<16xi32>
        %min3A_608 = arith.minsi %min3A_607, %max3A_606 : vector<16xi32>
        %jit3A_609 = arith.constant 0 : i32
        %jit3A_610 = arith.constant 1023 : i32
        %max3A_611 = vector.broadcast %jit3A_609 : i32 to vector<16xi32>
        %max3A_612 = arith.maxsi %max3A_611, %add3A_571 : vector<16xi32>
        %min3A_613 = vector.broadcast %jit3A_610 : i32 to vector<16xi32>
        %min3A_614 = arith.minsi %min3A_613, %max3A_612 : vector<16xi32>
        %jit3A_615 = arith.constant 0 : i32
        %jit3A_616 = arith.constant 1023 : i32
        %max3A_617 = vector.broadcast %jit3A_615 : i32 to vector<16xi32>
        %max3A_618 = arith.maxsi %max3A_617, %select_n3A_564 : vector<16xi32>
        %min3A_619 = vector.broadcast %jit3A_616 : i32 to vector<16xi32>
        %min3A_620 = arith.minsi %min3A_619, %max3A_618 : vector<16xi32>
        %mul3A_621 = arith.constant 1024 : i32
        %mul3A_622 = vector.broadcast %mul3A_621 : i32 to vector<16xi32>
        %mul3A_623 = arith.muli %min3A_620, %mul3A_622 : vector<16xi32>
        %jit3A_624 = arith.constant 0 : i32
        %jit3A_625 = arith.constant 1023 : i32
        %max3A_626 = vector.broadcast %jit3A_624 : i32 to vector<16xi32>
        %max3A_627 = arith.maxsi %max3A_626, %add3A_574 : vector<16xi32>
        %min3A_628 = vector.broadcast %jit3A_625 : i32 to vector<16xi32>
        %min3A_629 = arith.minsi %min3A_628, %max3A_627 : vector<16xi32>
        %mul3A_630 = arith.constant 1024 : i32
        %mul3A_631 = vector.broadcast %mul3A_630 : i32 to vector<16xi32>
        %mul3A_632 = arith.muli %min3A_629, %mul3A_631 : vector<16xi32>
        %sub3A_633 = arith.constant 1.000000e+00 : f32
        %sub3A_634 = vector.broadcast %sub3A_633 : f32 to vector<16xf32>
        %sub3A_635 = arith.subf %sub3A_634, %sub3A_566 : vector<16xf32>
        %sub3A_636 = arith.constant 1.000000e+00 : f32
        %sub3A_637 = vector.broadcast %sub3A_636 : f32 to vector<16xf32>
        %sub3A_638 = arith.subf %sub3A_637, %sub3A_568 : vector<16xf32>
        %add3A_639 = arith.addi %mul3A_623, %min3A_608 : vector<16xi32>
        %mul3A_640 = arith.mulf %sub3A_638, %sub3A_635 : vector<16xf32>
        %and3A_641 = arith.andi %and3A_595, %and3A_581 : vector<16xi1>
        %add3A_642 = arith.addi %mul3A_623, %min3A_614 : vector<16xi32>
        %mul3A_643 = arith.mulf %sub3A_638, %sub3A_566 : vector<16xf32>
        %and3A_644 = arith.andi %and3A_595, %and3A_588 : vector<16xi1>
        %add3A_645 = arith.addi %mul3A_632, %min3A_608 : vector<16xi32>
        %mul3A_646 = arith.mulf %sub3A_568, %sub3A_635 : vector<16xf32>
        %and3A_647 = arith.andi %and3A_602, %and3A_581 : vector<16xi1>
        %add3A_648 = arith.addi %mul3A_632, %min3A_614 : vector<16xi32>
        %mul3A_649 = arith.mulf %sub3A_568, %sub3A_566 : vector<16xf32>
        %and3A_650 = arith.andi %and3A_602, %and3A_588 : vector<16xi1>
        %add3A_651 = arith.constant 8192 : i32
        %add3A_652 = arith.addi %add3A_651, %mul3A_198 : i32
        %swap3A_653 = arith.index_cast %add3A_652 : i32 to index
        %swap3A_654 = tpu.vector_load %arg15[%swap3A_653] {strides = array<i32>} : memref<16384xi32, #tpu.memory_space<vmem>>, vector<16xi32>,
        %swap3A_655 = vector.shape_cast %swap3A_654 : vector<16xi32> to vector<16xi32>
        %swap3A_656 = vector.shape_cast %add3A_639 : vector<16xi32> to vector<16xi32>
        tpu.vector_store %arg15[%swap3A_653], %swap3A_656 {strides = array<i32>} : memref<16384xi32, #tpu.memory_space<vmem>>, vector<16xi32>,
        %jit3A_657 = arith.constant 0.000000e+00 : f32
        %broadcast_in_dim3A_658 = vector.broadcast %jit3A_657 : f32 to vector<16xf32>
        %select_n3A_659 = arith.select %and3A_641, %mul3A_640, %broadcast_in_dim3A_658 : vector<16xi1>, vector<16xf32>
        %add3A_660 = arith.constant 8192 : i32
        %add3A_661 = arith.addi %add3A_660, %mul3A_198 : i32
        %swap3A_662 = arith.index_cast %add3A_661 : i32 to index
        %swap3A_663 = tpu.vector_load %arg16[%swap3A_662] {strides = array<i32>} : memref<16384xf32, #tpu.memory_space<vmem>>, vector<16xf32>,
        %swap3A_664 = vector.shape_cast %swap3A_663 : vector<16xf32> to vector<16xf32>
        %swap3A_665 = vector.shape_cast %select_n3A_659 : vector<16xf32> to vector<16xf32>
        tpu.vector_store %arg16[%swap3A_662], %swap3A_665 {strides = array<i32>} : memref<16384xf32, #tpu.memory_space<vmem>>, vector<16xf32>,
        %add3A_666 = arith.constant 9216 : i32
        %add3A_667 = arith.addi %add3A_666, %mul3A_198 : i32
        %swap3A_668 = arith.index_cast %add3A_667 : i32 to index
        %swap3A_669 = tpu.vector_load %arg15[%swap3A_668] {strides = array<i32>} : memref<16384xi32, #tpu.memory_space<vmem>>, vector<16xi32>,
        %swap3A_670 = vector.shape_cast %swap3A_669 : vector<16xi32> to vector<16xi32>
        %swap3A_671 = vector.shape_cast %add3A_642 : vector<16xi32> to vector<16xi32>
        tpu.vector_store %arg15[%swap3A_668], %swap3A_671 {strides = array<i32>} : memref<16384xi32, #tpu.memory_space<vmem>>, vector<16xi32>,
        %jit3A_672 = arith.constant 0.000000e+00 : f32
        %broadcast_in_dim3A_673 = vector.broadcast %jit3A_672 : f32 to vector<16xf32>
        %select_n3A_674 = arith.select %and3A_644, %mul3A_643, %broadcast_in_dim3A_673 : vector<16xi1>, vector<16xf32>
        %add3A_675 = arith.constant 9216 : i32
        %add3A_676 = arith.addi %add3A_675, %mul3A_198 : i32
        %swap3A_677 = arith.index_cast %add3A_676 : i32 to index
        %swap3A_678 = tpu.vector_load %arg16[%swap3A_677] {strides = array<i32>} : memref<16384xf32, #tpu.memory_space<vmem>>, vector<16xf32>,
        %swap3A_679 = vector.shape_cast %swap3A_678 : vector<16xf32> to vector<16xf32>
        %swap3A_680 = vector.shape_cast %select_n3A_674 : vector<16xf32> to vector<16xf32>
        tpu.vector_store %arg16[%swap3A_677], %swap3A_680 {strides = array<i32>} : memref<16384xf32, #tpu.memory_space<vmem>>, vector<16xf32>,
        %add3A_681 = arith.constant 10240 : i32
        %add3A_682 = arith.addi %add3A_681, %mul3A_198 : i32
        %swap3A_683 = arith.index_cast %add3A_682 : i32 to index
        %swap3A_684 = tpu.vector_load %arg15[%swap3A_683] {strides = array<i32>} : memref<16384xi32, #tpu.memory_space<vmem>>, vector<16xi32>,
        %swap3A_685 = vector.shape_cast %swap3A_684 : vector<16xi32> to vector<16xi32>
        %swap3A_686 = vector.shape_cast %add3A_645 : vector<16xi32> to vector<16xi32>
        tpu.vector_store %arg15[%swap3A_683], %swap3A_686 {strides = array<i32>} : memref<16384xi32, #tpu.memory_space<vmem>>, vector<16xi32>,
        %jit3A_687 = arith.constant 0.000000e+00 : f32
        %broadcast_in_dim3A_688 = vector.broadcast %jit3A_687 : f32 to vector<16xf32>
        %select_n3A_689 = arith.select %and3A_647, %mul3A_646, %broadcast_in_dim3A_688 : vector<16xi1>, vector<16xf32>
        %add3A_690 = arith.constant 10240 : i32
        %add3A_691 = arith.addi %add3A_690, %mul3A_198 : i32
        %swap3A_692 = arith.index_cast %add3A_691 : i32 to index
        %swap3A_693 = tpu.vector_load %arg16[%swap3A_692] {strides = array<i32>} : memref<16384xf32, #tpu.memory_space<vmem>>, vector<16xf32>,
        %swap3A_694 = vector.shape_cast %swap3A_693 : vector<16xf32> to vector<16xf32>
        %swap3A_695 = vector.shape_cast %select_n3A_689 : vector<16xf32> to vector<16xf32>
        tpu.vector_store %arg16[%swap3A_692], %swap3A_695 {strides = array<i32>} : memref<16384xf32, #tpu.memory_space<vmem>>, vector<16xf32>,
        %add3A_696 = arith.constant 11264 : i32
        %add3A_697 = arith.addi %add3A_696, %mul3A_198 : i32
        %swap3A_698 = arith.index_cast %add3A_697 : i32 to index
        %swap3A_699 = tpu.vector_load %arg15[%swap3A_698] {strides = array<i32>} : memref<16384xi32, #tpu.memory_space<vmem>>, vector<16xi32>,
        %swap3A_700 = vector.shape_cast %swap3A_699 : vector<16xi32> to vector<16xi32>
        %swap3A_701 = vector.shape_cast %add3A_648 : vector<16xi32> to vector<16xi32>
        tpu.vector_store %arg15[%swap3A_698], %swap3A_701 {strides = array<i32>} : memref<16384xi32, #tpu.memory_space<vmem>>, vector<16xi32>,
        %jit3A_702 = arith.constant 0.000000e+00 : f32
        %broadcast_in_dim3A_703 = vector.broadcast %jit3A_702 : f32 to vector<16xf32>
        %select_n3A_704 = arith.select %and3A_650, %mul3A_649, %broadcast_in_dim3A_703 : vector<16xi1>, vector<16xf32>
        %add3A_705 = arith.constant 11264 : i32
        %add3A_706 = arith.addi %add3A_705, %mul3A_198 : i32
        %swap3A_707 = arith.index_cast %add3A_706 : i32 to index
        %swap3A_708 = tpu.vector_load %arg16[%swap3A_707] {strides = array<i32>} : memref<16384xf32, #tpu.memory_space<vmem>>, vector<16xf32>,
        %swap3A_709 = vector.shape_cast %swap3A_708 : vector<16xf32> to vector<16xf32>
        %swap3A_710 = vector.shape_cast %select_n3A_704 : vector<16xf32> to vector<16xf32>
        tpu.vector_store %arg16[%swap3A_707], %swap3A_710 {strides = array<i32>} : memref<16384xf32, #tpu.memory_space<vmem>>, vector<16xf32>,
        %mul3A_711 = arith.constant 5.120000e+02 : f32
        %mul3A_712 = vector.broadcast %mul3A_711 : f32 to vector<16xf32>
        %mul3A_713 = arith.mulf %get3A_200, %mul3A_712 : vector<16xf32>
        %sub3A_714 = arith.constant 5.000000e-01 : f32
        %sub3A_715 = vector.broadcast %sub3A_714 : f32 to vector<16xf32>
        %sub3A_716 = arith.subf %mul3A_713, %sub3A_715 : vector<16xf32>
        %mul3A_717 = arith.constant 5.120000e+02 : f32
        %mul3A_718 = vector.broadcast %mul3A_717 : f32 to vector<16xf32>
        %mul3A_719 = arith.mulf %get3A_203, %mul3A_718 : vector<16xf32>
        %sub3A_720 = arith.constant 5.000000e-01 : f32
        %sub3A_721 = vector.broadcast %sub3A_720 : f32 to vector<16xf32>
        %sub3A_722 = arith.subf %mul3A_719, %sub3A_721 : vector<16xf32>
        %convert_element_type3A_723 = arith.fptosi %sub3A_716 : vector<16xf32> to vector<16xi32>
        %convert_element_type3A_724 = arith.fptosi %sub3A_722 : vector<16xf32> to vector<16xi32>
        %convert_element_type3A_725 = arith.sitofp %convert_element_type3A_723 : vector<16xi32> to vector<16xf32>
        %lt3A_726 = arith.cmpf olt, %sub3A_716, %convert_element_type3A_725 : vector<16xf32>
        %sub3A_727 = arith.constant 1 : i32
        %sub3A_728 = vector.broadcast %sub3A_727 : i32 to vector<16xi32>
        %sub3A_729 = arith.subi %convert_element_type3A_723, %sub3A_728 : vector<16xi32>
        %select_n3A_730 = arith.select %lt3A_726, %sub3A_729, %convert_element_type3A_723 : vector<16xi1>, vector<16xi32>
        %convert_element_type3A_731 = arith.sitofp %convert_element_type3A_724 : vector<16xi32> to vector<16xf32>
        %lt3A_732 = arith.cmpf olt, %sub3A_722, %convert_element_type3A_731 : vector<16xf32>
        %sub3A_733 = arith.constant 1 : i32
        %sub3A_734 = vector.broadcast %sub3A_733 : i32 to vector<16xi32>
        %sub3A_735 = arith.subi %convert_element_type3A_724, %sub3A_734 : vector<16xi32>
        %select_n3A_736 = arith.select %lt3A_732, %sub3A_735, %convert_element_type3A_724 : vector<16xi1>, vector<16xi32>
        %convert_element_type3A_737 = arith.sitofp %select_n3A_730 : vector<16xi32> to vector<16xf32>
        %sub3A_738 = arith.subf %sub3A_716, %convert_element_type3A_737 : vector<16xf32>
        %convert_element_type3A_739 = arith.sitofp %select_n3A_736 : vector<16xi32> to vector<16xf32>
        %sub3A_740 = arith.subf %sub3A_722, %convert_element_type3A_739 : vector<16xf32>
        %add3A_741 = arith.constant 1 : i32
        %add3A_742 = vector.broadcast %add3A_741 : i32 to vector<16xi32>
        %add3A_743 = arith.addi %select_n3A_730, %add3A_742 : vector<16xi32>
        %add3A_744 = arith.constant 1 : i32
        %add3A_745 = vector.broadcast %add3A_744 : i32 to vector<16xi32>
        %add3A_746 = arith.addi %select_n3A_736, %add3A_745 : vector<16xi32>
        %ge3A_747 = arith.constant 0 : i32
        %ge3A_748 = vector.broadcast %ge3A_747 : i32 to vector<16xi32>
        %ge3A_749 = arith.cmpi sge, %select_n3A_730, %ge3A_748 : vector<16xi32>
        %le3A_750 = arith.constant 511 : i32
        %le3A_751 = vector.broadcast %le3A_750 : i32 to vector<16xi32>
        %le3A_752 = arith.cmpi sle, %select_n3A_730, %le3A_751 : vector<16xi32>
        %and3A_753 = arith.andi %ge3A_749, %le3A_752 : vector<16xi1>
        %ge3A_754 = arith.constant 0 : i32
        %ge3A_755 = vector.broadcast %ge3A_754 : i32 to vector<16xi32>
        %ge3A_756 = arith.cmpi sge, %add3A_743, %ge3A_755 : vector<16xi32>
        %le3A_757 = arith.constant 511 : i32
        %le3A_758 = vector.broadcast %le3A_757 : i32 to vector<16xi32>
        %le3A_759 = arith.cmpi sle, %add3A_743, %le3A_758 : vector<16xi32>
        %and3A_760 = arith.andi %ge3A_756, %le3A_759 : vector<16xi1>
        %ge3A_761 = arith.constant 0 : i32
        %ge3A_762 = vector.broadcast %ge3A_761 : i32 to vector<16xi32>
        %ge3A_763 = arith.cmpi sge, %select_n3A_736, %ge3A_762 : vector<16xi32>
        %le3A_764 = arith.constant 511 : i32
        %le3A_765 = vector.broadcast %le3A_764 : i32 to vector<16xi32>
        %le3A_766 = arith.cmpi sle, %select_n3A_736, %le3A_765 : vector<16xi32>
        %and3A_767 = arith.andi %ge3A_763, %le3A_766 : vector<16xi1>
        %ge3A_768 = arith.constant 0 : i32
        %ge3A_769 = vector.broadcast %ge3A_768 : i32 to vector<16xi32>
        %ge3A_770 = arith.cmpi sge, %add3A_746, %ge3A_769 : vector<16xi32>
        %le3A_771 = arith.constant 511 : i32
        %le3A_772 = vector.broadcast %le3A_771 : i32 to vector<16xi32>
        %le3A_773 = arith.cmpi sle, %add3A_746, %le3A_772 : vector<16xi32>
        %and3A_774 = arith.andi %ge3A_770, %le3A_773 : vector<16xi1>
        %jit3A_775 = arith.constant 0 : i32
        %jit3A_776 = arith.constant 511 : i32
        %max3A_777 = vector.broadcast %jit3A_775 : i32 to vector<16xi32>
        %max3A_778 = arith.maxsi %max3A_777, %select_n3A_730 : vector<16xi32>
        %min3A_779 = vector.broadcast %jit3A_776 : i32 to vector<16xi32>
        %min3A_780 = arith.minsi %min3A_779, %max3A_778 : vector<16xi32>
        %jit3A_781 = arith.constant 0 : i32
        %jit3A_782 = arith.constant 511 : i32
        %max3A_783 = vector.broadcast %jit3A_781 : i32 to vector<16xi32>
        %max3A_784 = arith.maxsi %max3A_783, %add3A_743 : vector<16xi32>
        %min3A_785 = vector.broadcast %jit3A_782 : i32 to vector<16xi32>
        %min3A_786 = arith.minsi %min3A_785, %max3A_784 : vector<16xi32>
        %jit3A_787 = arith.constant 0 : i32
        %jit3A_788 = arith.constant 511 : i32
        %max3A_789 = vector.broadcast %jit3A_787 : i32 to vector<16xi32>
        %max3A_790 = arith.maxsi %max3A_789, %select_n3A_736 : vector<16xi32>
        %min3A_791 = vector.broadcast %jit3A_788 : i32 to vector<16xi32>
        %min3A_792 = arith.minsi %min3A_791, %max3A_790 : vector<16xi32>
        %mul3A_793 = arith.constant 512 : i32
        %mul3A_794 = vector.broadcast %mul3A_793 : i32 to vector<16xi32>
        %mul3A_795 = arith.muli %min3A_792, %mul3A_794 : vector<16xi32>
        %jit3A_796 = arith.constant 0 : i32
        %jit3A_797 = arith.constant 511 : i32
        %max3A_798 = vector.broadcast %jit3A_796 : i32 to vector<16xi32>
        %max3A_799 = arith.maxsi %max3A_798, %add3A_746 : vector<16xi32>
        %min3A_800 = vector.broadcast %jit3A_797 : i32 to vector<16xi32>
        %min3A_801 = arith.minsi %min3A_800, %max3A_799 : vector<16xi32>
        %mul3A_802 = arith.constant 512 : i32
        %mul3A_803 = vector.broadcast %mul3A_802 : i32 to vector<16xi32>
        %mul3A_804 = arith.muli %min3A_801, %mul3A_803 : vector<16xi32>
        %sub3A_805 = arith.constant 1.000000e+00 : f32
        %sub3A_806 = vector.broadcast %sub3A_805 : f32 to vector<16xf32>
        %sub3A_807 = arith.subf %sub3A_806, %sub3A_738 : vector<16xf32>
        %sub3A_808 = arith.constant 1.000000e+00 : f32
        %sub3A_809 = vector.broadcast %sub3A_808 : f32 to vector<16xf32>
        %sub3A_810 = arith.subf %sub3A_809, %sub3A_740 : vector<16xf32>
        %add3A_811 = arith.addi %mul3A_795, %min3A_780 : vector<16xi32>
        %mul3A_812 = arith.mulf %sub3A_810, %sub3A_807 : vector<16xf32>
        %and3A_813 = arith.andi %and3A_767, %and3A_753 : vector<16xi1>
        %add3A_814 = arith.addi %mul3A_795, %min3A_786 : vector<16xi32>
        %mul3A_815 = arith.mulf %sub3A_810, %sub3A_738 : vector<16xf32>
        %and3A_816 = arith.andi %and3A_767, %and3A_760 : vector<16xi1>
        %add3A_817 = arith.addi %mul3A_804, %min3A_780 : vector<16xi32>
        %mul3A_818 = arith.mulf %sub3A_740, %sub3A_807 : vector<16xf32>
        %and3A_819 = arith.andi %and3A_774, %and3A_753 : vector<16xi1>
        %add3A_820 = arith.addi %mul3A_804, %min3A_786 : vector<16xi32>
        %mul3A_821 = arith.mulf %sub3A_740, %sub3A_738 : vector<16xf32>
        %and3A_822 = arith.andi %and3A_774, %and3A_760 : vector<16xi1>
        %add3A_823 = arith.constant 12288 : i32
        %add3A_824 = arith.addi %add3A_823, %mul3A_198 : i32
        %swap3A_825 = arith.index_cast %add3A_824 : i32 to index
        %swap3A_826 = tpu.vector_load %arg15[%swap3A_825] {strides = array<i32>} : memref<16384xi32, #tpu.memory_space<vmem>>, vector<16xi32>,
        %swap3A_827 = vector.shape_cast %swap3A_826 : vector<16xi32> to vector<16xi32>
        %swap3A_828 = vector.shape_cast %add3A_811 : vector<16xi32> to vector<16xi32>
        tpu.vector_store %arg15[%swap3A_825], %swap3A_828 {strides = array<i32>} : memref<16384xi32, #tpu.memory_space<vmem>>, vector<16xi32>,
        %jit3A_829 = arith.constant 0.000000e+00 : f32
        %broadcast_in_dim3A_830 = vector.broadcast %jit3A_829 : f32 to vector<16xf32>
        %select_n3A_831 = arith.select %and3A_813, %mul3A_812, %broadcast_in_dim3A_830 : vector<16xi1>, vector<16xf32>
        %add3A_832 = arith.constant 12288 : i32
        %add3A_833 = arith.addi %add3A_832, %mul3A_198 : i32
        %swap3A_834 = arith.index_cast %add3A_833 : i32 to index
        %swap3A_835 = tpu.vector_load %arg16[%swap3A_834] {strides = array<i32>} : memref<16384xf32, #tpu.memory_space<vmem>>, vector<16xf32>,
        %swap3A_836 = vector.shape_cast %swap3A_835 : vector<16xf32> to vector<16xf32>
        %swap3A_837 = vector.shape_cast %select_n3A_831 : vector<16xf32> to vector<16xf32>
        tpu.vector_store %arg16[%swap3A_834], %swap3A_837 {strides = array<i32>} : memref<16384xf32, #tpu.memory_space<vmem>>, vector<16xf32>,
        %add3A_838 = arith.constant 13312 : i32
        %add3A_839 = arith.addi %add3A_838, %mul3A_198 : i32
        %swap3A_840 = arith.index_cast %add3A_839 : i32 to index
        %swap3A_841 = tpu.vector_load %arg15[%swap3A_840] {strides = array<i32>} : memref<16384xi32, #tpu.memory_space<vmem>>, vector<16xi32>,
        %swap3A_842 = vector.shape_cast %swap3A_841 : vector<16xi32> to vector<16xi32>
        %swap3A_843 = vector.shape_cast %add3A_814 : vector<16xi32> to vector<16xi32>
        tpu.vector_store %arg15[%swap3A_840], %swap3A_843 {strides = array<i32>} : memref<16384xi32, #tpu.memory_space<vmem>>, vector<16xi32>,
        %jit3A_844 = arith.constant 0.000000e+00 : f32
        %broadcast_in_dim3A_845 = vector.broadcast %jit3A_844 : f32 to vector<16xf32>
        %select_n3A_846 = arith.select %and3A_816, %mul3A_815, %broadcast_in_dim3A_845 : vector<16xi1>, vector<16xf32>
        %add3A_847 = arith.constant 13312 : i32
        %add3A_848 = arith.addi %add3A_847, %mul3A_198 : i32
        %swap3A_849 = arith.index_cast %add3A_848 : i32 to index
        %swap3A_850 = tpu.vector_load %arg16[%swap3A_849] {strides = array<i32>} : memref<16384xf32, #tpu.memory_space<vmem>>, vector<16xf32>,
        %swap3A_851 = vector.shape_cast %swap3A_850 : vector<16xf32> to vector<16xf32>
        %swap3A_852 = vector.shape_cast %select_n3A_846 : vector<16xf32> to vector<16xf32>
        tpu.vector_store %arg16[%swap3A_849], %swap3A_852 {strides = array<i32>} : memref<16384xf32, #tpu.memory_space<vmem>>, vector<16xf32>,
        %add3A_853 = arith.constant 14336 : i32
        %add3A_854 = arith.addi %add3A_853, %mul3A_198 : i32
        %swap3A_855 = arith.index_cast %add3A_854 : i32 to index
        %swap3A_856 = tpu.vector_load %arg15[%swap3A_855] {strides = array<i32>} : memref<16384xi32, #tpu.memory_space<vmem>>, vector<16xi32>,
        %swap3A_857 = vector.shape_cast %swap3A_856 : vector<16xi32> to vector<16xi32>
        %swap3A_858 = vector.shape_cast %add3A_817 : vector<16xi32> to vector<16xi32>
        tpu.vector_store %arg15[%swap3A_855], %swap3A_858 {strides = array<i32>} : memref<16384xi32, #tpu.memory_space<vmem>>, vector<16xi32>,
        %jit3A_859 = arith.constant 0.000000e+00 : f32
        %broadcast_in_dim3A_860 = vector.broadcast %jit3A_859 : f32 to vector<16xf32>
        %select_n3A_861 = arith.select %and3A_819, %mul3A_818, %broadcast_in_dim3A_860 : vector<16xi1>, vector<16xf32>
        %add3A_862 = arith.constant 14336 : i32
        %add3A_863 = arith.addi %add3A_862, %mul3A_198 : i32
        %swap3A_864 = arith.index_cast %add3A_863 : i32 to index
        %swap3A_865 = tpu.vector_load %arg16[%swap3A_864] {strides = array<i32>} : memref<16384xf32, #tpu.memory_space<vmem>>, vector<16xf32>,
        %swap3A_866 = vector.shape_cast %swap3A_865 : vector<16xf32> to vector<16xf32>
        %swap3A_867 = vector.shape_cast %select_n3A_861 : vector<16xf32> to vector<16xf32>
        tpu.vector_store %arg16[%swap3A_864], %swap3A_867 {strides = array<i32>} : memref<16384xf32, #tpu.memory_space<vmem>>, vector<16xf32>,
        %add3A_868 = arith.constant 15360 : i32
        %add3A_869 = arith.addi %add3A_868, %mul3A_198 : i32
        %swap3A_870 = arith.index_cast %add3A_869 : i32 to index
        %swap3A_871 = tpu.vector_load %arg15[%swap3A_870] {strides = array<i32>} : memref<16384xi32, #tpu.memory_space<vmem>>, vector<16xi32>,
        %swap3A_872 = vector.shape_cast %swap3A_871 : vector<16xi32> to vector<16xi32>
        %swap3A_873 = vector.shape_cast %add3A_820 : vector<16xi32> to vector<16xi32>
        tpu.vector_store %arg15[%swap3A_870], %swap3A_873 {strides = array<i32>} : memref<16384xi32, #tpu.memory_space<vmem>>, vector<16xi32>,
        %jit3A_874 = arith.constant 0.000000e+00 : f32
        %broadcast_in_dim3A_875 = vector.broadcast %jit3A_874 : f32 to vector<16xf32>
        %select_n3A_876 = arith.select %and3A_822, %mul3A_821, %broadcast_in_dim3A_875 : vector<16xi1>, vector<16xf32>
        %add3A_877 = arith.constant 15360 : i32
        %add3A_878 = arith.addi %add3A_877, %mul3A_198 : i32
        %swap3A_879 = arith.index_cast %add3A_878 : i32 to index
        %swap3A_880 = tpu.vector_load %arg16[%swap3A_879] {strides = array<i32>} : memref<16384xf32, #tpu.memory_space<vmem>>, vector<16xf32>,
        %swap3A_881 = vector.shape_cast %swap3A_880 : vector<16xf32> to vector<16xf32>
        %swap3A_882 = vector.shape_cast %select_n3A_876 : vector<16xf32> to vector<16xf32>
        tpu.vector_store %arg16[%swap3A_879], %swap3A_882 {strides = array<i32>} : memref<16384xf32, #tpu.memory_space<vmem>>, vector<16xf32>,
      }
      %scan3A_74 = arith.constant 64 : i32
      %mul3A_75 = arith.constant 32768 : i32
      %mul3A_76 = arith.muli %add3A, %mul3A_75 : i32
      %mul3A_77 = arith.constant 1024 : i32
      %mul3A_78 = arith.muli %select_n3A, %mul3A_77 : i32
      %add3A_79 = arith.addi %mul3A_76, %mul3A_78 : i32
      %dma_start3A_80 = tpu.memref_slice %arg2[%add3A_79] : memref<1048576xf32, #tpu.memory_space<hbm>> -> memref<1024xf32, #tpu.memory_space<hbm>>
      %dma_start3A_81 = tpu.memref_slice %arg2[%add3A_79] : memref<1048576xf32, #tpu.memory_space<hbm>> -> memref<1024xf32, #tpu.memory_space<hbm>>
      tpu.enqueue_dma source(%dma_start3A_81 : memref<1024xf32, #tpu.memory_space<hbm>>) target(%arg9 : memref<1024xf32, #tpu.memory_space<vmem>>) target_semaphore(%arg22 : memref<!tpu.dma_semaphore, #tpu.memory_space<semaphore_mem>>)
      %dma_start3A_82 = tpu.memref_slice %arg3[%add3A_79] : memref<1048576xf32, #tpu.memory_space<hbm>> -> memref<1024xf32, #tpu.memory_space<hbm>>
      %dma_start3A_83 = tpu.memref_slice %arg3[%add3A_79] : memref<1048576xf32, #tpu.memory_space<hbm>> -> memref<1024xf32, #tpu.memory_space<hbm>>
      tpu.enqueue_dma source(%dma_start3A_83 : memref<1024xf32, #tpu.memory_space<hbm>>) target(%arg10 : memref<1024xf32, #tpu.memory_space<vmem>>) target_semaphore(%arg22 : memref<!tpu.dma_semaphore, #tpu.memory_space<semaphore_mem>>)
      %dma_start3A_84 = arith.constant 0 : i32
      %dma_start3A_85 = tpu.memref_slice %arg18[%dma_start3A_84] : memref<16384xf32, #tpu.memory_space<vmem>> -> memref<4096xf32, #tpu.memory_space<vmem>>
      %dma_start3A_86 = arith.constant 0 : i32
      %dma_start3A_87 = tpu.memref_slice %arg15[%dma_start3A_86] : memref<16384xi32, #tpu.memory_space<vmem>> -> memref<4096xi32, #tpu.memory_space<vmem>>
      %dma_start3A_88 = arith.constant 0 : i32
      %dma_start3A_89 = tpu.memref_slice %arg4[%dma_start3A_88] : memref<16777216xf32, #tpu.memory_space<hbm>> -> memref<16777216xf32, #tpu.memory_space<hbm>>
      tpu.enqueue_indirect_dma source(%dma_start3A_89 : memref<16777216xf32, #tpu.memory_space<hbm>>) target(%dma_start3A_85 : memref<4096xf32, #tpu.memory_space<vmem>>) offsets(%dma_start3A_87 : memref<4096xi32, #tpu.memory_space<vmem>>) semaphore(%arg21 : memref<!tpu.dma_semaphore, #tpu.memory_space<semaphore_mem>>)
      %dma_start3A_90 = arith.constant 4096 : i32
      %dma_start3A_91 = tpu.memref_slice %arg18[%dma_start3A_90] : memref<16384xf32, #tpu.memory_space<vmem>> -> memref<4096xf32, #tpu.memory_space<vmem>>
      %dma_start3A_92 = arith.constant 4096 : i32
      %dma_start3A_93 = tpu.memref_slice %arg15[%dma_start3A_92] : memref<16384xi32, #tpu.memory_space<vmem>> -> memref<4096xi32, #tpu.memory_space<vmem>>
      %dma_start3A_94 = arith.constant 0 : i32
      %dma_start3A_95 = tpu.memref_slice %arg5[%dma_start3A_94] : memref<4194304xf32, #tpu.memory_space<hbm>> -> memref<4194304xf32, #tpu.memory_space<hbm>>
      tpu.enqueue_indirect_dma source(%dma_start3A_95 : memref<4194304xf32, #tpu.memory_space<hbm>>) target(%dma_start3A_91 : memref<4096xf32, #tpu.memory_space<vmem>>) offsets(%dma_start3A_93 : memref<4096xi32, #tpu.memory_space<vmem>>) semaphore(%arg21 : memref<!tpu.dma_semaphore, #tpu.memory_space<semaphore_mem>>)
      %dma_start3A_96 = arith.constant 8192 : i32
      %dma_start3A_97 = tpu.memref_slice %arg18[%dma_start3A_96] : memref<16384xf32, #tpu.memory_space<vmem>> -> memref<4096xf32, #tpu.memory_space<vmem>>
      %dma_start3A_98 = arith.constant 8192 : i32
      %dma_start3A_99 = tpu.memref_slice %arg15[%dma_start3A_98] : memref<16384xi32, #tpu.memory_space<vmem>> -> memref<4096xi32, #tpu.memory_space<vmem>>
      %dma_start3A_100 = arith.constant 0 : i32
      %dma_start3A_101 = tpu.memref_slice %arg6[%dma_start3A_100] : memref<1048576xf32, #tpu.memory_space<hbm>> -> memref<1048576xf32, #tpu.memory_space<hbm>>
      tpu.enqueue_indirect_dma source(%dma_start3A_101 : memref<1048576xf32, #tpu.memory_space<hbm>>) target(%dma_start3A_97 : memref<4096xf32, #tpu.memory_space<vmem>>) offsets(%dma_start3A_99 : memref<4096xi32, #tpu.memory_space<vmem>>) semaphore(%arg21 : memref<!tpu.dma_semaphore, #tpu.memory_space<semaphore_mem>>)
      %dma_start3A_102 = arith.constant 12288 : i32
      %dma_start3A_103 = tpu.memref_slice %arg18[%dma_start3A_102] : memref<16384xf32, #tpu.memory_space<vmem>> -> memref<4096xf32, #tpu.memory_space<vmem>>
      %dma_start3A_104 = arith.constant 12288 : i32
      %dma_start3A_105 = tpu.memref_slice %arg15[%dma_start3A_104] : memref<16384xi32, #tpu.memory_space<vmem>> -> memref<4096xi32, #tpu.memory_space<vmem>>
      %dma_start3A_106 = arith.constant 0 : i32
      %dma_start3A_107 = tpu.memref_slice %arg7[%dma_start3A_106] : memref<262144xf32, #tpu.memory_space<hbm>> -> memref<262144xf32, #tpu.memory_space<hbm>>
      tpu.enqueue_indirect_dma source(%dma_start3A_107 : memref<262144xf32, #tpu.memory_space<hbm>>) target(%dma_start3A_103 : memref<4096xf32, #tpu.memory_space<vmem>>) offsets(%dma_start3A_105 : memref<4096xi32, #tpu.memory_space<vmem>>) semaphore(%arg21 : memref<!tpu.dma_semaphore, #tpu.memory_space<semaphore_mem>>)
      %dma_wait3A_108 = arith.constant 0 : i32
      %dma_wait3A_109 = tpu.memref_slice %arg17[%dma_wait3A_108] : memref<16384xf32, #tpu.memory_space<vmem>> -> memref<4096xf32, #tpu.memory_space<vmem>>
      %dma_wait3A_110 = arith.constant 0 : i32
      %dma_wait3A_111 = tpu.memref_slice %arg13[%dma_wait3A_110] : memref<16384xi32, #tpu.memory_space<vmem>> -> memref<4096xi32, #tpu.memory_space<vmem>>
      %dma_wait3A_112 = arith.constant 0 : i32
      %dma_wait3A_113 = tpu.memref_slice %arg4[%dma_wait3A_112] : memref<16777216xf32, #tpu.memory_space<hbm>> -> memref<16777216xf32, #tpu.memory_space<hbm>>
      tpu.wait_indirect_dma semaphore(%arg21 : memref<!tpu.dma_semaphore, #tpu.memory_space<semaphore_mem>>) src(%dma_wait3A_113 : memref<16777216xf32, #tpu.memory_space<hbm>>) dst(%dma_wait3A_109 : memref<4096xf32, #tpu.memory_space<vmem>>)
      %dma_wait3A_114 = arith.constant 4096 : i32
      %dma_wait3A_115 = tpu.memref_slice %arg17[%dma_wait3A_114] : memref<16384xf32, #tpu.memory_space<vmem>> -> memref<4096xf32, #tpu.memory_space<vmem>>
      %dma_wait3A_116 = arith.constant 4096 : i32
      %dma_wait3A_117 = tpu.memref_slice %arg13[%dma_wait3A_116] : memref<16384xi32, #tpu.memory_space<vmem>> -> memref<4096xi32, #tpu.memory_space<vmem>>
      %dma_wait3A_118 = arith.constant 0 : i32
      %dma_wait3A_119 = tpu.memref_slice %arg5[%dma_wait3A_118] : memref<4194304xf32, #tpu.memory_space<hbm>> -> memref<4194304xf32, #tpu.memory_space<hbm>>
      tpu.wait_indirect_dma semaphore(%arg21 : memref<!tpu.dma_semaphore, #tpu.memory_space<semaphore_mem>>) src(%dma_wait3A_119 : memref<4194304xf32, #tpu.memory_space<hbm>>) dst(%dma_wait3A_115 : memref<4096xf32, #tpu.memory_space<vmem>>)
      %dma_wait3A_120 = arith.constant 8192 : i32
      %dma_wait3A_121 = tpu.memref_slice %arg17[%dma_wait3A_120] : memref<16384xf32, #tpu.memory_space<vmem>> -> memref<4096xf32, #tpu.memory_space<vmem>>
      %dma_wait3A_122 = arith.constant 8192 : i32
      %dma_wait3A_123 = tpu.memref_slice %arg13[%dma_wait3A_122] : memref<16384xi32, #tpu.memory_space<vmem>> -> memref<4096xi32, #tpu.memory_space<vmem>>
      %dma_wait3A_124 = arith.constant 0 : i32
      %dma_wait3A_125 = tpu.memref_slice %arg6[%dma_wait3A_124] : memref<1048576xf32, #tpu.memory_space<hbm>> -> memref<1048576xf32, #tpu.memory_space<hbm>>
      tpu.wait_indirect_dma semaphore(%arg21 : memref<!tpu.dma_semaphore, #tpu.memory_space<semaphore_mem>>) src(%dma_wait3A_125 : memref<1048576xf32, #tpu.memory_space<hbm>>) dst(%dma_wait3A_121 : memref<4096xf32, #tpu.memory_space<vmem>>)
      %dma_wait3A_126 = arith.constant 12288 : i32
      %dma_wait3A_127 = tpu.memref_slice %arg17[%dma_wait3A_126] : memref<16384xf32, #tpu.memory_space<vmem>> -> memref<4096xf32, #tpu.memory_space<vmem>>
      %dma_wait3A_128 = arith.constant 12288 : i32
      %dma_wait3A_129 = tpu.memref_slice %arg13[%dma_wait3A_128] : memref<16384xi32, #tpu.memory_space<vmem>> -> memref<4096xi32, #tpu.memory_space<vmem>>
      %dma_wait3A_130 = arith.constant 0 : i32
      %dma_wait3A_131 = tpu.memref_slice %arg7[%dma_wait3A_130] : memref<262144xf32, #tpu.memory_space<hbm>> -> memref<262144xf32, #tpu.memory_space<hbm>>
      tpu.wait_indirect_dma semaphore(%arg21 : memref<!tpu.dma_semaphore, #tpu.memory_space<semaphore_mem>>) src(%dma_wait3A_131 : memref<262144xf32, #tpu.memory_space<hbm>>) dst(%dma_wait3A_127 : memref<4096xf32, #tpu.memory_space<vmem>>)
      %scan3A_132 = arith.constant 0 : i32
      %scan3A_133 = arith.constant 0 : i32
      %scan3A_134 = arith.constant 64 : i32
      %scan3A_135 = arith.addi %scan3A_133, %scan3A_134 : i32
      %scan3A_136 = arith.constant 1 : i32
      scf.for %scan3A_196 = %scan3A_133 to %scan3A_135 step %scan3A_136  : i32 {
        %mul3A_197 = arith.constant 16 : i32
        %mul3A_198 = arith.muli %scan3A_196, %mul3A_197 : i32
        %add3A_199 = arith.constant 0 : i32
        %add3A_200 = arith.addi %add3A_199, %mul3A_198 : i32
        %get3A = arith.index_cast %add3A_200 : i32 to index
        %get3A_201 = tpu.vector_load %arg17[%get3A] {strides = array<i32>} : memref<16384xf32, #tpu.memory_space<vmem>>, vector<16xf32>,
        %get3A_202 = vector.shape_cast %get3A_201 : vector<16xf32> to vector<16xf32>
        %add3A_203 = arith.constant 0 : i32
        %add3A_204 = arith.addi %add3A_203, %mul3A_198 : i32
        %get3A_205 = arith.index_cast %add3A_204 : i32 to index
        %get3A_206 = tpu.vector_load %arg14[%get3A_205] {strides = array<i32>} : memref<16384xf32, #tpu.memory_space<vmem>>, vector<16xf32>,
        %get3A_207 = vector.shape_cast %get3A_206 : vector<16xf32> to vector<16xf32>
        %mul3A_208 = arith.mulf %get3A_202, %get3A_207 : vector<16xf32>
        %add3A_209 = arith.constant 1024 : i32
        %add3A_210 = arith.addi %add3A_209, %mul3A_198 : i32
        %get3A_211 = arith.index_cast %add3A_210 : i32 to index
        %get3A_212 = tpu.vector_load %arg17[%get3A_211] {strides = array<i32>} : memref<16384xf32, #tpu.memory_space<vmem>>, vector<16xf32>,
        %get3A_213 = vector.shape_cast %get3A_212 : vector<16xf32> to vector<16xf32>
        %add3A_214 = arith.constant 1024 : i32
        %add3A_215 = arith.addi %add3A_214, %mul3A_198 : i32
        %get3A_216 = arith.index_cast %add3A_215 : i32 to index
        %get3A_217 = tpu.vector_load %arg14[%get3A_216] {strides = array<i32>} : memref<16384xf32, #tpu.memory_space<vmem>>, vector<16xf32>,
        %get3A_218 = vector.shape_cast %get3A_217 : vector<16xf32> to vector<16xf32>
        %mul3A_219 = arith.mulf %get3A_213, %get3A_218 : vector<16xf32>
        %add3A_220 = arith.addf %mul3A_208, %mul3A_219 : vector<16xf32>
        %add3A_221 = arith.constant 2048 : i32
        %add3A_222 = arith.addi %add3A_221, %mul3A_198 : i32
        %get3A_223 = arith.index_cast %add3A_222 : i32 to index
        %get3A_224 = tpu.vector_load %arg17[%get3A_223] {strides = array<i32>} : memref<16384xf32, #tpu.memory_space<vmem>>, vector<16xf32>,
        %get3A_225 = vector.shape_cast %get3A_224 : vector<16xf32> to vector<16xf32>
        %add3A_226 = arith.constant 2048 : i32
        %add3A_227 = arith.addi %add3A_226, %mul3A_198 : i32
        %get3A_228 = arith.index_cast %add3A_227 : i32 to index
        %get3A_229 = tpu.vector_load %arg14[%get3A_228] {strides = array<i32>} : memref<16384xf32, #tpu.memory_space<vmem>>, vector<16xf32>,
        %get3A_230 = vector.shape_cast %get3A_229 : vector<16xf32> to vector<16xf32>
        %mul3A_231 = arith.mulf %get3A_225, %get3A_230 : vector<16xf32>
        %add3A_232 = arith.addf %add3A_220, %mul3A_231 : vector<16xf32>
        %add3A_233 = arith.constant 3072 : i32
        %add3A_234 = arith.addi %add3A_233, %mul3A_198 : i32
        %get3A_235 = arith.index_cast %add3A_234 : i32 to index
        %get3A_236 = tpu.vector_load %arg17[%get3A_235] {strides = array<i32>} : memref<16384xf32, #tpu.memory_space<vmem>>, vector<16xf32>,
        %get3A_237 = vector.shape_cast %get3A_236 : vector<16xf32> to vector<16xf32>
        %add3A_238 = arith.constant 3072 : i32
        %add3A_239 = arith.addi %add3A_238, %mul3A_198 : i32
        %get3A_240 = arith.index_cast %add3A_239 : i32 to index
        %get3A_241 = tpu.vector_load %arg14[%get3A_240] {strides = array<i32>} : memref<16384xf32, #tpu.memory_space<vmem>>, vector<16xf32>,
        %get3A_242 = vector.shape_cast %get3A_241 : vector<16xf32> to vector<16xf32>
        %mul3A_243 = arith.mulf %get3A_237, %get3A_242 : vector<16xf32>
        %add3A_244 = arith.addf %add3A_232, %mul3A_243 : vector<16xf32>
        %add3A_245 = arith.constant 4096 : i32
        %add3A_246 = arith.addi %add3A_245, %mul3A_198 : i32
        %get3A_247 = arith.index_cast %add3A_246 : i32 to index
        %get3A_248 = tpu.vector_load %arg17[%get3A_247] {strides = array<i32>} : memref<16384xf32, #tpu.memory_space<vmem>>, vector<16xf32>,
        %get3A_249 = vector.shape_cast %get3A_248 : vector<16xf32> to vector<16xf32>
        %add3A_250 = arith.constant 4096 : i32
        %add3A_251 = arith.addi %add3A_250, %mul3A_198 : i32
        %get3A_252 = arith.index_cast %add3A_251 : i32 to index
        %get3A_253 = tpu.vector_load %arg14[%get3A_252] {strides = array<i32>} : memref<16384xf32, #tpu.memory_space<vmem>>, vector<16xf32>,
        %get3A_254 = vector.shape_cast %get3A_253 : vector<16xf32> to vector<16xf32>
        %mul3A_255 = arith.mulf %get3A_249, %get3A_254 : vector<16xf32>
        %add3A_256 = arith.addf %add3A_244, %mul3A_255 : vector<16xf32>
        %add3A_257 = arith.constant 5120 : i32
        %add3A_258 = arith.addi %add3A_257, %mul3A_198 : i32
        %get3A_259 = arith.index_cast %add3A_258 : i32 to index
        %get3A_260 = tpu.vector_load %arg17[%get3A_259] {strides = array<i32>} : memref<16384xf32, #tpu.memory_space<vmem>>, vector<16xf32>,
        %get3A_261 = vector.shape_cast %get3A_260 : vector<16xf32> to vector<16xf32>
        %add3A_262 = arith.constant 5120 : i32
        %add3A_263 = arith.addi %add3A_262, %mul3A_198 : i32
        %get3A_264 = arith.index_cast %add3A_263 : i32 to index
        %get3A_265 = tpu.vector_load %arg14[%get3A_264] {strides = array<i32>} : memref<16384xf32, #tpu.memory_space<vmem>>, vector<16xf32>,
        %get3A_266 = vector.shape_cast %get3A_265 : vector<16xf32> to vector<16xf32>
        %mul3A_267 = arith.mulf %get3A_261, %get3A_266 : vector<16xf32>
        %add3A_268 = arith.addf %add3A_256, %mul3A_267 : vector<16xf32>
        %add3A_269 = arith.constant 6144 : i32
        %add3A_270 = arith.addi %add3A_269, %mul3A_198 : i32
        %get3A_271 = arith.index_cast %add3A_270 : i32 to index
        %get3A_272 = tpu.vector_load %arg17[%get3A_271] {strides = array<i32>} : memref<16384xf32, #tpu.memory_space<vmem>>, vector<16xf32>,
        %get3A_273 = vector.shape_cast %get3A_272 : vector<16xf32> to vector<16xf32>
        %add3A_274 = arith.constant 6144 : i32
        %add3A_275 = arith.addi %add3A_274, %mul3A_198 : i32
        %get3A_276 = arith.index_cast %add3A_275 : i32 to index
        %get3A_277 = tpu.vector_load %arg14[%get3A_276] {strides = array<i32>} : memref<16384xf32, #tpu.memory_space<vmem>>, vector<16xf32>,
        %get3A_278 = vector.shape_cast %get3A_277 : vector<16xf32> to vector<16xf32>
        %mul3A_279 = arith.mulf %get3A_273, %get3A_278 : vector<16xf32>
        %add3A_280 = arith.addf %add3A_268, %mul3A_279 : vector<16xf32>
        %add3A_281 = arith.constant 7168 : i32
        %add3A_282 = arith.addi %add3A_281, %mul3A_198 : i32
        %get3A_283 = arith.index_cast %add3A_282 : i32 to index
        %get3A_284 = tpu.vector_load %arg17[%get3A_283] {strides = array<i32>} : memref<16384xf32, #tpu.memory_space<vmem>>, vector<16xf32>,
        %get3A_285 = vector.shape_cast %get3A_284 : vector<16xf32> to vector<16xf32>
        %add3A_286 = arith.constant 7168 : i32
        %add3A_287 = arith.addi %add3A_286, %mul3A_198 : i32
        %get3A_288 = arith.index_cast %add3A_287 : i32 to index
        %get3A_289 = tpu.vector_load %arg14[%get3A_288] {strides = array<i32>} : memref<16384xf32, #tpu.memory_space<vmem>>, vector<16xf32>,
        %get3A_290 = vector.shape_cast %get3A_289 : vector<16xf32> to vector<16xf32>
        %mul3A_291 = arith.mulf %get3A_285, %get3A_290 : vector<16xf32>
        %add3A_292 = arith.addf %add3A_280, %mul3A_291 : vector<16xf32>
        %add3A_293 = arith.constant 8192 : i32
        %add3A_294 = arith.addi %add3A_293, %mul3A_198 : i32
        %get3A_295 = arith.index_cast %add3A_294 : i32 to index
        %get3A_296 = tpu.vector_load %arg17[%get3A_295] {strides = array<i32>} : memref<16384xf32, #tpu.memory_space<vmem>>, vector<16xf32>,
        %get3A_297 = vector.shape_cast %get3A_296 : vector<16xf32> to vector<16xf32>
        %add3A_298 = arith.constant 8192 : i32
        %add3A_299 = arith.addi %add3A_298, %mul3A_198 : i32
        %get3A_300 = arith.index_cast %add3A_299 : i32 to index
        %get3A_301 = tpu.vector_load %arg14[%get3A_300] {strides = array<i32>} : memref<16384xf32, #tpu.memory_space<vmem>>, vector<16xf32>,
        %get3A_302 = vector.shape_cast %get3A_301 : vector<16xf32> to vector<16xf32>
        %mul3A_303 = arith.mulf %get3A_297, %get3A_302 : vector<16xf32>
        %add3A_304 = arith.addf %add3A_292, %mul3A_303 : vector<16xf32>
        %add3A_305 = arith.constant 9216 : i32
        %add3A_306 = arith.addi %add3A_305, %mul3A_198 : i32
        %get3A_307 = arith.index_cast %add3A_306 : i32 to index
        %get3A_308 = tpu.vector_load %arg17[%get3A_307] {strides = array<i32>} : memref<16384xf32, #tpu.memory_space<vmem>>, vector<16xf32>,
        %get3A_309 = vector.shape_cast %get3A_308 : vector<16xf32> to vector<16xf32>
        %add3A_310 = arith.constant 9216 : i32
        %add3A_311 = arith.addi %add3A_310, %mul3A_198 : i32
        %get3A_312 = arith.index_cast %add3A_311 : i32 to index
        %get3A_313 = tpu.vector_load %arg14[%get3A_312] {strides = array<i32>} : memref<16384xf32, #tpu.memory_space<vmem>>, vector<16xf32>,
        %get3A_314 = vector.shape_cast %get3A_313 : vector<16xf32> to vector<16xf32>
        %mul3A_315 = arith.mulf %get3A_309, %get3A_314 : vector<16xf32>
        %add3A_316 = arith.addf %add3A_304, %mul3A_315 : vector<16xf32>
        %add3A_317 = arith.constant 10240 : i32
        %add3A_318 = arith.addi %add3A_317, %mul3A_198 : i32
        %get3A_319 = arith.index_cast %add3A_318 : i32 to index
        %get3A_320 = tpu.vector_load %arg17[%get3A_319] {strides = array<i32>} : memref<16384xf32, #tpu.memory_space<vmem>>, vector<16xf32>,
        %get3A_321 = vector.shape_cast %get3A_320 : vector<16xf32> to vector<16xf32>
        %add3A_322 = arith.constant 10240 : i32
        %add3A_323 = arith.addi %add3A_322, %mul3A_198 : i32
        %get3A_324 = arith.index_cast %add3A_323 : i32 to index
        %get3A_325 = tpu.vector_load %arg14[%get3A_324] {strides = array<i32>} : memref<16384xf32, #tpu.memory_space<vmem>>, vector<16xf32>,
        %get3A_326 = vector.shape_cast %get3A_325 : vector<16xf32> to vector<16xf32>
        %mul3A_327 = arith.mulf %get3A_321, %get3A_326 : vector<16xf32>
        %add3A_328 = arith.addf %add3A_316, %mul3A_327 : vector<16xf32>
        %add3A_329 = arith.constant 11264 : i32
        %add3A_330 = arith.addi %add3A_329, %mul3A_198 : i32
        %get3A_331 = arith.index_cast %add3A_330 : i32 to index
        %get3A_332 = tpu.vector_load %arg17[%get3A_331] {strides = array<i32>} : memref<16384xf32, #tpu.memory_space<vmem>>, vector<16xf32>,
        %get3A_333 = vector.shape_cast %get3A_332 : vector<16xf32> to vector<16xf32>
        %add3A_334 = arith.constant 11264 : i32
        %add3A_335 = arith.addi %add3A_334, %mul3A_198 : i32
        %get3A_336 = arith.index_cast %add3A_335 : i32 to index
        %get3A_337 = tpu.vector_load %arg14[%get3A_336] {strides = array<i32>} : memref<16384xf32, #tpu.memory_space<vmem>>, vector<16xf32>,
        %get3A_338 = vector.shape_cast %get3A_337 : vector<16xf32> to vector<16xf32>
        %mul3A_339 = arith.mulf %get3A_333, %get3A_338 : vector<16xf32>
        %add3A_340 = arith.addf %add3A_328, %mul3A_339 : vector<16xf32>
        %add3A_341 = arith.constant 12288 : i32
        %add3A_342 = arith.addi %add3A_341, %mul3A_198 : i32
        %get3A_343 = arith.index_cast %add3A_342 : i32 to index
        %get3A_344 = tpu.vector_load %arg17[%get3A_343] {strides = array<i32>} : memref<16384xf32, #tpu.memory_space<vmem>>, vector<16xf32>,
        %get3A_345 = vector.shape_cast %get3A_344 : vector<16xf32> to vector<16xf32>
        %add3A_346 = arith.constant 12288 : i32
        %add3A_347 = arith.addi %add3A_346, %mul3A_198 : i32
        %get3A_348 = arith.index_cast %add3A_347 : i32 to index
        %get3A_349 = tpu.vector_load %arg14[%get3A_348] {strides = array<i32>} : memref<16384xf32, #tpu.memory_space<vmem>>, vector<16xf32>,
        %get3A_350 = vector.shape_cast %get3A_349 : vector<16xf32> to vector<16xf32>
        %mul3A_351 = arith.mulf %get3A_345, %get3A_350 : vector<16xf32>
        %add3A_352 = arith.addf %add3A_340, %mul3A_351 : vector<16xf32>
        %add3A_353 = arith.constant 13312 : i32
        %add3A_354 = arith.addi %add3A_353, %mul3A_198 : i32
        %get3A_355 = arith.index_cast %add3A_354 : i32 to index
        %get3A_356 = tpu.vector_load %arg17[%get3A_355] {strides = array<i32>} : memref<16384xf32, #tpu.memory_space<vmem>>, vector<16xf32>,
        %get3A_357 = vector.shape_cast %get3A_356 : vector<16xf32> to vector<16xf32>
        %add3A_358 = arith.constant 13312 : i32
        %add3A_359 = arith.addi %add3A_358, %mul3A_198 : i32
        %get3A_360 = arith.index_cast %add3A_359 : i32 to index
        %get3A_361 = tpu.vector_load %arg14[%get3A_360] {strides = array<i32>} : memref<16384xf32, #tpu.memory_space<vmem>>, vector<16xf32>,
        %get3A_362 = vector.shape_cast %get3A_361 : vector<16xf32> to vector<16xf32>
        %mul3A_363 = arith.mulf %get3A_357, %get3A_362 : vector<16xf32>
        %add3A_364 = arith.addf %add3A_352, %mul3A_363 : vector<16xf32>
        %add3A_365 = arith.constant 14336 : i32
        %add3A_366 = arith.addi %add3A_365, %mul3A_198 : i32
        %get3A_367 = arith.index_cast %add3A_366 : i32 to index
        %get3A_368 = tpu.vector_load %arg17[%get3A_367] {strides = array<i32>} : memref<16384xf32, #tpu.memory_space<vmem>>, vector<16xf32>,
        %get3A_369 = vector.shape_cast %get3A_368 : vector<16xf32> to vector<16xf32>
        %add3A_370 = arith.constant 14336 : i32
        %add3A_371 = arith.addi %add3A_370, %mul3A_198 : i32
        %get3A_372 = arith.index_cast %add3A_371 : i32 to index
        %get3A_373 = tpu.vector_load %arg14[%get3A_372] {strides = array<i32>} : memref<16384xf32, #tpu.memory_space<vmem>>, vector<16xf32>,
        %get3A_374 = vector.shape_cast %get3A_373 : vector<16xf32> to vector<16xf32>
        %mul3A_375 = arith.mulf %get3A_369, %get3A_374 : vector<16xf32>
        %add3A_376 = arith.addf %add3A_364, %mul3A_375 : vector<16xf32>
        %add3A_377 = arith.constant 15360 : i32
        %add3A_378 = arith.addi %add3A_377, %mul3A_198 : i32
        %get3A_379 = arith.index_cast %add3A_378 : i32 to index
        %get3A_380 = tpu.vector_load %arg17[%get3A_379] {strides = array<i32>} : memref<16384xf32, #tpu.memory_space<vmem>>, vector<16xf32>,
        %get3A_381 = vector.shape_cast %get3A_380 : vector<16xf32> to vector<16xf32>
        %add3A_382 = arith.constant 15360 : i32
        %add3A_383 = arith.addi %add3A_382, %mul3A_198 : i32
        %get3A_384 = arith.index_cast %add3A_383 : i32 to index
        %get3A_385 = tpu.vector_load %arg14[%get3A_384] {strides = array<i32>} : memref<16384xf32, #tpu.memory_space<vmem>>, vector<16xf32>,
        %get3A_386 = vector.shape_cast %get3A_385 : vector<16xf32> to vector<16xf32>
        %mul3A_387 = arith.mulf %get3A_381, %get3A_386 : vector<16xf32>
        %add3A_388 = arith.addf %add3A_376, %mul3A_387 : vector<16xf32>
        %swap3A = arith.index_cast %mul3A_198 : i32 to index
        %swap3A_389 = tpu.vector_load %arg19[%swap3A] {strides = array<i32>} : memref<1024xf32, #tpu.memory_space<vmem>>, vector<16xf32>,
        %swap3A_390 = vector.shape_cast %swap3A_389 : vector<16xf32> to vector<16xf32>
        %swap3A_391 = vector.shape_cast %add3A_388 : vector<16xf32> to vector<16xf32>
        tpu.vector_store %arg19[%swap3A], %swap3A_391 {strides = array<i32>} : memref<1024xf32, #tpu.memory_space<vmem>>, vector<16xf32>,
      }
      %scan3A_137 = arith.constant 64 : i32
      %mul3A_138 = arith.constant 32768 : i32
      %mul3A_139 = arith.muli %add3A, %mul3A_138 : i32
      %mul3A_140 = arith.constant 1024 : i32
      %mul3A_141 = arith.muli %mul3A_24, %mul3A_140 : i32
      %add3A_142 = arith.addi %mul3A_139, %mul3A_141 : i32
      %dma_start3A_143 = tpu.memref_slice %arg8[%add3A_142] : memref<1048576xf32, #tpu.memory_space<hbm>> -> memref<1024xf32, #tpu.memory_space<hbm>>
      %dma_start3A_144 = tpu.memref_slice %arg8[%add3A_142] : memref<1048576xf32, #tpu.memory_space<hbm>> -> memref<1024xf32, #tpu.memory_space<hbm>>
      tpu.enqueue_dma source(%arg19 : memref<1024xf32, #tpu.memory_space<vmem>>) target(%dma_start3A_144 : memref<1024xf32, #tpu.memory_space<hbm>>) target_semaphore(%arg23 : memref<!tpu.dma_semaphore, #tpu.memory_space<semaphore_mem>>)
      %dma_wait3A_145 = tpu.memref_slice %arg2[%add3A_79] : memref<1048576xf32, #tpu.memory_space<hbm>> -> memref<1024xf32, #tpu.memory_space<hbm>>
      %dma_wait3A_146 = tpu.memref_slice %arg2[%add3A_79] : memref<1048576xf32, #tpu.memory_space<hbm>> -> memref<1024xf32, #tpu.memory_space<hbm>>
      tpu.wait_dma2 semaphore(%arg22 : memref<!tpu.dma_semaphore, #tpu.memory_space<semaphore_mem>>) src(%dma_wait3A_146 : memref<1024xf32, #tpu.memory_space<hbm>>) dst(%arg9 : memref<1024xf32, #tpu.memory_space<vmem>>)
      %dma_wait3A_147 = tpu.memref_slice %arg3[%add3A_79] : memref<1048576xf32, #tpu.memory_space<hbm>> -> memref<1024xf32, #tpu.memory_space<hbm>>
      %dma_wait3A_148 = tpu.memref_slice %arg3[%add3A_79] : memref<1048576xf32, #tpu.memory_space<hbm>> -> memref<1024xf32, #tpu.memory_space<hbm>>
      tpu.wait_dma2 semaphore(%arg22 : memref<!tpu.dma_semaphore, #tpu.memory_space<semaphore_mem>>) src(%dma_wait3A_148 : memref<1024xf32, #tpu.memory_space<hbm>>) dst(%arg10 : memref<1024xf32, #tpu.memory_space<vmem>>)
      %scan3A_149 = arith.constant 0 : i32
      %scan3A_150 = arith.constant 0 : i32
      %scan3A_151 = arith.constant 64 : i32
      %scan3A_152 = arith.addi %scan3A_150, %scan3A_151 : i32
      %scan3A_153 = arith.constant 1 : i32
      scf.for %scan3A_196 = %scan3A_150 to %scan3A_152 step %scan3A_153  : i32 {
        %mul3A_197 = arith.constant 16 : i32
        %mul3A_198 = arith.muli %scan3A_196, %mul3A_197 : i32
        %get3A = arith.index_cast %mul3A_198 : i32 to index
        %get3A_199 = tpu.vector_load %arg9[%get3A] {strides = array<i32>} : memref<1024xf32, #tpu.memory_space<vmem>>, vector<16xf32>,
        %get3A_200 = vector.shape_cast %get3A_199 : vector<16xf32> to vector<16xf32>
        %get3A_201 = arith.index_cast %mul3A_198 : i32 to index
        %get3A_202 = tpu.vector_load %arg10[%get3A_201] {strides = array<i32>} : memref<1024xf32, #tpu.memory_space<vmem>>, vector<16xf32>,
        %get3A_203 = vector.shape_cast %get3A_202 : vector<16xf32> to vector<16xf32>
        %mul3A_204 = arith.constant 4.096000e+03 : f32
        %mul3A_205 = vector.broadcast %mul3A_204 : f32 to vector<16xf32>
        %mul3A_206 = arith.mulf %get3A_200, %mul3A_205 : vector<16xf32>
        %sub3A = arith.constant 5.000000e-01 : f32
        %sub3A_207 = vector.broadcast %sub3A : f32 to vector<16xf32>
        %sub3A_208 = arith.subf %mul3A_206, %sub3A_207 : vector<16xf32>
        %mul3A_209 = arith.constant 4.096000e+03 : f32
        %mul3A_210 = vector.broadcast %mul3A_209 : f32 to vector<16xf32>
        %mul3A_211 = arith.mulf %get3A_203, %mul3A_210 : vector<16xf32>
        %sub3A_212 = arith.constant 5.000000e-01 : f32
        %sub3A_213 = vector.broadcast %sub3A_212 : f32 to vector<16xf32>
        %sub3A_214 = arith.subf %mul3A_211, %sub3A_213 : vector<16xf32>
        %convert_element_type3A = arith.fptosi %sub3A_208 : vector<16xf32> to vector<16xi32>
        %convert_element_type3A_215 = arith.fptosi %sub3A_214 : vector<16xf32> to vector<16xi32>
        %convert_element_type3A_216 = arith.sitofp %convert_element_type3A : vector<16xi32> to vector<16xf32>
        %lt3A_217 = arith.cmpf olt, %sub3A_208, %convert_element_type3A_216 : vector<16xf32>
        %sub3A_218 = arith.constant 1 : i32
        %sub3A_219 = vector.broadcast %sub3A_218 : i32 to vector<16xi32>
        %sub3A_220 = arith.subi %convert_element_type3A, %sub3A_219 : vector<16xi32>
        %select_n3A_221 = arith.select %lt3A_217, %sub3A_220, %convert_element_type3A : vector<16xi1>, vector<16xi32>
        %convert_element_type3A_222 = arith.sitofp %convert_element_type3A_215 : vector<16xi32> to vector<16xf32>
        %lt3A_223 = arith.cmpf olt, %sub3A_214, %convert_element_type3A_222 : vector<16xf32>
        %sub3A_224 = arith.constant 1 : i32
        %sub3A_225 = vector.broadcast %sub3A_224 : i32 to vector<16xi32>
        %sub3A_226 = arith.subi %convert_element_type3A_215, %sub3A_225 : vector<16xi32>
        %select_n3A_227 = arith.select %lt3A_223, %sub3A_226, %convert_element_type3A_215 : vector<16xi1>, vector<16xi32>
        %convert_element_type3A_228 = arith.sitofp %select_n3A_221 : vector<16xi32> to vector<16xf32>
        %sub3A_229 = arith.subf %sub3A_208, %convert_element_type3A_228 : vector<16xf32>
        %convert_element_type3A_230 = arith.sitofp %select_n3A_227 : vector<16xi32> to vector<16xf32>
        %sub3A_231 = arith.subf %sub3A_214, %convert_element_type3A_230 : vector<16xf32>
        %add3A_232 = arith.constant 1 : i32
        %add3A_233 = vector.broadcast %add3A_232 : i32 to vector<16xi32>
        %add3A_234 = arith.addi %select_n3A_221, %add3A_233 : vector<16xi32>
        %add3A_235 = arith.constant 1 : i32
        %add3A_236 = vector.broadcast %add3A_235 : i32 to vector<16xi32>
        %add3A_237 = arith.addi %select_n3A_227, %add3A_236 : vector<16xi32>
        %ge3A = arith.constant 0 : i32
        %ge3A_238 = vector.broadcast %ge3A : i32 to vector<16xi32>
        %ge3A_239 = arith.cmpi sge, %select_n3A_221, %ge3A_238 : vector<16xi32>
        %le3A = arith.constant 4095 : i32
        %le3A_240 = vector.broadcast %le3A : i32 to vector<16xi32>
        %le3A_241 = arith.cmpi sle, %select_n3A_221, %le3A_240 : vector<16xi32>
        %and3A = arith.andi %ge3A_239, %le3A_241 : vector<16xi1>
        %ge3A_242 = arith.constant 0 : i32
        %ge3A_243 = vector.broadcast %ge3A_242 : i32 to vector<16xi32>
        %ge3A_244 = arith.cmpi sge, %add3A_234, %ge3A_243 : vector<16xi32>
        %le3A_245 = arith.constant 4095 : i32
        %le3A_246 = vector.broadcast %le3A_245 : i32 to vector<16xi32>
        %le3A_247 = arith.cmpi sle, %add3A_234, %le3A_246 : vector<16xi32>
        %and3A_248 = arith.andi %ge3A_244, %le3A_247 : vector<16xi1>
        %ge3A_249 = arith.constant 0 : i32
        %ge3A_250 = vector.broadcast %ge3A_249 : i32 to vector<16xi32>
        %ge3A_251 = arith.cmpi sge, %select_n3A_227, %ge3A_250 : vector<16xi32>
        %le3A_252 = arith.constant 4095 : i32
        %le3A_253 = vector.broadcast %le3A_252 : i32 to vector<16xi32>
        %le3A_254 = arith.cmpi sle, %select_n3A_227, %le3A_253 : vector<16xi32>
        %and3A_255 = arith.andi %ge3A_251, %le3A_254 : vector<16xi1>
        %ge3A_256 = arith.constant 0 : i32
        %ge3A_257 = vector.broadcast %ge3A_256 : i32 to vector<16xi32>
        %ge3A_258 = arith.cmpi sge, %add3A_237, %ge3A_257 : vector<16xi32>
        %le3A_259 = arith.constant 4095 : i32
        %le3A_260 = vector.broadcast %le3A_259 : i32 to vector<16xi32>
        %le3A_261 = arith.cmpi sle, %add3A_237, %le3A_260 : vector<16xi32>
        %and3A_262 = arith.andi %ge3A_258, %le3A_261 : vector<16xi1>
        %jit3A_263 = arith.constant 0 : i32
        %jit3A_264 = arith.constant 4095 : i32
        %max3A = vector.broadcast %jit3A_263 : i32 to vector<16xi32>
        %max3A_265 = arith.maxsi %max3A, %select_n3A_221 : vector<16xi32>
        %min3A = vector.broadcast %jit3A_264 : i32 to vector<16xi32>
        %min3A_266 = arith.minsi %min3A, %max3A_265 : vector<16xi32>
        %jit3A_267 = arith.constant 0 : i32
        %jit3A_268 = arith.constant 4095 : i32
        %max3A_269 = vector.broadcast %jit3A_267 : i32 to vector<16xi32>
        %max3A_270 = arith.maxsi %max3A_269, %add3A_234 : vector<16xi32>
        %min3A_271 = vector.broadcast %jit3A_268 : i32 to vector<16xi32>
        %min3A_272 = arith.minsi %min3A_271, %max3A_270 : vector<16xi32>
        %jit3A_273 = arith.constant 0 : i32
        %jit3A_274 = arith.constant 4095 : i32
        %max3A_275 = vector.broadcast %jit3A_273 : i32 to vector<16xi32>
        %max3A_276 = arith.maxsi %max3A_275, %select_n3A_227 : vector<16xi32>
        %min3A_277 = vector.broadcast %jit3A_274 : i32 to vector<16xi32>
        %min3A_278 = arith.minsi %min3A_277, %max3A_276 : vector<16xi32>
        %mul3A_279 = arith.constant 4096 : i32
        %mul3A_280 = vector.broadcast %mul3A_279 : i32 to vector<16xi32>
        %mul3A_281 = arith.muli %min3A_278, %mul3A_280 : vector<16xi32>
        %jit3A_282 = arith.constant 0 : i32
        %jit3A_283 = arith.constant 4095 : i32
        %max3A_284 = vector.broadcast %jit3A_282 : i32 to vector<16xi32>
        %max3A_285 = arith.maxsi %max3A_284, %add3A_237 : vector<16xi32>
        %min3A_286 = vector.broadcast %jit3A_283 : i32 to vector<16xi32>
        %min3A_287 = arith.minsi %min3A_286, %max3A_285 : vector<16xi32>
        %mul3A_288 = arith.constant 4096 : i32
        %mul3A_289 = vector.broadcast %mul3A_288 : i32 to vector<16xi32>
        %mul3A_290 = arith.muli %min3A_287, %mul3A_289 : vector<16xi32>
        %sub3A_291 = arith.constant 1.000000e+00 : f32
        %sub3A_292 = vector.broadcast %sub3A_291 : f32 to vector<16xf32>
        %sub3A_293 = arith.subf %sub3A_292, %sub3A_229 : vector<16xf32>
        %sub3A_294 = arith.constant 1.000000e+00 : f32
        %sub3A_295 = vector.broadcast %sub3A_294 : f32 to vector<16xf32>
        %sub3A_296 = arith.subf %sub3A_295, %sub3A_231 : vector<16xf32>
        %add3A_297 = arith.addi %mul3A_281, %min3A_266 : vector<16xi32>
        %mul3A_298 = arith.mulf %sub3A_296, %sub3A_293 : vector<16xf32>
        %and3A_299 = arith.andi %and3A_255, %and3A : vector<16xi1>
        %add3A_300 = arith.addi %mul3A_281, %min3A_272 : vector<16xi32>
        %mul3A_301 = arith.mulf %sub3A_296, %sub3A_229 : vector<16xf32>
        %and3A_302 = arith.andi %and3A_255, %and3A_248 : vector<16xi1>
        %add3A_303 = arith.addi %mul3A_290, %min3A_266 : vector<16xi32>
        %mul3A_304 = arith.mulf %sub3A_231, %sub3A_293 : vector<16xf32>
        %and3A_305 = arith.andi %and3A_262, %and3A : vector<16xi1>
        %add3A_306 = arith.addi %mul3A_290, %min3A_272 : vector<16xi32>
        %mul3A_307 = arith.mulf %sub3A_231, %sub3A_229 : vector<16xf32>
        %and3A_308 = arith.andi %and3A_262, %and3A_248 : vector<16xi1>
        %add3A_309 = arith.constant 0 : i32
        %add3A_310 = arith.addi %add3A_309, %mul3A_198 : i32
        %swap3A = arith.index_cast %add3A_310 : i32 to index
        %swap3A_311 = tpu.vector_load %arg13[%swap3A] {strides = array<i32>} : memref<16384xi32, #tpu.memory_space<vmem>>, vector<16xi32>,
        %swap3A_312 = vector.shape_cast %swap3A_311 : vector<16xi32> to vector<16xi32>
        %swap3A_313 = vector.shape_cast %add3A_297 : vector<16xi32> to vector<16xi32>
        tpu.vector_store %arg13[%swap3A], %swap3A_313 {strides = array<i32>} : memref<16384xi32, #tpu.memory_space<vmem>>, vector<16xi32>,
        %jit3A_314 = arith.constant 0.000000e+00 : f32
        %broadcast_in_dim3A = vector.broadcast %jit3A_314 : f32 to vector<16xf32>
        %select_n3A_315 = arith.select %and3A_299, %mul3A_298, %broadcast_in_dim3A : vector<16xi1>, vector<16xf32>
        %add3A_316 = arith.constant 0 : i32
        %add3A_317 = arith.addi %add3A_316, %mul3A_198 : i32
        %swap3A_318 = arith.index_cast %add3A_317 : i32 to index
        %swap3A_319 = tpu.vector_load %arg14[%swap3A_318] {strides = array<i32>} : memref<16384xf32, #tpu.memory_space<vmem>>, vector<16xf32>,
        %swap3A_320 = vector.shape_cast %swap3A_319 : vector<16xf32> to vector<16xf32>
        %swap3A_321 = vector.shape_cast %select_n3A_315 : vector<16xf32> to vector<16xf32>
        tpu.vector_store %arg14[%swap3A_318], %swap3A_321 {strides = array<i32>} : memref<16384xf32, #tpu.memory_space<vmem>>, vector<16xf32>,
        %add3A_322 = arith.constant 1024 : i32
        %add3A_323 = arith.addi %add3A_322, %mul3A_198 : i32
        %swap3A_324 = arith.index_cast %add3A_323 : i32 to index
        %swap3A_325 = tpu.vector_load %arg13[%swap3A_324] {strides = array<i32>} : memref<16384xi32, #tpu.memory_space<vmem>>, vector<16xi32>,
        %swap3A_326 = vector.shape_cast %swap3A_325 : vector<16xi32> to vector<16xi32>
        %swap3A_327 = vector.shape_cast %add3A_300 : vector<16xi32> to vector<16xi32>
        tpu.vector_store %arg13[%swap3A_324], %swap3A_327 {strides = array<i32>} : memref<16384xi32, #tpu.memory_space<vmem>>, vector<16xi32>,
        %jit3A_328 = arith.constant 0.000000e+00 : f32
        %broadcast_in_dim3A_329 = vector.broadcast %jit3A_328 : f32 to vector<16xf32>
        %select_n3A_330 = arith.select %and3A_302, %mul3A_301, %broadcast_in_dim3A_329 : vector<16xi1>, vector<16xf32>
        %add3A_331 = arith.constant 1024 : i32
        %add3A_332 = arith.addi %add3A_331, %mul3A_198 : i32
        %swap3A_333 = arith.index_cast %add3A_332 : i32 to index
        %swap3A_334 = tpu.vector_load %arg14[%swap3A_333] {strides = array<i32>} : memref<16384xf32, #tpu.memory_space<vmem>>, vector<16xf32>,
        %swap3A_335 = vector.shape_cast %swap3A_334 : vector<16xf32> to vector<16xf32>
        %swap3A_336 = vector.shape_cast %select_n3A_330 : vector<16xf32> to vector<16xf32>
        tpu.vector_store %arg14[%swap3A_333], %swap3A_336 {strides = array<i32>} : memref<16384xf32, #tpu.memory_space<vmem>>, vector<16xf32>,
        %add3A_337 = arith.constant 2048 : i32
        %add3A_338 = arith.addi %add3A_337, %mul3A_198 : i32
        %swap3A_339 = arith.index_cast %add3A_338 : i32 to index
        %swap3A_340 = tpu.vector_load %arg13[%swap3A_339] {strides = array<i32>} : memref<16384xi32, #tpu.memory_space<vmem>>, vector<16xi32>,
        %swap3A_341 = vector.shape_cast %swap3A_340 : vector<16xi32> to vector<16xi32>
        %swap3A_342 = vector.shape_cast %add3A_303 : vector<16xi32> to vector<16xi32>
        tpu.vector_store %arg13[%swap3A_339], %swap3A_342 {strides = array<i32>} : memref<16384xi32, #tpu.memory_space<vmem>>, vector<16xi32>,
        %jit3A_343 = arith.constant 0.000000e+00 : f32
        %broadcast_in_dim3A_344 = vector.broadcast %jit3A_343 : f32 to vector<16xf32>
        %select_n3A_345 = arith.select %and3A_305, %mul3A_304, %broadcast_in_dim3A_344 : vector<16xi1>, vector<16xf32>
        %add3A_346 = arith.constant 2048 : i32
        %add3A_347 = arith.addi %add3A_346, %mul3A_198 : i32
        %swap3A_348 = arith.index_cast %add3A_347 : i32 to index
        %swap3A_349 = tpu.vector_load %arg14[%swap3A_348] {strides = array<i32>} : memref<16384xf32, #tpu.memory_space<vmem>>, vector<16xf32>,
        %swap3A_350 = vector.shape_cast %swap3A_349 : vector<16xf32> to vector<16xf32>
        %swap3A_351 = vector.shape_cast %select_n3A_345 : vector<16xf32> to vector<16xf32>
        tpu.vector_store %arg14[%swap3A_348], %swap3A_351 {strides = array<i32>} : memref<16384xf32, #tpu.memory_space<vmem>>, vector<16xf32>,
        %add3A_352 = arith.constant 3072 : i32
        %add3A_353 = arith.addi %add3A_352, %mul3A_198 : i32
        %swap3A_354 = arith.index_cast %add3A_353 : i32 to index
        %swap3A_355 = tpu.vector_load %arg13[%swap3A_354] {strides = array<i32>} : memref<16384xi32, #tpu.memory_space<vmem>>, vector<16xi32>,
        %swap3A_356 = vector.shape_cast %swap3A_355 : vector<16xi32> to vector<16xi32>
        %swap3A_357 = vector.shape_cast %add3A_306 : vector<16xi32> to vector<16xi32>
        tpu.vector_store %arg13[%swap3A_354], %swap3A_357 {strides = array<i32>} : memref<16384xi32, #tpu.memory_space<vmem>>, vector<16xi32>,
        %jit3A_358 = arith.constant 0.000000e+00 : f32
        %broadcast_in_dim3A_359 = vector.broadcast %jit3A_358 : f32 to vector<16xf32>
        %select_n3A_360 = arith.select %and3A_308, %mul3A_307, %broadcast_in_dim3A_359 : vector<16xi1>, vector<16xf32>
        %add3A_361 = arith.constant 3072 : i32
        %add3A_362 = arith.addi %add3A_361, %mul3A_198 : i32
        %swap3A_363 = arith.index_cast %add3A_362 : i32 to index
        %swap3A_364 = tpu.vector_load %arg14[%swap3A_363] {strides = array<i32>} : memref<16384xf32, #tpu.memory_space<vmem>>, vector<16xf32>,
        %swap3A_365 = vector.shape_cast %swap3A_364 : vector<16xf32> to vector<16xf32>
        %swap3A_366 = vector.shape_cast %select_n3A_360 : vector<16xf32> to vector<16xf32>
        tpu.vector_store %arg14[%swap3A_363], %swap3A_366 {strides = array<i32>} : memref<16384xf32, #tpu.memory_space<vmem>>, vector<16xf32>,
        %mul3A_367 = arith.constant 2.048000e+03 : f32
        %mul3A_368 = vector.broadcast %mul3A_367 : f32 to vector<16xf32>
        %mul3A_369 = arith.mulf %get3A_200, %mul3A_368 : vector<16xf32>
        %sub3A_370 = arith.constant 5.000000e-01 : f32
        %sub3A_371 = vector.broadcast %sub3A_370 : f32 to vector<16xf32>
        %sub3A_372 = arith.subf %mul3A_369, %sub3A_371 : vector<16xf32>
        %mul3A_373 = arith.constant 2.048000e+03 : f32
        %mul3A_374 = vector.broadcast %mul3A_373 : f32 to vector<16xf32>
        %mul3A_375 = arith.mulf %get3A_203, %mul3A_374 : vector<16xf32>
        %sub3A_376 = arith.constant 5.000000e-01 : f32
        %sub3A_377 = vector.broadcast %sub3A_376 : f32 to vector<16xf32>
        %sub3A_378 = arith.subf %mul3A_375, %sub3A_377 : vector<16xf32>
        %convert_element_type3A_379 = arith.fptosi %sub3A_372 : vector<16xf32> to vector<16xi32>
        %convert_element_type3A_380 = arith.fptosi %sub3A_378 : vector<16xf32> to vector<16xi32>
        %convert_element_type3A_381 = arith.sitofp %convert_element_type3A_379 : vector<16xi32> to vector<16xf32>
        %lt3A_382 = arith.cmpf olt, %sub3A_372, %convert_element_type3A_381 : vector<16xf32>
        %sub3A_383 = arith.constant 1 : i32
        %sub3A_384 = vector.broadcast %sub3A_383 : i32 to vector<16xi32>
        %sub3A_385 = arith.subi %convert_element_type3A_379, %sub3A_384 : vector<16xi32>
        %select_n3A_386 = arith.select %lt3A_382, %sub3A_385, %convert_element_type3A_379 : vector<16xi1>, vector<16xi32>
        %convert_element_type3A_387 = arith.sitofp %convert_element_type3A_380 : vector<16xi32> to vector<16xf32>
        %lt3A_388 = arith.cmpf olt, %sub3A_378, %convert_element_type3A_387 : vector<16xf32>
        %sub3A_389 = arith.constant 1 : i32
        %sub3A_390 = vector.broadcast %sub3A_389 : i32 to vector<16xi32>
        %sub3A_391 = arith.subi %convert_element_type3A_380, %sub3A_390 : vector<16xi32>
        %select_n3A_392 = arith.select %lt3A_388, %sub3A_391, %convert_element_type3A_380 : vector<16xi1>, vector<16xi32>
        %convert_element_type3A_393 = arith.sitofp %select_n3A_386 : vector<16xi32> to vector<16xf32>
        %sub3A_394 = arith.subf %sub3A_372, %convert_element_type3A_393 : vector<16xf32>
        %convert_element_type3A_395 = arith.sitofp %select_n3A_392 : vector<16xi32> to vector<16xf32>
        %sub3A_396 = arith.subf %sub3A_378, %convert_element_type3A_395 : vector<16xf32>
        %add3A_397 = arith.constant 1 : i32
        %add3A_398 = vector.broadcast %add3A_397 : i32 to vector<16xi32>
        %add3A_399 = arith.addi %select_n3A_386, %add3A_398 : vector<16xi32>
        %add3A_400 = arith.constant 1 : i32
        %add3A_401 = vector.broadcast %add3A_400 : i32 to vector<16xi32>
        %add3A_402 = arith.addi %select_n3A_392, %add3A_401 : vector<16xi32>
        %ge3A_403 = arith.constant 0 : i32
        %ge3A_404 = vector.broadcast %ge3A_403 : i32 to vector<16xi32>
        %ge3A_405 = arith.cmpi sge, %select_n3A_386, %ge3A_404 : vector<16xi32>
        %le3A_406 = arith.constant 2047 : i32
        %le3A_407 = vector.broadcast %le3A_406 : i32 to vector<16xi32>
        %le3A_408 = arith.cmpi sle, %select_n3A_386, %le3A_407 : vector<16xi32>
        %and3A_409 = arith.andi %ge3A_405, %le3A_408 : vector<16xi1>
        %ge3A_410 = arith.constant 0 : i32
        %ge3A_411 = vector.broadcast %ge3A_410 : i32 to vector<16xi32>
        %ge3A_412 = arith.cmpi sge, %add3A_399, %ge3A_411 : vector<16xi32>
        %le3A_413 = arith.constant 2047 : i32
        %le3A_414 = vector.broadcast %le3A_413 : i32 to vector<16xi32>
        %le3A_415 = arith.cmpi sle, %add3A_399, %le3A_414 : vector<16xi32>
        %and3A_416 = arith.andi %ge3A_412, %le3A_415 : vector<16xi1>
        %ge3A_417 = arith.constant 0 : i32
        %ge3A_418 = vector.broadcast %ge3A_417 : i32 to vector<16xi32>
        %ge3A_419 = arith.cmpi sge, %select_n3A_392, %ge3A_418 : vector<16xi32>
        %le3A_420 = arith.constant 2047 : i32
        %le3A_421 = vector.broadcast %le3A_420 : i32 to vector<16xi32>
        %le3A_422 = arith.cmpi sle, %select_n3A_392, %le3A_421 : vector<16xi32>
        %and3A_423 = arith.andi %ge3A_419, %le3A_422 : vector<16xi1>
        %ge3A_424 = arith.constant 0 : i32
        %ge3A_425 = vector.broadcast %ge3A_424 : i32 to vector<16xi32>
        %ge3A_426 = arith.cmpi sge, %add3A_402, %ge3A_425 : vector<16xi32>
        %le3A_427 = arith.constant 2047 : i32
        %le3A_428 = vector.broadcast %le3A_427 : i32 to vector<16xi32>
        %le3A_429 = arith.cmpi sle, %add3A_402, %le3A_428 : vector<16xi32>
        %and3A_430 = arith.andi %ge3A_426, %le3A_429 : vector<16xi1>
        %jit3A_431 = arith.constant 0 : i32
        %jit3A_432 = arith.constant 2047 : i32
        %max3A_433 = vector.broadcast %jit3A_431 : i32 to vector<16xi32>
        %max3A_434 = arith.maxsi %max3A_433, %select_n3A_386 : vector<16xi32>
        %min3A_435 = vector.broadcast %jit3A_432 : i32 to vector<16xi32>
        %min3A_436 = arith.minsi %min3A_435, %max3A_434 : vector<16xi32>
        %jit3A_437 = arith.constant 0 : i32
        %jit3A_438 = arith.constant 2047 : i32
        %max3A_439 = vector.broadcast %jit3A_437 : i32 to vector<16xi32>
        %max3A_440 = arith.maxsi %max3A_439, %add3A_399 : vector<16xi32>
        %min3A_441 = vector.broadcast %jit3A_438 : i32 to vector<16xi32>
        %min3A_442 = arith.minsi %min3A_441, %max3A_440 : vector<16xi32>
        %jit3A_443 = arith.constant 0 : i32
        %jit3A_444 = arith.constant 2047 : i32
        %max3A_445 = vector.broadcast %jit3A_443 : i32 to vector<16xi32>
        %max3A_446 = arith.maxsi %max3A_445, %select_n3A_392 : vector<16xi32>
        %min3A_447 = vector.broadcast %jit3A_444 : i32 to vector<16xi32>
        %min3A_448 = arith.minsi %min3A_447, %max3A_446 : vector<16xi32>
        %mul3A_449 = arith.constant 2048 : i32
        %mul3A_450 = vector.broadcast %mul3A_449 : i32 to vector<16xi32>
        %mul3A_451 = arith.muli %min3A_448, %mul3A_450 : vector<16xi32>
        %jit3A_452 = arith.constant 0 : i32
        %jit3A_453 = arith.constant 2047 : i32
        %max3A_454 = vector.broadcast %jit3A_452 : i32 to vector<16xi32>
        %max3A_455 = arith.maxsi %max3A_454, %add3A_402 : vector<16xi32>
        %min3A_456 = vector.broadcast %jit3A_453 : i32 to vector<16xi32>
        %min3A_457 = arith.minsi %min3A_456, %max3A_455 : vector<16xi32>
        %mul3A_458 = arith.constant 2048 : i32
        %mul3A_459 = vector.broadcast %mul3A_458 : i32 to vector<16xi32>
        %mul3A_460 = arith.muli %min3A_457, %mul3A_459 : vector<16xi32>
        %sub3A_461 = arith.constant 1.000000e+00 : f32
        %sub3A_462 = vector.broadcast %sub3A_461 : f32 to vector<16xf32>
        %sub3A_463 = arith.subf %sub3A_462, %sub3A_394 : vector<16xf32>
        %sub3A_464 = arith.constant 1.000000e+00 : f32
        %sub3A_465 = vector.broadcast %sub3A_464 : f32 to vector<16xf32>
        %sub3A_466 = arith.subf %sub3A_465, %sub3A_396 : vector<16xf32>
        %add3A_467 = arith.addi %mul3A_451, %min3A_436 : vector<16xi32>
        %mul3A_468 = arith.mulf %sub3A_466, %sub3A_463 : vector<16xf32>
        %and3A_469 = arith.andi %and3A_423, %and3A_409 : vector<16xi1>
        %add3A_470 = arith.addi %mul3A_451, %min3A_442 : vector<16xi32>
        %mul3A_471 = arith.mulf %sub3A_466, %sub3A_394 : vector<16xf32>
        %and3A_472 = arith.andi %and3A_423, %and3A_416 : vector<16xi1>
        %add3A_473 = arith.addi %mul3A_460, %min3A_436 : vector<16xi32>
        %mul3A_474 = arith.mulf %sub3A_396, %sub3A_463 : vector<16xf32>
        %and3A_475 = arith.andi %and3A_430, %and3A_409 : vector<16xi1>
        %add3A_476 = arith.addi %mul3A_460, %min3A_442 : vector<16xi32>
        %mul3A_477 = arith.mulf %sub3A_396, %sub3A_394 : vector<16xf32>
        %and3A_478 = arith.andi %and3A_430, %and3A_416 : vector<16xi1>
        %add3A_479 = arith.constant 4096 : i32
        %add3A_480 = arith.addi %add3A_479, %mul3A_198 : i32
        %swap3A_481 = arith.index_cast %add3A_480 : i32 to index
        %swap3A_482 = tpu.vector_load %arg13[%swap3A_481] {strides = array<i32>} : memref<16384xi32, #tpu.memory_space<vmem>>, vector<16xi32>,
        %swap3A_483 = vector.shape_cast %swap3A_482 : vector<16xi32> to vector<16xi32>
        %swap3A_484 = vector.shape_cast %add3A_467 : vector<16xi32> to vector<16xi32>
        tpu.vector_store %arg13[%swap3A_481], %swap3A_484 {strides = array<i32>} : memref<16384xi32, #tpu.memory_space<vmem>>, vector<16xi32>,
        %jit3A_485 = arith.constant 0.000000e+00 : f32
        %broadcast_in_dim3A_486 = vector.broadcast %jit3A_485 : f32 to vector<16xf32>
        %select_n3A_487 = arith.select %and3A_469, %mul3A_468, %broadcast_in_dim3A_486 : vector<16xi1>, vector<16xf32>
        %add3A_488 = arith.constant 4096 : i32
        %add3A_489 = arith.addi %add3A_488, %mul3A_198 : i32
        %swap3A_490 = arith.index_cast %add3A_489 : i32 to index
        %swap3A_491 = tpu.vector_load %arg14[%swap3A_490] {strides = array<i32>} : memref<16384xf32, #tpu.memory_space<vmem>>, vector<16xf32>,
        %swap3A_492 = vector.shape_cast %swap3A_491 : vector<16xf32> to vector<16xf32>
        %swap3A_493 = vector.shape_cast %select_n3A_487 : vector<16xf32> to vector<16xf32>
        tpu.vector_store %arg14[%swap3A_490], %swap3A_493 {strides = array<i32>} : memref<16384xf32, #tpu.memory_space<vmem>>, vector<16xf32>,
        %add3A_494 = arith.constant 5120 : i32
        %add3A_495 = arith.addi %add3A_494, %mul3A_198 : i32
        %swap3A_496 = arith.index_cast %add3A_495 : i32 to index
        %swap3A_497 = tpu.vector_load %arg13[%swap3A_496] {strides = array<i32>} : memref<16384xi32, #tpu.memory_space<vmem>>, vector<16xi32>,
        %swap3A_498 = vector.shape_cast %swap3A_497 : vector<16xi32> to vector<16xi32>
        %swap3A_499 = vector.shape_cast %add3A_470 : vector<16xi32> to vector<16xi32>
        tpu.vector_store %arg13[%swap3A_496], %swap3A_499 {strides = array<i32>} : memref<16384xi32, #tpu.memory_space<vmem>>, vector<16xi32>,
        %jit3A_500 = arith.constant 0.000000e+00 : f32
        %broadcast_in_dim3A_501 = vector.broadcast %jit3A_500 : f32 to vector<16xf32>
        %select_n3A_502 = arith.select %and3A_472, %mul3A_471, %broadcast_in_dim3A_501 : vector<16xi1>, vector<16xf32>
        %add3A_503 = arith.constant 5120 : i32
        %add3A_504 = arith.addi %add3A_503, %mul3A_198 : i32
        %swap3A_505 = arith.index_cast %add3A_504 : i32 to index
        %swap3A_506 = tpu.vector_load %arg14[%swap3A_505] {strides = array<i32>} : memref<16384xf32, #tpu.memory_space<vmem>>, vector<16xf32>,
        %swap3A_507 = vector.shape_cast %swap3A_506 : vector<16xf32> to vector<16xf32>
        %swap3A_508 = vector.shape_cast %select_n3A_502 : vector<16xf32> to vector<16xf32>
        tpu.vector_store %arg14[%swap3A_505], %swap3A_508 {strides = array<i32>} : memref<16384xf32, #tpu.memory_space<vmem>>, vector<16xf32>,
        %add3A_509 = arith.constant 6144 : i32
        %add3A_510 = arith.addi %add3A_509, %mul3A_198 : i32
        %swap3A_511 = arith.index_cast %add3A_510 : i32 to index
        %swap3A_512 = tpu.vector_load %arg13[%swap3A_511] {strides = array<i32>} : memref<16384xi32, #tpu.memory_space<vmem>>, vector<16xi32>,
        %swap3A_513 = vector.shape_cast %swap3A_512 : vector<16xi32> to vector<16xi32>
        %swap3A_514 = vector.shape_cast %add3A_473 : vector<16xi32> to vector<16xi32>
        tpu.vector_store %arg13[%swap3A_511], %swap3A_514 {strides = array<i32>} : memref<16384xi32, #tpu.memory_space<vmem>>, vector<16xi32>,
        %jit3A_515 = arith.constant 0.000000e+00 : f32
        %broadcast_in_dim3A_516 = vector.broadcast %jit3A_515 : f32 to vector<16xf32>
        %select_n3A_517 = arith.select %and3A_475, %mul3A_474, %broadcast_in_dim3A_516 : vector<16xi1>, vector<16xf32>
        %add3A_518 = arith.constant 6144 : i32
        %add3A_519 = arith.addi %add3A_518, %mul3A_198 : i32
        %swap3A_520 = arith.index_cast %add3A_519 : i32 to index
        %swap3A_521 = tpu.vector_load %arg14[%swap3A_520] {strides = array<i32>} : memref<16384xf32, #tpu.memory_space<vmem>>, vector<16xf32>,
        %swap3A_522 = vector.shape_cast %swap3A_521 : vector<16xf32> to vector<16xf32>
        %swap3A_523 = vector.shape_cast %select_n3A_517 : vector<16xf32> to vector<16xf32>
        tpu.vector_store %arg14[%swap3A_520], %swap3A_523 {strides = array<i32>} : memref<16384xf32, #tpu.memory_space<vmem>>, vector<16xf32>,
        %add3A_524 = arith.constant 7168 : i32
        %add3A_525 = arith.addi %add3A_524, %mul3A_198 : i32
        %swap3A_526 = arith.index_cast %add3A_525 : i32 to index
        %swap3A_527 = tpu.vector_load %arg13[%swap3A_526] {strides = array<i32>} : memref<16384xi32, #tpu.memory_space<vmem>>, vector<16xi32>,
        %swap3A_528 = vector.shape_cast %swap3A_527 : vector<16xi32> to vector<16xi32>
        %swap3A_529 = vector.shape_cast %add3A_476 : vector<16xi32> to vector<16xi32>
        tpu.vector_store %arg13[%swap3A_526], %swap3A_529 {strides = array<i32>} : memref<16384xi32, #tpu.memory_space<vmem>>, vector<16xi32>,
        %jit3A_530 = arith.constant 0.000000e+00 : f32
        %broadcast_in_dim3A_531 = vector.broadcast %jit3A_530 : f32 to vector<16xf32>
        %select_n3A_532 = arith.select %and3A_478, %mul3A_477, %broadcast_in_dim3A_531 : vector<16xi1>, vector<16xf32>
        %add3A_533 = arith.constant 7168 : i32
        %add3A_534 = arith.addi %add3A_533, %mul3A_198 : i32
        %swap3A_535 = arith.index_cast %add3A_534 : i32 to index
        %swap3A_536 = tpu.vector_load %arg14[%swap3A_535] {strides = array<i32>} : memref<16384xf32, #tpu.memory_space<vmem>>, vector<16xf32>,
        %swap3A_537 = vector.shape_cast %swap3A_536 : vector<16xf32> to vector<16xf32>
        %swap3A_538 = vector.shape_cast %select_n3A_532 : vector<16xf32> to vector<16xf32>
        tpu.vector_store %arg14[%swap3A_535], %swap3A_538 {strides = array<i32>} : memref<16384xf32, #tpu.memory_space<vmem>>, vector<16xf32>,
        %mul3A_539 = arith.constant 1.024000e+03 : f32
        %mul3A_540 = vector.broadcast %mul3A_539 : f32 to vector<16xf32>
        %mul3A_541 = arith.mulf %get3A_200, %mul3A_540 : vector<16xf32>
        %sub3A_542 = arith.constant 5.000000e-01 : f32
        %sub3A_543 = vector.broadcast %sub3A_542 : f32 to vector<16xf32>
        %sub3A_544 = arith.subf %mul3A_541, %sub3A_543 : vector<16xf32>
        %mul3A_545 = arith.constant 1.024000e+03 : f32
        %mul3A_546 = vector.broadcast %mul3A_545 : f32 to vector<16xf32>
        %mul3A_547 = arith.mulf %get3A_203, %mul3A_546 : vector<16xf32>
        %sub3A_548 = arith.constant 5.000000e-01 : f32
        %sub3A_549 = vector.broadcast %sub3A_548 : f32 to vector<16xf32>
        %sub3A_550 = arith.subf %mul3A_547, %sub3A_549 : vector<16xf32>
        %convert_element_type3A_551 = arith.fptosi %sub3A_544 : vector<16xf32> to vector<16xi32>
        %convert_element_type3A_552 = arith.fptosi %sub3A_550 : vector<16xf32> to vector<16xi32>
        %convert_element_type3A_553 = arith.sitofp %convert_element_type3A_551 : vector<16xi32> to vector<16xf32>
        %lt3A_554 = arith.cmpf olt, %sub3A_544, %convert_element_type3A_553 : vector<16xf32>
        %sub3A_555 = arith.constant 1 : i32
        %sub3A_556 = vector.broadcast %sub3A_555 : i32 to vector<16xi32>
        %sub3A_557 = arith.subi %convert_element_type3A_551, %sub3A_556 : vector<16xi32>
        %select_n3A_558 = arith.select %lt3A_554, %sub3A_557, %convert_element_type3A_551 : vector<16xi1>, vector<16xi32>
        %convert_element_type3A_559 = arith.sitofp %convert_element_type3A_552 : vector<16xi32> to vector<16xf32>
        %lt3A_560 = arith.cmpf olt, %sub3A_550, %convert_element_type3A_559 : vector<16xf32>
        %sub3A_561 = arith.constant 1 : i32
        %sub3A_562 = vector.broadcast %sub3A_561 : i32 to vector<16xi32>
        %sub3A_563 = arith.subi %convert_element_type3A_552, %sub3A_562 : vector<16xi32>
        %select_n3A_564 = arith.select %lt3A_560, %sub3A_563, %convert_element_type3A_552 : vector<16xi1>, vector<16xi32>
        %convert_element_type3A_565 = arith.sitofp %select_n3A_558 : vector<16xi32> to vector<16xf32>
        %sub3A_566 = arith.subf %sub3A_544, %convert_element_type3A_565 : vector<16xf32>
        %convert_element_type3A_567 = arith.sitofp %select_n3A_564 : vector<16xi32> to vector<16xf32>
        %sub3A_568 = arith.subf %sub3A_550, %convert_element_type3A_567 : vector<16xf32>
        %add3A_569 = arith.constant 1 : i32
        %add3A_570 = vector.broadcast %add3A_569 : i32 to vector<16xi32>
        %add3A_571 = arith.addi %select_n3A_558, %add3A_570 : vector<16xi32>
        %add3A_572 = arith.constant 1 : i32
        %add3A_573 = vector.broadcast %add3A_572 : i32 to vector<16xi32>
        %add3A_574 = arith.addi %select_n3A_564, %add3A_573 : vector<16xi32>
        %ge3A_575 = arith.constant 0 : i32
        %ge3A_576 = vector.broadcast %ge3A_575 : i32 to vector<16xi32>
        %ge3A_577 = arith.cmpi sge, %select_n3A_558, %ge3A_576 : vector<16xi32>
        %le3A_578 = arith.constant 1023 : i32
        %le3A_579 = vector.broadcast %le3A_578 : i32 to vector<16xi32>
        %le3A_580 = arith.cmpi sle, %select_n3A_558, %le3A_579 : vector<16xi32>
        %and3A_581 = arith.andi %ge3A_577, %le3A_580 : vector<16xi1>
        %ge3A_582 = arith.constant 0 : i32
        %ge3A_583 = vector.broadcast %ge3A_582 : i32 to vector<16xi32>
        %ge3A_584 = arith.cmpi sge, %add3A_571, %ge3A_583 : vector<16xi32>
        %le3A_585 = arith.constant 1023 : i32
        %le3A_586 = vector.broadcast %le3A_585 : i32 to vector<16xi32>
        %le3A_587 = arith.cmpi sle, %add3A_571, %le3A_586 : vector<16xi32>
        %and3A_588 = arith.andi %ge3A_584, %le3A_587 : vector<16xi1>
        %ge3A_589 = arith.constant 0 : i32
        %ge3A_590 = vector.broadcast %ge3A_589 : i32 to vector<16xi32>
        %ge3A_591 = arith.cmpi sge, %select_n3A_564, %ge3A_590 : vector<16xi32>
        %le3A_592 = arith.constant 1023 : i32
        %le3A_593 = vector.broadcast %le3A_592 : i32 to vector<16xi32>
        %le3A_594 = arith.cmpi sle, %select_n3A_564, %le3A_593 : vector<16xi32>
        %and3A_595 = arith.andi %ge3A_591, %le3A_594 : vector<16xi1>
        %ge3A_596 = arith.constant 0 : i32
        %ge3A_597 = vector.broadcast %ge3A_596 : i32 to vector<16xi32>
        %ge3A_598 = arith.cmpi sge, %add3A_574, %ge3A_597 : vector<16xi32>
        %le3A_599 = arith.constant 1023 : i32
        %le3A_600 = vector.broadcast %le3A_599 : i32 to vector<16xi32>
        %le3A_601 = arith.cmpi sle, %add3A_574, %le3A_600 : vector<16xi32>
        %and3A_602 = arith.andi %ge3A_598, %le3A_601 : vector<16xi1>
        %jit3A_603 = arith.constant 0 : i32
        %jit3A_604 = arith.constant 1023 : i32
        %max3A_605 = vector.broadcast %jit3A_603 : i32 to vector<16xi32>
        %max3A_606 = arith.maxsi %max3A_605, %select_n3A_558 : vector<16xi32>
        %min3A_607 = vector.broadcast %jit3A_604 : i32 to vector<16xi32>
        %min3A_608 = arith.minsi %min3A_607, %max3A_606 : vector<16xi32>
        %jit3A_609 = arith.constant 0 : i32
        %jit3A_610 = arith.constant 1023 : i32
        %max3A_611 = vector.broadcast %jit3A_609 : i32 to vector<16xi32>
        %max3A_612 = arith.maxsi %max3A_611, %add3A_571 : vector<16xi32>
        %min3A_613 = vector.broadcast %jit3A_610 : i32 to vector<16xi32>
        %min3A_614 = arith.minsi %min3A_613, %max3A_612 : vector<16xi32>
        %jit3A_615 = arith.constant 0 : i32
        %jit3A_616 = arith.constant 1023 : i32
        %max3A_617 = vector.broadcast %jit3A_615 : i32 to vector<16xi32>
        %max3A_618 = arith.maxsi %max3A_617, %select_n3A_564 : vector<16xi32>
        %min3A_619 = vector.broadcast %jit3A_616 : i32 to vector<16xi32>
        %min3A_620 = arith.minsi %min3A_619, %max3A_618 : vector<16xi32>
        %mul3A_621 = arith.constant 1024 : i32
        %mul3A_622 = vector.broadcast %mul3A_621 : i32 to vector<16xi32>
        %mul3A_623 = arith.muli %min3A_620, %mul3A_622 : vector<16xi32>
        %jit3A_624 = arith.constant 0 : i32
        %jit3A_625 = arith.constant 1023 : i32
        %max3A_626 = vector.broadcast %jit3A_624 : i32 to vector<16xi32>
        %max3A_627 = arith.maxsi %max3A_626, %add3A_574 : vector<16xi32>
        %min3A_628 = vector.broadcast %jit3A_625 : i32 to vector<16xi32>
        %min3A_629 = arith.minsi %min3A_628, %max3A_627 : vector<16xi32>
        %mul3A_630 = arith.constant 1024 : i32
        %mul3A_631 = vector.broadcast %mul3A_630 : i32 to vector<16xi32>
        %mul3A_632 = arith.muli %min3A_629, %mul3A_631 : vector<16xi32>
        %sub3A_633 = arith.constant 1.000000e+00 : f32
        %sub3A_634 = vector.broadcast %sub3A_633 : f32 to vector<16xf32>
        %sub3A_635 = arith.subf %sub3A_634, %sub3A_566 : vector<16xf32>
        %sub3A_636 = arith.constant 1.000000e+00 : f32
        %sub3A_637 = vector.broadcast %sub3A_636 : f32 to vector<16xf32>
        %sub3A_638 = arith.subf %sub3A_637, %sub3A_568 : vector<16xf32>
        %add3A_639 = arith.addi %mul3A_623, %min3A_608 : vector<16xi32>
        %mul3A_640 = arith.mulf %sub3A_638, %sub3A_635 : vector<16xf32>
        %and3A_641 = arith.andi %and3A_595, %and3A_581 : vector<16xi1>
        %add3A_642 = arith.addi %mul3A_623, %min3A_614 : vector<16xi32>
        %mul3A_643 = arith.mulf %sub3A_638, %sub3A_566 : vector<16xf32>
        %and3A_644 = arith.andi %and3A_595, %and3A_588 : vector<16xi1>
        %add3A_645 = arith.addi %mul3A_632, %min3A_608 : vector<16xi32>
        %mul3A_646 = arith.mulf %sub3A_568, %sub3A_635 : vector<16xf32>
        %and3A_647 = arith.andi %and3A_602, %and3A_581 : vector<16xi1>
        %add3A_648 = arith.addi %mul3A_632, %min3A_614 : vector<16xi32>
        %mul3A_649 = arith.mulf %sub3A_568, %sub3A_566 : vector<16xf32>
        %and3A_650 = arith.andi %and3A_602, %and3A_588 : vector<16xi1>
        %add3A_651 = arith.constant 8192 : i32
        %add3A_652 = arith.addi %add3A_651, %mul3A_198 : i32
        %swap3A_653 = arith.index_cast %add3A_652 : i32 to index
        %swap3A_654 = tpu.vector_load %arg13[%swap3A_653] {strides = array<i32>} : memref<16384xi32, #tpu.memory_space<vmem>>, vector<16xi32>,
        %swap3A_655 = vector.shape_cast %swap3A_654 : vector<16xi32> to vector<16xi32>
        %swap3A_656 = vector.shape_cast %add3A_639 : vector<16xi32> to vector<16xi32>
        tpu.vector_store %arg13[%swap3A_653], %swap3A_656 {strides = array<i32>} : memref<16384xi32, #tpu.memory_space<vmem>>, vector<16xi32>,
        %jit3A_657 = arith.constant 0.000000e+00 : f32
        %broadcast_in_dim3A_658 = vector.broadcast %jit3A_657 : f32 to vector<16xf32>
        %select_n3A_659 = arith.select %and3A_641, %mul3A_640, %broadcast_in_dim3A_658 : vector<16xi1>, vector<16xf32>
        %add3A_660 = arith.constant 8192 : i32
        %add3A_661 = arith.addi %add3A_660, %mul3A_198 : i32
        %swap3A_662 = arith.index_cast %add3A_661 : i32 to index
        %swap3A_663 = tpu.vector_load %arg14[%swap3A_662] {strides = array<i32>} : memref<16384xf32, #tpu.memory_space<vmem>>, vector<16xf32>,
        %swap3A_664 = vector.shape_cast %swap3A_663 : vector<16xf32> to vector<16xf32>
        %swap3A_665 = vector.shape_cast %select_n3A_659 : vector<16xf32> to vector<16xf32>
        tpu.vector_store %arg14[%swap3A_662], %swap3A_665 {strides = array<i32>} : memref<16384xf32, #tpu.memory_space<vmem>>, vector<16xf32>,
        %add3A_666 = arith.constant 9216 : i32
        %add3A_667 = arith.addi %add3A_666, %mul3A_198 : i32
        %swap3A_668 = arith.index_cast %add3A_667 : i32 to index
        %swap3A_669 = tpu.vector_load %arg13[%swap3A_668] {strides = array<i32>} : memref<16384xi32, #tpu.memory_space<vmem>>, vector<16xi32>,
        %swap3A_670 = vector.shape_cast %swap3A_669 : vector<16xi32> to vector<16xi32>
        %swap3A_671 = vector.shape_cast %add3A_642 : vector<16xi32> to vector<16xi32>
        tpu.vector_store %arg13[%swap3A_668], %swap3A_671 {strides = array<i32>} : memref<16384xi32, #tpu.memory_space<vmem>>, vector<16xi32>,
        %jit3A_672 = arith.constant 0.000000e+00 : f32
        %broadcast_in_dim3A_673 = vector.broadcast %jit3A_672 : f32 to vector<16xf32>
        %select_n3A_674 = arith.select %and3A_644, %mul3A_643, %broadcast_in_dim3A_673 : vector<16xi1>, vector<16xf32>
        %add3A_675 = arith.constant 9216 : i32
        %add3A_676 = arith.addi %add3A_675, %mul3A_198 : i32
        %swap3A_677 = arith.index_cast %add3A_676 : i32 to index
        %swap3A_678 = tpu.vector_load %arg14[%swap3A_677] {strides = array<i32>} : memref<16384xf32, #tpu.memory_space<vmem>>, vector<16xf32>,
        %swap3A_679 = vector.shape_cast %swap3A_678 : vector<16xf32> to vector<16xf32>
        %swap3A_680 = vector.shape_cast %select_n3A_674 : vector<16xf32> to vector<16xf32>
        tpu.vector_store %arg14[%swap3A_677], %swap3A_680 {strides = array<i32>} : memref<16384xf32, #tpu.memory_space<vmem>>, vector<16xf32>,
        %add3A_681 = arith.constant 10240 : i32
        %add3A_682 = arith.addi %add3A_681, %mul3A_198 : i32
        %swap3A_683 = arith.index_cast %add3A_682 : i32 to index
        %swap3A_684 = tpu.vector_load %arg13[%swap3A_683] {strides = array<i32>} : memref<16384xi32, #tpu.memory_space<vmem>>, vector<16xi32>,
        %swap3A_685 = vector.shape_cast %swap3A_684 : vector<16xi32> to vector<16xi32>
        %swap3A_686 = vector.shape_cast %add3A_645 : vector<16xi32> to vector<16xi32>
        tpu.vector_store %arg13[%swap3A_683], %swap3A_686 {strides = array<i32>} : memref<16384xi32, #tpu.memory_space<vmem>>, vector<16xi32>,
        %jit3A_687 = arith.constant 0.000000e+00 : f32
        %broadcast_in_dim3A_688 = vector.broadcast %jit3A_687 : f32 to vector<16xf32>
        %select_n3A_689 = arith.select %and3A_647, %mul3A_646, %broadcast_in_dim3A_688 : vector<16xi1>, vector<16xf32>
        %add3A_690 = arith.constant 10240 : i32
        %add3A_691 = arith.addi %add3A_690, %mul3A_198 : i32
        %swap3A_692 = arith.index_cast %add3A_691 : i32 to index
        %swap3A_693 = tpu.vector_load %arg14[%swap3A_692] {strides = array<i32>} : memref<16384xf32, #tpu.memory_space<vmem>>, vector<16xf32>,
        %swap3A_694 = vector.shape_cast %swap3A_693 : vector<16xf32> to vector<16xf32>
        %swap3A_695 = vector.shape_cast %select_n3A_689 : vector<16xf32> to vector<16xf32>
        tpu.vector_store %arg14[%swap3A_692], %swap3A_695 {strides = array<i32>} : memref<16384xf32, #tpu.memory_space<vmem>>, vector<16xf32>,
        %add3A_696 = arith.constant 11264 : i32
        %add3A_697 = arith.addi %add3A_696, %mul3A_198 : i32
        %swap3A_698 = arith.index_cast %add3A_697 : i32 to index
        %swap3A_699 = tpu.vector_load %arg13[%swap3A_698] {strides = array<i32>} : memref<16384xi32, #tpu.memory_space<vmem>>, vector<16xi32>,
        %swap3A_700 = vector.shape_cast %swap3A_699 : vector<16xi32> to vector<16xi32>
        %swap3A_701 = vector.shape_cast %add3A_648 : vector<16xi32> to vector<16xi32>
        tpu.vector_store %arg13[%swap3A_698], %swap3A_701 {strides = array<i32>} : memref<16384xi32, #tpu.memory_space<vmem>>, vector<16xi32>,
        %jit3A_702 = arith.constant 0.000000e+00 : f32
        %broadcast_in_dim3A_703 = vector.broadcast %jit3A_702 : f32 to vector<16xf32>
        %select_n3A_704 = arith.select %and3A_650, %mul3A_649, %broadcast_in_dim3A_703 : vector<16xi1>, vector<16xf32>
        %add3A_705 = arith.constant 11264 : i32
        %add3A_706 = arith.addi %add3A_705, %mul3A_198 : i32
        %swap3A_707 = arith.index_cast %add3A_706 : i32 to index
        %swap3A_708 = tpu.vector_load %arg14[%swap3A_707] {strides = array<i32>} : memref<16384xf32, #tpu.memory_space<vmem>>, vector<16xf32>,
        %swap3A_709 = vector.shape_cast %swap3A_708 : vector<16xf32> to vector<16xf32>
        %swap3A_710 = vector.shape_cast %select_n3A_704 : vector<16xf32> to vector<16xf32>
        tpu.vector_store %arg14[%swap3A_707], %swap3A_710 {strides = array<i32>} : memref<16384xf32, #tpu.memory_space<vmem>>, vector<16xf32>,
        %mul3A_711 = arith.constant 5.120000e+02 : f32
        %mul3A_712 = vector.broadcast %mul3A_711 : f32 to vector<16xf32>
        %mul3A_713 = arith.mulf %get3A_200, %mul3A_712 : vector<16xf32>
        %sub3A_714 = arith.constant 5.000000e-01 : f32
        %sub3A_715 = vector.broadcast %sub3A_714 : f32 to vector<16xf32>
        %sub3A_716 = arith.subf %mul3A_713, %sub3A_715 : vector<16xf32>
        %mul3A_717 = arith.constant 5.120000e+02 : f32
        %mul3A_718 = vector.broadcast %mul3A_717 : f32 to vector<16xf32>
        %mul3A_719 = arith.mulf %get3A_203, %mul3A_718 : vector<16xf32>
        %sub3A_720 = arith.constant 5.000000e-01 : f32
        %sub3A_721 = vector.broadcast %sub3A_720 : f32 to vector<16xf32>
        %sub3A_722 = arith.subf %mul3A_719, %sub3A_721 : vector<16xf32>
        %convert_element_type3A_723 = arith.fptosi %sub3A_716 : vector<16xf32> to vector<16xi32>
        %convert_element_type3A_724 = arith.fptosi %sub3A_722 : vector<16xf32> to vector<16xi32>
        %convert_element_type3A_725 = arith.sitofp %convert_element_type3A_723 : vector<16xi32> to vector<16xf32>
        %lt3A_726 = arith.cmpf olt, %sub3A_716, %convert_element_type3A_725 : vector<16xf32>
        %sub3A_727 = arith.constant 1 : i32
        %sub3A_728 = vector.broadcast %sub3A_727 : i32 to vector<16xi32>
        %sub3A_729 = arith.subi %convert_element_type3A_723, %sub3A_728 : vector<16xi32>
        %select_n3A_730 = arith.select %lt3A_726, %sub3A_729, %convert_element_type3A_723 : vector<16xi1>, vector<16xi32>
        %convert_element_type3A_731 = arith.sitofp %convert_element_type3A_724 : vector<16xi32> to vector<16xf32>
        %lt3A_732 = arith.cmpf olt, %sub3A_722, %convert_element_type3A_731 : vector<16xf32>
        %sub3A_733 = arith.constant 1 : i32
        %sub3A_734 = vector.broadcast %sub3A_733 : i32 to vector<16xi32>
        %sub3A_735 = arith.subi %convert_element_type3A_724, %sub3A_734 : vector<16xi32>
        %select_n3A_736 = arith.select %lt3A_732, %sub3A_735, %convert_element_type3A_724 : vector<16xi1>, vector<16xi32>
        %convert_element_type3A_737 = arith.sitofp %select_n3A_730 : vector<16xi32> to vector<16xf32>
        %sub3A_738 = arith.subf %sub3A_716, %convert_element_type3A_737 : vector<16xf32>
        %convert_element_type3A_739 = arith.sitofp %select_n3A_736 : vector<16xi32> to vector<16xf32>
        %sub3A_740 = arith.subf %sub3A_722, %convert_element_type3A_739 : vector<16xf32>
        %add3A_741 = arith.constant 1 : i32
        %add3A_742 = vector.broadcast %add3A_741 : i32 to vector<16xi32>
        %add3A_743 = arith.addi %select_n3A_730, %add3A_742 : vector<16xi32>
        %add3A_744 = arith.constant 1 : i32
        %add3A_745 = vector.broadcast %add3A_744 : i32 to vector<16xi32>
        %add3A_746 = arith.addi %select_n3A_736, %add3A_745 : vector<16xi32>
        %ge3A_747 = arith.constant 0 : i32
        %ge3A_748 = vector.broadcast %ge3A_747 : i32 to vector<16xi32>
        %ge3A_749 = arith.cmpi sge, %select_n3A_730, %ge3A_748 : vector<16xi32>
        %le3A_750 = arith.constant 511 : i32
        %le3A_751 = vector.broadcast %le3A_750 : i32 to vector<16xi32>
        %le3A_752 = arith.cmpi sle, %select_n3A_730, %le3A_751 : vector<16xi32>
        %and3A_753 = arith.andi %ge3A_749, %le3A_752 : vector<16xi1>
        %ge3A_754 = arith.constant 0 : i32
        %ge3A_755 = vector.broadcast %ge3A_754 : i32 to vector<16xi32>
        %ge3A_756 = arith.cmpi sge, %add3A_743, %ge3A_755 : vector<16xi32>
        %le3A_757 = arith.constant 511 : i32
        %le3A_758 = vector.broadcast %le3A_757 : i32 to vector<16xi32>
        %le3A_759 = arith.cmpi sle, %add3A_743, %le3A_758 : vector<16xi32>
        %and3A_760 = arith.andi %ge3A_756, %le3A_759 : vector<16xi1>
        %ge3A_761 = arith.constant 0 : i32
        %ge3A_762 = vector.broadcast %ge3A_761 : i32 to vector<16xi32>
        %ge3A_763 = arith.cmpi sge, %select_n3A_736, %ge3A_762 : vector<16xi32>
        %le3A_764 = arith.constant 511 : i32
        %le3A_765 = vector.broadcast %le3A_764 : i32 to vector<16xi32>
        %le3A_766 = arith.cmpi sle, %select_n3A_736, %le3A_765 : vector<16xi32>
        %and3A_767 = arith.andi %ge3A_763, %le3A_766 : vector<16xi1>
        %ge3A_768 = arith.constant 0 : i32
        %ge3A_769 = vector.broadcast %ge3A_768 : i32 to vector<16xi32>
        %ge3A_770 = arith.cmpi sge, %add3A_746, %ge3A_769 : vector<16xi32>
        %le3A_771 = arith.constant 511 : i32
        %le3A_772 = vector.broadcast %le3A_771 : i32 to vector<16xi32>
        %le3A_773 = arith.cmpi sle, %add3A_746, %le3A_772 : vector<16xi32>
        %and3A_774 = arith.andi %ge3A_770, %le3A_773 : vector<16xi1>
        %jit3A_775 = arith.constant 0 : i32
        %jit3A_776 = arith.constant 511 : i32
        %max3A_777 = vector.broadcast %jit3A_775 : i32 to vector<16xi32>
        %max3A_778 = arith.maxsi %max3A_777, %select_n3A_730 : vector<16xi32>
        %min3A_779 = vector.broadcast %jit3A_776 : i32 to vector<16xi32>
        %min3A_780 = arith.minsi %min3A_779, %max3A_778 : vector<16xi32>
        %jit3A_781 = arith.constant 0 : i32
        %jit3A_782 = arith.constant 511 : i32
        %max3A_783 = vector.broadcast %jit3A_781 : i32 to vector<16xi32>
        %max3A_784 = arith.maxsi %max3A_783, %add3A_743 : vector<16xi32>
        %min3A_785 = vector.broadcast %jit3A_782 : i32 to vector<16xi32>
        %min3A_786 = arith.minsi %min3A_785, %max3A_784 : vector<16xi32>
        %jit3A_787 = arith.constant 0 : i32
        %jit3A_788 = arith.constant 511 : i32
        %max3A_789 = vector.broadcast %jit3A_787 : i32 to vector<16xi32>
        %max3A_790 = arith.maxsi %max3A_789, %select_n3A_736 : vector<16xi32>
        %min3A_791 = vector.broadcast %jit3A_788 : i32 to vector<16xi32>
        %min3A_792 = arith.minsi %min3A_791, %max3A_790 : vector<16xi32>
        %mul3A_793 = arith.constant 512 : i32
        %mul3A_794 = vector.broadcast %mul3A_793 : i32 to vector<16xi32>
        %mul3A_795 = arith.muli %min3A_792, %mul3A_794 : vector<16xi32>
        %jit3A_796 = arith.constant 0 : i32
        %jit3A_797 = arith.constant 511 : i32
        %max3A_798 = vector.broadcast %jit3A_796 : i32 to vector<16xi32>
        %max3A_799 = arith.maxsi %max3A_798, %add3A_746 : vector<16xi32>
        %min3A_800 = vector.broadcast %jit3A_797 : i32 to vector<16xi32>
        %min3A_801 = arith.minsi %min3A_800, %max3A_799 : vector<16xi32>
        %mul3A_802 = arith.constant 512 : i32
        %mul3A_803 = vector.broadcast %mul3A_802 : i32 to vector<16xi32>
        %mul3A_804 = arith.muli %min3A_801, %mul3A_803 : vector<16xi32>
        %sub3A_805 = arith.constant 1.000000e+00 : f32
        %sub3A_806 = vector.broadcast %sub3A_805 : f32 to vector<16xf32>
        %sub3A_807 = arith.subf %sub3A_806, %sub3A_738 : vector<16xf32>
        %sub3A_808 = arith.constant 1.000000e+00 : f32
        %sub3A_809 = vector.broadcast %sub3A_808 : f32 to vector<16xf32>
        %sub3A_810 = arith.subf %sub3A_809, %sub3A_740 : vector<16xf32>
        %add3A_811 = arith.addi %mul3A_795, %min3A_780 : vector<16xi32>
        %mul3A_812 = arith.mulf %sub3A_810, %sub3A_807 : vector<16xf32>
        %and3A_813 = arith.andi %and3A_767, %and3A_753 : vector<16xi1>
        %add3A_814 = arith.addi %mul3A_795, %min3A_786 : vector<16xi32>
        %mul3A_815 = arith.mulf %sub3A_810, %sub3A_738 : vector<16xf32>
        %and3A_816 = arith.andi %and3A_767, %and3A_760 : vector<16xi1>
        %add3A_817 = arith.addi %mul3A_804, %min3A_780 : vector<16xi32>
        %mul3A_818 = arith.mulf %sub3A_740, %sub3A_807 : vector<16xf32>
        %and3A_819 = arith.andi %and3A_774, %and3A_753 : vector<16xi1>
        %add3A_820 = arith.addi %mul3A_804, %min3A_786 : vector<16xi32>
        %mul3A_821 = arith.mulf %sub3A_740, %sub3A_738 : vector<16xf32>
        %and3A_822 = arith.andi %and3A_774, %and3A_760 : vector<16xi1>
        %add3A_823 = arith.constant 12288 : i32
        %add3A_824 = arith.addi %add3A_823, %mul3A_198 : i32
        %swap3A_825 = arith.index_cast %add3A_824 : i32 to index
        %swap3A_826 = tpu.vector_load %arg13[%swap3A_825] {strides = array<i32>} : memref<16384xi32, #tpu.memory_space<vmem>>, vector<16xi32>,
        %swap3A_827 = vector.shape_cast %swap3A_826 : vector<16xi32> to vector<16xi32>
        %swap3A_828 = vector.shape_cast %add3A_811 : vector<16xi32> to vector<16xi32>
        tpu.vector_store %arg13[%swap3A_825], %swap3A_828 {strides = array<i32>} : memref<16384xi32, #tpu.memory_space<vmem>>, vector<16xi32>,
        %jit3A_829 = arith.constant 0.000000e+00 : f32
        %broadcast_in_dim3A_830 = vector.broadcast %jit3A_829 : f32 to vector<16xf32>
        %select_n3A_831 = arith.select %and3A_813, %mul3A_812, %broadcast_in_dim3A_830 : vector<16xi1>, vector<16xf32>
        %add3A_832 = arith.constant 12288 : i32
        %add3A_833 = arith.addi %add3A_832, %mul3A_198 : i32
        %swap3A_834 = arith.index_cast %add3A_833 : i32 to index
        %swap3A_835 = tpu.vector_load %arg14[%swap3A_834] {strides = array<i32>} : memref<16384xf32, #tpu.memory_space<vmem>>, vector<16xf32>,
        %swap3A_836 = vector.shape_cast %swap3A_835 : vector<16xf32> to vector<16xf32>
        %swap3A_837 = vector.shape_cast %select_n3A_831 : vector<16xf32> to vector<16xf32>
        tpu.vector_store %arg14[%swap3A_834], %swap3A_837 {strides = array<i32>} : memref<16384xf32, #tpu.memory_space<vmem>>, vector<16xf32>,
        %add3A_838 = arith.constant 13312 : i32
        %add3A_839 = arith.addi %add3A_838, %mul3A_198 : i32
        %swap3A_840 = arith.index_cast %add3A_839 : i32 to index
        %swap3A_841 = tpu.vector_load %arg13[%swap3A_840] {strides = array<i32>} : memref<16384xi32, #tpu.memory_space<vmem>>, vector<16xi32>,
        %swap3A_842 = vector.shape_cast %swap3A_841 : vector<16xi32> to vector<16xi32>
        %swap3A_843 = vector.shape_cast %add3A_814 : vector<16xi32> to vector<16xi32>
        tpu.vector_store %arg13[%swap3A_840], %swap3A_843 {strides = array<i32>} : memref<16384xi32, #tpu.memory_space<vmem>>, vector<16xi32>,
        %jit3A_844 = arith.constant 0.000000e+00 : f32
        %broadcast_in_dim3A_845 = vector.broadcast %jit3A_844 : f32 to vector<16xf32>
        %select_n3A_846 = arith.select %and3A_816, %mul3A_815, %broadcast_in_dim3A_845 : vector<16xi1>, vector<16xf32>
        %add3A_847 = arith.constant 13312 : i32
        %add3A_848 = arith.addi %add3A_847, %mul3A_198 : i32
        %swap3A_849 = arith.index_cast %add3A_848 : i32 to index
        %swap3A_850 = tpu.vector_load %arg14[%swap3A_849] {strides = array<i32>} : memref<16384xf32, #tpu.memory_space<vmem>>, vector<16xf32>,
        %swap3A_851 = vector.shape_cast %swap3A_850 : vector<16xf32> to vector<16xf32>
        %swap3A_852 = vector.shape_cast %select_n3A_846 : vector<16xf32> to vector<16xf32>
        tpu.vector_store %arg14[%swap3A_849], %swap3A_852 {strides = array<i32>} : memref<16384xf32, #tpu.memory_space<vmem>>, vector<16xf32>,
        %add3A_853 = arith.constant 14336 : i32
        %add3A_854 = arith.addi %add3A_853, %mul3A_198 : i32
        %swap3A_855 = arith.index_cast %add3A_854 : i32 to index
        %swap3A_856 = tpu.vector_load %arg13[%swap3A_855] {strides = array<i32>} : memref<16384xi32, #tpu.memory_space<vmem>>, vector<16xi32>,
        %swap3A_857 = vector.shape_cast %swap3A_856 : vector<16xi32> to vector<16xi32>
        %swap3A_858 = vector.shape_cast %add3A_817 : vector<16xi32> to vector<16xi32>
        tpu.vector_store %arg13[%swap3A_855], %swap3A_858 {strides = array<i32>} : memref<16384xi32, #tpu.memory_space<vmem>>, vector<16xi32>,
        %jit3A_859 = arith.constant 0.000000e+00 : f32
        %broadcast_in_dim3A_860 = vector.broadcast %jit3A_859 : f32 to vector<16xf32>
        %select_n3A_861 = arith.select %and3A_819, %mul3A_818, %broadcast_in_dim3A_860 : vector<16xi1>, vector<16xf32>
        %add3A_862 = arith.constant 14336 : i32
        %add3A_863 = arith.addi %add3A_862, %mul3A_198 : i32
        %swap3A_864 = arith.index_cast %add3A_863 : i32 to index
        %swap3A_865 = tpu.vector_load %arg14[%swap3A_864] {strides = array<i32>} : memref<16384xf32, #tpu.memory_space<vmem>>, vector<16xf32>,
        %swap3A_866 = vector.shape_cast %swap3A_865 : vector<16xf32> to vector<16xf32>
        %swap3A_867 = vector.shape_cast %select_n3A_861 : vector<16xf32> to vector<16xf32>
        tpu.vector_store %arg14[%swap3A_864], %swap3A_867 {strides = array<i32>} : memref<16384xf32, #tpu.memory_space<vmem>>, vector<16xf32>,
        %add3A_868 = arith.constant 15360 : i32
        %add3A_869 = arith.addi %add3A_868, %mul3A_198 : i32
        %swap3A_870 = arith.index_cast %add3A_869 : i32 to index
        %swap3A_871 = tpu.vector_load %arg13[%swap3A_870] {strides = array<i32>} : memref<16384xi32, #tpu.memory_space<vmem>>, vector<16xi32>,
        %swap3A_872 = vector.shape_cast %swap3A_871 : vector<16xi32> to vector<16xi32>
        %swap3A_873 = vector.shape_cast %add3A_820 : vector<16xi32> to vector<16xi32>
        tpu.vector_store %arg13[%swap3A_870], %swap3A_873 {strides = array<i32>} : memref<16384xi32, #tpu.memory_space<vmem>>, vector<16xi32>,
        %jit3A_874 = arith.constant 0.000000e+00 : f32
        %broadcast_in_dim3A_875 = vector.broadcast %jit3A_874 : f32 to vector<16xf32>
        %select_n3A_876 = arith.select %and3A_822, %mul3A_821, %broadcast_in_dim3A_875 : vector<16xi1>, vector<16xf32>
        %add3A_877 = arith.constant 15360 : i32
        %add3A_878 = arith.addi %add3A_877, %mul3A_198 : i32
        %swap3A_879 = arith.index_cast %add3A_878 : i32 to index
        %swap3A_880 = tpu.vector_load %arg14[%swap3A_879] {strides = array<i32>} : memref<16384xf32, #tpu.memory_space<vmem>>, vector<16xf32>,
        %swap3A_881 = vector.shape_cast %swap3A_880 : vector<16xf32> to vector<16xf32>
        %swap3A_882 = vector.shape_cast %select_n3A_876 : vector<16xf32> to vector<16xf32>
        tpu.vector_store %arg14[%swap3A_879], %swap3A_882 {strides = array<i32>} : memref<16384xf32, #tpu.memory_space<vmem>>, vector<16xf32>,
      }
      %scan3A_154 = arith.constant 64 : i32
      %dma_wait3A_155 = arith.constant 0 : i32
      %dma_wait3A_156 = tpu.memref_slice %arg18[%dma_wait3A_155] : memref<16384xf32, #tpu.memory_space<vmem>> -> memref<4096xf32, #tpu.memory_space<vmem>>
      %dma_wait3A_157 = arith.constant 0 : i32
      %dma_wait3A_158 = tpu.memref_slice %arg15[%dma_wait3A_157] : memref<16384xi32, #tpu.memory_space<vmem>> -> memref<4096xi32, #tpu.memory_space<vmem>>
      %dma_wait3A_159 = arith.constant 0 : i32
      %dma_wait3A_160 = tpu.memref_slice %arg4[%dma_wait3A_159] : memref<16777216xf32, #tpu.memory_space<hbm>> -> memref<16777216xf32, #tpu.memory_space<hbm>>
      tpu.wait_indirect_dma semaphore(%arg21 : memref<!tpu.dma_semaphore, #tpu.memory_space<semaphore_mem>>) src(%dma_wait3A_160 : memref<16777216xf32, #tpu.memory_space<hbm>>) dst(%dma_wait3A_156 : memref<4096xf32, #tpu.memory_space<vmem>>)
      %dma_wait3A_161 = arith.constant 4096 : i32
      %dma_wait3A_162 = tpu.memref_slice %arg18[%dma_wait3A_161] : memref<16384xf32, #tpu.memory_space<vmem>> -> memref<4096xf32, #tpu.memory_space<vmem>>
      %dma_wait3A_163 = arith.constant 4096 : i32
      %dma_wait3A_164 = tpu.memref_slice %arg15[%dma_wait3A_163] : memref<16384xi32, #tpu.memory_space<vmem>> -> memref<4096xi32, #tpu.memory_space<vmem>>
      %dma_wait3A_165 = arith.constant 0 : i32
      %dma_wait3A_166 = tpu.memref_slice %arg5[%dma_wait3A_165] : memref<4194304xf32, #tpu.memory_space<hbm>> -> memref<4194304xf32, #tpu.memory_space<hbm>>
      tpu.wait_indirect_dma semaphore(%arg21 : memref<!tpu.dma_semaphore, #tpu.memory_space<semaphore_mem>>) src(%dma_wait3A_166 : memref<4194304xf32, #tpu.memory_space<hbm>>) dst(%dma_wait3A_162 : memref<4096xf32, #tpu.memory_space<vmem>>)
      %dma_wait3A_167 = arith.constant 8192 : i32
      %dma_wait3A_168 = tpu.memref_slice %arg18[%dma_wait3A_167] : memref<16384xf32, #tpu.memory_space<vmem>> -> memref<4096xf32, #tpu.memory_space<vmem>>
      %dma_wait3A_169 = arith.constant 8192 : i32
      %dma_wait3A_170 = tpu.memref_slice %arg15[%dma_wait3A_169] : memref<16384xi32, #tpu.memory_space<vmem>> -> memref<4096xi32, #tpu.memory_space<vmem>>
      %dma_wait3A_171 = arith.constant 0 : i32
      %dma_wait3A_172 = tpu.memref_slice %arg6[%dma_wait3A_171] : memref<1048576xf32, #tpu.memory_space<hbm>> -> memref<1048576xf32, #tpu.memory_space<hbm>>
      tpu.wait_indirect_dma semaphore(%arg21 : memref<!tpu.dma_semaphore, #tpu.memory_space<semaphore_mem>>) src(%dma_wait3A_172 : memref<1048576xf32, #tpu.memory_space<hbm>>) dst(%dma_wait3A_168 : memref<4096xf32, #tpu.memory_space<vmem>>)
      %dma_wait3A_173 = arith.constant 12288 : i32
      %dma_wait3A_174 = tpu.memref_slice %arg18[%dma_wait3A_173] : memref<16384xf32, #tpu.memory_space<vmem>> -> memref<4096xf32, #tpu.memory_space<vmem>>
      %dma_wait3A_175 = arith.constant 12288 : i32
      %dma_wait3A_176 = tpu.memref_slice %arg15[%dma_wait3A_175] : memref<16384xi32, #tpu.memory_space<vmem>> -> memref<4096xi32, #tpu.memory_space<vmem>>
      %dma_wait3A_177 = arith.constant 0 : i32
      %dma_wait3A_178 = tpu.memref_slice %arg7[%dma_wait3A_177] : memref<262144xf32, #tpu.memory_space<hbm>> -> memref<262144xf32, #tpu.memory_space<hbm>>
      tpu.wait_indirect_dma semaphore(%arg21 : memref<!tpu.dma_semaphore, #tpu.memory_space<semaphore_mem>>) src(%dma_wait3A_178 : memref<262144xf32, #tpu.memory_space<hbm>>) dst(%dma_wait3A_174 : memref<4096xf32, #tpu.memory_space<vmem>>)
      %scan3A_179 = arith.constant 0 : i32
      %scan3A_180 = arith.constant 0 : i32
      %scan3A_181 = arith.constant 64 : i32
      %scan3A_182 = arith.addi %scan3A_180, %scan3A_181 : i32
      %scan3A_183 = arith.constant 1 : i32
      scf.for %scan3A_196 = %scan3A_180 to %scan3A_182 step %scan3A_183  : i32 {
        %mul3A_197 = arith.constant 16 : i32
        %mul3A_198 = arith.muli %scan3A_196, %mul3A_197 : i32
        %add3A_199 = arith.constant 0 : i32
        %add3A_200 = arith.addi %add3A_199, %mul3A_198 : i32
        %get3A = arith.index_cast %add3A_200 : i32 to index
        %get3A_201 = tpu.vector_load %arg18[%get3A] {strides = array<i32>} : memref<16384xf32, #tpu.memory_space<vmem>>, vector<16xf32>,
        %get3A_202 = vector.shape_cast %get3A_201 : vector<16xf32> to vector<16xf32>
        %add3A_203 = arith.constant 0 : i32
        %add3A_204 = arith.addi %add3A_203, %mul3A_198 : i32
        %get3A_205 = arith.index_cast %add3A_204 : i32 to index
        %get3A_206 = tpu.vector_load %arg16[%get3A_205] {strides = array<i32>} : memref<16384xf32, #tpu.memory_space<vmem>>, vector<16xf32>,
        %get3A_207 = vector.shape_cast %get3A_206 : vector<16xf32> to vector<16xf32>
        %mul3A_208 = arith.mulf %get3A_202, %get3A_207 : vector<16xf32>
        %add3A_209 = arith.constant 1024 : i32
        %add3A_210 = arith.addi %add3A_209, %mul3A_198 : i32
        %get3A_211 = arith.index_cast %add3A_210 : i32 to index
        %get3A_212 = tpu.vector_load %arg18[%get3A_211] {strides = array<i32>} : memref<16384xf32, #tpu.memory_space<vmem>>, vector<16xf32>,
        %get3A_213 = vector.shape_cast %get3A_212 : vector<16xf32> to vector<16xf32>
        %add3A_214 = arith.constant 1024 : i32
        %add3A_215 = arith.addi %add3A_214, %mul3A_198 : i32
        %get3A_216 = arith.index_cast %add3A_215 : i32 to index
        %get3A_217 = tpu.vector_load %arg16[%get3A_216] {strides = array<i32>} : memref<16384xf32, #tpu.memory_space<vmem>>, vector<16xf32>,
        %get3A_218 = vector.shape_cast %get3A_217 : vector<16xf32> to vector<16xf32>
        %mul3A_219 = arith.mulf %get3A_213, %get3A_218 : vector<16xf32>
        %add3A_220 = arith.addf %mul3A_208, %mul3A_219 : vector<16xf32>
        %add3A_221 = arith.constant 2048 : i32
        %add3A_222 = arith.addi %add3A_221, %mul3A_198 : i32
        %get3A_223 = arith.index_cast %add3A_222 : i32 to index
        %get3A_224 = tpu.vector_load %arg18[%get3A_223] {strides = array<i32>} : memref<16384xf32, #tpu.memory_space<vmem>>, vector<16xf32>,
        %get3A_225 = vector.shape_cast %get3A_224 : vector<16xf32> to vector<16xf32>
        %add3A_226 = arith.constant 2048 : i32
        %add3A_227 = arith.addi %add3A_226, %mul3A_198 : i32
        %get3A_228 = arith.index_cast %add3A_227 : i32 to index
        %get3A_229 = tpu.vector_load %arg16[%get3A_228] {strides = array<i32>} : memref<16384xf32, #tpu.memory_space<vmem>>, vector<16xf32>,
        %get3A_230 = vector.shape_cast %get3A_229 : vector<16xf32> to vector<16xf32>
        %mul3A_231 = arith.mulf %get3A_225, %get3A_230 : vector<16xf32>
        %add3A_232 = arith.addf %add3A_220, %mul3A_231 : vector<16xf32>
        %add3A_233 = arith.constant 3072 : i32
        %add3A_234 = arith.addi %add3A_233, %mul3A_198 : i32
        %get3A_235 = arith.index_cast %add3A_234 : i32 to index
        %get3A_236 = tpu.vector_load %arg18[%get3A_235] {strides = array<i32>} : memref<16384xf32, #tpu.memory_space<vmem>>, vector<16xf32>,
        %get3A_237 = vector.shape_cast %get3A_236 : vector<16xf32> to vector<16xf32>
        %add3A_238 = arith.constant 3072 : i32
        %add3A_239 = arith.addi %add3A_238, %mul3A_198 : i32
        %get3A_240 = arith.index_cast %add3A_239 : i32 to index
        %get3A_241 = tpu.vector_load %arg16[%get3A_240] {strides = array<i32>} : memref<16384xf32, #tpu.memory_space<vmem>>, vector<16xf32>,
        %get3A_242 = vector.shape_cast %get3A_241 : vector<16xf32> to vector<16xf32>
        %mul3A_243 = arith.mulf %get3A_237, %get3A_242 : vector<16xf32>
        %add3A_244 = arith.addf %add3A_232, %mul3A_243 : vector<16xf32>
        %add3A_245 = arith.constant 4096 : i32
        %add3A_246 = arith.addi %add3A_245, %mul3A_198 : i32
        %get3A_247 = arith.index_cast %add3A_246 : i32 to index
        %get3A_248 = tpu.vector_load %arg18[%get3A_247] {strides = array<i32>} : memref<16384xf32, #tpu.memory_space<vmem>>, vector<16xf32>,
        %get3A_249 = vector.shape_cast %get3A_248 : vector<16xf32> to vector<16xf32>
        %add3A_250 = arith.constant 4096 : i32
        %add3A_251 = arith.addi %add3A_250, %mul3A_198 : i32
        %get3A_252 = arith.index_cast %add3A_251 : i32 to index
        %get3A_253 = tpu.vector_load %arg16[%get3A_252] {strides = array<i32>} : memref<16384xf32, #tpu.memory_space<vmem>>, vector<16xf32>,
        %get3A_254 = vector.shape_cast %get3A_253 : vector<16xf32> to vector<16xf32>
        %mul3A_255 = arith.mulf %get3A_249, %get3A_254 : vector<16xf32>
        %add3A_256 = arith.addf %add3A_244, %mul3A_255 : vector<16xf32>
        %add3A_257 = arith.constant 5120 : i32
        %add3A_258 = arith.addi %add3A_257, %mul3A_198 : i32
        %get3A_259 = arith.index_cast %add3A_258 : i32 to index
        %get3A_260 = tpu.vector_load %arg18[%get3A_259] {strides = array<i32>} : memref<16384xf32, #tpu.memory_space<vmem>>, vector<16xf32>,
        %get3A_261 = vector.shape_cast %get3A_260 : vector<16xf32> to vector<16xf32>
        %add3A_262 = arith.constant 5120 : i32
        %add3A_263 = arith.addi %add3A_262, %mul3A_198 : i32
        %get3A_264 = arith.index_cast %add3A_263 : i32 to index
        %get3A_265 = tpu.vector_load %arg16[%get3A_264] {strides = array<i32>} : memref<16384xf32, #tpu.memory_space<vmem>>, vector<16xf32>,
        %get3A_266 = vector.shape_cast %get3A_265 : vector<16xf32> to vector<16xf32>
        %mul3A_267 = arith.mulf %get3A_261, %get3A_266 : vector<16xf32>
        %add3A_268 = arith.addf %add3A_256, %mul3A_267 : vector<16xf32>
        %add3A_269 = arith.constant 6144 : i32
        %add3A_270 = arith.addi %add3A_269, %mul3A_198 : i32
        %get3A_271 = arith.index_cast %add3A_270 : i32 to index
        %get3A_272 = tpu.vector_load %arg18[%get3A_271] {strides = array<i32>} : memref<16384xf32, #tpu.memory_space<vmem>>, vector<16xf32>,
        %get3A_273 = vector.shape_cast %get3A_272 : vector<16xf32> to vector<16xf32>
        %add3A_274 = arith.constant 6144 : i32
        %add3A_275 = arith.addi %add3A_274, %mul3A_198 : i32
        %get3A_276 = arith.index_cast %add3A_275 : i32 to index
        %get3A_277 = tpu.vector_load %arg16[%get3A_276] {strides = array<i32>} : memref<16384xf32, #tpu.memory_space<vmem>>, vector<16xf32>,
        %get3A_278 = vector.shape_cast %get3A_277 : vector<16xf32> to vector<16xf32>
        %mul3A_279 = arith.mulf %get3A_273, %get3A_278 : vector<16xf32>
        %add3A_280 = arith.addf %add3A_268, %mul3A_279 : vector<16xf32>
        %add3A_281 = arith.constant 7168 : i32
        %add3A_282 = arith.addi %add3A_281, %mul3A_198 : i32
        %get3A_283 = arith.index_cast %add3A_282 : i32 to index
        %get3A_284 = tpu.vector_load %arg18[%get3A_283] {strides = array<i32>} : memref<16384xf32, #tpu.memory_space<vmem>>, vector<16xf32>,
        %get3A_285 = vector.shape_cast %get3A_284 : vector<16xf32> to vector<16xf32>
        %add3A_286 = arith.constant 7168 : i32
        %add3A_287 = arith.addi %add3A_286, %mul3A_198 : i32
        %get3A_288 = arith.index_cast %add3A_287 : i32 to index
        %get3A_289 = tpu.vector_load %arg16[%get3A_288] {strides = array<i32>} : memref<16384xf32, #tpu.memory_space<vmem>>, vector<16xf32>,
        %get3A_290 = vector.shape_cast %get3A_289 : vector<16xf32> to vector<16xf32>
        %mul3A_291 = arith.mulf %get3A_285, %get3A_290 : vector<16xf32>
        %add3A_292 = arith.addf %add3A_280, %mul3A_291 : vector<16xf32>
        %add3A_293 = arith.constant 8192 : i32
        %add3A_294 = arith.addi %add3A_293, %mul3A_198 : i32
        %get3A_295 = arith.index_cast %add3A_294 : i32 to index
        %get3A_296 = tpu.vector_load %arg18[%get3A_295] {strides = array<i32>} : memref<16384xf32, #tpu.memory_space<vmem>>, vector<16xf32>,
        %get3A_297 = vector.shape_cast %get3A_296 : vector<16xf32> to vector<16xf32>
        %add3A_298 = arith.constant 8192 : i32
        %add3A_299 = arith.addi %add3A_298, %mul3A_198 : i32
        %get3A_300 = arith.index_cast %add3A_299 : i32 to index
        %get3A_301 = tpu.vector_load %arg16[%get3A_300] {strides = array<i32>} : memref<16384xf32, #tpu.memory_space<vmem>>, vector<16xf32>,
        %get3A_302 = vector.shape_cast %get3A_301 : vector<16xf32> to vector<16xf32>
        %mul3A_303 = arith.mulf %get3A_297, %get3A_302 : vector<16xf32>
        %add3A_304 = arith.addf %add3A_292, %mul3A_303 : vector<16xf32>
        %add3A_305 = arith.constant 9216 : i32
        %add3A_306 = arith.addi %add3A_305, %mul3A_198 : i32
        %get3A_307 = arith.index_cast %add3A_306 : i32 to index
        %get3A_308 = tpu.vector_load %arg18[%get3A_307] {strides = array<i32>} : memref<16384xf32, #tpu.memory_space<vmem>>, vector<16xf32>,
        %get3A_309 = vector.shape_cast %get3A_308 : vector<16xf32> to vector<16xf32>
        %add3A_310 = arith.constant 9216 : i32
        %add3A_311 = arith.addi %add3A_310, %mul3A_198 : i32
        %get3A_312 = arith.index_cast %add3A_311 : i32 to index
        %get3A_313 = tpu.vector_load %arg16[%get3A_312] {strides = array<i32>} : memref<16384xf32, #tpu.memory_space<vmem>>, vector<16xf32>,
        %get3A_314 = vector.shape_cast %get3A_313 : vector<16xf32> to vector<16xf32>
        %mul3A_315 = arith.mulf %get3A_309, %get3A_314 : vector<16xf32>
        %add3A_316 = arith.addf %add3A_304, %mul3A_315 : vector<16xf32>
        %add3A_317 = arith.constant 10240 : i32
        %add3A_318 = arith.addi %add3A_317, %mul3A_198 : i32
        %get3A_319 = arith.index_cast %add3A_318 : i32 to index
        %get3A_320 = tpu.vector_load %arg18[%get3A_319] {strides = array<i32>} : memref<16384xf32, #tpu.memory_space<vmem>>, vector<16xf32>,
        %get3A_321 = vector.shape_cast %get3A_320 : vector<16xf32> to vector<16xf32>
        %add3A_322 = arith.constant 10240 : i32
        %add3A_323 = arith.addi %add3A_322, %mul3A_198 : i32
        %get3A_324 = arith.index_cast %add3A_323 : i32 to index
        %get3A_325 = tpu.vector_load %arg16[%get3A_324] {strides = array<i32>} : memref<16384xf32, #tpu.memory_space<vmem>>, vector<16xf32>,
        %get3A_326 = vector.shape_cast %get3A_325 : vector<16xf32> to vector<16xf32>
        %mul3A_327 = arith.mulf %get3A_321, %get3A_326 : vector<16xf32>
        %add3A_328 = arith.addf %add3A_316, %mul3A_327 : vector<16xf32>
        %add3A_329 = arith.constant 11264 : i32
        %add3A_330 = arith.addi %add3A_329, %mul3A_198 : i32
        %get3A_331 = arith.index_cast %add3A_330 : i32 to index
        %get3A_332 = tpu.vector_load %arg18[%get3A_331] {strides = array<i32>} : memref<16384xf32, #tpu.memory_space<vmem>>, vector<16xf32>,
        %get3A_333 = vector.shape_cast %get3A_332 : vector<16xf32> to vector<16xf32>
        %add3A_334 = arith.constant 11264 : i32
        %add3A_335 = arith.addi %add3A_334, %mul3A_198 : i32
        %get3A_336 = arith.index_cast %add3A_335 : i32 to index
        %get3A_337 = tpu.vector_load %arg16[%get3A_336] {strides = array<i32>} : memref<16384xf32, #tpu.memory_space<vmem>>, vector<16xf32>,
        %get3A_338 = vector.shape_cast %get3A_337 : vector<16xf32> to vector<16xf32>
        %mul3A_339 = arith.mulf %get3A_333, %get3A_338 : vector<16xf32>
        %add3A_340 = arith.addf %add3A_328, %mul3A_339 : vector<16xf32>
        %add3A_341 = arith.constant 12288 : i32
        %add3A_342 = arith.addi %add3A_341, %mul3A_198 : i32
        %get3A_343 = arith.index_cast %add3A_342 : i32 to index
        %get3A_344 = tpu.vector_load %arg18[%get3A_343] {strides = array<i32>} : memref<16384xf32, #tpu.memory_space<vmem>>, vector<16xf32>,
        %get3A_345 = vector.shape_cast %get3A_344 : vector<16xf32> to vector<16xf32>
        %add3A_346 = arith.constant 12288 : i32
        %add3A_347 = arith.addi %add3A_346, %mul3A_198 : i32
        %get3A_348 = arith.index_cast %add3A_347 : i32 to index
        %get3A_349 = tpu.vector_load %arg16[%get3A_348] {strides = array<i32>} : memref<16384xf32, #tpu.memory_space<vmem>>, vector<16xf32>,
        %get3A_350 = vector.shape_cast %get3A_349 : vector<16xf32> to vector<16xf32>
        %mul3A_351 = arith.mulf %get3A_345, %get3A_350 : vector<16xf32>
        %add3A_352 = arith.addf %add3A_340, %mul3A_351 : vector<16xf32>
        %add3A_353 = arith.constant 13312 : i32
        %add3A_354 = arith.addi %add3A_353, %mul3A_198 : i32
        %get3A_355 = arith.index_cast %add3A_354 : i32 to index
        %get3A_356 = tpu.vector_load %arg18[%get3A_355] {strides = array<i32>} : memref<16384xf32, #tpu.memory_space<vmem>>, vector<16xf32>,
        %get3A_357 = vector.shape_cast %get3A_356 : vector<16xf32> to vector<16xf32>
        %add3A_358 = arith.constant 13312 : i32
        %add3A_359 = arith.addi %add3A_358, %mul3A_198 : i32
        %get3A_360 = arith.index_cast %add3A_359 : i32 to index
        %get3A_361 = tpu.vector_load %arg16[%get3A_360] {strides = array<i32>} : memref<16384xf32, #tpu.memory_space<vmem>>, vector<16xf32>,
        %get3A_362 = vector.shape_cast %get3A_361 : vector<16xf32> to vector<16xf32>
        %mul3A_363 = arith.mulf %get3A_357, %get3A_362 : vector<16xf32>
        %add3A_364 = arith.addf %add3A_352, %mul3A_363 : vector<16xf32>
        %add3A_365 = arith.constant 14336 : i32
        %add3A_366 = arith.addi %add3A_365, %mul3A_198 : i32
        %get3A_367 = arith.index_cast %add3A_366 : i32 to index
        %get3A_368 = tpu.vector_load %arg18[%get3A_367] {strides = array<i32>} : memref<16384xf32, #tpu.memory_space<vmem>>, vector<16xf32>,
        %get3A_369 = vector.shape_cast %get3A_368 : vector<16xf32> to vector<16xf32>
        %add3A_370 = arith.constant 14336 : i32
        %add3A_371 = arith.addi %add3A_370, %mul3A_198 : i32
        %get3A_372 = arith.index_cast %add3A_371 : i32 to index
        %get3A_373 = tpu.vector_load %arg16[%get3A_372] {strides = array<i32>} : memref<16384xf32, #tpu.memory_space<vmem>>, vector<16xf32>,
        %get3A_374 = vector.shape_cast %get3A_373 : vector<16xf32> to vector<16xf32>
        %mul3A_375 = arith.mulf %get3A_369, %get3A_374 : vector<16xf32>
        %add3A_376 = arith.addf %add3A_364, %mul3A_375 : vector<16xf32>
        %add3A_377 = arith.constant 15360 : i32
        %add3A_378 = arith.addi %add3A_377, %mul3A_198 : i32
        %get3A_379 = arith.index_cast %add3A_378 : i32 to index
        %get3A_380 = tpu.vector_load %arg18[%get3A_379] {strides = array<i32>} : memref<16384xf32, #tpu.memory_space<vmem>>, vector<16xf32>,
        %get3A_381 = vector.shape_cast %get3A_380 : vector<16xf32> to vector<16xf32>
        %add3A_382 = arith.constant 15360 : i32
        %add3A_383 = arith.addi %add3A_382, %mul3A_198 : i32
        %get3A_384 = arith.index_cast %add3A_383 : i32 to index
        %get3A_385 = tpu.vector_load %arg16[%get3A_384] {strides = array<i32>} : memref<16384xf32, #tpu.memory_space<vmem>>, vector<16xf32>,
        %get3A_386 = vector.shape_cast %get3A_385 : vector<16xf32> to vector<16xf32>
        %mul3A_387 = arith.mulf %get3A_381, %get3A_386 : vector<16xf32>
        %add3A_388 = arith.addf %add3A_376, %mul3A_387 : vector<16xf32>
        %swap3A = arith.index_cast %mul3A_198 : i32 to index
        %swap3A_389 = tpu.vector_load %arg20[%swap3A] {strides = array<i32>} : memref<1024xf32, #tpu.memory_space<vmem>>, vector<16xf32>,
        %swap3A_390 = vector.shape_cast %swap3A_389 : vector<16xf32> to vector<16xf32>
        %swap3A_391 = vector.shape_cast %add3A_388 : vector<16xf32> to vector<16xf32>
        tpu.vector_store %arg20[%swap3A], %swap3A_391 {strides = array<i32>} : memref<1024xf32, #tpu.memory_space<vmem>>, vector<16xf32>,
      }
      %scan3A_184 = arith.constant 64 : i32
      %mul3A_185 = arith.constant 32768 : i32
      %mul3A_186 = arith.muli %add3A, %mul3A_185 : i32
      %mul3A_187 = arith.constant 1024 : i32
      %mul3A_188 = arith.muli %add3A_26, %mul3A_187 : i32
      %add3A_189 = arith.addi %mul3A_186, %mul3A_188 : i32
      %dma_start3A_190 = tpu.memref_slice %arg8[%add3A_189] : memref<1048576xf32, #tpu.memory_space<hbm>> -> memref<1024xf32, #tpu.memory_space<hbm>>
      %dma_start3A_191 = tpu.memref_slice %arg8[%add3A_189] : memref<1048576xf32, #tpu.memory_space<hbm>> -> memref<1024xf32, #tpu.memory_space<hbm>>
      tpu.enqueue_dma source(%arg20 : memref<1024xf32, #tpu.memory_space<vmem>>) target(%dma_start3A_191 : memref<1024xf32, #tpu.memory_space<hbm>>) target_semaphore(%arg23 : memref<!tpu.dma_semaphore, #tpu.memory_space<semaphore_mem>>)
      %dma_wait3A_192 = tpu.memref_slice %arg8[%add3A_142] : memref<1048576xf32, #tpu.memory_space<hbm>> -> memref<1024xf32, #tpu.memory_space<hbm>>
      %dma_wait3A_193 = tpu.memref_slice %arg8[%add3A_142] : memref<1048576xf32, #tpu.memory_space<hbm>> -> memref<1024xf32, #tpu.memory_space<hbm>>
      tpu.wait_dma2 semaphore(%arg23 : memref<!tpu.dma_semaphore, #tpu.memory_space<semaphore_mem>>) src(%arg19 : memref<1024xf32, #tpu.memory_space<vmem>>) dst(%dma_wait3A_193 : memref<1024xf32, #tpu.memory_space<hbm>>)
      %dma_wait3A_194 = tpu.memref_slice %arg8[%add3A_189] : memref<1048576xf32, #tpu.memory_space<hbm>> -> memref<1024xf32, #tpu.memory_space<hbm>>
      %dma_wait3A_195 = tpu.memref_slice %arg8[%add3A_189] : memref<1048576xf32, #tpu.memory_space<hbm>> -> memref<1024xf32, #tpu.memory_space<hbm>>
      tpu.wait_dma2 semaphore(%arg23 : memref<!tpu.dma_semaphore, #tpu.memory_space<semaphore_mem>>) src(%arg20 : memref<1024xf32, #tpu.memory_space<vmem>>) dst(%dma_wait3A_195 : memref<1024xf32, #tpu.memory_space<hbm>>)
    }
    %scan3A_21 = arith.constant 16 : i32
    return
  }
}

</mosaic_0001>

<sc_bundles>
// kernel: kernel.3.cloned.1.call-start
scs
__scs_entry_jumppad:
0x0: {  	(pc) =	sbr.rel $0x88, $3  }
0x1: {  	(tag) =	ssettag $0x0;
	lr =	simm.s32 $0x1  }
0x2: {  	[smem:$0x3F9C] =	sst lr;
	_ =	strace $0xD0000000  }
0x3: {  	_ = 	snop  }
0x4: {  	_ = 	snop  }
0x5: {  	_ = 	snop  }
0x6: {  	_ = 	snop  }
0x7: {  	_ = 	snop  }
__scs_overlays_trampoline_lowered:
0x8: {  	[smem:$0x3FAB] =	sst s0  }
0x9: {  	[smem:$0x3FAC] =	sst s1  }
0xa: {  	[smem:$0x3FAD] =	sst s2  }
0xb: {  	[smem:$0x3FAE] =	sst s3  }
0xc: {  	[smem:$0x3FAF] =	sst s4  }
0xd: {  	[smem:$0x3FB0] =	sst s5  }
0xe: {  	[smem:$0x3FB1] =	sst s6  }
0xf: {  	[smem:$0x3FB2] =	sst s7  }
0x10: {  	[smem:$0x3FB3] =	sst s8  }
0x11: {  	[smem:$0x3FB4] =	sst s9;
	s0 =	simm.s32 @!p0 $0x0  }
0x12: {  	s1 =	sld [smem:$0x3F9A];
	s0 =	simm.s32 @p0 $0x1  }
0x13: {  	[smem:$0x3FB5] =	sst s0;
	s0 =	simm.s32 @!p1 $0x0  }
0x14: {  	s2 =	sld [smem:$0x3F99];
	s0 =	simm.s32 @p1 $0x1  }
0x15: {  	[smem:$0x3FB6] =	sst s0;
	s0 =	simm.s32 @!p2 $0x0  }
0x16: {  	s3 =	sld [smem:$0x3FDB];
	s0 =	simm.s32 @p2 $0x1  }
0x17: {  	s4 =	simm.s32 $0x1BF5;
	[smem:$0x3FB8] =	sst s0  }
0x18: {  	s0 =	sld [smem:$0x3F9B];
	_ =	swait.ge [sflag:s4], $0x0  }
0x19: {  	s7 =	sld [smem:$0x3F9C]  }
0x1a: {  	s8 =	sadd.s32 $0xFFFFE003, lr  }
0x1b: {  	s9 =	sadd.s32 $0xFFFFFEF7, lr;
	s5 =	simm.s32 $0xFFFFFFFF;
	p2 =	slt.u32 s8, $0xFFFFF086  }
0x1c: {  	p1 =	slt.u32 s9, $0xF7A;
	s5 =	simm.s32 @!p2 $0x0  }
0x1d: {  	s5 =	simm.s32 @p1 $0x1;
	p0 =	seq.s32 s7, s2  }
0x1e: {  	s7 =	smul.u32 @!p0 $0xF7A, s2;
	p2 =	seq.s32 @!p0 s5, $0x0  }
0x1f: {  	s9 =	smul.u32 $0xF7A, s1;
	s8 =	simm.s32 @!p0 $0x1BF5;
	p2 =	por !p2, p0  }
0x20: {  	[sflag:s8] =	ssyncset.s32 @!p0 $0xFFFFF086;
	s6 =	sadd.s32 @!p0 s3, s7;
	s7 =	simm.s32 @!p0 $0x108  }
0x21: {  	s3 =	sadd.s32 s3, s9;
	s6 =	sadd.s32 @!p0 $0x88, s6;
	s7 =	simm.s32 @p2 $0x1082  }
0x22: {  	[simem:s7], [sflag:s8] =	dma.local @!p0 [hbm:s6], $0xF7A  }
0x23: {  	s9 =	sor.u32 $0xD0000000, s2;
	s6 =	simm.s32 $0x108;
	_ =	swait.ge @!p0 [sflag:s8], $0x0  }
0x24: {  	s3 =	sadd.s32 $0x88, s3;
	s6 =	simm.s32 @!p1 $0x1082;
	[sflag:s4] =	ssyncset.s32 $0xFFFFF086  }
0x25: {  	[simem:s6], [sflag:s4] =	dma.local [hbm:s3], $0xF7A  }
0x26: {  	[smem:$0x3F9C] =	sst s1;
	(tag) =	ssettag s2;
	_ =	strace s9  }
0x27: {  	s1 =	sld [smem:$0x3FAC]  }
0x28: {  	s2 =	sld [smem:$0x3FAD]  }
0x29: {  	s4 =	sld [smem:$0x3FAF]  }
0x2a: {  	p0 =	seq.s32 s5, $0x0;
	s5 =	sld [smem:$0x3FB0]  }
0x2b: {  	s6 =	sld [smem:$0x3FB1]  }
0x2c: {  	s7 =	sld [smem:$0x3FB2]  }
0x2d: {  	s3 =	simm.s32 $0x108;
	s8 =	sld [smem:$0x3FB3]  }
0x2e: {  	s3 =	simm.s32 @!p0 $0x1082;
	s9 =	sld [smem:$0x3FB4]  }
0x2f: {  	lr =	sadd.s32 s0, s3;
	s0 =	sld [smem:$0x3FAB]  }
0x30: {  	s3 =	sld [smem:$0x3FAE]  }
0x31: {  	[smem:$0x3FB7] =	sst s10  }
0x32: {  	s10 =	sld [smem:$0x3FB5];
	_ =	sdelay $0x3  }
0x33: {  	p0 =	seq.s32 s10, $0x1;
	s10 =	sld [smem:$0x3FB7];
	_ =	sdelay $0x3  }
0x34: {  	[smem:$0x3FB7] =	sst s10  }
0x35: {  	s10 =	sld [smem:$0x3FB6];
	_ =	sdelay $0x3  }
0x36: {  	p1 =	seq.s32 s10, $0x1;
	s10 =	sld [smem:$0x3FB7];
	_ =	sdelay $0x3  }
0x37: {  	[smem:$0x3FB7] =	sst s10  }
0x38: {  	s10 =	sld [smem:$0x3FB8]  }
0x39: {  	_ = 	snop;
	(pc) =	sbr.ind lr, $3  }
0x3a: {  	_ = 	snop  }
0x3b: {  	_ = 	snop  }
0x3c: {  	p2 =	seq.s32 s10, $0x1;
	s10 =	sld [smem:$0x3FB7]  }
0x3d: {  	_ =	shalt  }
0x3e: {  	_ =	shalt  }
0x3f: {  	_ =	shalt  }
0x40: {  	_ =	shalt  }
0x41: {  	_ =	shalt  }
0x42: {  	_ =	shalt  }
0x43: {  	_ =	shalt  }
0x44: {  	_ =	shalt  }
0x45: {  	_ =	shalt  }
0x46: {  	_ =	shalt  }
0x47: {  	_ =	shalt  }
0x48: {  	_ =	shalt  }
0x49: {  	_ =	shalt  }
0x4a: {  	_ =	shalt  }
0x4b: {  	_ =	shalt  }
0x4c: {  	_ =	shalt  }
0x4d: {  	_ =	shalt  }
0x4e: {  	_ =	shalt  }
0x4f: {  	_ =	shalt  }
0x50: {  	_ =	shalt  }
0x51: {  	_ =	shalt  }
0x52: {  	_ =	shalt  }
0x53: {  	_ =	shalt  }
0x54: {  	_ =	shalt  }
0x55: {  	_ =	shalt  }
0x56: {  	_ =	shalt  }
0x57: {  	_ =	shalt  }
0x58: {  	_ =	shalt  }
0x59: {  	_ =	shalt  }
0x5a: {  	_ =	shalt  }
0x5b: {  	_ =	shalt  }
0x5c: {  	_ =	shalt  }
0x5d: {  	_ =	shalt  }
0x5e: {  	_ =	shalt  }
0x5f: {  	_ =	shalt  }
0x60: {  	_ =	shalt  }
0x61: {  	_ =	shalt  }
0x62: {  	_ =	shalt  }
0x63: {  	_ =	shalt  }
0x64: {  	_ =	shalt  }
0x65: {  	_ =	shalt  }
0x66: {  	_ =	shalt  }
0x67: {  	_ =	shalt  }
0x68: {  	_ =	shalt  }
0x69: {  	_ =	shalt  }
0x6a: {  	_ =	shalt  }
0x6b: {  	_ =	shalt  }
0x6c: {  	_ =	shalt  }
0x6d: {  	_ =	shalt  }
0x6e: {  	_ =	shalt  }
0x6f: {  	_ =	shalt  }
0x70: {  	_ =	shalt  }
0x71: {  	_ =	shalt  }
0x72: {  	_ =	shalt  }
0x73: {  	_ =	shalt  }
0x74: {  	_ =	shalt  }
0x75: {  	_ =	shalt  }
0x76: {  	_ =	shalt  }
0x77: {  	_ =	shalt  }
0x78: {  	_ =	shalt  }
0x79: {  	_ =	shalt  }
0x7a: {  	_ =	shalt  }
0x7b: {  	_ =	shalt  }
0x7c: {  	_ =	shalt  }
0x7d: {  	_ =	shalt  }
0x7e: {  	_ =	shalt  }
0x7f: {  	_ =	shalt  }
0x80: {  	_ =	shalt  }
0x81: {  	_ =	shalt  }
0x82: {  	_ =	shalt  }
0x83: {  	_ =	shalt  }
0x84: {  	_ =	shalt  }
0x85: {  	_ =	shalt  }
0x86: {  	_ =	shalt  }
0x87: {  	_ =	shalt  }
.Lfunc_end0:
.L_simem_size_0:
called_computation.1_lowered:
.L_overlay_start_0:
0x88: {  	s2 =	sld [smem:$0x3FD9]  }
0x89: {  	s3 =	sld [smem:$0x3FFE];
	_ =	sdelay $0x1  }
0x8a: {  	s1 =	srdreg.scid  }
0x8b: {  	s0 =	sand.u32 $0x1, s1  }
0x8c: {  	s17 =	sshll.u32 s0, $0xA;
	s2 =	sadd.s32 s3, s2  }
0x8d: {  	s2 =	sadd.s32 s2, s17  }
0x8e: {  	[smem:$0x3FC3] =	sst s2  }
0x8f: {  	_ = 	snop  }
0x90: {  	s2 =	sld [smem:$0x3FD0];
	(tm) =	ssettm $0x1  }
0x91: {  	s18 =	sld [smem:$0x3FFB];
	_ =	sdelay $0x3  }
0x92: {  	_ =	strace s18  }
0x93: {  	s3 =	sld [smem:$0x3FFC];
	_ =	sdelay $0x3  }
0x94: {  	_ =	strace s3  }
0x95: {  	s3 =	sld [smem:$0x3FFD];
	_ =	sdelay $0x3  }
0x96: {  	_ =	strace s3  }
0x97: {  	_ =	strace $0x8FFFFFFF  }
0x98: {  	s19 =	sld [smem:$0x3FDB];
	_ =	sdelay $0x1  }
0x99: {  	s4 =	simm.s32 $_scs_section_size  }
0x9a: {  	s5 =	simm.s32 $_size__tile_overlayer_lowered;
	s6 =	simm.s32 $_tile_overlayer_lowered  }
0x9b: {  	s22 =	simm.s32 $0x1BFF;
	s21 =	sshll.u32 s6, $0x1;
	s3 =	sadd.s32 s4, s19  }
0x9c: {  	s7 =	simm.s32 $0x0;
	s20 =	sshll.u32 s5, $0x1;
	s5 =	sadd.s32 s21, s3  }
0x9d: {  	[timem:s7], [sflag:s22] =	dma.local [hbm:s5], s20  }
0x9e: {  	_ =	swait.ge [sflag:s22], s20  }
0x9f: {  	s4 =	ssub.s32 $0x0, s20;
	[sflag:s22] =	ssyncset.done $0x0  }
0xa0: {  	[sflag:s22] =	ssyncadd.s32 s4;
	_ =	sdelay $0x1  }
0xa1: {  	s23 =	simm.s32 $0x1B8B  }
0xa2: {  	_ =	swait.ge [sflag:s23], $0x1  }
0xa3: {  	[sflag:s23] =	ssyncset.done $0x0  }
0xa4: {  	s25 =	simm.s32 $0x1B8E;
	s24 =	sld [smem:$0x3FFE];
	[sflag:s23] =	ssyncadd.s32 $0xFFFFFFFF  }
0xa5: {  	s26 =	simm.s32 $execute0_lowered;
	[smem:$0x3FD2] =	sst s25  }
0xa6: {  	s5 =	sshll.u32 s26, $0x1;
	_ =	strace $0x80000049;
	[dreg:$0x1] =	wrdreg $0xFFFFFFFF  }
0xa7: {  	s28 =	simm.s32 $_size_execute0_lowered;
	s3 =	sadd.s32 s3, s5;
	[dreg:$0x0] =	wrdreg $0x0  }
0xa8: {  	s5 =	sshll.u32 s28, $0x1;
	[dreg:$0x2] =	wrdreg s3  }
0xa9: {  	[dreg:$0x3] =	wrdreg s5  }
0xaa: {  	[dreg:$0x4] =	wrdreg $0xC0  }
0xab: {  	_ =	task [dreg:s7], $0x5FFFF  }
0xac: {  	[dreg:$0x1] =	wrdreg $0xFFFFFFFF  }
0xad: {  	[dreg:$0x0] =	wrdreg $0x60  }
0xae: {  	[dreg:$0x2] =	wrdreg s24  }
0xaf: {  	[dreg:$0x3] =	wrdreg s2  }
0xb0: {  	[dreg:$0x4] =	wrdreg $0x9  }
0xb1: {  	_ =	task.clear_ibuf [dreg:s7], $0x5FFFF;
	_ =	strace $0x90000049  }
0xb2: {  	s29 =	simm.s32 $0x9;
	_ =	strace $0x8000004B  }
0xb3: {  	_ =	swait.ge [sflag:s29], $0x1  }
0xb4: {  	[sflag:s29] =	ssyncadd.s32 $0xFFFFFFFF  }
0xb5: {  	_ =	strace $0x9000004B  }
0xb6: {  	_ =	sfence  }
0xb7: {  	s30 =	sld [smem:$0x0];
	_ =	sdelay $0x2  }
0xb8: {  	s31 =	sshll.u32 s1, $0xD;
	s1 =	sshrl.u32 s1, $0x2  }
0xb9: {  	s3 =	sand.u32 $0x4000, s31;
	s1 =	sadd.s32 s1, s30  }
0xba: {  	s0 =	sor.u32 s3, s0;
	s1 =	sshll.u32 s1, $0x11  }
0xbb: {  	s0 =	sor.u32 s1, s0  }
0xbc: {  	s0 =	sadd.s32 $0x8F2B, s0  }
0xbd: {  	[sflag:s0] =	ssyncadd.remote.s32 $0x1  }
0xbe: {  	_ =	sfence.sel $0xFFFF  }
0xbf: {  	[dreg:$0x0] =	wrdreg $0xFFFFFFFF;
	(pc) =	sbr.abs _section_cstart, $3  }
0xc0: {  	[dreg:$0x1] =	wrdreg $0xFFFFFFFF  }
0xc1: {  	_ =	task.clear_ibuf [dreg:s7], $0x2FFFF;
	_ =	strace $0x9FFFFFFF  }
0xc2: {  	(tm) =	ssettm $0x7FFFFFFF  }
0xc3: {  	_ =	shalt  }
tec
execute0_lowered:
.L_overlay_start_1:
0x0: {  	(tag) =	ssettag $0x1  }
0x1: {  	s0 =	rddreg [dreg:$0x0]  }
0x2: {  	s1 =	rddreg [dreg:$0x1];
	s2 =	simm.s32 $0x0;
	s3 =	srdreg.scid  }
0x3: {  	s7 =	stileid.u32;
	s14 =	simm.s32 $0x400;
	s15 =	simm.s32 $0x2  }
0x4: {  	s18 =	simm.s32 $0x1000;
	s28 =	simm.s32 $0x15000;
	s29 =	simm.s32 $0xA000  }
0x5: {  	s30 =	simm.s32 $0x16000;
	s31 =	simm.s32 $0xB000;
	s13 =	simm.s32 $0x19000  }
0x6: {  	s16 =	simm.s32 $0x19400;
	s17 =	simm.s32 $0x3;
	s20 =	simm.s32 $0x0  }
0x7: {  	[smem:$0x7FF] =	sst s2;
	s4 =	sadd.s32 $0x2A9800, s0;
	s3 =	sand.u32 $0x1, s3  }
0x8: {  	s6 =	sadd.s32 $0x229800, s0;
	s8 =	sshll.u32 s7, $0x10;
	s7 =	sadd.s32 $0x209800, s0  }
0x9: {  	s5 =	sadd.s32 $0x1800, s0;
	s10 =	sadd.s32 $0x2C9800, s0;
	s9 =	sshll.u32 s3, $0xF  }
0xa: {  	_ =	strace $0x8000004A;
	s3 =	ssub.s32 $0x2, s3;
	s8 =	sor.u32 s9, s8  }
.Ltmp0:
0xb: {  	s11 =	sshrl.u32 s3, $0x1;
	s12 =	sshrl.u32 s8, $0x3;
	(pc) =	sbr.rel .LBB2_1-.Ltmp0, $4  }
0xc: {  	s9 =	sadd.s32 $0x201800, s0;
	s24 =	ssub.s32 s3, s11;
	s25 =	sadd.s32 s4, s12  }
0xd: {  	s3 =	simm.s32 $0xC000;
	s26 =	sadd.s32 s1, s12;
	[dreg:$0x3] =	wrdreg s25  }
0xe: {  	s11 =	simm.s32 $0x18000;
	s0 =	smax.u32 s24, $0x1;
	[dreg:$0x4] =	wrdreg s26  }
0xf: {  	v0 =	vimm.s32 $0x0;
	s12 =	simm.s32 $0x1;
	[dreg:$0x5] =	wrdreg s0;
	s0 =	simm.s32 $0x17000  }
.LBB2_15:
0x10: {  	s20 =	rddreg [dreg:$0x6]  }
0x11: {  	s19 =	rddreg [dreg:$0x5];
	s20 =	sadd.s32 $0x1, s20  }
0x12: {  	p0 =	sne.s32 s20, s19  }
.Ltmp1:
0x13: {  	_ = 	snop;
	(pc) =	sbr.rel @!p0 .LBB2_16-.Ltmp1, $1  }
0x14: {  	_ =	sdelay $0x3  }
.LBB2_1:
0x15: {  	[dreg:$0x6] =	wrdreg s20  }
0x16: {  	s19 =	rddreg [dreg:$0x3]  }
0x17: {  	[tilespmem:s2], [sflag:$0x2] =	stream.linear.gather [hbm4b:s19+s2], $0x400, $0x38;
	[tilespmem:$0x19800] =	vst v63  }
0x18: {  	s26 =	rddreg [dreg:$0x4]  }
0x19: {  	[tilespmem:s14], [sflag:$0x2] =	stream.linear.gather [hbm4b:s26+s2], $0x400, $0x38;
	[tilespmem:$0x19800] =	vst v63  }
0x1a: {  	_ =	swait.ge [sflag:s15], $0x400  }
0x1b: {  	[sflag:s15] =	ssyncset.done $0x0  }
0x1c: {  	[sflag:s15] =	ssyncadd.s32 $0xFFFFFC00  }
0x1d: {  	_ =	swait.ge [sflag:s15], $0x400  }
0x1e: {  	[sflag:s15] =	ssyncset.done $0x0  }
0x1f: {  	s19 =	simm.s32 $0x0;
	[sflag:s15] =	ssyncadd.s32 $0xFFFFFC00  }
0x20: {  	v1 =	vld [tilespmem:s19+$0x0];
	_ =	sdelay $0x1  }
0x21: {  	v2 =	vld [tilespmem:s19+$0x400];
	_ =	sdelay $0x2  }
0x22: {  	v3 =	vmul.f32 $4.096000000e+03, v1;
	v4 =	vmul.f32 $5.120000000e+02, v1  }
0x23: {  	v5 =	vmul.f32 $2.048000000e+03, v1;
	v6 =	vmul.f32 $1.024000000e+03, v1  }
0x24: {  	v1 =	vmul.f32 $4.096000000e+03, v2;
	v7 =	vmul.f32 $5.120000000e+02, v2  }
0x25: {  	v8 =	vmul.f32 $2.048000000e+03, v2;
	v4 =	vadd.f32 $-5.000000000e-01, v4;
	v3 =	vadd.f32 $-5.000000000e-01, v3  }
0x26: {  	v2 =	vmul.f32 $1.024000000e+03, v2;
	v9 =	vadd.f32 $-5.000000000e-01, v1;
	v7 =	vadd.f32 $-5.000000000e-01, v7  }
0x27: {  	v8 =	vadd.f32 $-5.000000000e-01, v8;
	v6 =	vadd.f32 $-5.000000000e-01, v6  }
0x28: {  	v14 =	vadd.f32 $-5.000000000e-01, v2;
	v1 =	vtrunc.f32 v4;
	v11 =	vtrunc.f32 v7  }
0x29: {  	v13 =	vtrunc.f32 v3;
	v15 =	vtrunc.f32 v8  }
0x2a: {  	v10 =	vadd.f32 $-5.000000000e-01, v5;
	v16 =	vtrunc.f32 v6;
	v17 =	vtrunc.f32 v14  }
0x2b: {  	v5 =	vcvt.f32.s32 v1;
	vm0 =	vlt.f32 v4, v1;
	v12 =	vcvt.f32.s32 v11  }
0x2c: {  	vm7 =	vlt.f32 v7, v11;
	vm8 =	vlt.f32 v3, v13;
	v13 =	vcvt.f32.s32 v13  }
0x2d: {  	vm9 =	vlt.f32 v8, v15;
	vm10 =	vlt.f32 v6, v16;
	v1 =	vsel vm0, $0xFFFFFFFF, v0  }
0x2e: {  	vm4 =	vlt.f32 v14, v17;
	v23 =	vsel vm9, $0xFFFFFFFF, v0;
	v1 =	vadd.s32 v5, v1  }
0x2f: {  	v24 =	vsel vm4, $0xFFFFFFFF, v0;
	v5 =	vsel vm7, $0xFFFFFFFF, v0;
	v11 =	vcvt.s32.f32 v1  }
0x30: {  	v2 =	vadd.s32 v12, v5;
	v5 =	vtrunc.f32 v9;
	v12 =	vtrunc.f32 v10  }
0x31: {  	v33 =	vadd.s32 $0x1, v1;
	v18 =	vadd.s32 $0x1, v2;
	v19 =	vcvt.f32.s32 v5  }
0x32: {  	vm1 =	vlt.f32 v9, v5;
	v22 =	vcvt.f32.s32 v12;
	vm3 =	vlt.f32 v10, v12  }
0x33: {  	v12 =	vcvt.f32.s32 v16;
	vm7 =	vgt.s32 v2, $0x0;
	v57 =	vor.u32 v33, v2  }
0x34: {  	v63 =	vor.u32 v1, v2;
	v4 =	vsub.f32 v4, v11;
	v11 =	vcvt.s32.f32 v2  }
0x35: {  	v21 =	vor.u32 v1, v18;
	v16 =	vsel vm1, $0xFFFFFFFF, v0;
	vm15 =	vgt.s32 v18, $0x0  }
0x36: {  	v41 =	vnsel vm7, $0x0, v2;
	vm2 =	vlt.u32 v21, $0x200;
	v21 =	vcvt.f32.s32 v15  }
0x37: {  	v15 =	vcvt.f32.s32 v17;
	v17 =	vsel vm3, $0xFFFFFFFF, v0;
	v16 =	vadd.s32 v19, v16  }
0x38: {  	v38 =	vnsel vm15, $0x0, v18;
	vm15 =	vgt.s32 v1, $0x0;
	v41 =	vmin.u32 v41, $0x1FF  }
0x39: {  	v7 =	vsub.f32 v7, v11;
	v11 =	vsub.f32 $1.000000000e+00, v4;
	v17 =	vadd.s32 v22, v17  }
0x3a: {  	v22 =	vadd.s32 $0x1, v16;
	vm14 =	vgt.s32 v16, $0x0;
	v55 =	vnsel vm15, $0x0, v1  }
0x3b: {  	v2 =	vshll.u32 v41, $0x9;
	v19 =	vadd.s32 v21, v23;
	v23 =	vcvt.s32.f32 v17  }
0x3c: {  	vm11 =	vgt.s32 v22, $0x0;
	v31 =	vadd.s32 $0x1, v17;
	v37 =	vnsel vm14, $0x0, v16  }
0x3d: {  	v20 =	vmul.f32 v11, v7;
	v29 =	vsub.f32 $1.000000000e+00, v7;
	vm5 =	vgt.s32 v19, $0x0  }
0x3e: {  	v34 =	vnsel vm11, $0x0, v22;
	vm9 =	vgt.s32 v31, $0x0;
	vm11 =	vgt.s32 v33, $0x0  }
0x3f: {  	v60 =	vmul.f32 v7, v4;
	v51 =	vor.u32 v31, v19;
	v10 =	vsub.f32 v10, v23  }
0x40: {  	v39 =	vnsel vm5, $0x0, v19;
	v34 =	vmin.u32 v34, $0xFFF;
	v61 =	vnsel vm11, $0x0, v33  }
0x41: {  	vm3 =	vlt.u32 v51, $0x800;
	v5 =	vnsel vm2, $0x0, v20;
	v20 =	vsel vm8, $0xFFFFFFFF, v0  }
0x42: {  	v47 =	vmul.f32 v29, v4;
	v1 =	vmin.u32 v61, $0x1FF;
	v13 =	vadd.s32 v13, v20  }
0x43: {  	v20 =	vsel vm10, $0xFFFFFFFF, v0;
	v25 =	vsub.f32 $1.000000000e+00, v10;
	v21 =	vcvt.s32.f32 v13  }
0x44: {  	v12 =	vadd.s32 v12, v20;
	v20 =	vadd.s32 v15, v24;
	v15 =	vcvt.s32.f32 v16  }
0x45: {  	v30 =	vadd.s32 $0x1, v13;
	v50 =	vor.u32 v13, v22;
	v56 =	vor.u32 v13, v16  }
0x46: {  	v24 =	vcvt.s32.f32 v12;
	v32 =	vadd.s32 $0x1, v12;
	vm6 =	vgt.s32 v20, $0x0  }
0x47: {  	vm8 =	vgt.s32 v30, $0x0;
	vm14 =	vgt.s32 v12, $0x0;
	v49 =	vor.u32 v30, v16  }
0x48: {  	v22 =	vor.u32 v30, v22;
	v62 =	vor.u32 v12, v20;
	vm1 =	vlt.u32 v50, $0x1000  }
0x49: {  	v3 =	vsub.f32 v3, v21;
	v21 =	vcvt.s32.f32 v19;
	v9 =	vsub.f32 v9, v15  }
0x4a: {  	v15 =	vcvt.s32.f32 v20;
	vm10 =	vgt.s32 v32, $0x0;
	v40 =	vnsel vm6, $0x0, v20  }
0x4b: {  	v53 =	vor.u32 v32, v20;
	vm0 =	vlt.u32 v49, $0x1000;
	vm2 =	vlt.u32 v22, $0x1000  }
0x4c: {  	v6 =	vsub.f32 v6, v24;
	v7 =	vnsel vm10, $0x0, v32;
	vm6 =	vlt.u32 v53, $0x400  }
0x4d: {  	vm10 =	vlt.u32 v57, $0x200;
	v8 =	vsub.f32 v8, v21;
	v21 =	vadd.s32 $0x1, v19  }
0x4e: {  	v23 =	vsub.f32 $1.000000000e+00, v3;
	v14 =	vsub.f32 v14, v15;
	v15 =	vadd.s32 $0x1, v20  }
0x4f: {  	v24 =	vsub.f32 $1.000000000e+00, v9;
	v44 =	vmul.f32 v9, v3;
	vm12 =	vgt.s32 v21, $0x0  }
0x50: {  	v27 =	vsub.f32 $1.000000000e+00, v6;
	vm13 =	vgt.s32 v15, $0x0;
	v52 =	vor.u32 v17, v21  }
0x51: {  	v32 =	vor.u32 v32, v15;
	v54 =	vor.u32 v12, v15;
	v26 =	vsub.f32 $1.000000000e+00, v8  }
0x52: {  	v28 =	vsub.f32 $1.000000000e+00, v14;
	v35 =	vnsel vm12, $0x0, v21;
	v36 =	vnsel vm13, $0x0, v15  }
0x53: {  	vm12 =	vgt.s32 v13, $0x0;
	vm13 =	vgt.s32 v17, $0x0;
	v42 =	vmul.f32 v24, v23  }
0x54: {  	v24 =	vmul.f32 v24, v3;
	v23 =	vmul.f32 v23, v9;
	v3 =	vmin.u32 v38, $0x1FF  }
0x55: {  	v38 =	vmul.f32 v29, v11;
	v11 =	vnsel vm8, $0x0, v30;
	v29 =	vmin.u32 v40, $0x3FF  }
0x56: {  	v21 =	vor.u32 v31, v21;
	v15 =	vshll.u32 v34, $0xC;
	vm4 =	vlt.u32 v52, $0x800  }
0x57: {  	vm7 =	vlt.u32 v54, $0x400;
	vm8 =	vlt.u32 v32, $0x400;
	v35 =	vmin.u32 v35, $0x7FF  }
0x58: {  	v36 =	vmin.u32 v36, $0x3FF;
	v48 =	vnsel vm12, $0x0, v13;
	v30 =	vnsel vm13, $0x0, v17  }
0x59: {  	v17 =	vor.u32 v17, v19;
	v19 =	vor.u32 v33, v18;
	v9 =	vshll.u32 v3, $0x9  }
0x5a: {  	v4 =	vmin.u32 v11, $0xFFF;
	v3 =	vmin.u32 v7, $0x3FF;
	v11 =	vshll.u32 v29, $0xA  }
0x5b: {  	vm5 =	vlt.u32 v21, $0x800;
	v43 =	vmul.f32 v26, v25;
	v26 =	vmul.f32 v26, v10  }
0x5c: {  	vm13 =	vlt.u32 v62, $0x400;
	v25 =	vmul.f32 v25, v8;
	v45 =	vmul.f32 v28, v27  }
0x5d: {  	v46 =	vmul.f32 v28, v6;
	v27 =	vmul.f32 v27, v14;
	v28 =	vmin.u32 v37, $0xFFF  }
0x5e: {  	v10 =	vmul.f32 v8, v10;
	v37 =	vmul.f32 v14, v6;
	v6 =	vnsel vm9, $0x0, v31  }
0x5f: {  	v8 =	vmin.u32 v39, $0x7FF;
	v31 =	vnsel vm14, $0x0, v12;
	v16 =	vshll.u32 v35, $0xB  }
0x60: {  	v14 =	vshll.u32 v36, $0xA;
	v18 =	vmin.u32 v48, $0xFFF;
	v20 =	vmin.u32 v30, $0x7FF  }
0x61: {  	v30 =	vmin.u32 v55, $0x1FF;
	vm9 =	vlt.u32 v56, $0x1000;
	vm11 =	vlt.u32 v19, $0x200  }
0x62: {  	vm12 =	vlt.u32 v17, $0x800;
	vm14 =	vlt.u32 v63, $0x200;
	v7 =	vnsel vm0, $0x0, v24  }
0x63: {  	v17 =	vnsel vm10, $0x0, v47;
	v12 =	vshll.u32 v28, $0xC;
	v6 =	vmin.u32 v6, $0x7FF  }
0x64: {  	[tilespmem:s19+$0x8800] =	vst v5;
	v13 =	vshll.u32 v8, $0xB;
	v29 =	vmin.u32 v31, $0x3FF;
	v5 =	vnsel vm9, $0x0, v42  }
0x65: {  	v8 =	vnsel vm1, $0x0, v23;
	v19 =	vnsel vm14, $0x0, v38;
	[tilespmem:s19+$0x5000] =	vst v5;
	v5 =	vnsel vm12, $0x0, v43  }
0x66: {  	[tilespmem:s19+$0x5400] =	vst v7;
	v23 =	vnsel vm3, $0x0, v26;
	v22 =	vnsel vm4, $0x0, v25;
	v28 =	vnsel vm13, $0x0, v45  }
0x67: {  	v24 =	vnsel vm6, $0x0, v46;
	v21 =	vnsel vm7, $0x0, v27;
	[tilespmem:s19+$0x5800] =	vst v8;
	v8 =	vnsel vm2, $0x0, v44  }
0x68: {  	s20 =	simm.s32 $0x10;
	s21 =	simm.s32 $0x80;
	v10 =	vnsel vm5, $0x0, v10;
	v7 =	vnsel vm8, $0x0, v37;
	[tilespmem:s19+$0x6000] =	vst v5;
	v5 =	vnsel vm11, $0x0, v60  }
.LBB2_2:
0x69: {  	p0 =	sne.s32 s21, $0xFC0;
	v25 =	vld [tilespmem:s20+$0x0];
	v26 =	vor.u32 v18, v15;
	v15 =	vor.u32 v4, v15;
	v27 =	vor.u32 v20, v16;
	[tilespmem:s19+$0x6400] =	vst v23  }
0x6a: {  	v16 =	vor.u32 v6, v16;
	[tilespmem:s19+$0x6800] =	vst v22;
	v22 =	vor.u32 v29, v14;
	v14 =	vor.u32 v3, v14  }
0x6b: {  	v18 =	vor.u32 v18, v12;
	v23 =	vld [tilespmem:s20+$0x400];
	[tilespmem:s19+$0x7000] =	vst v28;
	v28 =	vor.u32 v30, v9;
	v9 =	vor.u32 v1, v9  }
0x6c: {  	v12 =	vor.u32 v4, v12;
	v20 =	vor.u32 v20, v13;
	v6 =	vor.u32 v6, v13;
	[tilespmem:s19+$0x7400] =	vst v24  }
0x6d: {  	v13 =	vor.u32 v29, v11;
	v11 =	vor.u32 v3, v11;
	[tilespmem:s19+$0x7800] =	vst v21;
	v21 =	vor.u32 v30, v2  }
0x6e: {  	v24 =	vor.u32 v1, v2;
	v3 =	vmul.f32 $4.096000000e+03, v25;
	v4 =	vmul.f32 $5.120000000e+02, v25;
	[tilespmem:s19+$0x8000] =	vst v19  }
0x6f: {  	v1 =	vmul.f32 $2.048000000e+03, v25;
	v2 =	vmul.f32 $1.024000000e+03, v25;
	[tilespmem:s19+$0x8400] =	vst v17  }
0x70: {  	v17 =	vmul.f32 $4.096000000e+03, v23;
	v4 =	vadd.f32 $-5.000000000e-01, v4;
	v19 =	vmul.f32 $5.120000000e+02, v23;
	[tilespmem:s19+$0x5C00] =	vst v8  }
0x71: {  	v25 =	vadd.f32 $-5.000000000e-01, v3;
	v3 =	vmul.f32 $2.048000000e+03, v23;
	v8 =	vmul.f32 $1.024000000e+03, v23;
	[tilespmem:s19+$0x6C00] =	vst v10  }
0x72: {  	v17 =	vadd.f32 $-5.000000000e-01, v17;
	v10 =	vadd.f32 $-5.000000000e-01, v19;
	v19 =	vtrunc.f32 v4;
	[tilespmem:s19+$0x7C00] =	vst v7  }
0x73: {  	v23 =	vadd.f32 $-5.000000000e-01, v1;
	v1 =	vcvt.f32.s32 v19;
	vm0 =	vlt.f32 v4, v19;
	[tilespmem:s19+$0x8C00] =	vst v5  }
0x74: {  	v19 =	vadd.f32 $-5.000000000e-01, v3;
	v3 =	vtrunc.f32 v10;
	v5 =	vsel vm0, $0xFFFFFFFF, v0;
	[tilespmem:s19+$0x1800] =	vst v26  }
0x75: {  	v7 =	vcvt.f32.s32 v3;
	v1 =	vadd.s32 v1, v5;
	vm0 =	vlt.f32 v10, v3;
	[tilespmem:s19+$0x1C00] =	vst v15  }
0x76: {  	v15 =	vadd.f32 $-5.000000000e-01, v2;
	v2 =	vsel vm0, $0xFFFFFFFF, v0;
	v3 =	vcvt.s32.f32 v1;
	[tilespmem:s19+$0x2800] =	vst v27  }
0x77: {  	v26 =	vtrunc.f32 v25;
	v27 =	vadd.f32 $-5.000000000e-01, v8;
	v2 =	vadd.s32 v7, v2;
	[tilespmem:s19+$0x2C00] =	vst v16  }
0x78: {  	v8 =	vtrunc.f32 v17;
	v4 =	vsub.f32 v4, v3;
	v3 =	vcvt.s32.f32 v2;
	[tilespmem:s19+$0x3800] =	vst v22  }
0x79: {  	vm0 =	vlt.f32 v25, v26;
	v16 =	vtrunc.f32 v23;
	v22 =	vtrunc.f32 v19;
	[tilespmem:s19+$0x3C00] =	vst v14  }
0x7a: {  	v14 =	vtrunc.f32 v15;
	v5 =	vsub.f32 v10, v3;
	v7 =	vsub.f32 $1.000000000e+00, v4;
	[tilespmem:s19+$0x4800] =	vst v28  }
0x7b: {  	v10 =	vcvt.f32.s32 v26;
	v26 =	vtrunc.f32 v27;
	v3 =	vadd.s32 $0x1, v2;
	[tilespmem:s19+$0x4C00] =	vst v9  }
0x7c: {  	v9 =	vcvt.f32.s32 v8;
	v29 =	vor.u32 v1, v3;
	v28 =	vmul.f32 v7, v5;
	[tilespmem:s19+$0x1000] =	vst v18  }
0x7d: {  	vm1 =	vlt.f32 v17, v8;
	v18 =	vcvt.f32.s32 v16;
	vm2 =	vlt.u32 v29, $0x200;
	[tilespmem:s19+$0x1400] =	vst v12  }
0x7e: {  	vm3 =	vlt.f32 v23, v16;
	v12 =	vcvt.f32.s32 v22;
	v8 =	vnsel vm2, $0x0, v28;
	[tilespmem:s19+$0x2000] =	vst v20  }
0x7f: {  	v16 =	vcvt.f32.s32 v14;
	vm2 =	vlt.f32 v19, v22;
	v20 =	vcvt.f32.s32 v26;
	[tilespmem:s20+$0x8800] =	vst v8  }
0x80: {  	vm4 =	vlt.f32 v27, v26;
	v8 =	vsel vm0, $0xFFFFFFFF, v0;
	vm0 =	vlt.f32 v15, v14;
	[tilespmem:s19+$0x2400] =	vst v6  }
0x81: {  	v22 =	vsel vm3, $0xFFFFFFFF, v0;
	v14 =	vsel vm1, $0xFFFFFFFF, v0;
	v26 =	vsel vm2, $0xFFFFFFFF, v0;
	[tilespmem:s19+$0x3000] =	vst v13  }
0x82: {  	v28 =	vsel vm4, $0xFFFFFFFF, v0;
	v6 =	vadd.s32 v10, v8;
	v13 =	vsel vm0, $0xFFFFFFFF, v0;
	[tilespmem:s19+$0x3400] =	vst v11  }
0x83: {  	v8 =	vadd.s32 v9, v14;
	v9 =	vadd.s32 v18, v22;
	v10 =	vadd.s32 v12, v26;
	[tilespmem:s19+$0x4000] =	vst v21  }
0x84: {  	v12 =	vadd.s32 v20, v28;
	v14 =	vcvt.s32.f32 v6;
	v11 =	vadd.s32 v16, v13;
	[tilespmem:s19+$0x4400] =	vst v24;
	s19 =	smov.u32 s20  }
0x85: {  	v18 =	vcvt.s32.f32 v9;
	v13 =	vcvt.s32.f32 v8;
	v16 =	vadd.s32 $0x1, v8  }
0x86: {  	v20 =	vcvt.s32.f32 v10;
	v14 =	vsub.f32 v25, v14;
	v21 =	vcvt.s32.f32 v11  }
0x87: {  	v13 =	vsub.f32 v17, v13;
	v17 =	vsub.f32 v23, v18;
	v18 =	vcvt.s32.f32 v12  }
0x88: {  	v19 =	vsub.f32 v19, v20;
	v20 =	vadd.s32 $0x1, v10;
	v15 =	vsub.f32 v15, v21  }
0x89: {  	v22 =	vadd.s32 $0x1, v12;
	v21 =	vsub.f32 $1.000000000e+00, v14;
	v18 =	vsub.f32 v27, v18  }
0x8a: {  	vm0 =	vgt.s32 v16, $0x0;
	v23 =	vsub.f32 $1.000000000e+00, v13;
	v24 =	vsub.f32 $1.000000000e+00, v17  }
0x8b: {  	vm1 =	vgt.s32 v20, $0x0;
	v25 =	vsub.f32 $1.000000000e+00, v19;
	v26 =	vsub.f32 $1.000000000e+00, v15  }
0x8c: {  	v28 =	vsub.f32 $1.000000000e+00, v5;
	vm2 =	vgt.s32 v22, $0x0;
	v27 =	vsub.f32 $1.000000000e+00, v18  }
0x8d: {  	vm4 =	vgt.s32 v3, $0x0;
	v29 =	vadd.s32 $0x1, v6;
	vm3 =	vgt.s32 v8, $0x0  }
0x8e: {  	v30 =	vadd.s32 $0x1, v9;
	vm5 =	vgt.s32 v10, $0x0;
	v31 =	vadd.s32 $0x1, v11  }
0x8f: {  	v32 =	vadd.s32 $0x1, v1;
	vm9 =	vgt.s32 v2, $0x0;
	vm8 =	vgt.s32 v12, $0x0  }
0x90: {  	v35 =	vnsel vm2, $0x0, v22;
	v33 =	vnsel vm0, $0x0, v16;
	v34 =	vnsel vm1, $0x0, v20  }
0x91: {  	v37 =	vnsel vm4, $0x0, v3;
	vm7 =	vgt.s32 v29, $0x0;
	v36 =	vnsel vm3, $0x0, v8  }
0x92: {  	vm6 =	vgt.s32 v30, $0x0;
	v38 =	vnsel vm5, $0x0, v10;
	vm3 =	vgt.s32 v31, $0x0  }
0x93: {  	v40 =	vnsel vm9, $0x0, v2;
	vm4 =	vgt.s32 v32, $0x0;
	v39 =	vnsel vm8, $0x0, v12  }
0x94: {  	vm5 =	vgt.s32 v6, $0x0;
	vm2 =	vgt.s32 v9, $0x0;
	vm1 =	vgt.s32 v11, $0x0  }
0x95: {  	vm0 =	vgt.s32 v1, $0x0;
	v41 =	vmul.f32 v23, v21;
	v23 =	vmul.f32 v23, v14  }
0x96: {  	v33 =	vmin.u32 v33, $0xFFF;
	v21 =	vmul.f32 v21, v13;
	v42 =	vmul.f32 v25, v24  }
0x97: {  	v34 =	vmin.u32 v34, $0x7FF;
	v25 =	vmul.f32 v25, v17;
	v24 =	vmul.f32 v24, v19  }
0x98: {  	v35 =	vmin.u32 v35, $0x3FF;
	v43 =	vmul.f32 v27, v26;
	v27 =	vmul.f32 v27, v15  }
0x99: {  	v37 =	vmin.u32 v37, $0x1FF;
	v7 =	vmul.f32 v28, v7;
	v26 =	vmul.f32 v26, v18  }
0x9a: {  	v46 =	vmul.f32 v28, v4;
	v44 =	vnsel vm7, $0x0, v29;
	v45 =	vmul.f32 v13, v14  }
0x9b: {  	v13 =	vmin.u32 v36, $0xFFF;
	v36 =	vmul.f32 v19, v17;
	v47 =	vmul.f32 v18, v15  }
0x9c: {  	v5 =	vmul.f32 v5, v4;
	v17 =	vnsel vm6, $0x0, v30;
	v18 =	vmin.u32 v38, $0x7FF  }
0x9d: {  	v28 =	vmin.u32 v39, $0x3FF;
	v19 =	vnsel vm3, $0x0, v31;
	v38 =	vnsel vm4, $0x0, v32  }
0x9e: {  	v40 =	vmin.u32 v40, $0x1FF;
	v48 =	vor.u32 v29, v8;
	v39 =	vnsel vm5, $0x0, v6  }
0x9f: {  	v49 =	vor.u32 v6, v16;
	v29 =	vor.u32 v29, v16;
	v50 =	vnsel vm2, $0x0, v9  }
0xa0: {  	v51 =	vor.u32 v30, v10;
	v52 =	vor.u32 v9, v20;
	v30 =	vor.u32 v30, v20  }
0xa1: {  	v55 =	vor.u32 v11, v22;
	v54 =	vor.u32 v31, v12;
	v53 =	vnsel vm1, $0x0, v11  }
0xa2: {  	v56 =	vor.u32 v32, v2;
	v22 =	vor.u32 v31, v22;
	v31 =	vnsel vm0, $0x0, v1  }
0xa3: {  	v8 =	vor.u32 v6, v8;
	v10 =	vor.u32 v9, v10;
	v32 =	vor.u32 v32, v3  }
0xa4: {  	v57 =	vor.u32 v1, v2;
	v15 =	vshll.u32 v33, $0xC;
	v33 =	vor.u32 v11, v12  }
0xa5: {  	v9 =	vshll.u32 v37, $0x9;
	v16 =	vshll.u32 v34, $0xB;
	v14 =	vshll.u32 v35, $0xA  }
0xa6: {  	v4 =	vmin.u32 v44, $0xFFF;
	v6 =	vmin.u32 v17, $0x7FF;
	v12 =	vshll.u32 v13, $0xC  }
0xa7: {  	v3 =	vmin.u32 v19, $0x3FF;
	v11 =	vshll.u32 v28, $0xA;
	v13 =	vshll.u32 v18, $0xB  }
0xa8: {  	v2 =	vshll.u32 v40, $0x9;
	v18 =	vmin.u32 v39, $0xFFF;
	v1 =	vmin.u32 v38, $0x1FF  }
0xa9: {  	vm1 =	vlt.u32 v29, $0x1000;
	vm3 =	vlt.u32 v48, $0x1000;
	vm4 =	vlt.u32 v49, $0x1000  }
0xaa: {  	vm5 =	vlt.u32 v51, $0x800;
	v20 =	vmin.u32 v50, $0x7FF;
	vm6 =	vlt.u32 v52, $0x800  }
0xab: {  	vm7 =	vlt.u32 v54, $0x400;
	v29 =	vmin.u32 v53, $0x3FF;
	vm0 =	vlt.u32 v30, $0x800  }
0xac: {  	vm8 =	vlt.u32 v55, $0x400;
	vm2 =	vlt.u32 v22, $0x400;
	v30 =	vmin.u32 v31, $0x1FF  }
0xad: {  	vm10 =	vlt.u32 v56, $0x200;
	vm9 =	vlt.u32 v8, $0x1000;
	vm11 =	vlt.u32 v32, $0x200  }
0xae: {  	vm14 =	vlt.u32 v57, $0x200;
	vm12 =	vlt.u32 v10, $0x800;
	vm13 =	vlt.u32 v33, $0x400  }
.Ltmp2:
0xaf: {  	v8 =	vnsel vm9, $0x0, v41;
	v10 =	vnsel vm3, $0x0, v23;
	v17 =	vnsel vm4, $0x0, v21;
	(pc) =	sbr.rel @p0 .LBB2_2-.Ltmp2, $4  }
0xb0: {  	v31 =	vnsel vm12, $0x0, v42;
	v23 =	vnsel vm5, $0x0, v25;
	v22 =	vnsel vm6, $0x0, v24;
	[tilespmem:s19+$0x5000] =	vst v8  }
0xb1: {  	v28 =	vnsel vm13, $0x0, v43;
	v24 =	vnsel vm7, $0x0, v27;
	v21 =	vnsel vm8, $0x0, v26;
	[tilespmem:s19+$0x5400] =	vst v10  }
0xb2: {  	v19 =	vnsel vm14, $0x0, v7;
	v8 =	vnsel vm1, $0x0, v45;
	[tilespmem:s19+$0x5800] =	vst v17;
	v17 =	vnsel vm10, $0x0, v46  }
0xb3: {  	s20 =	sshra.s32 s21, $0x2;
	s21 =	sadd.s32 $0x40, s21;
	v7 =	vnsel vm2, $0x0, v47;
	v5 =	vnsel vm11, $0x0, v5;
	v10 =	vnsel vm0, $0x0, v36;
	[tilespmem:s19+$0x6000] =	vst v31  }
0xb4: {  	v31 =	vld [tilespmem:s20+$0x0];
	[tilespmem:s19+$0x6400] =	vst v23  }
0xb5: {  	v32 =	vor.u32 v18, v15;
	v33 =	vor.u32 v4, v15;
	v34 =	vor.u32 v20, v16;
	[tilespmem:s19+$0x6800] =	vst v22  }
0xb6: {  	v35 =	vor.u32 v6, v16;
	v36 =	vor.u32 v29, v14;
	v27 =	vor.u32 v3, v14;
	v47 =	vld [tilespmem:s20+$0x400]  }
0xb7: {  	v23 =	vor.u32 v18, v12;
	v26 =	vor.u32 v30, v9;
	v25 =	vor.u32 v1, v9  }
0xb8: {  	v22 =	vor.u32 v4, v12;
	v20 =	vor.u32 v20, v13;
	v18 =	vor.u32 v6, v13  }
0xb9: {  	v16 =	vor.u32 v29, v11;
	v14 =	vor.u32 v3, v11;
	v3 =	vmul.f32 $4.096000000e+03, v31  }
0xba: {  	v12 =	vor.u32 v30, v2;
	v48 =	vmul.f32 $5.120000000e+02, v31;
	v49 =	vmul.f32 $2.048000000e+03, v31  }
0xbb: {  	v11 =	vor.u32 v1, v2;
	v1 =	vmul.f32 $1.024000000e+03, v31;
	v2 =	vmul.f32 $5.120000000e+02, v47  }
0xbc: {  	v50 =	vmul.f32 $4.096000000e+03, v47;
	v4 =	vadd.f32 $-5.000000000e-01, v48;
	v29 =	vadd.f32 $-5.000000000e-01, v3  }
0xbd: {  	v51 =	vmul.f32 $1.024000000e+03, v47;
	v31 =	vadd.f32 $-5.000000000e-01, v49;
	v38 =	vadd.f32 $-5.000000000e-01, v1  }
0xbe: {  	v3 =	vmul.f32 $2.048000000e+03, v47;
	v52 =	vadd.f32 $-5.000000000e-01, v2;
	v30 =	vadd.f32 $-5.000000000e-01, v50  }
0xbf: {  	v39 =	vadd.f32 $-5.000000000e-01, v51;
	v2 =	vtrunc.f32 v4;
	v55 =	vtrunc.f32 v29  }
0xc0: {  	v37 =	vadd.f32 $-5.000000000e-01, v3;
	v57 =	vtrunc.f32 v31;
	v42 =	vtrunc.f32 v38  }
0xc1: {  	v53 =	vcvt.f32.s32 v2;
	vm0 =	vlt.f32 v4, v2;
	v54 =	vtrunc.f32 v52  }
0xc2: {  	vm9 =	vlt.f32 v29, v55;
	v58 =	vcvt.f32.s32 v55;
	v59 =	vtrunc.f32 v39  }
0xc3: {  	vm3 =	vlt.f32 v31, v57;
	v61 =	vcvt.f32.s32 v42;
	vm11 =	vlt.f32 v38, v42  }
0xc4: {  	v2 =	vsel vm0, $0xFFFFFFFF, v0;
	v3 =	vcvt.f32.s32 v54;
	vm8 =	vlt.f32 v52, v54  }
0xc5: {  	v41 =	vtrunc.f32 v37;
	v48 =	vcvt.f32.s32 v59;
	v62 =	vsel vm9, $0xFFFFFFFF, v0  }
0xc6: {  	vm4 =	vlt.f32 v39, v59;
	v54 =	vsel vm3, $0xFFFFFFFF, v0;
	v50 =	vsel vm11, $0xFFFFFFFF, v0  }
0xc7: {  	v2 =	vadd.s32 v53, v2;
	v1 =	vsel vm8, $0xFFFFFFFF, v0;
	v60 =	vcvt.f32.s32 v41  }
0xc8: {  	vm10 =	vlt.f32 v37, v41;
	v51 =	vsel vm4, $0xFFFFFFFF, v0;
	v9 =	vadd.s32 v61, v50  }
0xc9: {  	[tilespmem:s19+$0x7000] =	vst v28;
	v6 =	vcvt.s32.f32 v2;
	v1 =	vadd.s32 v3, v1;
	v3 =	vtrunc.f32 v30  }
0xca: {  	[tilespmem:s19+$0x2800] =	vst v34;
	v49 =	vsel vm10, $0xFFFFFFFF, v0;
	v59 =	vcvt.s32.f32 v9;
	v34 =	vadd.s32 $0x1, v9  }
0xcb: {  	[tilespmem:s19+$0x7400] =	vst v24;
	v56 =	vcvt.s32.f32 v1;
	v45 =	vcvt.f32.s32 v3;
	vm1 =	vlt.f32 v30, v3  }
0xcc: {  	[tilespmem:s19+$0x7800] =	vst v21;
	v3 =	vcvt.f32.s32 v57;
	vm6 =	vgt.s32 v34, $0x0;
	v40 =	vsub.f32 v4, v6  }
0xcd: {  	[tilespmem:s19+$0x8000] =	vst v19;
	v6 =	vadd.s32 $0x1, v1;
	v63 =	vsel vm1, $0xFFFFFFFF, v0;
	v4 =	vadd.s32 v60, v49  }
0xce: {  	[tilespmem:s19+$0x8400] =	vst v17;
	v28 =	vsub.f32 v38, v59;
	vm1 =	vgt.s32 v2, $0x0;
	v43 =	vsub.f32 v52, v56  }
0xcf: {  	[tilespmem:s19+$0x5C00] =	vst v8;
	v46 =	vor.u32 v2, v6;
	v45 =	vadd.s32 v45, v63;
	v13 =	vadd.s32 v3, v54  }
0xd0: {  	[tilespmem:s19+$0x6C00] =	vst v10;
	v3 =	vadd.s32 v48, v51;
	v8 =	vadd.s32 $0x1, v4;
	vm5 =	vgt.s32 v6, $0x0  }
0xd1: {  	[tilespmem:s19+$0x7C00] =	vst v7;
	vm0 =	vgt.s32 v4, $0x0;
	v44 =	vsub.f32 $1.000000000e+00, v40;
	vm2 =	vlt.u32 v46, $0x200  }
0xd2: {  	[tilespmem:s19+$0x8C00] =	vst v5;
	v56 =	vcvt.s32.f32 v45;
	v21 =	vadd.s32 $0x1, v45;
	v57 =	vcvt.s32.f32 v13  }
0xd3: {  	[tilespmem:s19+$0x1800] =	vst v32;
	v60 =	vcvt.s32.f32 v3;
	vm13 =	vgt.s32 v8, $0x0;
	v52 =	vsub.f32 $1.000000000e+00, v28  }
0xd4: {  	[tilespmem:s19+$0x1C00] =	vst v33;
	vm15 =	vgt.s32 v45, $0x0;
	v33 =	vadd.s32 $0x1, v13;
	v46 =	vadd.s32 $0x1, v2  }
0xd5: {  	[tilespmem:s19+$0x2C00] =	vst v35;
	vm3 =	vgt.s32 v13, $0x0;
	vm12 =	vgt.s32 v21, $0x0;
	v54 =	vsub.f32 $1.000000000e+00, v43  }
0xd6: {  	[tilespmem:s19+$0x3800] =	vst v36;
	v5 =	vnsel vm15, $0x0, v45;
	vm7 =	vgt.s32 v33, $0x0;
	v50 =	vmul.f32 v43, v40  }
0xd7: {  	[tilespmem:s19+$0x3C00] =	vst v27;
	v35 =	vor.u32 v46, v1;
	v15 =	vmul.f32 v44, v43;
	v24 =	vsub.f32 v30, v56  }
0xd8: {  	[tilespmem:s19+$0x4800] =	vst v26;
	v17 =	vsub.f32 v31, v57;
	v10 =	vsub.f32 v39, v60;
	v56 =	vnsel vm13, $0x0, v8  }
0xd9: {  	[tilespmem:s19+$0x1400] =	vst v22;
	v31 =	vor.u32 v2, v1;
	v2 =	vnsel vm1, $0x0, v2;
	v22 =	vmin.u32 v56, $0x7FF  }
0xda: {  	[tilespmem:s19+$0x4C00] =	vst v25;
	v48 =	vmul.f32 v54, v40;
	v2 =	vmin.u32 v2, $0x1FF;
	v47 =	vnsel vm2, $0x0, v15  }
0xdb: {  	[tilespmem:s19+$0x1000] =	vst v23;
	v15 =	vadd.s32 v58, v62;
	v58 =	vcvt.s32.f32 v4;
	v62 =	vsub.f32 $1.000000000e+00, v24  }
0xdc: {  	[tilespmem:s19+$0x2000] =	vst v20;
	v53 =	vsub.f32 $1.000000000e+00, v10;
	vm2 =	vgt.s32 v9, $0x0;
	v55 =	vcvt.s32.f32 v15  }
0xdd: {  	v42 =	vadd.s32 $0x1, v15;
	vm4 =	vgt.s32 v15, $0x0;
	[tilespmem:s20+$0x8800] =	vst v47;
	v47 =	vmul.f32 v54, v44  }
0xde: {  	v51 =	vor.u32 v15, v45;
	v54 =	vor.u32 v13, v4;
	v30 =	vsub.f32 v37, v58  }
0xdf: {  	v37 =	vsub.f32 $1.000000000e+00, v17;
	vm8 =	vgt.s32 v42, $0x0;
	v58 =	vnsel vm5, $0x0, v6  }
0xe0: {  	v32 =	vmul.f32 v53, v28;
	vm13 =	vlt.u32 v51, $0x1000;
	v19 =	vsub.f32 v29, v55  }
0xe1: {  	vm9 =	vlt.u32 v54, $0x800;
	v41 =	vor.u32 v42, v21;
	v6 =	vor.u32 v46, v6  }
0xe2: {  	v29 =	vadd.s32 $0x1, v3;
	v55 =	vnsel vm12, $0x0, v21;
	v61 =	vsub.f32 $1.000000000e+00, v19  }
0xe3: {  	vm12 =	vgt.s32 v46, $0x0;
	v63 =	vsub.f32 $1.000000000e+00, v30;
	v7 =	vmul.f32 v62, v19  }
0xe4: {  	[tilespmem:s19+$0x2400] =	vst v18;
	vm14 =	vgt.s32 v29, $0x0;
	v19 =	vmul.f32 v24, v19;
	v59 =	vmul.f32 v62, v61  }
0xe5: {  	[tilespmem:s19+$0x3000] =	vst v16;
	v23 =	vmin.u32 v55, $0xFFF;
	v60 =	vmul.f32 v61, v24;
	v61 =	vmul.f32 v63, v37  }
0xe6: {  	[tilespmem:s19+$0x3400] =	vst v14;
	v57 =	vnsel vm14, $0x0, v29;
	v62 =	vmul.f32 v63, v17;
	v63 =	vmul.f32 v37, v30  }
0xe7: {  	[tilespmem:s19+$0x4000] =	vst v12;
	v24 =	vmul.f32 v53, v52;
	v37 =	vmul.f32 v52, v10;
	v52 =	vor.u32 v42, v45  }
0xe8: {  	[tilespmem:s19+$0x4400] =	vst v11;
	v53 =	vor.u32 v15, v21;
	vm14 =	vlt.u32 v52, $0x1000;
	v25 =	vnsel vm13, $0x0, v59  }
0xe9: {  	v55 =	vor.u32 v33, v4;
	vm15 =	vlt.u32 v53, $0x1000;
	v7 =	vnsel vm14, $0x0, v7;
	[tilespmem:s20+$0x5000] =	vst v25  }
0xea: {  	v36 =	vmin.u32 v58, $0x1FF;
	vm10 =	vlt.u32 v55, $0x800;
	v56 =	vnsel vm15, $0x0, v60;
	[tilespmem:s20+$0x5400] =	vst v7  }
0xeb: {  	v20 =	vmin.u32 v57, $0x3FF;
	v57 =	vor.u32 v13, v8;
	v58 =	vnsel vm9, $0x0, v61;
	[tilespmem:s20+$0x5800] =	vst v56  }
0xec: {  	v38 =	vnsel vm8, $0x0, v42;
	vm11 =	vlt.u32 v57, $0x800;
	v60 =	vnsel vm10, $0x0, v62;
	[tilespmem:s20+$0x6000] =	vst v58  }
0xed: {  	v49 =	vmul.f32 v30, v17;
	v62 =	vnsel vm11, $0x0, v63;
	vm15 =	vlt.u32 v31, $0x200;
	[tilespmem:s20+$0x6400] =	vst v60  }
0xee: {  	v12 =	vnsel vm12, $0x0, v46;
	vm9 =	vlt.u32 v35, $0x200;
	[tilespmem:s20+$0x6800] =	vst v62;
	v42 =	vnsel vm15, $0x0, v47  }
0xef: {  	v8 =	vor.u32 v33, v8;
	vm10 =	vlt.u32 v41, $0x1000;
	v43 =	vnsel vm9, $0x0, v48;
	[tilespmem:s20+$0x8000] =	vst v42  }
0xf0: {  	v59 =	vor.u32 v9, v3;
	vm11 =	vlt.u32 v8, $0x800;
	v45 =	vnsel vm10, $0x0, v19;
	[tilespmem:s20+$0x8400] =	vst v43  }
0xf1: {  	v61 =	vor.u32 v34, v3;
	vm12 =	vlt.u32 v59, $0x400;
	v46 =	vnsel vm11, $0x0, v49;
	[tilespmem:s20+$0x5C00] =	vst v45  }
0xf2: {  	v63 =	vor.u32 v9, v29;
	vm13 =	vlt.u32 v61, $0x400;
	v30 =	vnsel vm12, $0x0, v24;
	[tilespmem:s20+$0x6C00] =	vst v46  }
0xf3: {  	v52 =	vmin.u32 v38, $0xFFF;
	vm14 =	vlt.u32 v63, $0x400;
	v32 =	vnsel vm13, $0x0, v32;
	[tilespmem:s20+$0x7000] =	vst v30  }
0xf4: {  	v9 =	vnsel vm2, $0x0, v9;
	v49 =	vshll.u32 v23, $0xC;
	v40 =	vnsel vm14, $0x0, v37;
	[tilespmem:s20+$0x7400] =	vst v32  }
0xf5: {  	v57 =	vshll.u32 v20, $0xA;
	v9 =	vmin.u32 v9, $0x3FF;
	v7 =	vor.u32 v52, v49;
	[tilespmem:s20+$0x7800] =	vst v40  }
0xf6: {  	v44 =	vor.u32 v34, v29;
	v60 =	vshll.u32 v36, $0x9;
	v59 =	vor.u32 v9, v57;
	[tilespmem:s20+$0x1C00] =	vst v7  }
0xf7: {  	v12 =	vmin.u32 v12, $0x1FF;
	v10 =	vmul.f32 v10, v28;
	v61 =	vor.u32 v2, v60;
	[tilespmem:s20+$0x3800] =	vst v59  }
0xf8: {  	v51 =	vnsel vm3, $0x0, v13;
	vm12 =	vlt.u32 v44, $0x400;
	v62 =	vor.u32 v12, v60;
	[tilespmem:s20+$0x4800] =	vst v61  }
0xf9: {  	v47 =	vnsel vm4, $0x0, v15;
	vm13 =	vlt.u32 v6, $0x200;
	v48 =	vnsel vm12, $0x0, v10;
	[tilespmem:s20+$0x4C00] =	vst v62  }
0xfa: {  	v54 =	vshll.u32 v22, $0xB;
	v8 =	vmin.u32 v47, $0xFFF;
	v50 =	vnsel vm13, $0x0, v50;
	[tilespmem:s20+$0x7C00] =	vst v48  }
0xfb: {  	v17 =	vnsel vm7, $0x0, v33;
	v6 =	vmin.u32 v51, $0x7FF;
	v53 =	vor.u32 v8, v49;
	[tilespmem:s20+$0x8C00] =	vst v50  }
0xfc: {  	v28 =	vnsel vm6, $0x0, v34;
	v55 =	vmin.u32 v17, $0x7FF;
	v56 =	vor.u32 v6, v54;
	[tilespmem:s20+$0x1800] =	vst v53  }
0xfd: {  	v5 =	vmin.u32 v5, $0xFFF;
	v58 =	vmin.u32 v28, $0x3FF;
	v10 =	vor.u32 v55, v54;
	[tilespmem:s20+$0x2800] =	vst v56  }
0xfe: {  	v5 =	vshll.u32 v5, $0xC;
	v4 =	vnsel vm0, $0x0, v4;
	v7 =	vor.u32 v58, v57;
	[tilespmem:s20+$0x2C00] =	vst v10  }
0xff: {  	v4 =	vmin.u32 v4, $0x7FF;
	vm15 =	vgt.s32 v1, $0x0;
	v8 =	vor.u32 v8, v5;
	[tilespmem:s20+$0x3C00] =	vst v7  }
0x100: {  	v4 =	vshll.u32 v4, $0xB;
	v1 =	vnsel vm15, $0x0, v1;
	v5 =	vor.u32 v52, v5;
	[tilespmem:s20+$0x1000] =	vst v8  }
0x101: {  	vm14 =	vgt.s32 v3, $0x0;
	v6 =	vor.u32 v6, v4;
	v1 =	vmin.u32 v1, $0x1FF;
	[tilespmem:s20+$0x1400] =	vst v5  }
0x102: {  	v3 =	vnsel vm14, $0x0, v3;
	v4 =	vor.u32 v55, v4;
	[tilespmem:s20+$0x2000] =	vst v6;
	v1 =	vshll.u32 v1, $0x9  }
0x103: {  	v3 =	vmin.u32 v3, $0x3FF;
	[tilespmem:s20+$0x2400] =	vst v4;
	v2 =	vor.u32 v2, v1  }
0x104: {  	v3 =	vshll.u32 v3, $0xA;
	v1 =	vor.u32 v12, v1;
	[tilespmem:s20+$0x4000] =	vst v2  }
0x105: {  	v63 =	vor.u32 v9, v3;
	[tilespmem:s20+$0x4400] =	vst v1  }
0x106: {  	v3 =	vor.u32 v58, v3;
	[tilespmem:s20+$0x3000] =	vst v63  }
0x107: {  	s19 =	simm.s32 $0x0;
	[tilespmem:s20+$0x3400] =	vst v3;
	s20 =	simm.s32 $0x0  }
.LBB2_4:
0x108: {  	s23 =	sshll.u32 s20, $0xB  }
0x109: {  	s21 =	sor.u32 s23, s8  }
0x10a: {  	s22 =	sshrl.u32 s21, $0x3  }
0x10b: {  	s21 =	sor.u32 $0x80, s22  }
0x10c: {  	s25 =	simm.s32 $0x800;
	s24 =	sadd.s32 s4, s21  }
0x10d: {  	[tilespmem:s25], [sflag:$0x2] =	stream.linear.gather [hbm4b:s24+s19], $0x400, $0x38;
	[tilespmem:$0x19800] =	vst v63  }
0x10e: {  	s26 =	simm.s32 $0xC00;
	s25 =	sadd.s32 s1, s21  }
0x10f: {  	[tilespmem:s26], [sflag:$0x2] =	stream.linear.gather [hbm4b:s25+s19], $0x400, $0x38;
	[tilespmem:$0x19800] =	vst v63  }
0x110: {  	s26 =	simm.s32 $0x11000  }
0x111: {  	[tilespmem:s26], [sflag:$0x1] =	stream.indirect.gather [hbm4b:s5+s18], $0x1, s18, s18, $0xb8;
	[tilespmem:$0x19800] =	vst v63  }
0x112: {  	s25 =	simm.s32 $0x2000;
	s26 =	simm.s32 $0x12000  }
0x113: {  	[tilespmem:s26], [sflag:$0x1] =	stream.indirect.gather [hbm4b:s6+s18], $0x1, s25, s18, $0xb8;
	[tilespmem:$0x19800] =	vst v63  }
0x114: {  	s25 =	simm.s32 $0x3000;
	s26 =	simm.s32 $0x13000  }
0x115: {  	[tilespmem:s26], [sflag:$0x1] =	stream.indirect.gather [hbm4b:s7+s18], $0x1, s25, s18, $0xb8;
	[tilespmem:$0x19800] =	vst v63  }
0x116: {  	s25 =	simm.s32 $0x4000;
	s26 =	simm.s32 $0x14000  }
0x117: {  	[tilespmem:s26], [sflag:$0x1] =	stream.indirect.gather [hbm4b:s9+s18], $0x1, s25, s18, $0xb8;
	[tilespmem:$0x19800] =	vst v63  }
0x118: {  	p1 =	por $0x1, $0x1;
	_ =	swait.ge [sflag:s15], $0x400  }
.Ltmp3:
0x119: {  	[sflag:s15] =	ssyncset.done $0x0;
	(pc) =	sbr.rel @!p1 .LBB2_5-.Ltmp3, $4  }
0x11a: {  	[sflag:s15] =	ssyncadd.s32 $0xFFFFFC00  }
0x11b: {  	_ =	swait.ge [sflag:s15], $0x400  }
0x11c: {  	[sflag:s15] =	ssyncset.done $0x0  }
0x11d: {  	p0 =	por $0x0, $0x0;
	s24 =	simm.s32 $0x0;
	[sflag:s15] =	ssyncadd.s32 $0xFFFFFC00  }
0x11e: {  	v1 =	vld [tilespmem:s24+$0x800];
	_ =	sdelay $0x1  }
0x11f: {  	v2 =	vld [tilespmem:s24+$0xC00];
	_ =	sdelay $0x2  }
0x120: {  	v3 =	vmul.f32 $4.096000000e+03, v1;
	v4 =	vmul.f32 $5.120000000e+02, v1  }
0x121: {  	v5 =	vmul.f32 $2.048000000e+03, v1;
	v6 =	vmul.f32 $1.024000000e+03, v1  }
0x122: {  	v1 =	vmul.f32 $4.096000000e+03, v2;
	v7 =	vmul.f32 $5.120000000e+02, v2  }
0x123: {  	v8 =	vmul.f32 $2.048000000e+03, v2;
	v4 =	vadd.f32 $-5.000000000e-01, v4;
	v3 =	vadd.f32 $-5.000000000e-01, v3  }
0x124: {  	v2 =	vmul.f32 $1.024000000e+03, v2;
	v9 =	vadd.f32 $-5.000000000e-01, v1;
	v7 =	vadd.f32 $-5.000000000e-01, v7  }
0x125: {  	v8 =	vadd.f32 $-5.000000000e-01, v8;
	v6 =	vadd.f32 $-5.000000000e-01, v6  }
0x126: {  	v14 =	vadd.f32 $-5.000000000e-01, v2;
	v1 =	vtrunc.f32 v4;
	v11 =	vtrunc.f32 v7  }
0x127: {  	v13 =	vtrunc.f32 v3;
	v15 =	vtrunc.f32 v8  }
0x128: {  	v10 =	vadd.f32 $-5.000000000e-01, v5;
	v16 =	vtrunc.f32 v6;
	v17 =	vtrunc.f32 v14  }
0x129: {  	v5 =	vcvt.f32.s32 v1;
	vm0 =	vlt.f32 v4, v1;
	v12 =	vcvt.f32.s32 v11  }
0x12a: {  	vm7 =	vlt.f32 v7, v11;
	vm8 =	vlt.f32 v3, v13;
	v13 =	vcvt.f32.s32 v13  }
0x12b: {  	vm9 =	vlt.f32 v8, v15;
	vm10 =	vlt.f32 v6, v16;
	v1 =	vsel vm0, $0xFFFFFFFF, v0  }
0x12c: {  	vm4 =	vlt.f32 v14, v17;
	v23 =	vsel vm9, $0xFFFFFFFF, v0;
	v1 =	vadd.s32 v5, v1  }
0x12d: {  	v24 =	vsel vm4, $0xFFFFFFFF, v0;
	v5 =	vsel vm7, $0xFFFFFFFF, v0;
	v11 =	vcvt.s32.f32 v1  }
0x12e: {  	v2 =	vadd.s32 v12, v5;
	v5 =	vtrunc.f32 v9;
	v12 =	vtrunc.f32 v10  }
0x12f: {  	v33 =	vadd.s32 $0x1, v1;
	v18 =	vadd.s32 $0x1, v2;
	v19 =	vcvt.f32.s32 v5  }
0x130: {  	vm1 =	vlt.f32 v9, v5;
	v22 =	vcvt.f32.s32 v12;
	vm3 =	vlt.f32 v10, v12  }
0x131: {  	v12 =	vcvt.f32.s32 v16;
	vm7 =	vgt.s32 v2, $0x0;
	v56 =	vor.u32 v33, v2  }
0x132: {  	v63 =	vor.u32 v1, v2;
	v4 =	vsub.f32 v4, v11;
	v11 =	vcvt.s32.f32 v2  }
0x133: {  	v21 =	vor.u32 v1, v18;
	v16 =	vsel vm1, $0xFFFFFFFF, v0;
	vm15 =	vgt.s32 v18, $0x0  }
0x134: {  	v41 =	vnsel vm7, $0x0, v2;
	vm2 =	vlt.u32 v21, $0x200;
	v21 =	vcvt.f32.s32 v15  }
0x135: {  	v15 =	vcvt.f32.s32 v17;
	v17 =	vsel vm3, $0xFFFFFFFF, v0;
	v16 =	vadd.s32 v19, v16  }
0x136: {  	v38 =	vnsel vm15, $0x0, v18;
	vm15 =	vgt.s32 v1, $0x0;
	v41 =	vmin.u32 v41, $0x1FF  }
0x137: {  	v18 =	vor.u32 v33, v18;
	v7 =	vsub.f32 v7, v11;
	v11 =	vsub.f32 $1.000000000e+00, v4  }
0x138: {  	v17 =	vadd.s32 v22, v17;
	v22 =	vadd.s32 $0x1, v16;
	vm14 =	vgt.s32 v16, $0x0  }
0x139: {  	v54 =	vnsel vm15, $0x0, v1;
	v19 =	vadd.s32 v21, v23;
	v15 =	vadd.s32 v15, v24  }
0x13a: {  	v23 =	vcvt.s32.f32 v17;
	vm11 =	vgt.s32 v22, $0x0;
	v31 =	vadd.s32 $0x1, v17  }
0x13b: {  	v37 =	vnsel vm14, $0x0, v16;
	v20 =	vmul.f32 v11, v7;
	v29 =	vsub.f32 $1.000000000e+00, v7  }
0x13c: {  	vm5 =	vgt.s32 v19, $0x0;
	vm6 =	vgt.s32 v15, $0x0;
	v34 =	vnsel vm11, $0x0, v22  }
0x13d: {  	vm9 =	vgt.s32 v31, $0x0;
	vm11 =	vgt.s32 v33, $0x0;
	v60 =	vmul.f32 v7, v4  }
0x13e: {  	v50 =	vor.u32 v31, v19;
	v10 =	vsub.f32 v10, v23;
	v39 =	vnsel vm5, $0x0, v19  }
0x13f: {  	v40 =	vnsel vm6, $0x0, v15;
	v34 =	vmin.u32 v34, $0xFFF;
	v61 =	vnsel vm11, $0x0, v33  }
0x140: {  	vm3 =	vlt.u32 v50, $0x800;
	vm11 =	vlt.u32 v18, $0x200;
	v5 =	vnsel vm2, $0x0, v20  }
0x141: {  	v20 =	vsel vm8, $0xFFFFFFFF, v0;
	v46 =	vmul.f32 v29, v4;
	v4 =	vshll.u32 v34, $0xC  }
0x142: {  	v13 =	vadd.s32 v13, v20;
	v20 =	vsel vm10, $0xFFFFFFFF, v0;
	v25 =	vsub.f32 $1.000000000e+00, v10  }
0x143: {  	v21 =	vcvt.s32.f32 v13;
	v12 =	vadd.s32 v12, v20;
	v20 =	vcvt.s32.f32 v16  }
0x144: {  	v30 =	vadd.s32 $0x1, v13;
	v49 =	vor.u32 v13, v22;
	v55 =	vor.u32 v13, v16  }
0x145: {  	v24 =	vcvt.s32.f32 v12;
	v32 =	vadd.s32 $0x1, v12;
	vm8 =	vgt.s32 v30, $0x0  }
0x146: {  	vm14 =	vgt.s32 v12, $0x0;
	v48 =	vor.u32 v30, v16;
	v22 =	vor.u32 v30, v22  }
0x147: {  	v62 =	vor.u32 v12, v15;
	vm1 =	vlt.u32 v49, $0x1000;
	v3 =	vsub.f32 v3, v21  }
0x148: {  	v21 =	vcvt.s32.f32 v19;
	v9 =	vsub.f32 v9, v20;
	v20 =	vcvt.s32.f32 v15  }
0x149: {  	vm10 =	vgt.s32 v32, $0x0;
	v52 =	vor.u32 v32, v15;
	vm0 =	vlt.u32 v48, $0x1000  }
0x14a: {  	vm2 =	vlt.u32 v22, $0x1000;
	v6 =	vsub.f32 v6, v24;
	v7 =	vnsel vm10, $0x0, v32  }
0x14b: {  	vm6 =	vlt.u32 v52, $0x400;
	vm10 =	vlt.u32 v56, $0x200;
	v8 =	vsub.f32 v8, v21  }
0x14c: {  	v21 =	vadd.s32 $0x1, v19;
	v23 =	vsub.f32 $1.000000000e+00, v3;
	v14 =	vsub.f32 v14, v20  }
0x14d: {  	v20 =	vadd.s32 $0x1, v15;
	v24 =	vsub.f32 $1.000000000e+00, v9;
	v19 =	vor.u32 v17, v19  }
0x14e: {  	v15 =	vshll.u32 v41, $0x9;
	vm12 =	vgt.s32 v21, $0x0;
	v27 =	vsub.f32 $1.000000000e+00, v6  }
0x14f: {  	vm13 =	vgt.s32 v20, $0x0;
	v51 =	vor.u32 v17, v21;
	v32 =	vor.u32 v32, v20  }
0x150: {  	v53 =	vor.u32 v12, v20;
	v26 =	vsub.f32 $1.000000000e+00, v8;
	v28 =	vsub.f32 $1.000000000e+00, v14  }
0x151: {  	v35 =	vnsel vm12, $0x0, v21;
	v36 =	vnsel vm13, $0x0, v20;
	v42 =	vmul.f32 v24, v23  }
0x152: {  	vm12 =	vgt.s32 v13, $0x0;
	v24 =	vmul.f32 v24, v3;
	v23 =	vmul.f32 v23, v9  }
0x153: {  	vm13 =	vgt.s32 v17, $0x0;
	v45 =	vmul.f32 v25, v8;
	v9 =	vmul.f32 v9, v3  }
0x154: {  	v3 =	vmin.u32 v38, $0x1FF;
	v38 =	vmul.f32 v29, v11;
	v11 =	vnsel vm8, $0x0, v30  }
0x155: {  	v29 =	vmin.u32 v40, $0x3FF;
	v21 =	vor.u32 v31, v21;
	vm4 =	vlt.u32 v51, $0x800  }
0x156: {  	vm7 =	vlt.u32 v53, $0x400;
	vm8 =	vlt.u32 v32, $0x400;
	v35 =	vmin.u32 v35, $0x7FF  }
0x157: {  	v47 =	vnsel vm12, $0x0, v13;
	v30 =	vnsel vm13, $0x0, v17;
	v1 =	vmin.u32 v11, $0xFFF  }
0x158: {  	v17 =	vshll.u32 v29, $0xA;
	vm5 =	vlt.u32 v21, $0x800;
	v29 =	vmin.u32 v54, $0x1FF  }
0x159: {  	vm12 =	vlt.u32 v19, $0x800;
	vm13 =	vlt.u32 v62, $0x400;
	v43 =	vmul.f32 v26, v25  }
0x15a: {  	v44 =	vmul.f32 v26, v10;
	v25 =	vmin.u32 v36, $0x3FF;
	v36 =	vmul.f32 v28, v27  }
0x15b: {  	v28 =	vmul.f32 v28, v6;
	v27 =	vmul.f32 v27, v14;
	v26 =	vmin.u32 v37, $0xFFF  }
0x15c: {  	v37 =	vmul.f32 v8, v10;
	v6 =	vmul.f32 v14, v6;
	v8 =	vnsel vm9, $0x0, v31  }
0x15d: {  	v14 =	vmin.u32 v39, $0x7FF;
	v31 =	vnsel vm14, $0x0, v12;
	v10 =	vshll.u32 v35, $0xB  }
0x15e: {  	v12 =	vshll.u32 v3, $0x9;
	v3 =	vmin.u32 v7, $0x3FF;
	v20 =	vmin.u32 v47, $0xFFF  }
0x15f: {  	v22 =	vmin.u32 v30, $0x7FF;
	vm9 =	vlt.u32 v55, $0x1000;
	vm14 =	vlt.u32 v63, $0x200  }
0x160: {  	v7 =	vnsel vm0, $0x0, v24;
	v24 =	vnsel vm4, $0x0, v45;
	v13 =	vshll.u32 v25, $0xA  }
0x161: {  	p1 =	por $0x1, $0x1;
	v11 =	vshll.u32 v26, $0xC;
	v2 =	vmin.u32 v8, $0x7FF;
	v16 =	vshll.u32 v14, $0xB  }
.Ltmp4:
0x162: {  	[tilespmem:s24+$0x10800] =	vst v5;
	v8 =	vmin.u32 v61, $0x1FF;
	v26 =	vmin.u32 v31, $0x3FF;
	v5 =	vnsel vm9, $0x0, v42;
	(pc) =	sbr.rel @!p1 .LBB2_8-.Ltmp4, $4  }
0x163: {  	v14 =	vnsel vm1, $0x0, v23;
	[tilespmem:s24+$0xD400] =	vst v7;
	v7 =	vnsel vm2, $0x0, v9;
	v19 =	vnsel vm14, $0x0, v38  }
0x164: {  	[tilespmem:s24+$0xD000] =	vst v5;
	v5 =	vnsel vm12, $0x0, v43;
	v25 =	vnsel vm3, $0x0, v44;
	v23 =	vnsel vm13, $0x0, v36  }
0x165: {  	v21 =	vnsel vm6, $0x0, v28;
	v18 =	vnsel vm7, $0x0, v27;
	[tilespmem:s24+$0xD800] =	vst v14;
	v14 =	vnsel vm10, $0x0, v46  }
0x166: {  	s25 =	simm.s32 $0x10;
	s26 =	simm.s32 $0x80;
	p0 =	por $0x1, $0x1;
	v9 =	vnsel vm5, $0x0, v37;
	v6 =	vnsel vm8, $0x0, v6;
	[tilespmem:s24+$0xE000] =	vst v5;
	v5 =	vnsel vm11, $0x0, v60  }
.LBB2_7:
0x167: {  	p1 =	sne.s32 s26, $0xFC0;
	v27 =	vld [tilespmem:s25+$0x800];
	v28 =	vor.u32 v20, v4;
	v4 =	vor.u32 v1, v4;
	v30 =	vor.u32 v22, v10;
	[tilespmem:s24+$0xE400] =	vst v25  }
0x168: {  	v10 =	vor.u32 v2, v10;
	[tilespmem:s24+$0xE800] =	vst v24;
	v24 =	vor.u32 v26, v13;
	v13 =	vor.u32 v3, v13  }
0x169: {  	v20 =	vor.u32 v20, v11;
	v25 =	vld [tilespmem:s25+$0xC00];
	[tilespmem:s24+$0xF000] =	vst v23;
	v23 =	vor.u32 v29, v12;
	v12 =	vor.u32 v8, v12  }
0x16a: {  	v11 =	vor.u32 v1, v11;
	v22 =	vor.u32 v22, v16;
	v16 =	vor.u32 v2, v16;
	[tilespmem:s24+$0xF400] =	vst v21  }
0x16b: {  	v21 =	vor.u32 v26, v17;
	v17 =	vor.u32 v3, v17;
	[tilespmem:s24+$0xF800] =	vst v18;
	v18 =	vor.u32 v29, v15  }
0x16c: {  	v15 =	vor.u32 v8, v15;
	v1 =	vmul.f32 $4.096000000e+03, v27;
	v2 =	vmul.f32 $5.120000000e+02, v27;
	[tilespmem:s24+$0x10000] =	vst v19  }
0x16d: {  	v3 =	vmul.f32 $2.048000000e+03, v27;
	v8 =	vmul.f32 $1.024000000e+03, v27;
	[tilespmem:s24+$0x10400] =	vst v14  }
0x16e: {  	v14 =	vmul.f32 $4.096000000e+03, v25;
	v19 =	vadd.f32 $-5.000000000e-01, v2;
	v2 =	vmul.f32 $5.120000000e+02, v25;
	[tilespmem:s24+$0xDC00] =	vst v7  }
0x16f: {  	v26 =	vadd.f32 $-5.000000000e-01, v1;
	v1 =	vmul.f32 $2.048000000e+03, v25;
	v7 =	vmul.f32 $1.024000000e+03, v25;
	[tilespmem:s24+$0xEC00] =	vst v9  }
0x170: {  	v14 =	vadd.f32 $-5.000000000e-01, v14;
	v9 =	vadd.f32 $-5.000000000e-01, v2;
	v2 =	vtrunc.f32 v19;
	[tilespmem:s24+$0xFC00] =	vst v6  }
0x171: {  	v25 =	vadd.f32 $-5.000000000e-01, v3;
	v3 =	vcvt.f32.s32 v2;
	vm0 =	vlt.f32 v19, v2;
	[tilespmem:s24+$0x10C00] =	vst v5  }
0x172: {  	v27 =	vadd.f32 $-5.000000000e-01, v1;
	v2 =	vtrunc.f32 v9;
	v1 =	vsel vm0, $0xFFFFFFFF, v0;
	[tilespmem:s24+$0x9800] =	vst v28  }
0x173: {  	v5 =	vcvt.f32.s32 v2;
	v1 =	vadd.s32 v3, v1;
	vm0 =	vlt.f32 v9, v2;
	[tilespmem:s24+$0x9C00] =	vst v4  }
0x174: {  	v28 =	vadd.f32 $-5.000000000e-01, v8;
	v2 =	vsel vm0, $0xFFFFFFFF, v0;
	v3 =	vcvt.s32.f32 v1;
	[tilespmem:s24+$0xA800] =	vst v30  }
0x175: {  	v6 =	vtrunc.f32 v26;
	v29 =	vadd.f32 $-5.000000000e-01, v7;
	v2 =	vadd.s32 v5, v2;
	[tilespmem:s24+$0xAC00] =	vst v10  }
0x176: {  	v8 =	vtrunc.f32 v14;
	v4 =	vsub.f32 v19, v3;
	v3 =	vcvt.s32.f32 v2;
	[tilespmem:s24+$0xB800] =	vst v24  }
0x177: {  	vm0 =	vlt.f32 v26, v6;
	v10 =	vtrunc.f32 v25;
	v19 =	vtrunc.f32 v27;
	[tilespmem:s24+$0xBC00] =	vst v13  }
0x178: {  	v13 =	vtrunc.f32 v28;
	v5 =	vsub.f32 v9, v3;
	v7 =	vsub.f32 $1.000000000e+00, v4;
	[tilespmem:s24+$0xC800] =	vst v23  }
0x179: {  	v6 =	vcvt.f32.s32 v6;
	v9 =	vtrunc.f32 v29;
	v3 =	vadd.s32 $0x1, v2;
	[tilespmem:s24+$0xCC00] =	vst v12  }
0x17a: {  	v12 =	vcvt.f32.s32 v8;
	v24 =	vor.u32 v1, v3;
	v23 =	vmul.f32 v7, v5;
	[tilespmem:s24+$0x9000] =	vst v20  }
0x17b: {  	vm1 =	vlt.f32 v14, v8;
	v20 =	vcvt.f32.s32 v10;
	vm2 =	vlt.u32 v24, $0x200;
	[tilespmem:s24+$0x9400] =	vst v11  }
0x17c: {  	vm3 =	vlt.f32 v25, v10;
	v11 =	vcvt.f32.s32 v19;
	v8 =	vnsel vm2, $0x0, v23;
	[tilespmem:s24+$0xA000] =	vst v22  }
0x17d: {  	vm2 =	vlt.f32 v27, v19;
	v19 =	vcvt.f32.s32 v13;
	v22 =	vcvt.f32.s32 v9;
	[tilespmem:s25+$0x10800] =	vst v8  }
0x17e: {  	vm4 =	vlt.f32 v29, v9;
	v8 =	vsel vm0, $0xFFFFFFFF, v0;
	vm0 =	vlt.f32 v28, v13;
	[tilespmem:s24+$0xA400] =	vst v16  }
0x17f: {  	v10 =	vsel vm3, $0xFFFFFFFF, v0;
	v9 =	vsel vm1, $0xFFFFFFFF, v0;
	v13 =	vsel vm2, $0xFFFFFFFF, v0;
	[tilespmem:s24+$0xB000] =	vst v21  }
0x180: {  	v6 =	vadd.s32 v6, v8;
	v16 =	vsel vm0, $0xFFFFFFFF, v0;
	v21 =	vsel vm4, $0xFFFFFFFF, v0;
	[tilespmem:s24+$0xB400] =	vst v17  }
0x181: {  	v8 =	vadd.s32 v12, v9;
	v9 =	vadd.s32 v20, v10;
	v10 =	vadd.s32 v11, v13;
	[tilespmem:s24+$0xC000] =	vst v18  }
0x182: {  	v13 =	vcvt.s32.f32 v6;
	v11 =	vadd.s32 v19, v16;
	v12 =	vadd.s32 v22, v21;
	[tilespmem:s24+$0xC400] =	vst v15;
	s24 =	smov.u32 s25  }
0x183: {  	v16 =	vadd.s32 $0x1, v8;
	v17 =	vcvt.s32.f32 v9;
	v15 =	vcvt.s32.f32 v8  }
0x184: {  	v19 =	vcvt.s32.f32 v11;
	v13 =	vsub.f32 v26, v13;
	v18 =	vcvt.s32.f32 v10  }
0x185: {  	v14 =	vsub.f32 v14, v15;
	v15 =	vsub.f32 v25, v17;
	v17 =	vcvt.s32.f32 v12  }
0x186: {  	v20 =	vadd.s32 $0x1, v10;
	v19 =	vsub.f32 v28, v19;
	v18 =	vsub.f32 v27, v18  }
0x187: {  	v22 =	vadd.s32 $0x1, v12;
	v21 =	vsub.f32 $1.000000000e+00, v13;
	v17 =	vsub.f32 v29, v17  }
0x188: {  	vm0 =	vgt.s32 v16, $0x0;
	v23 =	vsub.f32 $1.000000000e+00, v14;
	v24 =	vsub.f32 $1.000000000e+00, v15  }
0x189: {  	vm1 =	vgt.s32 v20, $0x0;
	v26 =	vsub.f32 $1.000000000e+00, v19;
	v25 =	vsub.f32 $1.000000000e+00, v18  }
0x18a: {  	vm2 =	vgt.s32 v22, $0x0;
	v28 =	vsub.f32 $1.000000000e+00, v5;
	v27 =	vsub.f32 $1.000000000e+00, v17  }
0x18b: {  	vm3 =	vgt.s32 v8, $0x0;
	vm4 =	vgt.s32 v3, $0x0;
	v29 =	vadd.s32 $0x1, v6  }
0x18c: {  	v30 =	vadd.s32 $0x1, v9;
	vm5 =	vgt.s32 v10, $0x0;
	v31 =	vadd.s32 $0x1, v11  }
0x18d: {  	v32 =	vadd.s32 $0x1, v1;
	vm9 =	vgt.s32 v2, $0x0;
	vm8 =	vgt.s32 v12, $0x0  }
0x18e: {  	v33 =	vnsel vm0, $0x0, v16;
	v34 =	vnsel vm1, $0x0, v20;
	v35 =	vnsel vm2, $0x0, v22  }
0x18f: {  	v36 =	vnsel vm3, $0x0, v8;
	v37 =	vnsel vm4, $0x0, v3;
	vm7 =	vgt.s32 v29, $0x0  }
0x190: {  	vm6 =	vgt.s32 v30, $0x0;
	v38 =	vnsel vm5, $0x0, v10;
	vm3 =	vgt.s32 v31, $0x0  }
0x191: {  	v40 =	vnsel vm9, $0x0, v2;
	vm4 =	vgt.s32 v32, $0x0;
	v39 =	vnsel vm8, $0x0, v12  }
0x192: {  	vm5 =	vgt.s32 v6, $0x0;
	vm1 =	vgt.s32 v11, $0x0;
	vm2 =	vgt.s32 v9, $0x0  }
0x193: {  	vm0 =	vgt.s32 v1, $0x0;
	v41 =	vmul.f32 v23, v21;
	v23 =	vmul.f32 v23, v13  }
0x194: {  	v33 =	vmin.u32 v33, $0xFFF;
	v21 =	vmul.f32 v21, v14;
	v42 =	vmul.f32 v25, v24  }
0x195: {  	v34 =	vmin.u32 v34, $0x7FF;
	v25 =	vmul.f32 v25, v15;
	v24 =	vmul.f32 v24, v18  }
0x196: {  	v35 =	vmin.u32 v35, $0x3FF;
	v43 =	vmul.f32 v27, v26;
	v27 =	vmul.f32 v27, v19  }
0x197: {  	v44 =	vmul.f32 v26, v17;
	v26 =	vmin.u32 v37, $0x1FF;
	v37 =	vmul.f32 v28, v7  }
0x198: {  	v14 =	vmul.f32 v14, v13;
	v7 =	vnsel vm7, $0x0, v29;
	v28 =	vmul.f32 v28, v4  }
0x199: {  	v36 =	vmin.u32 v36, $0xFFF;
	v45 =	vmul.f32 v18, v15;
	v46 =	vmul.f32 v17, v19  }
0x19a: {  	v5 =	vmul.f32 v5, v4;
	v15 =	vnsel vm6, $0x0, v30;
	v17 =	vmin.u32 v38, $0x7FF  }
0x19b: {  	v18 =	vnsel vm3, $0x0, v31;
	v38 =	vnsel vm4, $0x0, v32;
	v19 =	vmin.u32 v39, $0x3FF  }
0x19c: {  	v40 =	vmin.u32 v40, $0x1FF;
	v47 =	vor.u32 v29, v8;
	v39 =	vnsel vm5, $0x0, v6  }
0x19d: {  	v48 =	vor.u32 v6, v16;
	v49 =	vnsel vm2, $0x0, v9;
	v29 =	vor.u32 v29, v16  }
0x19e: {  	v50 =	vor.u32 v30, v10;
	v51 =	vor.u32 v9, v20;
	v30 =	vor.u32 v30, v20  }
0x19f: {  	v53 =	vor.u32 v31, v12;
	v52 =	vnsel vm1, $0x0, v11;
	v54 =	vor.u32 v11, v22  }
0x1a0: {  	v56 =	vor.u32 v32, v2;
	v55 =	vnsel vm0, $0x0, v1;
	v31 =	vor.u32 v31, v22  }
0x1a1: {  	v9 =	vor.u32 v9, v10;
	v32 =	vor.u32 v32, v3;
	v6 =	vor.u32 v6, v8  }
0x1a2: {  	v57 =	vor.u32 v1, v2;
	v4 =	vshll.u32 v33, $0xC;
	v33 =	vor.u32 v11, v12  }
0x1a3: {  	v10 =	vshll.u32 v34, $0xB;
	v13 =	vshll.u32 v35, $0xA;
	v12 =	vshll.u32 v26, $0x9  }
0x1a4: {  	v2 =	vmin.u32 v15, $0x7FF;
	v11 =	vshll.u32 v36, $0xC;
	v1 =	vmin.u32 v7, $0xFFF  }
0x1a5: {  	v3 =	vmin.u32 v18, $0x3FF;
	v16 =	vshll.u32 v17, $0xB;
	v17 =	vshll.u32 v19, $0xA  }
0x1a6: {  	v15 =	vshll.u32 v40, $0x9;
	v8 =	vmin.u32 v38, $0x1FF;
	v20 =	vmin.u32 v39, $0xFFF  }
0x1a7: {  	vm3 =	vlt.u32 v47, $0x1000;
	vm4 =	vlt.u32 v48, $0x1000;
	vm1 =	vlt.u32 v29, $0x1000  }
0x1a8: {  	v22 =	vmin.u32 v49, $0x7FF;
	vm6 =	vlt.u32 v51, $0x800;
	vm5 =	vlt.u32 v50, $0x800  }
0x1a9: {  	vm0 =	vlt.u32 v30, $0x800;
	vm7 =	vlt.u32 v53, $0x400;
	v26 =	vmin.u32 v52, $0x3FF  }
0x1aa: {  	vm8 =	vlt.u32 v54, $0x400;
	vm2 =	vlt.u32 v31, $0x400;
	v29 =	vmin.u32 v55, $0x1FF  }
0x1ab: {  	vm10 =	vlt.u32 v56, $0x200;
	vm11 =	vlt.u32 v32, $0x200;
	vm9 =	vlt.u32 v6, $0x1000  }
0x1ac: {  	vm14 =	vlt.u32 v57, $0x200;
	vm12 =	vlt.u32 v9, $0x800;
	vm13 =	vlt.u32 v33, $0x400  }
.Ltmp5:
0x1ad: {  	v9 =	vnsel vm4, $0x0, v21;
	v7 =	vnsel vm3, $0x0, v23;
	v6 =	vnsel vm9, $0x0, v41;
	(pc) =	sbr.rel @p1 .LBB2_7-.Ltmp5, $4  }
0x1ae: {  	v24 =	vnsel vm6, $0x0, v24;
	v25 =	vnsel vm5, $0x0, v25;
	[tilespmem:s24+$0xD000] =	vst v6;
	v6 =	vnsel vm12, $0x0, v42  }
0x1af: {  	v18 =	vnsel vm8, $0x0, v44;
	v23 =	vnsel vm13, $0x0, v43;
	v21 =	vnsel vm7, $0x0, v27;
	[tilespmem:s24+$0xD400] =	vst v7  }
0x1b0: {  	v19 =	vnsel vm14, $0x0, v37;
	v7 =	vnsel vm1, $0x0, v14;
	v14 =	vnsel vm10, $0x0, v28;
	[tilespmem:s24+$0xD800] =	vst v9  }
0x1b1: {  	s25 =	sshra.s32 s26, $0x2;
	s26 =	sadd.s32 $0x40, s26;
	v5 =	vnsel vm11, $0x0, v5;
	v9 =	vnsel vm0, $0x0, v45;
	[tilespmem:s24+$0xE000] =	vst v6;
	v6 =	vnsel vm2, $0x0, v46  }
.LBB2_8:
0x1b2: {  	v32 =	vld [tilespmem:s25+$0x800];
	[tilespmem:s24+$0xE400] =	vst @p0 v25;
	v33 =	vor.u32 @p0 v20, v4;
	v34 =	vor.u32 @p0 v1, v4  }
0x1b3: {  	v35 =	vor.u32 @p0 v22, v10;
	[tilespmem:s24+$0xE800] =	vst @p0 v24;
	v36 =	vor.u32 @p0 v2, v10;
	v37 =	vor.u32 @p0 v26, v13  }
0x1b4: {  	v31 =	vor.u32 @p0 v3, v13;
	v27 =	vor.u32 @p0 v20, v11;
	v30 =	vor.u32 @p0 v29, v12;
	v4 =	vld [tilespmem:s25+$0xC00]  }
0x1b5: {  	v28 =	vor.u32 @p0 v8, v12;
	v25 =	vor.u32 @p0 v1, v11;
	v24 =	vor.u32 @p0 v22, v16  }
0x1b6: {  	v22 =	vor.u32 @p0 v2, v16;
	v20 =	vor.u32 @p0 v26, v17;
	v16 =	vor.u32 @p0 v3, v17  }
0x1b7: {  	v12 =	vor.u32 @p0 v29, v15;
	v1 =	vmul.f32 $4.096000000e+03, v32;
	v2 =	vmul.f32 $5.120000000e+02, v32  }
0x1b8: {  	v11 =	vor.u32 @p0 v8, v15;
	v3 =	vmul.f32 $2.048000000e+03, v32;
	v8 =	vmul.f32 $1.024000000e+03, v32  }
0x1b9: {  	v49 =	vmul.f32 $5.120000000e+02, v4;
	v50 =	vmul.f32 $4.096000000e+03, v4;
	v51 =	vadd.f32 $-5.000000000e-01, v2  }
0x1ba: {  	v52 =	vadd.f32 $-5.000000000e-01, v1;
	v1 =	vmul.f32 $2.048000000e+03, v4;
	v54 =	vadd.f32 $-5.000000000e-01, v3  }
0x1bb: {  	v4 =	vmul.f32 $1.024000000e+03, v4;
	v39 =	vadd.f32 $-5.000000000e-01, v8;
	v10 =	vadd.f32 $-5.000000000e-01, v49  }
0x1bc: {  	v53 =	vadd.f32 $-5.000000000e-01, v50;
	v2 =	vtrunc.f32 v51;
	v56 =	vadd.f32 $-5.000000000e-01, v1  }
0x1bd: {  	v8 =	vtrunc.f32 v52;
	v40 =	vadd.f32 $-5.000000000e-01, v4;
	v57 =	vtrunc.f32 v54  }
0x1be: {  	v41 =	vtrunc.f32 v39;
	v3 =	vcvt.f32.s32 v2;
	vm0 =	vlt.f32 v51, v2  }
0x1bf: {  	v55 =	vtrunc.f32 v10;
	v4 =	vtrunc.f32 v53;
	vm9 =	vlt.f32 v52, v8  }
0x1c0: {  	vm3 =	vlt.f32 v54, v57;
	v47 =	vcvt.f32.s32 v41;
	vm11 =	vlt.f32 v39, v41  }
0x1c1: {  	v1 =	vsel vm0, $0xFFFFFFFF, v0;
	v38 =	vcvt.f32.s32 v55;
	v58 =	vtrunc.f32 v56  }
0x1c2: {  	vm8 =	vlt.f32 v10, v55;
	v59 =	vtrunc.f32 v40;
	v44 =	vcvt.f32.s32 v4  }
0x1c3: {  	vm1 =	vlt.f32 v53, v4;
	v4 =	vcvt.f32.s32 v57;
	v61 =	vsel vm9, $0xFFFFFFFF, v0  }
0x1c4: {  	v63 =	vsel vm3, $0xFFFFFFFF, v0;
	v2 =	vadd.s32 v3, v1;
	v1 =	vsel vm8, $0xFFFFFFFF, v0  }
0x1c5: {  	v60 =	vcvt.f32.s32 v58;
	vm10 =	vlt.f32 v56, v58;
	v48 =	vcvt.f32.s32 v59  }
0x1c6: {  	vm4 =	vlt.f32 v40, v59;
	v62 =	vsel vm1, $0xFFFFFFFF, v0;
	v3 =	vcvt.s32.f32 v2  }
0x1c7: {  	v1 =	vadd.s32 v38, v1;
	v49 =	vsel vm10, $0xFFFFFFFF, v0;
	v50 =	vsel vm4, $0xFFFFFFFF, v0  }
0x1c8: {  	v44 =	vadd.s32 v44, v62;
	v13 =	vadd.s32 v4, v63;
	vm1 =	vgt.s32 v2, $0x0  }
0x1c9: {  	[tilespmem:s24+$0xF800] =	vst @p0 v18;
	v4 =	vadd.s32 v60, v49;
	v18 =	vadd.s32 $0x1, v44;
	v41 =	vcvt.s32.f32 v13  }
0x1ca: {  	[tilespmem:s24+$0x9C00] =	vst @p0 v34;
	vm15 =	vgt.s32 v44, $0x0;
	v34 =	vadd.s32 $0x1, v13;
	vm3 =	vgt.s32 v13, $0x0  }
0x1cb: {  	[tilespmem:s24+$0xDC00] =	vst @p0 v7;
	v38 =	vsub.f32 v51, v3;
	v3 =	vcvt.s32.f32 v1;
	v7 =	vadd.s32 $0x1, v4  }
0x1cc: {  	[tilespmem:s24+$0x10C00] =	vst @p0 v5;
	vm12 =	vgt.s32 v18, $0x0;
	vm0 =	vgt.s32 v4, $0x0;
	v5 =	vnsel vm15, $0x0, v44  }
0x1cd: {  	[tilespmem:s24+$0x10400] =	vst @p0 v14;
	vm7 =	vgt.s32 v34, $0x0;
	v14 =	vsub.f32 v54, v41;
	vm13 =	vgt.s32 v7, $0x0  }
0x1ce: {  	[tilespmem:s24+$0xF000] =	vst @p0 v23;
	v59 =	vnsel vm12, $0x0, v18;
	v5 =	vmin.u32 v5, $0xFFF;
	v42 =	vsub.f32 v10, v3  }
0x1cf: {  	[tilespmem:s24+$0xF400] =	vst @p0 v21;
	v43 =	vsub.f32 $1.000000000e+00, v38;
	v3 =	vcvt.f32.s32 v8;
	v8 =	vadd.s32 $0x1, v1  }
0x1d0: {  	[tilespmem:s24+$0x9000] =	vst @p0 v27;
	v60 =	vnsel vm13, $0x0, v7;
	v27 =	vmin.u32 v59, $0xFFF;
	v5 =	vshll.u32 v5, $0xC  }
0x1d1: {  	[tilespmem:s24+$0x10000] =	vst @p0 v19;
	v46 =	vor.u32 v2, v8;
	v54 =	vsub.f32 $1.000000000e+00, v14;
	vm5 =	vgt.s32 v8, $0x0  }
0x1d2: {  	[tilespmem:s24+$0x9400] =	vst @p0 v25;
	v25 =	vmin.u32 v60, $0x7FF;
	v45 =	vmul.f32 v43, v42;
	vm2 =	vlt.u32 v46, $0x200  }
0x1d3: {  	[tilespmem:s24+$0xEC00] =	vst @p0 v9;
	v15 =	vadd.s32 v3, v61;
	v3 =	vsel vm11, $0xFFFFFFFF, v0;
	v46 =	vcvt.s32.f32 v4  }
0x1d4: {  	[tilespmem:s24+$0xFC00] =	vst @p0 v6;
	v58 =	vsub.f32 $1.000000000e+00, v42;
	v62 =	vnsel vm5, $0x0, v8;
	v49 =	vcvt.s32.f32 v15  }
0x1d5: {  	[tilespmem:s24+$0x9800] =	vst @p0 v33;
	v10 =	vadd.s32 v47, v3;
	v3 =	vadd.s32 v48, v50;
	v50 =	vcvt.s32.f32 v44  }
0x1d6: {  	[tilespmem:s24+$0xB800] =	vst @p0 v37;
	v47 =	vadd.s32 $0x1, v2;
	vm4 =	vgt.s32 v15, $0x0;
	v37 =	vmin.u32 v62, $0x1FF  }
0x1d7: {  	[tilespmem:s24+$0xA800] =	vst @p0 v35;
	v59 =	vor.u32 v15, v44;
	v62 =	vor.u32 v13, v4;
	v45 =	vnsel vm2, $0x0, v45  }
0x1d8: {  	[tilespmem:s24+$0xAC00] =	vst @p0 v36;
	v51 =	vcvt.s32.f32 v10;
	v26 =	vsub.f32 v56, v46;
	v23 =	vadd.s32 $0x1, v3  }
0x1d9: {  	[tilespmem:s24+$0xBC00] =	vst @p0 v31;
	v46 =	vadd.s32 $0x1, v15;
	v35 =	vadd.s32 $0x1, v10;
	vm12 =	vgt.s32 v47, $0x0  }
0x1da: {  	[tilespmem:s24+$0xC800] =	vst @p0 v30;
	vm2 =	vgt.s32 v10, $0x0;
	vm13 =	vlt.u32 v59, $0x1000;
	vm9 =	vlt.u32 v62, $0x800  }
0x1db: {  	[tilespmem:s24+$0xCC00] =	vst @p0 v28;
	v41 =	vor.u32 v10, v3;
	v48 =	vor.u32 v47, v1;
	v17 =	vsub.f32 v52, v49  }
0x1dc: {  	[tilespmem:s24+$0xA000] =	vst @p0 v24;
	v21 =	vsub.f32 v53, v50;
	v52 =	vcvt.s32.f32 v3;
	vm14 =	vgt.s32 v23, $0x0  }
0x1dd: {  	vm8 =	vgt.s32 v46, $0x0;
	[tilespmem:s25+$0x10800] =	vst v45;
	v60 =	vor.u32 v46, v44;
	v45 =	vor.u32 v2, v1  }
0x1de: {  	v2 =	vnsel vm1, $0x0, v2;
	v19 =	vsub.f32 v39, v51;
	v55 =	vsub.f32 $1.000000000e+00, v26  }
0x1df: {  	v61 =	vnsel vm14, $0x0, v23;
	v32 =	vmul.f32 v54, v26;
	[tilespmem:s24+$0xC000] =	vst @p0 v12;
	v12 =	vnsel vm12, $0x0, v47  }
0x1e0: {  	vm14 =	vlt.u32 v60, $0x1000;
	vm12 =	vlt.u32 v41, $0x400;
	v60 =	vshll.u32 v37, $0x9  }
0x1e1: {  	v2 =	vmin.u32 v2, $0x1FF;
	v53 =	vsub.f32 $1.000000000e+00, v17;
	v9 =	vsub.f32 v40, v52  }
0x1e2: {  	v6 =	vsub.f32 $1.000000000e+00, v21;
	v24 =	vmin.u32 v61, $0x3FF;
	v61 =	vor.u32 v15, v18  }
0x1e3: {  	[tilespmem:s24+$0xA400] =	vst @p0 v22;
	v12 =	vmin.u32 v12, $0x1FF;
	v30 =	vmul.f32 v55, v54;
	v50 =	vmul.f32 v55, v14  }
0x1e4: {  	[tilespmem:s24+$0xB000] =	vst @p0 v20;
	v56 =	vsub.f32 $1.000000000e+00, v19;
	v55 =	vmul.f32 v58, v38;
	v14 =	vmul.f32 v26, v14  }
0x1e5: {  	[tilespmem:s24+$0xB400] =	vst @p0 v16;
	vm15 =	vlt.u32 v61, $0x1000;
	v61 =	vor.u32 v2, v60;
	v63 =	vmul.f32 v6, v53  }
0x1e6: {  	[tilespmem:s24+$0xC400] =	vst @p0 v11;
	v57 =	vsub.f32 $1.000000000e+00, v9;
	v6 =	vmul.f32 v6, v17;
	v29 =	vmul.f32 v53, v21  }
0x1e7: {  	v17 =	vmul.f32 v21, v17;
	v53 =	vmul.f32 v58, v43;
	[tilespmem:s25+$0xC800] =	vst v61;
	v26 =	vnsel vm13, $0x0, v63  }
0x1e8: {  	v51 =	vmul.f32 v57, v56;
	v33 =	vmul.f32 v57, v19;
	v6 =	vnsel vm14, $0x0, v6;
	[tilespmem:s25+$0xD000] =	vst v26  }
0x1e9: {  	v57 =	vmul.f32 v42, v38;
	v63 =	vor.u32 v34, v4;
	v29 =	vnsel vm15, $0x0, v29;
	[tilespmem:s25+$0xD400] =	vst v6  }
0x1ea: {  	v38 =	vnsel vm9, $0x0, v30;
	v6 =	vor.u32 v13, v7;
	vm10 =	vlt.u32 v63, $0x800;
	[tilespmem:s25+$0xD800] =	vst v29  }
0x1eb: {  	v52 =	vmul.f32 v56, v9;
	[tilespmem:s25+$0xE000] =	vst v38;
	vm11 =	vlt.u32 v6, $0x800;
	v6 =	vnsel vm10, $0x0, v50  }
0x1ec: {  	v42 =	vor.u32 v35, v3;
	vm15 =	vlt.u32 v45, $0x200;
	v44 =	vnsel vm12, $0x0, v51;
	[tilespmem:s25+$0xE400] =	vst v6  }
0x1ed: {  	vm9 =	vlt.u32 v48, $0x200;
	vm13 =	vlt.u32 v42, $0x400;
	v50 =	vnsel vm15, $0x0, v53;
	[tilespmem:s25+$0xF000] =	vst v44  }
0x1ee: {  	vm15 =	vgt.s32 v1, $0x0;
	v43 =	vnsel vm11, $0x0, v32;
	v6 =	vor.u32 v10, v23;
	[tilespmem:s25+$0x10000] =	vst v50  }
0x1ef: {  	v1 =	vnsel vm15, $0x0, v1;
	[tilespmem:s25+$0xE800] =	vst v43;
	vm14 =	vlt.u32 v6, $0x400;
	v6 =	vnsel vm13, $0x0, v33  }
0x1f0: {  	v1 =	vmin.u32 v1, $0x1FF;
	v49 =	vnsel vm14, $0x0, v52;
	[tilespmem:s25+$0xF400] =	vst v6;
	v6 =	vor.u32 v46, v18  }
0x1f1: {  	v1 =	vshll.u32 v1, $0x9;
	[tilespmem:s25+$0xF800] =	vst v49;
	vm10 =	vlt.u32 v6, $0x1000;
	v6 =	vnsel vm9, $0x0, v55  }
0x1f2: {  	v9 =	vmul.f32 v9, v19;
	v56 =	vnsel vm7, $0x0, v34;
	v2 =	vor.u32 v2, v1;
	[tilespmem:s25+$0x10400] =	vst v6  }
0x1f3: {  	v7 =	vor.u32 v34, v7;
	v56 =	vmin.u32 v56, $0x7FF;
	v1 =	vor.u32 v12, v1;
	[tilespmem:s25+$0xC000] =	vst v2  }
0x1f4: {  	v51 =	vor.u32 v35, v23;
	vm11 =	vlt.u32 v7, $0x800;
	v7 =	vnsel vm10, $0x0, v17;
	[tilespmem:s25+$0xC400] =	vst v1  }
0x1f5: {  	vm12 =	vlt.u32 v51, $0x400;
	v6 =	vor.u32 v47, v8;
	v8 =	vnsel vm11, $0x0, v14;
	[tilespmem:s25+$0xDC00] =	vst v7  }
0x1f6: {  	v55 =	vshll.u32 v25, $0xB;
	vm13 =	vlt.u32 v6, $0x200;
	v6 =	vnsel vm12, $0x0, v9;
	[tilespmem:s25+$0xEC00] =	vst v8  }
0x1f7: {  	v54 =	vnsel vm8, $0x0, v46;
	v7 =	vnsel vm4, $0x0, v15;
	v9 =	vor.u32 v56, v55;
	[tilespmem:s25+$0xFC00] =	vst v6  }
0x1f8: {  	v8 =	vshll.u32 v27, $0xC;
	v7 =	vmin.u32 v7, $0xFFF;
	v52 =	vnsel vm13, $0x0, v57;
	[tilespmem:s25+$0xAC00] =	vst v9  }
0x1f9: {  	vm6 =	vgt.s32 v35, $0x0;
	v53 =	vmin.u32 v54, $0xFFF;
	v54 =	vor.u32 v7, v8;
	[tilespmem:s25+$0x10C00] =	vst v52  }
0x1fa: {  	v58 =	vnsel vm6, $0x0, v35;
	v4 =	vnsel vm0, $0x0, v4;
	v8 =	vor.u32 v53, v8;
	[tilespmem:s25+$0x9800] =	vst v54  }
0x1fb: {  	v4 =	vmin.u32 v4, $0x7FF;
	v6 =	vnsel vm3, $0x0, v13;
	v7 =	vor.u32 v7, v5;
	[tilespmem:s25+$0x9C00] =	vst v8  }
0x1fc: {  	vm14 =	vgt.s32 v3, $0x0;
	v6 =	vmin.u32 v6, $0x7FF;
	v5 =	vor.u32 v53, v5;
	[tilespmem:s25+$0x9000] =	vst v7  }
0x1fd: {  	v4 =	vshll.u32 v4, $0xB;
	v3 =	vnsel vm14, $0x0, v3;
	v57 =	vor.u32 v6, v55;
	[tilespmem:s25+$0x9400] =	vst v5  }
0x1fe: {  	v10 =	vnsel vm2, $0x0, v10;
	v3 =	vmin.u32 v3, $0x3FF;
	v6 =	vor.u32 v6, v4;
	[tilespmem:s25+$0xA800] =	vst v57  }
0x1ff: {  	v10 =	vmin.u32 v10, $0x3FF;
	v3 =	vshll.u32 v3, $0xA;
	v4 =	vor.u32 v56, v4;
	[tilespmem:s25+$0xA000] =	vst v6  }
0x200: {  	v58 =	vmin.u32 v58, $0x3FF;
	v5 =	vor.u32 v10, v3;
	[tilespmem:s25+$0xA400] =	vst v4  }
0x201: {  	s23 =	sadd.s32 $0x800, s23;
	p0 =	seq.s32 s20, $0xF;
	v8 =	vshll.u32 v24, $0xA;
	v3 =	vor.u32 v58, v3;
	[tilespmem:s25+$0xB000] =	vst v5  }
0x202: {  	s23 =	simm.s32 @p0 $0x0;
	v59 =	vor.u32 v10, v8;
	[tilespmem:s25+$0xB400] =	vst v3  }
0x203: {  	s23 =	sadd.s32 s8, s23;
	v8 =	vor.u32 v58, v8;
	[tilespmem:s25+$0xB800] =	vst v59  }
0x204: {  	s23 =	sshrl.u32 s23, $0x3;
	[tilespmem:s25+$0xBC00] =	vst v8;
	v8 =	vor.u32 v12, v60  }
0x205: {  	s26 =	simm.s32 $0x0;
	[tilespmem:s25+$0xCC00] =	vst v8;
	s25 =	sadd.s32 s4, s23  }
0x206: {  	[tilespmem:s26], [sflag:$0x2] =	stream.linear.gather [hbm4b:s25+s26], $0x400, $0x38;
	[tilespmem:$0x19800] =	vst v63  }
0x207: {  	s23 =	sadd.s32 s1, s23  }
0x208: {  	[tilespmem:s14], [sflag:$0x2] =	stream.linear.gather [hbm4b:s23+s26], $0x400, $0x38;
	[tilespmem:$0x19800] =	vst v63  }
0x209: {  	s26 =	simm.s32 $0x9000  }
0x20a: {  	[tilespmem:s28], [sflag:$0x1] =	stream.indirect.gather [hbm4b:s5+s18], $0x1, s26, s18, $0xb8;
	[tilespmem:$0x19800] =	vst v63  }
0x20b: {  	_ = 	snop  }
0x20c: {  	[tilespmem:s30], [sflag:$0x1] =	stream.indirect.gather [hbm4b:s6+s18], $0x1, s29, s18, $0xb8;
	[tilespmem:$0x19800] =	vst v63  }
0x20d: {  	_ = 	snop  }
0x20e: {  	[tilespmem:s0], [sflag:$0x1] =	stream.indirect.gather [hbm4b:s7+s18], $0x1, s31, s18, $0xb8;
	[tilespmem:$0x19800] =	vst v63  }
0x20f: {  	_ = 	snop  }
0x210: {  	[tilespmem:s11], [sflag:$0x1] =	stream.indirect.gather [hbm4b:s9+s18], $0x1, s3, s18, $0xb8;
	[tilespmem:$0x19800] =	vst v63  }
0x211: {  	_ =	swait.ge [sflag:s12], $0x1000  }
0x212: {  	[sflag:s12] =	ssyncset.done $0x0  }
0x213: {  	[sflag:s12] =	ssyncadd.s32 $0xFFFFF000  }
0x214: {  	_ =	swait.ge [sflag:s12], $0x1000  }
0x215: {  	[sflag:s12] =	ssyncset.done $0x0  }
0x216: {  	[sflag:s12] =	ssyncadd.s32 $0xFFFFF000  }
0x217: {  	_ =	swait.ge [sflag:s12], $0x1000  }
0x218: {  	[sflag:s12] =	ssyncset.done $0x0  }
0x219: {  	[sflag:s12] =	ssyncadd.s32 $0xFFFFF000  }
0x21a: {  	_ =	swait.ge [sflag:s12], $0x1000  }
0x21b: {  	[sflag:s12] =	ssyncset.done $0x0  }
0x21c: {  	s23 =	simm.s32 $0x0;
	[sflag:s12] =	ssyncadd.s32 $0xFFFFF000  }
0x21d: {  	v1 =	vld [tilespmem:s23+$0x11000]  }
0x21e: {  	v2 =	vld [tilespmem:s23+$0x5000]  }
0x21f: {  	v3 =	vld [tilespmem:s23+$0x11400]  }
0x220: {  	v4 =	vld [tilespmem:s23+$0x5400]  }
0x221: {  	v5 =	vld [tilespmem:s23+$0x11800]  }
0x222: {  	v6 =	vld [tilespmem:s23+$0x5800]  }
0x223: {  	v7 =	vld [tilespmem:s23+$0x11C00]  }
0x224: {  	v8 =	vld [tilespmem:s23+$0x5C00]  }
0x225: {  	v1 =	vmul.f32 v2, v1;
	v2 =	vmul.f32 v4, v3;
	v3 =	vld [tilespmem:s23+$0x12000]  }
0x226: {  	v4 =	vld [tilespmem:s23+$0x6000]  }
0x227: {  	v1 =	vadd.f32 v2, v1;
	v2 =	vmul.f32 v6, v5;
	v5 =	vld [tilespmem:s23+$0x12400]  }
0x228: {  	v6 =	vld [tilespmem:s23+$0x6400]  }
0x229: {  	v1 =	vadd.f32 v2, v1;
	v2 =	vmul.f32 v8, v7;
	v7 =	vld [tilespmem:s23+$0x12800]  }
0x22a: {  	v8 =	vld [tilespmem:s23+$0x6800]  }
0x22b: {  	v1 =	vadd.f32 v2, v1;
	v2 =	vmul.f32 v4, v3;
	v3 =	vld [tilespmem:s23+$0x12C00]  }
0x22c: {  	v4 =	vld [tilespmem:s23+$0x6C00]  }
0x22d: {  	v1 =	vadd.f32 v2, v1;
	v2 =	vmul.f32 v6, v5;
	v5 =	vld [tilespmem:s23+$0x13000]  }
0x22e: {  	v6 =	vld [tilespmem:s23+$0x7000]  }
0x22f: {  	v1 =	vadd.f32 v2, v1;
	v2 =	vmul.f32 v8, v7;
	v7 =	vld [tilespmem:s23+$0x13400]  }
0x230: {  	v8 =	vld [tilespmem:s23+$0x7400]  }
0x231: {  	v1 =	vadd.f32 v2, v1;
	v2 =	vmul.f32 v4, v3;
	v3 =	vld [tilespmem:s23+$0x13800]  }
0x232: {  	v4 =	vld [tilespmem:s23+$0x7800]  }
0x233: {  	v1 =	vadd.f32 v2, v1;
	v2 =	vmul.f32 v6, v5;
	v5 =	vld [tilespmem:s23+$0x13C00]  }
0x234: {  	v6 =	vld [tilespmem:s23+$0x7C00]  }
0x235: {  	v1 =	vadd.f32 v2, v1;
	v2 =	vmul.f32 v8, v7;
	v7 =	vld [tilespmem:s23+$0x14000]  }
0x236: {  	v8 =	vld [tilespmem:s23+$0x8000]  }
0x237: {  	v1 =	vadd.f32 v2, v1;
	v2 =	vmul.f32 v4, v3;
	v3 =	vld [tilespmem:s23+$0x14400]  }
0x238: {  	v4 =	vld [tilespmem:s23+$0x8400]  }
0x239: {  	v62 =	vld [tilespmem:s23+$0x14800];
	v1 =	vadd.f32 v2, v1;
	v2 =	vmul.f32 v6, v5  }
0x23a: {  	v63 =	vld [tilespmem:s23+$0x8800]  }
0x23b: {  	v5 =	vld [tilespmem:s23+$0x8C00];
	v7 =	vmul.f32 v8, v7;
	v6 =	vadd.f32 v2, v1  }
0x23c: {  	s24 =	simm.s32 $0x10;
	v2 =	vld [tilespmem:s23+$0x14C00]  }
0x23d: {  	v1 =	vld [tilespmem:s24+$0x11000];
	v6 =	vadd.f32 v7, v6;
	v7 =	vmul.f32 v4, v3  }
0x23e: {  	v3 =	vld [tilespmem:s24+$0x5000]  }
0x23f: {  	s25 =	simm.s32 $0x80;
	v4 =	vld [tilespmem:s24+$0x11400];
	v6 =	vadd.f32 v7, v6;
	v7 =	vmul.f32 v63, v62  }
.LBB2_9:
0x240: {  	p0 =	sne.s32 s25, $0xFC0;
	v8 =	vld [tilespmem:s24+$0x5400]  }
0x241: {  	v9 =	vld [tilespmem:s24+$0x11800];
	v6 =	vadd.f32 v7, v6;
	v2 =	vmul.f32 v5, v2  }
0x242: {  	v5 =	vld [tilespmem:s24+$0x5800]  }
0x243: {  	v7 =	vld [tilespmem:s24+$0x11C00];
	v2 =	vadd.f32 v2, v6  }
0x244: {  	v6 =	vld [tilespmem:s24+$0x5C00]  }
0x245: {  	v1 =	vmul.f32 v3, v1;
	v3 =	vmul.f32 v8, v4;
	v4 =	vld [tilespmem:s24+$0x12000];
	[tilespmem:s23+$0x19000] =	vst v2;
	s23 =	smov.u32 s24  }
0x246: {  	v2 =	vld [tilespmem:s23+$0x6000]  }
0x247: {  	v1 =	vadd.f32 v3, v1;
	v3 =	vmul.f32 v5, v9;
	v5 =	vld [tilespmem:s23+$0x12400]  }
0x248: {  	v8 =	vld [tilespmem:s23+$0x6400]  }
0x249: {  	v1 =	vadd.f32 v3, v1;
	v3 =	vmul.f32 v6, v7;
	v6 =	vld [tilespmem:s23+$0x12800]  }
0x24a: {  	v7 =	vld [tilespmem:s23+$0x6800]  }
0x24b: {  	v1 =	vadd.f32 v3, v1;
	v2 =	vmul.f32 v2, v4;
	v3 =	vld [tilespmem:s23+$0x12C00]  }
0x24c: {  	v4 =	vld [tilespmem:s23+$0x6C00]  }
0x24d: {  	v1 =	vadd.f32 v2, v1;
	v2 =	vmul.f32 v8, v5;
	v5 =	vld [tilespmem:s23+$0x13000]  }
0x24e: {  	v8 =	vld [tilespmem:s23+$0x7000]  }
0x24f: {  	v1 =	vadd.f32 v2, v1;
	v2 =	vmul.f32 v7, v6;
	v6 =	vld [tilespmem:s23+$0x13400]  }
0x250: {  	v7 =	vld [tilespmem:s23+$0x7400]  }
0x251: {  	v1 =	vadd.f32 v2, v1;
	v2 =	vmul.f32 v4, v3;
	v3 =	vld [tilespmem:s23+$0x13800]  }
0x252: {  	v4 =	vld [tilespmem:s23+$0x7800]  }
0x253: {  	v1 =	vadd.f32 v2, v1;
	v2 =	vmul.f32 v8, v5;
	v5 =	vld [tilespmem:s23+$0x13C00]  }
0x254: {  	v8 =	vld [tilespmem:s23+$0x7C00]  }
0x255: {  	v1 =	vadd.f32 v2, v1;
	v2 =	vmul.f32 v7, v6;
	v6 =	vld [tilespmem:s23+$0x14000]  }
0x256: {  	v7 =	vld [tilespmem:s23+$0x8000]  }
0x257: {  	v1 =	vadd.f32 v2, v1;
	v2 =	vmul.f32 v4, v3;
	v3 =	vld [tilespmem:s23+$0x14400]  }
0x258: {  	v4 =	vld [tilespmem:s23+$0x8400]  }
0x259: {  	v1 =	vadd.f32 v2, v1;
	v2 =	vmul.f32 v8, v5;
	v8 =	vld [tilespmem:s23+$0x14800]  }
0x25a: {  	v9 =	vld [tilespmem:s23+$0x8800]  }
.Ltmp6:
0x25b: {  	v10 =	vadd.f32 v2, v1;
	v6 =	vmul.f32 v7, v6;
	v2 =	vld [tilespmem:s23+$0x14C00];
	(pc) =	sbr.rel @p0 .LBB2_9-.Ltmp6, $4  }
0x25c: {  	s24 =	sshra.s32 s25, $0x2;
	v5 =	vld [tilespmem:s23+$0x8C00]  }
0x25d: {  	v1 =	vld [tilespmem:s24+$0x11000];
	v6 =	vadd.f32 v6, v10;
	v7 =	vmul.f32 v4, v3  }
0x25e: {  	v3 =	vld [tilespmem:s24+$0x5000]  }
0x25f: {  	s25 =	sadd.s32 $0x40, s25;
	v4 =	vld [tilespmem:s24+$0x11400];
	v6 =	vadd.f32 v7, v6;
	v7 =	vmul.f32 v9, v8  }
0x260: {  	v8 =	vld [tilespmem:s24+$0x5400]  }
0x261: {  	v9 =	vld [tilespmem:s24+$0x11800];
	v6 =	vadd.f32 v7, v6;
	v2 =	vmul.f32 v5, v2  }
0x262: {  	v5 =	vld [tilespmem:s24+$0x5800]  }
0x263: {  	v7 =	vld [tilespmem:s24+$0x11C00];
	v2 =	vadd.f32 v2, v6  }
0x264: {  	v6 =	vld [tilespmem:s24+$0x5C00]  }
0x265: {  	v10 =	vld [tilespmem:s24+$0x12000];
	v1 =	vmul.f32 v3, v1;
	v3 =	vmul.f32 v8, v4;
	[tilespmem:s23+$0x19000] =	vst v2  }
0x266: {  	v2 =	vld [tilespmem:s24+$0x6000]  }
0x267: {  	v4 =	vld [tilespmem:s24+$0x12400];
	v1 =	vadd.f32 v3, v1;
	v3 =	vmul.f32 v5, v9  }
0x268: {  	v5 =	vld [tilespmem:s24+$0x6400]  }
0x269: {  	v1 =	vadd.f32 v3, v1;
	v3 =	vmul.f32 v6, v7;
	v6 =	vld [tilespmem:s24+$0x12800]  }
0x26a: {  	v7 =	vld [tilespmem:s24+$0x6800]  }
0x26b: {  	v8 =	vld [tilespmem:s24+$0x6C00];
	v1 =	vadd.f32 v3, v1;
	v2 =	vmul.f32 v2, v10  }
0x26c: {  	v3 =	vld [tilespmem:s24+$0x12C00]  }
0x26d: {  	v1 =	vadd.f32 v2, v1;
	v2 =	vmul.f32 v5, v4;
	v4 =	vld [tilespmem:s24+$0x13000]  }
0x26e: {  	v5 =	vld [tilespmem:s24+$0x7000]  }
0x26f: {  	v1 =	vadd.f32 v2, v1;
	v2 =	vmul.f32 v7, v6;
	v6 =	vld [tilespmem:s24+$0x13400]  }
0x270: {  	v7 =	vld [tilespmem:s24+$0x7400]  }
0x271: {  	v1 =	vadd.f32 v2, v1;
	v2 =	vmul.f32 v8, v3;
	v3 =	vld [tilespmem:s24+$0x13800]  }
0x272: {  	v8 =	vld [tilespmem:s24+$0x7800]  }
0x273: {  	v1 =	vadd.f32 v2, v1;
	v2 =	vmul.f32 v5, v4;
	v4 =	vld [tilespmem:s24+$0x13C00]  }
0x274: {  	v5 =	vld [tilespmem:s24+$0x7C00]  }
0x275: {  	v1 =	vadd.f32 v2, v1;
	v2 =	vmul.f32 v7, v6;
	v6 =	vld [tilespmem:s24+$0x14000]  }
0x276: {  	v7 =	vld [tilespmem:s24+$0x8000]  }
0x277: {  	v1 =	vadd.f32 v2, v1;
	v2 =	vmul.f32 v8, v3;
	v3 =	vld [tilespmem:s24+$0x14400]  }
0x278: {  	v8 =	vld [tilespmem:s24+$0x8400]  }
0x279: {  	v1 =	vadd.f32 v2, v1;
	v2 =	vmul.f32 v5, v4;
	v4 =	vld [tilespmem:s24+$0x14800]  }
0x27a: {  	v5 =	vld [tilespmem:s24+$0x8800]  }
0x27b: {  	v1 =	vadd.f32 v2, v1;
	v2 =	vmul.f32 v7, v6;
	v6 =	vld [tilespmem:s24+$0x14C00]  }
0x27c: {  	v7 =	vld [tilespmem:s24+$0x8C00]  }
0x27d: {  	v1 =	vadd.f32 v2, v1;
	v2 =	vmul.f32 v8, v3;
	_ =	sdelay $0x1  }
0x27e: {  	v1 =	vadd.f32 v2, v1;
	v2 =	vmul.f32 v5, v4;
	_ =	sdelay $0x1  }
0x27f: {  	v1 =	vadd.f32 v2, v1;
	v2 =	vmul.f32 v7, v6;
	_ =	sdelay $0x1  }
0x280: {  	v1 =	vadd.f32 v2, v1;
	_ =	sdelay $0x1  }
0x281: {  	s22 =	sadd.s32 s10, s22;
	s26 =	simm.s32 $0x0;
	[tilespmem:s24+$0x19000] =	vst v1  }
0x282: {  	[hbm4b:s22+s26] =	stream.linear.scatter [tilespmem:s13], [sflag:$0x3], $0x400, $0x38;
	[tilespmem:$0x19800] =	vst v63  }
0x283: {  	_ =	swait.ge [sflag:s15], $0x400  }
0x284: {  	[sflag:s15] =	ssyncset.done $0x0  }
0x285: {  	[sflag:s15] =	ssyncadd.s32 $0xFFFFFC00  }
0x286: {  	_ =	swait.ge [sflag:s15], $0x400  }
0x287: {  	[sflag:s15] =	ssyncset.done $0x0  }
0x288: {  	s22 =	simm.s32 $0x0;
	[sflag:s15] =	ssyncadd.s32 $0xFFFFFC00  }
0x289: {  	v1 =	vld [tilespmem:s22+$0x0];
	_ =	sdelay $0x1  }
0x28a: {  	v2 =	vld [tilespmem:s22+$0x400];
	_ =	sdelay $0x2  }
0x28b: {  	v3 =	vmul.f32 $4.096000000e+03, v1;
	v4 =	vmul.f32 $5.120000000e+02, v1  }
0x28c: {  	v5 =	vmul.f32 $2.048000000e+03, v1;
	v6 =	vmul.f32 $1.024000000e+03, v1  }
0x28d: {  	v1 =	vmul.f32 $4.096000000e+03, v2;
	v7 =	vmul.f32 $5.120000000e+02, v2  }
0x28e: {  	v8 =	vmul.f32 $2.048000000e+03, v2;
	v4 =	vadd.f32 $-5.000000000e-01, v4;
	v3 =	vadd.f32 $-5.000000000e-01, v3  }
0x28f: {  	v2 =	vmul.f32 $1.024000000e+03, v2;
	v9 =	vadd.f32 $-5.000000000e-01, v1;
	v7 =	vadd.f32 $-5.000000000e-01, v7  }
0x290: {  	v8 =	vadd.f32 $-5.000000000e-01, v8;
	v6 =	vadd.f32 $-5.000000000e-01, v6  }
0x291: {  	v14 =	vadd.f32 $-5.000000000e-01, v2;
	v1 =	vtrunc.f32 v4;
	v11 =	vtrunc.f32 v7  }
0x292: {  	v13 =	vtrunc.f32 v3;
	v15 =	vtrunc.f32 v8  }
0x293: {  	v10 =	vadd.f32 $-5.000000000e-01, v5;
	v16 =	vtrunc.f32 v6;
	v17 =	vtrunc.f32 v14  }
0x294: {  	v5 =	vcvt.f32.s32 v1;
	vm0 =	vlt.f32 v4, v1;
	v12 =	vcvt.f32.s32 v11  }
0x295: {  	vm7 =	vlt.f32 v7, v11;
	vm8 =	vlt.f32 v3, v13;
	v13 =	vcvt.f32.s32 v13  }
0x296: {  	vm9 =	vlt.f32 v8, v15;
	vm10 =	vlt.f32 v6, v16;
	v1 =	vsel vm0, $0xFFFFFFFF, v0  }
0x297: {  	vm4 =	vlt.f32 v14, v17;
	v23 =	vsel vm9, $0xFFFFFFFF, v0;
	v1 =	vadd.s32 v5, v1  }
0x298: {  	v24 =	vsel vm4, $0xFFFFFFFF, v0;
	v5 =	vsel vm7, $0xFFFFFFFF, v0;
	v11 =	vcvt.s32.f32 v1  }
0x299: {  	v2 =	vadd.s32 v12, v5;
	v5 =	vtrunc.f32 v9;
	v12 =	vtrunc.f32 v10  }
0x29a: {  	v33 =	vadd.s32 $0x1, v1;
	v18 =	vadd.s32 $0x1, v2;
	v19 =	vcvt.f32.s32 v5  }
0x29b: {  	vm1 =	vlt.f32 v9, v5;
	v22 =	vcvt.f32.s32 v12;
	vm3 =	vlt.f32 v10, v12  }
0x29c: {  	v12 =	vcvt.f32.s32 v16;
	vm7 =	vgt.s32 v2, $0x0;
	v57 =	vor.u32 v33, v2  }
0x29d: {  	v63 =	vor.u32 v1, v2;
	v4 =	vsub.f32 v4, v11;
	v11 =	vcvt.s32.f32 v2  }
0x29e: {  	v21 =	vor.u32 v1, v18;
	v16 =	vsel vm1, $0xFFFFFFFF, v0;
	vm15 =	vgt.s32 v18, $0x0  }
0x29f: {  	v41 =	vnsel vm7, $0x0, v2;
	vm2 =	vlt.u32 v21, $0x200;
	v21 =	vcvt.f32.s32 v15  }
0x2a0: {  	v15 =	vcvt.f32.s32 v17;
	v17 =	vsel vm3, $0xFFFFFFFF, v0;
	v16 =	vadd.s32 v19, v16  }
0x2a1: {  	v38 =	vnsel vm15, $0x0, v18;
	vm15 =	vgt.s32 v1, $0x0;
	v41 =	vmin.u32 v41, $0x1FF  }
0x2a2: {  	v7 =	vsub.f32 v7, v11;
	v11 =	vsub.f32 $1.000000000e+00, v4;
	v17 =	vadd.s32 v22, v17  }
0x2a3: {  	v22 =	vadd.s32 $0x1, v16;
	vm14 =	vgt.s32 v16, $0x0;
	v55 =	vnsel vm15, $0x0, v1  }
0x2a4: {  	v2 =	vshll.u32 v41, $0x9;
	v19 =	vadd.s32 v21, v23;
	v23 =	vcvt.s32.f32 v17  }
0x2a5: {  	vm11 =	vgt.s32 v22, $0x0;
	v31 =	vadd.s32 $0x1, v17;
	v37 =	vnsel vm14, $0x0, v16  }
0x2a6: {  	v20 =	vmul.f32 v11, v7;
	v29 =	vsub.f32 $1.000000000e+00, v7;
	vm5 =	vgt.s32 v19, $0x0  }
0x2a7: {  	v34 =	vnsel vm11, $0x0, v22;
	vm9 =	vgt.s32 v31, $0x0;
	vm11 =	vgt.s32 v33, $0x0  }
0x2a8: {  	v60 =	vmul.f32 v7, v4;
	v51 =	vor.u32 v31, v19;
	v10 =	vsub.f32 v10, v23  }
0x2a9: {  	v39 =	vnsel vm5, $0x0, v19;
	v34 =	vmin.u32 v34, $0xFFF;
	v61 =	vnsel vm11, $0x0, v33  }
0x2aa: {  	vm3 =	vlt.u32 v51, $0x800;
	v5 =	vnsel vm2, $0x0, v20;
	v20 =	vsel vm8, $0xFFFFFFFF, v0  }
0x2ab: {  	v47 =	vmul.f32 v29, v4;
	v1 =	vmin.u32 v61, $0x1FF;
	v13 =	vadd.s32 v13, v20  }
0x2ac: {  	v20 =	vsel vm10, $0xFFFFFFFF, v0;
	v25 =	vsub.f32 $1.000000000e+00, v10;
	v21 =	vcvt.s32.f32 v13  }
0x2ad: {  	v12 =	vadd.s32 v12, v20;
	v20 =	vadd.s32 v15, v24;
	v15 =	vcvt.s32.f32 v16  }
0x2ae: {  	v30 =	vadd.s32 $0x1, v13;
	v50 =	vor.u32 v13, v22;
	v56 =	vor.u32 v13, v16  }
0x2af: {  	v24 =	vcvt.s32.f32 v12;
	v32 =	vadd.s32 $0x1, v12;
	vm6 =	vgt.s32 v20, $0x0  }
0x2b0: {  	vm8 =	vgt.s32 v30, $0x0;
	vm14 =	vgt.s32 v12, $0x0;
	v49 =	vor.u32 v30, v16  }
0x2b1: {  	v22 =	vor.u32 v30, v22;
	v62 =	vor.u32 v12, v20;
	vm1 =	vlt.u32 v50, $0x1000  }
0x2b2: {  	v3 =	vsub.f32 v3, v21;
	v21 =	vcvt.s32.f32 v19;
	v9 =	vsub.f32 v9, v15  }
0x2b3: {  	v15 =	vcvt.s32.f32 v20;
	vm10 =	vgt.s32 v32, $0x0;
	v40 =	vnsel vm6, $0x0, v20  }
0x2b4: {  	v53 =	vor.u32 v32, v20;
	vm0 =	vlt.u32 v49, $0x1000;
	vm2 =	vlt.u32 v22, $0x1000  }
0x2b5: {  	v6 =	vsub.f32 v6, v24;
	v7 =	vnsel vm10, $0x0, v32;
	vm6 =	vlt.u32 v53, $0x400  }
0x2b6: {  	vm10 =	vlt.u32 v57, $0x200;
	v8 =	vsub.f32 v8, v21;
	v21 =	vadd.s32 $0x1, v19  }
0x2b7: {  	v23 =	vsub.f32 $1.000000000e+00, v3;
	v14 =	vsub.f32 v14, v15;
	v15 =	vadd.s32 $0x1, v20  }
0x2b8: {  	v24 =	vsub.f32 $1.000000000e+00, v9;
	v44 =	vmul.f32 v9, v3;
	vm12 =	vgt.s32 v21, $0x0  }
0x2b9: {  	v27 =	vsub.f32 $1.000000000e+00, v6;
	vm13 =	vgt.s32 v15, $0x0;
	v52 =	vor.u32 v17, v21  }
0x2ba: {  	v32 =	vor.u32 v32, v15;
	v54 =	vor.u32 v12, v15;
	v26 =	vsub.f32 $1.000000000e+00, v8  }
0x2bb: {  	v28 =	vsub.f32 $1.000000000e+00, v14;
	v35 =	vnsel vm12, $0x0, v21;
	v36 =	vnsel vm13, $0x0, v15  }
0x2bc: {  	vm12 =	vgt.s32 v13, $0x0;
	vm13 =	vgt.s32 v17, $0x0;
	v42 =	vmul.f32 v24, v23  }
0x2bd: {  	v24 =	vmul.f32 v24, v3;
	v23 =	vmul.f32 v23, v9;
	v3 =	vmin.u32 v38, $0x1FF  }
0x2be: {  	v38 =	vmul.f32 v29, v11;
	v11 =	vnsel vm8, $0x0, v30;
	v29 =	vmin.u32 v40, $0x3FF  }
0x2bf: {  	v21 =	vor.u32 v31, v21;
	v15 =	vshll.u32 v34, $0xC;
	vm4 =	vlt.u32 v52, $0x800  }
0x2c0: {  	vm7 =	vlt.u32 v54, $0x400;
	vm8 =	vlt.u32 v32, $0x400;
	v35 =	vmin.u32 v35, $0x7FF  }
0x2c1: {  	v36 =	vmin.u32 v36, $0x3FF;
	v48 =	vnsel vm12, $0x0, v13;
	v30 =	vnsel vm13, $0x0, v17  }
0x2c2: {  	v17 =	vor.u32 v17, v19;
	v19 =	vor.u32 v33, v18;
	v9 =	vshll.u32 v3, $0x9  }
0x2c3: {  	v4 =	vmin.u32 v11, $0xFFF;
	v3 =	vmin.u32 v7, $0x3FF;
	v11 =	vshll.u32 v29, $0xA  }
0x2c4: {  	vm5 =	vlt.u32 v21, $0x800;
	v43 =	vmul.f32 v26, v25;
	v26 =	vmul.f32 v26, v10  }
0x2c5: {  	vm13 =	vlt.u32 v62, $0x400;
	v25 =	vmul.f32 v25, v8;
	v45 =	vmul.f32 v28, v27  }
0x2c6: {  	v46 =	vmul.f32 v28, v6;
	v27 =	vmul.f32 v27, v14;
	v28 =	vmin.u32 v37, $0xFFF  }
0x2c7: {  	v10 =	vmul.f32 v8, v10;
	v37 =	vmul.f32 v14, v6;
	v6 =	vnsel vm9, $0x0, v31  }
0x2c8: {  	v8 =	vmin.u32 v39, $0x7FF;
	v31 =	vnsel vm14, $0x0, v12;
	v16 =	vshll.u32 v35, $0xB  }
0x2c9: {  	v14 =	vshll.u32 v36, $0xA;
	v18 =	vmin.u32 v48, $0xFFF;
	v20 =	vmin.u32 v30, $0x7FF  }
0x2ca: {  	v30 =	vmin.u32 v55, $0x1FF;
	vm9 =	vlt.u32 v56, $0x1000;
	vm11 =	vlt.u32 v19, $0x200  }
0x2cb: {  	vm12 =	vlt.u32 v17, $0x800;
	vm14 =	vlt.u32 v63, $0x200;
	v7 =	vnsel vm0, $0x0, v24  }
0x2cc: {  	v17 =	vnsel vm10, $0x0, v47;
	v12 =	vshll.u32 v28, $0xC;
	v6 =	vmin.u32 v6, $0x7FF  }
0x2cd: {  	[tilespmem:s22+$0x8800] =	vst v5;
	v13 =	vshll.u32 v8, $0xB;
	v29 =	vmin.u32 v31, $0x3FF;
	v5 =	vnsel vm9, $0x0, v42  }
0x2ce: {  	v8 =	vnsel vm1, $0x0, v23;
	v19 =	vnsel vm14, $0x0, v38;
	[tilespmem:s22+$0x5000] =	vst v5;
	v5 =	vnsel vm12, $0x0, v43  }
0x2cf: {  	[tilespmem:s22+$0x5400] =	vst v7;
	v23 =	vnsel vm3, $0x0, v26;
	v22 =	vnsel vm4, $0x0, v25;
	v28 =	vnsel vm13, $0x0, v45  }
0x2d0: {  	v24 =	vnsel vm6, $0x0, v46;
	v21 =	vnsel vm7, $0x0, v27;
	[tilespmem:s22+$0x5800] =	vst v8;
	v8 =	vnsel vm2, $0x0, v44  }
0x2d1: {  	s23 =	simm.s32 $0x10;
	s24 =	simm.s32 $0x80;
	v10 =	vnsel vm5, $0x0, v10;
	v7 =	vnsel vm8, $0x0, v37;
	[tilespmem:s22+$0x6000] =	vst v5;
	v5 =	vnsel vm11, $0x0, v60  }
.LBB2_11:
0x2d2: {  	p0 =	sne.s32 s24, $0xFC0;
	v25 =	vld [tilespmem:s23+$0x0];
	v26 =	vor.u32 v18, v15;
	v15 =	vor.u32 v4, v15;
	v27 =	vor.u32 v20, v16;
	[tilespmem:s22+$0x6400] =	vst v23  }
0x2d3: {  	v16 =	vor.u32 v6, v16;
	[tilespmem:s22+$0x6800] =	vst v22;
	v22 =	vor.u32 v29, v14;
	v14 =	vor.u32 v3, v14  }
0x2d4: {  	v18 =	vor.u32 v18, v12;
	v23 =	vld [tilespmem:s23+$0x400];
	[tilespmem:s22+$0x7000] =	vst v28;
	v28 =	vor.u32 v30, v9;
	v9 =	vor.u32 v1, v9  }
0x2d5: {  	v12 =	vor.u32 v4, v12;
	v20 =	vor.u32 v20, v13;
	v6 =	vor.u32 v6, v13;
	[tilespmem:s22+$0x7400] =	vst v24  }
0x2d6: {  	v13 =	vor.u32 v29, v11;
	v11 =	vor.u32 v3, v11;
	[tilespmem:s22+$0x7800] =	vst v21;
	v21 =	vor.u32 v30, v2  }
0x2d7: {  	v24 =	vor.u32 v1, v2;
	v3 =	vmul.f32 $4.096000000e+03, v25;
	v4 =	vmul.f32 $5.120000000e+02, v25;
	[tilespmem:s22+$0x8000] =	vst v19  }
0x2d8: {  	v1 =	vmul.f32 $2.048000000e+03, v25;
	v2 =	vmul.f32 $1.024000000e+03, v25;
	[tilespmem:s22+$0x8400] =	vst v17  }
0x2d9: {  	v17 =	vmul.f32 $4.096000000e+03, v23;
	v4 =	vadd.f32 $-5.000000000e-01, v4;
	v19 =	vmul.f32 $5.120000000e+02, v23;
	[tilespmem:s22+$0x5C00] =	vst v8  }
0x2da: {  	v25 =	vadd.f32 $-5.000000000e-01, v3;
	v3 =	vmul.f32 $2.048000000e+03, v23;
	v8 =	vmul.f32 $1.024000000e+03, v23;
	[tilespmem:s22+$0x6C00] =	vst v10  }
0x2db: {  	v17 =	vadd.f32 $-5.000000000e-01, v17;
	v10 =	vadd.f32 $-5.000000000e-01, v19;
	v19 =	vtrunc.f32 v4;
	[tilespmem:s22+$0x7C00] =	vst v7  }
0x2dc: {  	v23 =	vadd.f32 $-5.000000000e-01, v1;
	v1 =	vcvt.f32.s32 v19;
	vm0 =	vlt.f32 v4, v19;
	[tilespmem:s22+$0x8C00] =	vst v5  }
0x2dd: {  	v19 =	vadd.f32 $-5.000000000e-01, v3;
	v3 =	vtrunc.f32 v10;
	v5 =	vsel vm0, $0xFFFFFFFF, v0;
	[tilespmem:s22+$0x1800] =	vst v26  }
0x2de: {  	v7 =	vcvt.f32.s32 v3;
	v1 =	vadd.s32 v1, v5;
	vm0 =	vlt.f32 v10, v3;
	[tilespmem:s22+$0x1C00] =	vst v15  }
0x2df: {  	v15 =	vadd.f32 $-5.000000000e-01, v2;
	v2 =	vsel vm0, $0xFFFFFFFF, v0;
	v3 =	vcvt.s32.f32 v1;
	[tilespmem:s22+$0x2800] =	vst v27  }
0x2e0: {  	v26 =	vtrunc.f32 v25;
	v27 =	vadd.f32 $-5.000000000e-01, v8;
	v2 =	vadd.s32 v7, v2;
	[tilespmem:s22+$0x2C00] =	vst v16  }
0x2e1: {  	v8 =	vtrunc.f32 v17;
	v4 =	vsub.f32 v4, v3;
	v3 =	vcvt.s32.f32 v2;
	[tilespmem:s22+$0x3800] =	vst v22  }
0x2e2: {  	vm0 =	vlt.f32 v25, v26;
	v16 =	vtrunc.f32 v23;
	v22 =	vtrunc.f32 v19;
	[tilespmem:s22+$0x3C00] =	vst v14  }
0x2e3: {  	v14 =	vtrunc.f32 v15;
	v5 =	vsub.f32 v10, v3;
	v7 =	vsub.f32 $1.000000000e+00, v4;
	[tilespmem:s22+$0x4800] =	vst v28  }
0x2e4: {  	v10 =	vcvt.f32.s32 v26;
	v26 =	vtrunc.f32 v27;
	v3 =	vadd.s32 $0x1, v2;
	[tilespmem:s22+$0x4C00] =	vst v9  }
0x2e5: {  	v9 =	vcvt.f32.s32 v8;
	v29 =	vor.u32 v1, v3;
	v28 =	vmul.f32 v7, v5;
	[tilespmem:s22+$0x1000] =	vst v18  }
0x2e6: {  	vm1 =	vlt.f32 v17, v8;
	v18 =	vcvt.f32.s32 v16;
	vm2 =	vlt.u32 v29, $0x200;
	[tilespmem:s22+$0x1400] =	vst v12  }
0x2e7: {  	vm3 =	vlt.f32 v23, v16;
	v12 =	vcvt.f32.s32 v22;
	v8 =	vnsel vm2, $0x0, v28;
	[tilespmem:s22+$0x2000] =	vst v20  }
0x2e8: {  	v16 =	vcvt.f32.s32 v14;
	vm2 =	vlt.f32 v19, v22;
	v20 =	vcvt.f32.s32 v26;
	[tilespmem:s23+$0x8800] =	vst v8  }
0x2e9: {  	vm4 =	vlt.f32 v27, v26;
	v8 =	vsel vm0, $0xFFFFFFFF, v0;
	vm0 =	vlt.f32 v15, v14;
	[tilespmem:s22+$0x2400] =	vst v6  }
0x2ea: {  	v22 =	vsel vm3, $0xFFFFFFFF, v0;
	v14 =	vsel vm1, $0xFFFFFFFF, v0;
	v26 =	vsel vm2, $0xFFFFFFFF, v0;
	[tilespmem:s22+$0x3000] =	vst v13  }
0x2eb: {  	v28 =	vsel vm4, $0xFFFFFFFF, v0;
	v6 =	vadd.s32 v10, v8;
	v13 =	vsel vm0, $0xFFFFFFFF, v0;
	[tilespmem:s22+$0x3400] =	vst v11  }
0x2ec: {  	v8 =	vadd.s32 v9, v14;
	v9 =	vadd.s32 v18, v22;
	v10 =	vadd.s32 v12, v26;
	[tilespmem:s22+$0x4000] =	vst v21  }
0x2ed: {  	v12 =	vadd.s32 v20, v28;
	v14 =	vcvt.s32.f32 v6;
	v11 =	vadd.s32 v16, v13;
	[tilespmem:s22+$0x4400] =	vst v24;
	s22 =	smov.u32 s23  }
0x2ee: {  	v18 =	vcvt.s32.f32 v9;
	v13 =	vcvt.s32.f32 v8;
	v16 =	vadd.s32 $0x1, v8  }
0x2ef: {  	v20 =	vcvt.s32.f32 v10;
	v14 =	vsub.f32 v25, v14;
	v21 =	vcvt.s32.f32 v11  }
0x2f0: {  	v13 =	vsub.f32 v17, v13;
	v17 =	vsub.f32 v23, v18;
	v18 =	vcvt.s32.f32 v12  }
0x2f1: {  	v19 =	vsub.f32 v19, v20;
	v20 =	vadd.s32 $0x1, v10;
	v15 =	vsub.f32 v15, v21  }
0x2f2: {  	v22 =	vadd.s32 $0x1, v12;
	v21 =	vsub.f32 $1.000000000e+00, v14;
	v18 =	vsub.f32 v27, v18  }
0x2f3: {  	vm0 =	vgt.s32 v16, $0x0;
	v23 =	vsub.f32 $1.000000000e+00, v13;
	v24 =	vsub.f32 $1.000000000e+00, v17  }
0x2f4: {  	vm1 =	vgt.s32 v20, $0x0;
	v25 =	vsub.f32 $1.000000000e+00, v19;
	v26 =	vsub.f32 $1.000000000e+00, v15  }
0x2f5: {  	v28 =	vsub.f32 $1.000000000e+00, v5;
	vm2 =	vgt.s32 v22, $0x0;
	v27 =	vsub.f32 $1.000000000e+00, v18  }
0x2f6: {  	vm4 =	vgt.s32 v3, $0x0;
	v29 =	vadd.s32 $0x1, v6;
	vm3 =	vgt.s32 v8, $0x0  }
0x2f7: {  	v30 =	vadd.s32 $0x1, v9;
	vm5 =	vgt.s32 v10, $0x0;
	v31 =	vadd.s32 $0x1, v11  }
0x2f8: {  	v32 =	vadd.s32 $0x1, v1;
	vm9 =	vgt.s32 v2, $0x0;
	vm8 =	vgt.s32 v12, $0x0  }
0x2f9: {  	v35 =	vnsel vm2, $0x0, v22;
	v33 =	vnsel vm0, $0x0, v16;
	v34 =	vnsel vm1, $0x0, v20  }
0x2fa: {  	v37 =	vnsel vm4, $0x0, v3;
	vm7 =	vgt.s32 v29, $0x0;
	v36 =	vnsel vm3, $0x0, v8  }
0x2fb: {  	vm6 =	vgt.s32 v30, $0x0;
	v38 =	vnsel vm5, $0x0, v10;
	vm3 =	vgt.s32 v31, $0x0  }
0x2fc: {  	v40 =	vnsel vm9, $0x0, v2;
	vm4 =	vgt.s32 v32, $0x0;
	v39 =	vnsel vm8, $0x0, v12  }
0x2fd: {  	vm5 =	vgt.s32 v6, $0x0;
	vm2 =	vgt.s32 v9, $0x0;
	vm1 =	vgt.s32 v11, $0x0  }
0x2fe: {  	vm0 =	vgt.s32 v1, $0x0;
	v41 =	vmul.f32 v23, v21;
	v23 =	vmul.f32 v23, v14  }
0x2ff: {  	v33 =	vmin.u32 v33, $0xFFF;
	v21 =	vmul.f32 v21, v13;
	v42 =	vmul.f32 v25, v24  }
0x300: {  	v34 =	vmin.u32 v34, $0x7FF;
	v25 =	vmul.f32 v25, v17;
	v24 =	vmul.f32 v24, v19  }
0x301: {  	v35 =	vmin.u32 v35, $0x3FF;
	v43 =	vmul.f32 v27, v26;
	v27 =	vmul.f32 v27, v15  }
0x302: {  	v37 =	vmin.u32 v37, $0x1FF;
	v7 =	vmul.f32 v28, v7;
	v26 =	vmul.f32 v26, v18  }
0x303: {  	v46 =	vmul.f32 v28, v4;
	v44 =	vnsel vm7, $0x0, v29;
	v45 =	vmul.f32 v13, v14  }
0x304: {  	v13 =	vmin.u32 v36, $0xFFF;
	v36 =	vmul.f32 v19, v17;
	v47 =	vmul.f32 v18, v15  }
0x305: {  	v5 =	vmul.f32 v5, v4;
	v17 =	vnsel vm6, $0x0, v30;
	v18 =	vmin.u32 v38, $0x7FF  }
0x306: {  	v28 =	vmin.u32 v39, $0x3FF;
	v19 =	vnsel vm3, $0x0, v31;
	v38 =	vnsel vm4, $0x0, v32  }
0x307: {  	v40 =	vmin.u32 v40, $0x1FF;
	v48 =	vor.u32 v29, v8;
	v39 =	vnsel vm5, $0x0, v6  }
0x308: {  	v49 =	vor.u32 v6, v16;
	v29 =	vor.u32 v29, v16;
	v50 =	vnsel vm2, $0x0, v9  }
0x309: {  	v51 =	vor.u32 v30, v10;
	v52 =	vor.u32 v9, v20;
	v30 =	vor.u32 v30, v20  }
0x30a: {  	v55 =	vor.u32 v11, v22;
	v54 =	vor.u32 v31, v12;
	v53 =	vnsel vm1, $0x0, v11  }
0x30b: {  	v56 =	vor.u32 v32, v2;
	v22 =	vor.u32 v31, v22;
	v31 =	vnsel vm0, $0x0, v1  }
0x30c: {  	v8 =	vor.u32 v6, v8;
	v10 =	vor.u32 v9, v10;
	v32 =	vor.u32 v32, v3  }
0x30d: {  	v57 =	vor.u32 v1, v2;
	v15 =	vshll.u32 v33, $0xC;
	v33 =	vor.u32 v11, v12  }
0x30e: {  	v9 =	vshll.u32 v37, $0x9;
	v16 =	vshll.u32 v34, $0xB;
	v14 =	vshll.u32 v35, $0xA  }
0x30f: {  	v4 =	vmin.u32 v44, $0xFFF;
	v6 =	vmin.u32 v17, $0x7FF;
	v12 =	vshll.u32 v13, $0xC  }
0x310: {  	v3 =	vmin.u32 v19, $0x3FF;
	v11 =	vshll.u32 v28, $0xA;
	v13 =	vshll.u32 v18, $0xB  }
0x311: {  	v2 =	vshll.u32 v40, $0x9;
	v18 =	vmin.u32 v39, $0xFFF;
	v1 =	vmin.u32 v38, $0x1FF  }
0x312: {  	vm1 =	vlt.u32 v29, $0x1000;
	vm3 =	vlt.u32 v48, $0x1000;
	vm4 =	vlt.u32 v49, $0x1000  }
0x313: {  	vm5 =	vlt.u32 v51, $0x800;
	v20 =	vmin.u32 v50, $0x7FF;
	vm6 =	vlt.u32 v52, $0x800  }
0x314: {  	vm7 =	vlt.u32 v54, $0x400;
	v29 =	vmin.u32 v53, $0x3FF;
	vm0 =	vlt.u32 v30, $0x800  }
0x315: {  	vm8 =	vlt.u32 v55, $0x400;
	vm2 =	vlt.u32 v22, $0x400;
	v30 =	vmin.u32 v31, $0x1FF  }
0x316: {  	vm10 =	vlt.u32 v56, $0x200;
	vm9 =	vlt.u32 v8, $0x1000;
	vm11 =	vlt.u32 v32, $0x200  }
0x317: {  	vm14 =	vlt.u32 v57, $0x200;
	vm12 =	vlt.u32 v10, $0x800;
	vm13 =	vlt.u32 v33, $0x400  }
.Ltmp7:
0x318: {  	v8 =	vnsel vm9, $0x0, v41;
	v10 =	vnsel vm3, $0x0, v23;
	v17 =	vnsel vm4, $0x0, v21;
	(pc) =	sbr.rel @p0 .LBB2_11-.Ltmp7, $4  }
0x319: {  	v31 =	vnsel vm12, $0x0, v42;
	v23 =	vnsel vm5, $0x0, v25;
	v22 =	vnsel vm6, $0x0, v24;
	[tilespmem:s22+$0x5000] =	vst v8  }
0x31a: {  	v28 =	vnsel vm13, $0x0, v43;
	v24 =	vnsel vm7, $0x0, v27;
	v21 =	vnsel vm8, $0x0, v26;
	[tilespmem:s22+$0x5400] =	vst v10  }
0x31b: {  	v19 =	vnsel vm14, $0x0, v7;
	v8 =	vnsel vm1, $0x0, v45;
	[tilespmem:s22+$0x5800] =	vst v17;
	v17 =	vnsel vm10, $0x0, v46  }
0x31c: {  	s23 =	sshra.s32 s24, $0x2;
	s24 =	sadd.s32 $0x40, s24;
	v7 =	vnsel vm2, $0x0, v47;
	v5 =	vnsel vm11, $0x0, v5;
	v10 =	vnsel vm0, $0x0, v36;
	[tilespmem:s22+$0x6000] =	vst v31  }
0x31d: {  	v31 =	vld [tilespmem:s23+$0x0];
	[tilespmem:s22+$0x6400] =	vst v23;
	v32 =	vor.u32 v18, v15;
	v33 =	vor.u32 v4, v15  }
0x31e: {  	v34 =	vor.u32 v20, v16;
	[tilespmem:s22+$0x6800] =	vst v22;
	v35 =	vor.u32 v6, v16;
	v36 =	vor.u32 v29, v14  }
0x31f: {  	v27 =	vor.u32 v3, v14;
	v23 =	vor.u32 v18, v12;
	v26 =	vor.u32 v30, v9;
	v50 =	vld [tilespmem:s23+$0x400]  }
0x320: {  	v25 =	vor.u32 v1, v9;
	v22 =	vor.u32 v4, v12;
	v20 =	vor.u32 v20, v13  }
0x321: {  	v18 =	vor.u32 v6, v13;
	v16 =	vor.u32 v29, v11;
	v14 =	vor.u32 v3, v11  }
0x322: {  	v12 =	vor.u32 v30, v2;
	v3 =	vmul.f32 $4.096000000e+03, v31;
	v4 =	vmul.f32 $5.120000000e+02, v31  }
0x323: {  	v11 =	vor.u32 v1, v2;
	v6 =	vmul.f32 $2.048000000e+03, v31;
	v1 =	vmul.f32 $1.024000000e+03, v31  }
0x324: {  	v2 =	vmul.f32 $5.120000000e+02, v50;
	v51 =	vmul.f32 $4.096000000e+03, v50;
	v4 =	vadd.f32 $-5.000000000e-01, v4  }
0x325: {  	v52 =	vmul.f32 $1.024000000e+03, v50;
	v29 =	vadd.f32 $-5.000000000e-01, v3;
	v54 =	vadd.f32 $-5.000000000e-01, v6  }
0x326: {  	v3 =	vmul.f32 $2.048000000e+03, v50;
	v38 =	vadd.f32 $-5.000000000e-01, v1;
	v53 =	vadd.f32 $-5.000000000e-01, v2  }
0x327: {  	v30 =	vadd.f32 $-5.000000000e-01, v51;
	v39 =	vadd.f32 $-5.000000000e-01, v52;
	v2 =	vtrunc.f32 v4  }
0x328: {  	v37 =	vadd.f32 $-5.000000000e-01, v3;
	v56 =	vtrunc.f32 v29;
	v57 =	vtrunc.f32 v54  }
0x329: {  	v42 =	vtrunc.f32 v38;
	v6 =	vcvt.f32.s32 v2;
	vm0 =	vlt.f32 v4, v2  }
0x32a: {  	v55 =	vtrunc.f32 v53;
	vm9 =	vlt.f32 v29, v56;
	v58 =	vtrunc.f32 v39  }
0x32b: {  	vm3 =	vlt.f32 v54, v57;
	v60 =	vcvt.f32.s32 v42;
	vm11 =	vlt.f32 v38, v42  }
0x32c: {  	v2 =	vsel vm0, $0xFFFFFFFF, v0;
	v3 =	vcvt.f32.s32 v55;
	vm8 =	vlt.f32 v53, v55  }
0x32d: {  	v41 =	vtrunc.f32 v37;
	v48 =	vcvt.f32.s32 v58;
	v61 =	vsel vm9, $0xFFFFFFFF, v0  }
0x32e: {  	vm4 =	vlt.f32 v39, v58;
	v63 =	vsel vm3, $0xFFFFFFFF, v0;
	v50 =	vsel vm11, $0xFFFFFFFF, v0  }
0x32f: {  	v2 =	vadd.s32 v6, v2;
	v1 =	vsel vm8, $0xFFFFFFFF, v0;
	v59 =	vcvt.f32.s32 v41  }
0x330: {  	vm10 =	vlt.f32 v37, v41;
	v51 =	vsel vm4, $0xFFFFFFFF, v0;
	v9 =	vadd.s32 v60, v50  }
0x331: {  	v6 =	vcvt.s32.f32 v2;
	v1 =	vadd.s32 v3, v1;
	v3 =	vtrunc.f32 v30  }
0x332: {  	[tilespmem:s22+$0x2800] =	vst v34;
	v49 =	vsel vm10, $0xFFFFFFFF, v0;
	v34 =	vadd.s32 $0x1, v9;
	v45 =	vcvt.f32.s32 v3  }
0x333: {  	[tilespmem:s22+$0x7000] =	vst v28;
	vm1 =	vlt.f32 v30, v3;
	v3 =	vcvt.f32.s32 v57;
	vm6 =	vgt.s32 v34, $0x0  }
0x334: {  	[tilespmem:s22+$0x7400] =	vst v24;
	v40 =	vsub.f32 v4, v6;
	v4 =	vcvt.s32.f32 v1;
	v6 =	vadd.s32 $0x1, v1  }
0x335: {  	[tilespmem:s22+$0x7800] =	vst v21;
	v62 =	vsel vm1, $0xFFFFFFFF, v0;
	vm1 =	vgt.s32 v2, $0x0;
	v46 =	vor.u32 v2, v6  }
0x336: {  	[tilespmem:s22+$0x8000] =	vst v19;
	v45 =	vadd.s32 v45, v62;
	v13 =	vadd.s32 v3, v63;
	v3 =	vadd.s32 v48, v51  }
0x337: {  	[tilespmem:s22+$0x8400] =	vst v17;
	v51 =	vcvt.s32.f32 v9;
	vm5 =	vgt.s32 v6, $0x0;
	v43 =	vsub.f32 v53, v4  }
0x338: {  	[tilespmem:s22+$0x5C00] =	vst v8;
	v44 =	vsub.f32 $1.000000000e+00, v40;
	v4 =	vcvt.f32.s32 v56;
	vm2 =	vlt.u32 v46, $0x200  }
0x339: {  	[tilespmem:s22+$0x6C00] =	vst v10;
	v48 =	vcvt.s32.f32 v45;
	v21 =	vadd.s32 $0x1, v45;
	v52 =	vcvt.s32.f32 v3  }
0x33a: {  	[tilespmem:s22+$0x1C00] =	vst v33;
	vm15 =	vgt.s32 v45, $0x0;
	v33 =	vadd.s32 $0x1, v13;
	v62 =	vnsel vm5, $0x0, v6  }
0x33b: {  	[tilespmem:s22+$0x7C00] =	vst v7;
	vm3 =	vgt.s32 v13, $0x0;
	v41 =	vor.u32 v9, v3;
	v28 =	vsub.f32 v38, v51  }
0x33c: {  	[tilespmem:s22+$0x8C00] =	vst v5;
	vm12 =	vgt.s32 v21, $0x0;
	v5 =	vnsel vm15, $0x0, v45;
	vm7 =	vgt.s32 v33, $0x0  }
0x33d: {  	[tilespmem:s22+$0x3800] =	vst v36;
	v36 =	vmin.u32 v62, $0x1FF;
	v15 =	vmul.f32 v44, v43;
	v24 =	vsub.f32 v30, v48  }
0x33e: {  	[tilespmem:s22+$0x1800] =	vst v32;
	v10 =	vsub.f32 v39, v52;
	v58 =	vsub.f32 $1.000000000e+00, v43;
	v5 =	vmin.u32 v5, $0xFFF  }
0x33f: {  	[tilespmem:s22+$0x2C00] =	vst v35;
	v56 =	vsub.f32 $1.000000000e+00, v28;
	v5 =	vshll.u32 v5, $0xC;
	v47 =	vnsel vm2, $0x0, v15  }
0x340: {  	[tilespmem:s22+$0x3C00] =	vst v27;
	v15 =	vadd.s32 v4, v61;
	v4 =	vadd.s32 v59, v49;
	v49 =	vcvt.s32.f32 v13  }
0x341: {  	[tilespmem:s22+$0x4800] =	vst v26;
	v7 =	vsub.f32 $1.000000000e+00, v24;
	v57 =	vsub.f32 $1.000000000e+00, v10;
	v59 =	vnsel vm12, $0x0, v21  }
0x342: {  	[tilespmem:s22+$0x4C00] =	vst v25;
	vm2 =	vgt.s32 v9, $0x0;
	v52 =	vmul.f32 v58, v44;
	v46 =	vcvt.s32.f32 v15  }
0x343: {  	[tilespmem:s22+$0x1000] =	vst v23;
	v50 =	vcvt.s32.f32 v4;
	v8 =	vadd.s32 $0x1, v4;
	v42 =	vadd.s32 $0x1, v15  }
0x344: {  	[tilespmem:s22+$0x1400] =	vst v22;
	vm4 =	vgt.s32 v15, $0x0;
	v23 =	vmin.u32 v59, $0xFFF;
	v51 =	vmul.f32 v56, v10  }
0x345: {  	[tilespmem:s22+$0x2000] =	vst v20;
	v10 =	vmul.f32 v10, v28;
	v59 =	vor.u32 v15, v45;
	v62 =	vor.u32 v13, v4  }
0x346: {  	[tilespmem:s23+$0x8800] =	vst v47;
	v47 =	vor.u32 v2, v1;
	v17 =	vsub.f32 v54, v49;
	vm13 =	vgt.s32 v8, $0x0  }
0x347: {  	vm8 =	vgt.s32 v42, $0x0;
	v32 =	vmul.f32 v57, v28;
	vm9 =	vlt.u32 v62, $0x800  }
0x348: {  	v19 =	vsub.f32 v29, v46;
	v30 =	vsub.f32 v37, v50;
	v29 =	vadd.s32 $0x1, v3  }
0x349: {  	v46 =	vadd.s32 $0x1, v2;
	v60 =	vnsel vm13, $0x0, v8;
	v50 =	vmul.f32 v57, v56  }
0x34a: {  	v56 =	vnsel vm7, $0x0, v33;
	v57 =	vmul.f32 v43, v40;
	vm13 =	vlt.u32 v59, $0x1000  }
0x34b: {  	v43 =	vor.u32 v34, v3;
	v2 =	vnsel vm1, $0x0, v2;
	v54 =	vsub.f32 $1.000000000e+00, v17  }
0x34c: {  	vm14 =	vgt.s32 v29, $0x0;
	vm12 =	vgt.s32 v46, $0x0;
	v22 =	vmin.u32 v60, $0x7FF  }
0x34d: {  	[tilespmem:s22+$0x2400] =	vst v18;
	v60 =	vor.u32 v42, v45;
	v6 =	vor.u32 v46, v6;
	v2 =	vmin.u32 v2, $0x1FF  }
0x34e: {  	[tilespmem:s22+$0x3000] =	vst v16;
	v53 =	vsub.f32 $1.000000000e+00, v19;
	v55 =	vsub.f32 $1.000000000e+00, v30;
	v61 =	vnsel vm14, $0x0, v29  }
0x34f: {  	[tilespmem:s22+$0x4000] =	vst v12;
	v12 =	vnsel vm12, $0x0, v46;
	vm14 =	vlt.u32 v60, $0x1000;
	vm12 =	vlt.u32 v41, $0x400  }
0x350: {  	[tilespmem:s22+$0x3400] =	vst v14;
	v60 =	vshll.u32 v36, $0x9;
	v48 =	vmul.f32 v54, v30;
	v20 =	vmin.u32 v61, $0x3FF  }
0x351: {  	[tilespmem:s22+$0x4400] =	vst v11;
	v61 =	vor.u32 v15, v21;
	v45 =	vnsel vm12, $0x0, v50;
	v63 =	vmul.f32 v7, v53  }
0x352: {  	v7 =	vmul.f32 v7, v19;
	vm15 =	vlt.u32 v61, $0x1000;
	[tilespmem:s23+$0x7000] =	vst v45;
	v61 =	vor.u32 v2, v60  }
0x353: {  	v26 =	vmul.f32 v53, v24;
	v27 =	vmul.f32 v55, v54;
	[tilespmem:s23+$0x4800] =	vst v61;
	v25 =	vnsel vm13, $0x0, v63  }
0x354: {  	v31 =	vmul.f32 v55, v17;
	v54 =	vmul.f32 v58, v40;
	v7 =	vnsel vm14, $0x0, v7;
	[tilespmem:s23+$0x5000] =	vst v25  }
0x355: {  	v55 =	vmul.f32 v30, v17;
	v63 =	vor.u32 v33, v4;
	v30 =	vnsel vm15, $0x0, v26;
	[tilespmem:s23+$0x5400] =	vst v7  }
0x356: {  	v40 =	vnsel vm9, $0x0, v27;
	vm13 =	vlt.u32 v43, $0x400;
	vm15 =	vlt.u32 v47, $0x200;
	[tilespmem:s23+$0x5800] =	vst v30  }
0x357: {  	v7 =	vor.u32 v13, v8;
	vm10 =	vlt.u32 v63, $0x800;
	[tilespmem:s23+$0x6000] =	vst v40;
	v50 =	vnsel vm15, $0x0, v52  }
0x358: {  	vm15 =	vgt.s32 v1, $0x0;
	vm11 =	vlt.u32 v7, $0x800;
	v7 =	vnsel vm10, $0x0, v31;
	[tilespmem:s23+$0x8000] =	vst v50  }
0x359: {  	v44 =	vnsel vm11, $0x0, v48;
	[tilespmem:s23+$0x6400] =	vst v7;
	v7 =	vor.u32 v9, v29;
	v48 =	vor.u32 v46, v1  }
0x35a: {  	v1 =	vnsel vm15, $0x0, v1;
	[tilespmem:s23+$0x6800] =	vst v44;
	vm14 =	vlt.u32 v7, $0x400;
	v7 =	vnsel vm13, $0x0, v32  }
0x35b: {  	vm9 =	vlt.u32 v48, $0x200;
	vm13 =	vlt.u32 v6, $0x200;
	v49 =	vnsel vm14, $0x0, v51;
	[tilespmem:s23+$0x7400] =	vst v7  }
0x35c: {  	v1 =	vmin.u32 v1, $0x1FF;
	v7 =	vor.u32 v42, v21;
	v52 =	vnsel vm13, $0x0, v57;
	[tilespmem:s23+$0x7800] =	vst v49  }
0x35d: {  	v1 =	vshll.u32 v1, $0x9;
	vm10 =	vlt.u32 v7, $0x1000;
	v7 =	vnsel vm9, $0x0, v54;
	[tilespmem:s23+$0x8C00] =	vst v52  }
0x35e: {  	v12 =	vmin.u32 v12, $0x1FF;
	v19 =	vmul.f32 v24, v19;
	v2 =	vor.u32 v2, v1;
	[tilespmem:s23+$0x8400] =	vst v7  }
0x35f: {  	v56 =	vmin.u32 v56, $0x7FF;
	v8 =	vor.u32 v33, v8;
	v1 =	vor.u32 v12, v1;
	[tilespmem:s23+$0x4000] =	vst v2  }
0x360: {  	vm11 =	vlt.u32 v8, $0x800;
	v51 =	vor.u32 v34, v29;
	v8 =	vnsel vm10, $0x0, v19;
	[tilespmem:s23+$0x4400] =	vst v1  }
0x361: {  	v53 =	vnsel vm8, $0x0, v42;
	vm12 =	vlt.u32 v51, $0x400;
	v7 =	vnsel vm11, $0x0, v55;
	[tilespmem:s23+$0x5C00] =	vst v8  }
0x362: {  	v6 =	vnsel vm12, $0x0, v10;
	v55 =	vshll.u32 v22, $0xB;
	v8 =	vnsel vm4, $0x0, v15;
	[tilespmem:s23+$0x6C00] =	vst v7  }
0x363: {  	v7 =	vshll.u32 v23, $0xC;
	[tilespmem:s23+$0x7C00] =	vst v6;
	v10 =	vor.u32 v56, v55;
	v8 =	vmin.u32 v8, $0xFFF  }
0x364: {  	v53 =	vmin.u32 v53, $0xFFF;
	v6 =	vnsel vm3, $0x0, v13;
	[tilespmem:s23+$0x2C00] =	vst v10;
	v54 =	vor.u32 v8, v7  }
0x365: {  	vm0 =	vgt.s32 v4, $0x0;
	v6 =	vmin.u32 v6, $0x7FF;
	v7 =	vor.u32 v53, v7;
	[tilespmem:s23+$0x1800] =	vst v54  }
0x366: {  	v58 =	vnsel vm6, $0x0, v34;
	v4 =	vnsel vm0, $0x0, v4;
	v57 =	vor.u32 v6, v55;
	[tilespmem:s23+$0x1C00] =	vst v7  }
0x367: {  	v4 =	vmin.u32 v4, $0x7FF;
	vm14 =	vgt.s32 v3, $0x0;
	v8 =	vor.u32 v8, v5;
	[tilespmem:s23+$0x2800] =	vst v57  }
0x368: {  	v4 =	vshll.u32 v4, $0xB;
	v3 =	vnsel vm14, $0x0, v3;
	v5 =	vor.u32 v53, v5;
	[tilespmem:s23+$0x1000] =	vst v8  }
0x369: {  	v9 =	vnsel vm2, $0x0, v9;
	v3 =	vmin.u32 v3, $0x3FF;
	v6 =	vor.u32 v6, v4;
	[tilespmem:s23+$0x1400] =	vst v5  }
0x36a: {  	v9 =	vmin.u32 v9, $0x3FF;
	v3 =	vshll.u32 v3, $0xA;
	v4 =	vor.u32 v56, v4;
	[tilespmem:s23+$0x2000] =	vst v6  }
0x36b: {  	v58 =	vmin.u32 v58, $0x3FF;
	v5 =	vor.u32 v9, v3;
	[tilespmem:s23+$0x2400] =	vst v4  }
0x36c: {  	v7 =	vshll.u32 v20, $0xA;
	v3 =	vor.u32 v58, v3;
	[tilespmem:s23+$0x3000] =	vst v5  }
0x36d: {  	v59 =	vor.u32 v9, v7;
	[tilespmem:s23+$0x3400] =	vst v3  }
0x36e: {  	v7 =	vor.u32 v58, v7;
	[tilespmem:s23+$0x3800] =	vst v59  }
0x36f: {  	[tilespmem:s23+$0x3C00] =	vst v7;
	v7 =	vor.u32 v12, v60  }
0x370: {  	[tilespmem:s23+$0x4C00] =	vst v7  }
0x371: {  	_ =	swait.ge [sflag:s12], $0x1000  }
0x372: {  	[sflag:s12] =	ssyncset.done $0x0  }
0x373: {  	[sflag:s12] =	ssyncadd.s32 $0xFFFFF000  }
0x374: {  	_ =	swait.ge [sflag:s12], $0x1000  }
0x375: {  	[sflag:s12] =	ssyncset.done $0x0  }
0x376: {  	[sflag:s12] =	ssyncadd.s32 $0xFFFFF000  }
0x377: {  	_ =	swait.ge [sflag:s12], $0x1000  }
0x378: {  	[sflag:s12] =	ssyncset.done $0x0  }
0x379: {  	[sflag:s12] =	ssyncadd.s32 $0xFFFFF000  }
0x37a: {  	_ =	swait.ge [sflag:s12], $0x1000  }
0x37b: {  	[sflag:s12] =	ssyncset.done $0x0  }
0x37c: {  	s22 =	simm.s32 $0x0;
	[sflag:s12] =	ssyncadd.s32 $0xFFFFF000  }
0x37d: {  	v1 =	vld [tilespmem:s22+$0x15000]  }
0x37e: {  	v2 =	vld [tilespmem:s22+$0xD000]  }
0x37f: {  	v3 =	vld [tilespmem:s22+$0x15400]  }
0x380: {  	v4 =	vld [tilespmem:s22+$0xD400]  }
0x381: {  	v5 =	vld [tilespmem:s22+$0x15800]  }
0x382: {  	v6 =	vld [tilespmem:s22+$0xD800]  }
0x383: {  	v7 =	vld [tilespmem:s22+$0x15C00]  }
0x384: {  	v8 =	vld [tilespmem:s22+$0xDC00]  }
0x385: {  	v1 =	vmul.f32 v2, v1;
	v2 =	vmul.f32 v4, v3;
	v3 =	vld [tilespmem:s22+$0x16000]  }
0x386: {  	v4 =	vld [tilespmem:s22+$0xE000]  }
0x387: {  	v1 =	vadd.f32 v2, v1;
	v2 =	vmul.f32 v6, v5;
	v5 =	vld [tilespmem:s22+$0x16400]  }
0x388: {  	v6 =	vld [tilespmem:s22+$0xE400]  }
0x389: {  	v1 =	vadd.f32 v2, v1;
	v2 =	vmul.f32 v8, v7;
	v7 =	vld [tilespmem:s22+$0x16800]  }
0x38a: {  	v8 =	vld [tilespmem:s22+$0xE800]  }
0x38b: {  	v1 =	vadd.f32 v2, v1;
	v2 =	vmul.f32 v4, v3;
	v3 =	vld [tilespmem:s22+$0x16C00]  }
0x38c: {  	v4 =	vld [tilespmem:s22+$0xEC00]  }
0x38d: {  	v1 =	vadd.f32 v2, v1;
	v2 =	vmul.f32 v6, v5;
	v5 =	vld [tilespmem:s22+$0x17000]  }
0x38e: {  	v6 =	vld [tilespmem:s22+$0xF000]  }
0x38f: {  	v1 =	vadd.f32 v2, v1;
	v2 =	vmul.f32 v8, v7;
	v7 =	vld [tilespmem:s22+$0x17400]  }
0x390: {  	v8 =	vld [tilespmem:s22+$0xF400]  }
0x391: {  	v1 =	vadd.f32 v2, v1;
	v2 =	vmul.f32 v4, v3;
	v3 =	vld [tilespmem:s22+$0x17800]  }
0x392: {  	v4 =	vld [tilespmem:s22+$0xF800]  }
0x393: {  	v1 =	vadd.f32 v2, v1;
	v2 =	vmul.f32 v6, v5;
	v5 =	vld [tilespmem:s22+$0x17C00]  }
0x394: {  	v6 =	vld [tilespmem:s22+$0xFC00]  }
0x395: {  	v1 =	vadd.f32 v2, v1;
	v2 =	vmul.f32 v8, v7;
	v7 =	vld [tilespmem:s22+$0x18000]  }
0x396: {  	v8 =	vld [tilespmem:s22+$0x10000]  }
0x397: {  	v1 =	vadd.f32 v2, v1;
	v2 =	vmul.f32 v4, v3;
	v3 =	vld [tilespmem:s22+$0x18400]  }
0x398: {  	v4 =	vld [tilespmem:s22+$0x10400]  }
0x399: {  	v62 =	vld [tilespmem:s22+$0x18800];
	v1 =	vadd.f32 v2, v1;
	v2 =	vmul.f32 v6, v5  }
0x39a: {  	v63 =	vld [tilespmem:s22+$0x10800]  }
0x39b: {  	v5 =	vld [tilespmem:s22+$0x10C00];
	v7 =	vmul.f32 v8, v7;
	v6 =	vadd.f32 v2, v1  }
0x39c: {  	s23 =	simm.s32 $0x10;
	v2 =	vld [tilespmem:s22+$0x18C00]  }
0x39d: {  	v1 =	vld [tilespmem:s23+$0x15000];
	v6 =	vadd.f32 v7, v6;
	v7 =	vmul.f32 v4, v3  }
0x39e: {  	v3 =	vld [tilespmem:s23+$0xD000]  }
0x39f: {  	s24 =	simm.s32 $0x80;
	v4 =	vld [tilespmem:s23+$0x15400];
	v6 =	vadd.f32 v7, v6;
	v7 =	vmul.f32 v63, v62  }
.LBB2_13:
0x3a0: {  	p0 =	sne.s32 s24, $0xFC0;
	v8 =	vld [tilespmem:s23+$0xD400]  }
0x3a1: {  	v9 =	vld [tilespmem:s23+$0x15800];
	v6 =	vadd.f32 v7, v6;
	v2 =	vmul.f32 v5, v2  }
0x3a2: {  	v5 =	vld [tilespmem:s23+$0xD800]  }
0x3a3: {  	v7 =	vld [tilespmem:s23+$0x15C00];
	v2 =	vadd.f32 v2, v6  }
0x3a4: {  	v6 =	vld [tilespmem:s23+$0xDC00]  }
0x3a5: {  	v1 =	vmul.f32 v3, v1;
	v3 =	vmul.f32 v8, v4;
	v4 =	vld [tilespmem:s23+$0x16000];
	[tilespmem:s22+$0x19400] =	vst v2;
	s22 =	smov.u32 s23  }
0x3a6: {  	v2 =	vld [tilespmem:s22+$0xE000]  }
0x3a7: {  	v1 =	vadd.f32 v3, v1;
	v3 =	vmul.f32 v5, v9;
	v5 =	vld [tilespmem:s22+$0x16400]  }
0x3a8: {  	v8 =	vld [tilespmem:s22+$0xE400]  }
0x3a9: {  	v1 =	vadd.f32 v3, v1;
	v3 =	vmul.f32 v6, v7;
	v6 =	vld [tilespmem:s22+$0x16800]  }
0x3aa: {  	v7 =	vld [tilespmem:s22+$0xE800]  }
0x3ab: {  	v1 =	vadd.f32 v3, v1;
	v2 =	vmul.f32 v2, v4;
	v3 =	vld [tilespmem:s22+$0x16C00]  }
0x3ac: {  	v4 =	vld [tilespmem:s22+$0xEC00]  }
0x3ad: {  	v1 =	vadd.f32 v2, v1;
	v2 =	vmul.f32 v8, v5;
	v5 =	vld [tilespmem:s22+$0x17000]  }
0x3ae: {  	v8 =	vld [tilespmem:s22+$0xF000]  }
0x3af: {  	v1 =	vadd.f32 v2, v1;
	v2 =	vmul.f32 v7, v6;
	v6 =	vld [tilespmem:s22+$0x17400]  }
0x3b0: {  	v7 =	vld [tilespmem:s22+$0xF400]  }
0x3b1: {  	v1 =	vadd.f32 v2, v1;
	v2 =	vmul.f32 v4, v3;
	v3 =	vld [tilespmem:s22+$0x17800]  }
0x3b2: {  	v4 =	vld [tilespmem:s22+$0xF800]  }
0x3b3: {  	v1 =	vadd.f32 v2, v1;
	v2 =	vmul.f32 v8, v5;
	v5 =	vld [tilespmem:s22+$0x17C00]  }
0x3b4: {  	v8 =	vld [tilespmem:s22+$0xFC00]  }
0x3b5: {  	v1 =	vadd.f32 v2, v1;
	v2 =	vmul.f32 v7, v6;
	v6 =	vld [tilespmem:s22+$0x18000]  }
0x3b6: {  	v7 =	vld [tilespmem:s22+$0x10000]  }
0x3b7: {  	v1 =	vadd.f32 v2, v1;
	v2 =	vmul.f32 v4, v3;
	v3 =	vld [tilespmem:s22+$0x18400]  }
0x3b8: {  	v4 =	vld [tilespmem:s22+$0x10400]  }
0x3b9: {  	v1 =	vadd.f32 v2, v1;
	v2 =	vmul.f32 v8, v5;
	v8 =	vld [tilespmem:s22+$0x18800]  }
0x3ba: {  	v9 =	vld [tilespmem:s22+$0x10800]  }
.Ltmp8:
0x3bb: {  	v10 =	vadd.f32 v2, v1;
	v6 =	vmul.f32 v7, v6;
	v2 =	vld [tilespmem:s22+$0x18C00];
	(pc) =	sbr.rel @p0 .LBB2_13-.Ltmp8, $4  }
0x3bc: {  	s23 =	sshra.s32 s24, $0x2;
	v5 =	vld [tilespmem:s22+$0x10C00]  }
0x3bd: {  	v1 =	vld [tilespmem:s23+$0x15000];
	v6 =	vadd.f32 v6, v10;
	v7 =	vmul.f32 v4, v3  }
0x3be: {  	v3 =	vld [tilespmem:s23+$0xD000]  }
0x3bf: {  	s24 =	sadd.s32 $0x40, s24;
	v4 =	vld [tilespmem:s23+$0x15400];
	v6 =	vadd.f32 v7, v6;
	v7 =	vmul.f32 v9, v8  }
0x3c0: {  	v8 =	vld [tilespmem:s23+$0xD400]  }
0x3c1: {  	v9 =	vld [tilespmem:s23+$0x15800];
	v6 =	vadd.f32 v7, v6;
	v2 =	vmul.f32 v5, v2  }
0x3c2: {  	v42 =	vld [tilespmem:s23+$0xD800]  }
0x3c3: {  	v43 =	vld [tilespmem:s23+$0x15C00];
	v2 =	vadd.f32 v2, v6  }
0x3c4: {  	v44 =	vld [tilespmem:s23+$0xDC00]  }
0x3c5: {  	v10 =	vld [tilespmem:s23+$0x16000];
	v1 =	vmul.f32 v3, v1;
	v3 =	vmul.f32 v8, v4;
	[tilespmem:s22+$0x19400] =	vst v2  }
0x3c6: {  	v2 =	vld [tilespmem:s23+$0xE000]  }
0x3c7: {  	v45 =	vld [tilespmem:s23+$0x16400];
	v1 =	vadd.f32 v3, v1;
	v3 =	vmul.f32 v42, v9  }
0x3c8: {  	v46 =	vld [tilespmem:s23+$0xE400]  }
0x3c9: {  	v47 =	vld [tilespmem:s23+$0x16800];
	v1 =	vadd.f32 v3, v1;
	v3 =	vmul.f32 v44, v43  }
0x3ca: {  	v48 =	vld [tilespmem:s23+$0xE800]  }
0x3cb: {  	v49 =	vld [tilespmem:s23+$0xEC00];
	v1 =	vadd.f32 v3, v1;
	v2 =	vmul.f32 v2, v10  }
0x3cc: {  	v3 =	vld [tilespmem:s23+$0x16C00]  }
0x3cd: {  	v50 =	vld [tilespmem:s23+$0x17000];
	v1 =	vadd.f32 v2, v1;
	v2 =	vmul.f32 v46, v45  }
0x3ce: {  	v51 =	vld [tilespmem:s23+$0xF000]  }
0x3cf: {  	v52 =	vld [tilespmem:s23+$0x17400];
	v1 =	vadd.f32 v2, v1;
	v2 =	vmul.f32 v48, v47  }
0x3d0: {  	v53 =	vld [tilespmem:s23+$0xF400]  }
0x3d1: {  	v54 =	vld [tilespmem:s23+$0xF800];
	v1 =	vadd.f32 v2, v1;
	v2 =	vmul.f32 v49, v3  }
0x3d2: {  	v3 =	vld [tilespmem:s23+$0x17800]  }
0x3d3: {  	v55 =	vld [tilespmem:s23+$0x17C00];
	v1 =	vadd.f32 v2, v1;
	v2 =	vmul.f32 v51, v50  }
0x3d4: {  	v56 =	vld [tilespmem:s23+$0xFC00]  }
0x3d5: {  	v57 =	vld [tilespmem:s23+$0x18000];
	v1 =	vadd.f32 v2, v1;
	v2 =	vmul.f32 v53, v52  }
0x3d6: {  	v58 =	vld [tilespmem:s23+$0x10000]  }
0x3d7: {  	v59 =	vld [tilespmem:s23+$0x10400];
	v1 =	vadd.f32 v2, v1;
	v2 =	vmul.f32 v54, v3  }
0x3d8: {  	v3 =	vld [tilespmem:s23+$0x18400]  }
0x3d9: {  	v60 =	vld [tilespmem:s23+$0x18800];
	v1 =	vadd.f32 v2, v1;
	v2 =	vmul.f32 v56, v55  }
0x3da: {  	v61 =	vld [tilespmem:s23+$0x10800]  }
0x3db: {  	v62 =	vld [tilespmem:s23+$0x18C00];
	v1 =	vadd.f32 v2, v1;
	v2 =	vmul.f32 v58, v57  }
0x3dc: {  	v63 =	vld [tilespmem:s23+$0x10C00]  }
0x3dd: {  	v1 =	vadd.f32 v2, v1;
	v2 =	vmul.f32 v59, v3;
	_ =	sdelay $0x1  }
0x3de: {  	v1 =	vadd.f32 v2, v1;
	v2 =	vmul.f32 v61, v60;
	_ =	sdelay $0x1  }
0x3df: {  	v1 =	vadd.f32 v2, v1;
	v2 =	vmul.f32 v63, v62;
	_ =	sdelay $0x1  }
0x3e0: {  	v1 =	vadd.f32 v2, v1;
	_ =	sdelay $0x1  }
0x3e1: {  	s21 =	sadd.s32 s10, s21;
	s20 =	sadd.s32 $0x1, s20;
	[tilespmem:s23+$0x19400] =	vst v1  }
0x3e2: {  	[hbm4b:s21+s2] =	stream.linear.scatter [tilespmem:s16], [sflag:$0x3], $0x400, $0x38;
	[tilespmem:$0x19800] =	vst v63  }
0x3e3: {  	p0 =	sne.s32 s20, $0x10;
	_ =	swait.ge [sflag:s17], $0x400  }
.Ltmp9:
0x3e4: {  	[sflag:s17] =	ssyncset.done $0x0;
	(pc) =	sbr.rel @p0 .LBB2_4-.Ltmp9, $4  }
.Ltmp10:
0x3e5: {  	[sflag:s17] =	ssyncadd.s32 $0xFFFFFC00;
	(pc) =	sbr.rel @!p0 .LBB2_15-.Ltmp10, $4  }
0x3e6: {  	_ =	swait.ge [sflag:s17], $0x400  }
0x3e7: {  	[sflag:s17] =	ssyncset.done $0x0  }
0x3e8: {  	[sflag:s17] =	ssyncadd.s32 $0xFFFFFC00  }
0x3e9: {  	_ = 	snop  }
.LBB2_5:
.Ltmp11:
0x3ea: {  	(pc) =	sbr.rel .LBB2_8-.Ltmp11, $2  }
0x3eb: {  	_ =	sdelay $0x2  }
0x3ec: {  	s25 =	simm.s32 $0x0  }
.LBB2_16:
0x3ed: {  	_ =	sfence.sel $0x180000  }
0x3ee: {  	[bflag:$0x0] =	sbarrier.arrive $0xFFFF  }
0x3ef: {  	_ =	strace $0x9000004A  }
0x3f0: {  	s0 =	stileid.u32;
	[bflag:$0x2] =	sbarrier.arrive $0xFFFF  }
0x3f1: {  	p0 =	sne.s32 s0, $0x0;
	s0 =	rddreg [dreg:$0x2]  }
0x3f2: {  	s0 =	sadd.s32 @!p0 $0x100000, s0  }
0x3f3: {  	[sflag:s0] =	ssyncadd.tile.s32 @!p0 $0x1;
	_ =	shalt  }
.Lfunc_end2:
_tile_overlayer_lowered:
.L_overlay_start_2:
0x3f4: {  	(tag) =	ssettag $0x2  }
0x3f5: {  	s0 =	rddreg [dreg:$0x0];
	s2 =	stileid.u32  }
0x3f6: {  	s1 =	rddreg [dreg:$0x1];
	p0 =	sne.s32 s2, $0x0  }
0x3f7: {  	s3 =	rddreg [dreg:$0x2];
	[bflag:$0x3] =	sbarrier.arrive $0xFFFF;
	s2 =	simm.s32 @!p0 $0x1C04  }
0x3f8: {  	[timem:s3], [sflag:s2] =	dma.local @!p0 [hbm:s0], s1  }
0x3f9: {  	s0 =	simm.s32 @!p0 $0x4  }
0x3fa: {  	_ =	swait.ge @!p0 [sflag:s0], s1  }
0x3fb: {  	s1 =	ssub.s32 @!p0 $0x0, s1;
	[sflag:s0] =	ssyncset.done @!p0 $0x0  }
0x3fc: {  	[sflag:s0] =	ssyncadd.s32 @!p0 s1  }
0x3fd: {  	[bflag:$0x3] =	sbarrier.arrive $0xFFFF  }
0x3fe: {  	_ =	shalt  }

// kernel: sparse-core-data-format-call.cloned.1.call-start
scs
called_computation_lowered:
.L_overlay_start_0:
0x0: {  	s2 =	sld [smem:$0x3FD9]  }
0x1: {  	s3 =	sld [smem:$0x3FFE];
	_ =	sdelay $0x1  }
0x2: {  	s1 =	srdreg.scid  }
0x3: {  	s0 =	sand.u32 $0x1, s1  }
0x4: {  	s18 =	sshll.u32 s0, $0xA;
	s2 =	sadd.s32 s3, s2  }
0x5: {  	s2 =	sadd.s32 s2, s18  }
0x6: {  	[smem:$0x3FC3] =	sst s2  }
0x7: {  	_ = 	snop  }
0x8: {  	s2 =	sld [smem:$0x3FC8];
	(tm) =	ssettm $0x1  }
0x9: {  	s19 =	sld [smem:$0x3FFB];
	_ =	sdelay $0x3  }
0xa: {  	_ =	strace s19  }
0xb: {  	s3 =	sld [smem:$0x3FFC];
	_ =	sdelay $0x3  }
0xc: {  	_ =	strace s3  }
0xd: {  	s3 =	sld [smem:$0x3FFD];
	_ =	sdelay $0x3  }
0xe: {  	_ =	strace s3  }
0xf: {  	_ =	strace $0x8FFFFFFF  }
0x10: {  	s20 =	sld [smem:$0x3FDB];
	_ =	sdelay $0x1  }
0x11: {  	s4 =	simm.s32 $_scs_section_size  }
0x12: {  	s5 =	simm.s32 $_size__tile_overlayer_lowered;
	s6 =	simm.s32 $_tile_overlayer_lowered  }
0x13: {  	s23 =	simm.s32 $0x1BFF;
	s22 =	sshll.u32 s6, $0x1;
	s3 =	sadd.s32 s4, s20  }
0x14: {  	s7 =	simm.s32 $0x0;
	s21 =	sshll.u32 s5, $0x1;
	s5 =	sadd.s32 s22, s3  }
0x15: {  	[timem:s7], [sflag:s23] =	dma.local [hbm:s5], s21  }
0x16: {  	_ =	swait.ge [sflag:s23], s21  }
0x17: {  	s4 =	ssub.s32 $0x0, s21;
	[sflag:s23] =	ssyncset.done $0x0  }
0x18: {  	[sflag:s23] =	ssyncadd.s32 s4;
	_ =	sdelay $0x1  }
0x19: {  	s24 =	simm.s32 $0x1B8B  }
0x1a: {  	_ =	swait.ge [sflag:s24], $0x1  }
0x1b: {  	[sflag:s24] =	ssyncset.done $0x0  }
0x1c: {  	s26 =	simm.s32 $0x1B8E;
	s25 =	sld [smem:$0x3FFE];
	[sflag:s24] =	ssyncadd.s32 $0xFFFFFFFF  }
0x1d: {  	s27 =	simm.s32 $execute0_lowered;
	[smem:$0x3FD2] =	sst s26  }
0x1e: {  	s5 =	sshll.u32 s27, $0x1;
	_ =	strace $0x80000046;
	[dreg:$0x1] =	wrdreg $0xFFFFFFFF  }
0x1f: {  	s28 =	simm.s32 $_size_execute0_lowered;
	s3 =	sadd.s32 s3, s5;
	[dreg:$0x0] =	wrdreg $0x0  }
0x20: {  	s5 =	sshll.u32 s28, $0x1;
	[dreg:$0x2] =	wrdreg s3  }
0x21: {  	[dreg:$0x3] =	wrdreg s5  }
0x22: {  	[dreg:$0x4] =	wrdreg $0xC0  }
0x23: {  	_ =	task [dreg:s7], $0x5FFFF  }
0x24: {  	[dreg:$0x1] =	wrdreg $0xFFFFFFFF  }
0x25: {  	[dreg:$0x0] =	wrdreg $0x60  }
0x26: {  	[dreg:$0x2] =	wrdreg s2  }
0x27: {  	[dreg:$0x3] =	wrdreg s25  }
0x28: {  	[dreg:$0x4] =	wrdreg $0x9  }
0x29: {  	_ =	task.clear_ibuf [dreg:s7], $0x5FFFF;
	_ =	strace $0x90000046  }
0x2a: {  	s29 =	simm.s32 $0x9;
	_ =	strace $0x80000048  }
0x2b: {  	_ =	swait.ge [sflag:s29], $0x1  }
0x2c: {  	[sflag:s29] =	ssyncadd.s32 $0xFFFFFFFF  }
0x2d: {  	_ =	strace $0x90000048  }
0x2e: {  	_ =	sfence  }
0x2f: {  	s30 =	sld [smem:$0x0];
	_ =	sdelay $0x2  }
0x30: {  	s31 =	sshll.u32 s1, $0xD;
	s1 =	sshrl.u32 s1, $0x2  }
0x31: {  	s3 =	sand.u32 $0x4000, s31;
	s1 =	sadd.s32 s1, s30  }
0x32: {  	s0 =	sor.u32 s3, s0;
	s1 =	sshll.u32 s1, $0x11  }
0x33: {  	s0 =	sor.u32 s1, s0  }
0x34: {  	s0 =	sadd.s32 $0x8F2B, s0  }
0x35: {  	[sflag:s0] =	ssyncadd.remote.s32 $0x1  }
0x36: {  	_ =	sfence.sel $0xFFFF  }
0x37: {  	[dreg:$0x0] =	wrdreg $0xFFFFFFFF;
	(pc) =	sbr.abs _section_cstart, $3  }
0x38: {  	[dreg:$0x1] =	wrdreg $0xFFFFFFFF  }
0x39: {  	_ =	task.clear_ibuf [dreg:s7], $0x2FFFF;
	_ =	strace $0x9FFFFFFF  }
0x3a: {  	(tm) =	ssettm $0x7FFFFFFF  }
0x3b: {  	_ =	shalt  }
tec
execute0_lowered:
.L_overlay_start_1:
0x0: {  	(tag) =	ssettag $0x1  }
0x1: {  	s2 =	rddreg [dreg:$0x0]  }
0x2: {  	s1 =	rddreg [dreg:$0x1]  }
0x3: {  	s0 =	rddreg [dreg:$0x2];
	_ =	strace $0x80000047;
	s4 =	srdreg.scid  }
0x4: {  	s6 =	simm.s32 $0x2;
	s11 =	simm.s32 $0x0;
	p0 =	por $0x0, $0x0  }
.Ltmp0:
0x5: {  	s7 =	simm.s32 $0x1000;
	s12 =	simm.s32 $0x0;
	(pc) =	sbr.rel .LBB1_1-.Ltmp0, $4  }
0x6: {  	s9 =	simm.s32 $0x0;
	s3 =	sadd.s32 $0x1800, s1;
	s5 =	sshll.u32 s4, $0x4  }
0x7: {  	s1 =	stileid.u32;
	s4 =	simm.s32 $0x1;
	s5 =	sand.u32 $0x10, s5  }
0x8: {  	s8 =	simm.s32 $0x0;
	[sflag:s4] =	ssyncpa.u1 $0x0;
	s5 =	sor.u32 s1, s5  }
0x9: {  	[sflag:s6] =	ssyncpa.u1 $0x0;
	s6 =	simm.s32 $0x800;
	s10 =	smov.u32 s5  }
.LBB1_7:
0xa: {  	s13 =	sadd.s32 $0x10, s9  }
0xb: {  	s11 =	sadd.s32 $0x20, s10;
	s15 =	smov.u32 s10;
	p2 =	sgt.s32 s13, $0x1F  }
0xc: {  	p1 =	slt.u32 s8, $0x2;
	s15 =	smov.u32 @p2 s11  }
0xd: {  	s8 =	sadd.s32 $0x1, s8;
	s13 =	simm.s32 @p2 $0x0;
	p2 =	sgt.s32 s15, $0x1FF  }
0xe: {  	s15 =	smov.u32 @p2 s5;
	p2 =	sne.s32 s8, $0x22  }
.Ltmp1:
0xf: {  	_ = 	snop;
	(pc) =	sbr.rel @!p2 .LBB1_8-.Ltmp1, $4  }
0x10: {  	s14 =	simm.s32 @!p1 $0x2  }
0x11: {  	s12 =	smov.u32 s10;
	_ =	swait.ge @!p1 [sflag:s14], $0x4000  }
0x12: {  	p0 =	por !p0, !p0;
	s11 =	smov.u32 s9;
	[sflag:s14] =	ssyncset.done @!p1 $0x0  }
0x13: {  	s9 =	smov.u32 s13;
	[sflag:s14] =	ssyncadd.s32 @!p1 $0xFFFFC000;
	s10 =	smov.u32 s15  }
.LBB1_1:
0x14: {  	p1 =	sgt.u32 s8, $0x1F  }
0x15: {  	s13 =	sxor.u32 @!p1 $0xFFFFFFFF, s8;
	s14 =	sshll.u32 @!p1 s10, $0xC  }
0x16: {  	s15 =	sshll.u32 @!p1 s9, $0x7;
	s13 =	sshll.u32 @!p1 s13, $0xE;
	s14 =	sadd.s32 @!p1 s2, s14  }
0x17: {  	s13 =	sand.u32 @!p1 $0x4000, s13;
	s14 =	sadd.s32 @!p1 s15, s14;
	s15 =	simm.s32 @!p1 $0x0  }
0x18: {  	[tilespmem:s13], [sflag:$0x1] =	stream.linear.gather @!p1 [hbm4b:s14+s15], $0x4000, $0x38;
	[tilespmem:$0x10000] =	vst v63  }
0x19: {  	p1 =	seq.s32 s8, $0x0  }
0x1a: {  	p2 =	seq.s32 @!p1 s8, $0x21  }
0x1b: {  	p1 =	por p1, p2  }
.Ltmp2:
0x1c: {  	_ = 	snop;
	(pc) =	sbr.rel @p1 .LBB1_7-.Ltmp2, $1  }
0x1d: {  	_ =	sdelay $0x3  }
0x1e: {  	s13 =	simm.s32 $0x1;
	_ =	swait.ge [sflag:s4], $0x4000;
	s16 =	sshll.u32 s8, $0xE  }
0x1f: {  	s13 =	simm.s32 @!p0 $0x0;
	[sflag:s4] =	ssyncset.done $0x0;
	s31 =	sand.u32 $0x4000, s16  }
0x20: {  	s16 =	simm.s32 $0x0;
	s14 =	sshll.u32 s13, $0xE;
	[sflag:s4] =	ssyncadd.s32 $0xFFFFC000  }
0x21: {  	s13 =	sor.u32 $0x8040, s14;
	s15 =	sor.u32 $0x40, s14;
	s14 =	sor.u32 $0x8000, s31  }
.LBB1_3:
0x22: {  	v0 =	vmov s15;
	_ =	sdelay $0x3  }
0x23: {  	s18 =	simm.s32 $0x0  }
0x24: {  	v6 =	vld.idx.msk [tilespmem:v0+s18+$0x30 ss:$0x1], $0xffff  }
0x25: {  	v7 =	vld.idx.msk [tilespmem:v0+s18+$0xFFFFFFC0 ss:$0x1], $0xffff  }
0x26: {  	v5 =	vld.idx.msk [tilespmem:v0+s18+$0xFFFFFFD0 ss:$0x1], $0xffff  }
0x27: {  	v4 =	vld.idx.msk [tilespmem:v0+s18+$0xFFFFFFE0 ss:$0x1], $0xffff  }
0x28: {  	v3 =	vld.idx.msk [tilespmem:v0+s18+$0xFFFFFFF0 ss:$0x1], $0xffff  }
0x29: {  	v1 =	vld.idx.msk [tilespmem:v0+s18+$0x0 ss:$0x1], $0xffff  }
0x2a: {  	v2 =	vld.idx.msk [tilespmem:v0+s18+$0x10 ss:$0x1], $0xffff;
	[tilespmem:s13+$0x30] =	vst v6  }
0x2b: {  	s17 =	simm.s32 $0x80;
	s19 =	simm.s32 $0x400;
	[tilespmem:s13+$0xFFFFFFC0] =	vst v7;
	v6 =	vld.idx.msk [tilespmem:v0+s18+$0x20 ss:$0x1], $0xffff;
	s18 =	smov.u32 s13  }
.LBB1_4:
0x2c: {  	p1 =	sne.s32 s19, $0xE00;
	v7 =	vld.idx.msk [tilespmem:v0+s17+$0x30 ss:$0x1], $0xffff;
	[tilespmem:s18+$0xFFFFFFD0] =	vst v5  }
0x2d: {  	v8 =	vld.idx.msk [tilespmem:v0+s17+$0xFFFFFFC0 ss:$0x1], $0xffff;
	[tilespmem:s18+$0xFFFFFFE0] =	vst v4  }
0x2e: {  	v5 =	vld.idx.msk [tilespmem:v0+s17+$0xFFFFFFD0 ss:$0x1], $0xffff;
	[tilespmem:s18+$0xFFFFFFF0] =	vst v3  }
.Ltmp3:
0x2f: {  	v4 =	vld.idx.msk [tilespmem:v0+s17+$0xFFFFFFE0 ss:$0x1], $0xffff;
	[tilespmem:s18+$0x0] =	vst v1;
	(pc) =	sbr.rel @p1 .LBB1_4-.Ltmp3, $4  }
0x30: {  	v3 =	vld.idx.msk [tilespmem:v0+s17+$0xFFFFFFF0 ss:$0x1], $0xffff;
	[tilespmem:s18+$0x10] =	vst v2  }
0x31: {  	v1 =	vld.idx.msk [tilespmem:v0+s17+$0x0 ss:$0x1], $0xffff;
	[tilespmem:s18+$0x20] =	vst v6;
	s18 =	sadd.s32 $0x800, s18  }
0x32: {  	v2 =	vld.idx.msk [tilespmem:v0+s17+$0x10 ss:$0x1], $0xffff;
	[tilespmem:s18+$0x30] =	vst v7  }
0x33: {  	[tilespmem:s18+$0xFFFFFFC0] =	vst v8;
	v6 =	vld.idx.msk [tilespmem:v0+s17+$0x20 ss:$0x1], $0xffff;
	s17 =	sshra.s32 s19, $0x2;
	s19 =	sadd.s32 $0x200, s19  }
0x34: {  	_ =	sdelay $0x2  }
0x35: {  	[tilespmem:s18+$0xFFFFFFD0] =	vst v5  }
0x36: {  	v56 =	vld.idx.msk [tilespmem:v0+s17+$0x30 ss:$0x1], $0xffff;
	[tilespmem:s18+$0xFFFFFFE0] =	vst v4  }
0x37: {  	v57 =	vld.idx.msk [tilespmem:v0+s17+$0xFFFFFFC0 ss:$0x1], $0xffff;
	[tilespmem:s18+$0xFFFFFFF0] =	vst v3  }
0x38: {  	v58 =	vld.idx.msk [tilespmem:v0+s17+$0xFFFFFFD0 ss:$0x1], $0xffff;
	[tilespmem:s18+$0x0] =	vst v1  }
0x39: {  	v59 =	vld.idx.msk [tilespmem:v0+s17+$0xFFFFFFE0 ss:$0x1], $0xffff;
	[tilespmem:s18+$0x10] =	vst v2  }
0x3a: {  	v60 =	vld.idx.msk [tilespmem:v0+s17+$0xFFFFFFF0 ss:$0x1], $0xffff;
	s31 =	sadd.s32 $0x800, s18;
	[tilespmem:s18+$0x20] =	vst v6  }
0x3b: {  	v61 =	vld.idx.msk [tilespmem:v0+s17+$0x0 ss:$0x1], $0xffff;
	[tilespmem:s31+$0x30] =	vst v56  }
0x3c: {  	v62 =	vld.idx.msk [tilespmem:v0+s17+$0x10 ss:$0x1], $0xffff;
	s16 =	sadd.s32 $0x1, s16;
	[tilespmem:s31+$0xFFFFFFC0] =	vst v57  }
0x3d: {  	v63 =	vld.idx.msk [tilespmem:v0+s17+$0x20 ss:$0x1], $0xffff;
	p1 =	sne.s32 s16, $0x10;
	[tilespmem:s31+$0xFFFFFFD0] =	vst v58  }
.Ltmp4:
0x3e: {  	[tilespmem:s31+$0xFFFFFFE0] =	vst v59;
	(pc) =	sbr.rel @p1 .LBB1_3-.Ltmp4, $4  }
0x3f: {  	[tilespmem:s31+$0xFFFFFFF0] =	vst v60  }
0x40: {  	[tilespmem:s31+$0x0] =	vst v61  }
0x41: {  	[tilespmem:s31+$0x10] =	vst v62  }
0x42: {  	s13 =	sadd.s32 $0x80, s13;
	s15 =	sadd.s32 $0x400, s15;
	[tilespmem:s31+$0x20] =	vst v63  }
.Ltmp5:
0x43: {  	(pc) =	sbr.rel .LBB1_7-.Ltmp5, $4  }
0x44: {  	s12 =	sshll.u32 s12, $0xC;
	s11 =	sshll.u32 s11, $0x4  }
0x45: {  	s11 =	sand.u32 $0x1F0, s11;
	s12 =	sadd.s32 s3, s12  }
0x46: {  	s11 =	sadd.s32 s11, s12  }
0x47: {  	[hbm4b:s11+s6] =	stream.strided.scatter [tilespmem:s14], [sflag:$0x2], $0x4000, s7, s6, $0x38;
	[tilespmem:$0x10000] =	vst v63  }
.LBB1_8:
0x48: {  	_ =	sfence.sel $0x180000  }
0x49: {  	s2 =	simm.s32 $0x1;
	[bflag:$0x0] =	sbarrier.arrive $0xFFFF  }
0x4a: {  	s31 =	simm.s32 $0x2;
	[sflag:s2] =	ssyncpa.u1 $0x1  }
0x4b: {  	[sflag:s31] =	ssyncpa.u1 $0x1  }
0x4c: {  	p0 =	sne.s32 s1, $0x0;
	_ =	strace $0x90000047  }
0x4d: {  	s0 =	sadd.s32 @!p0 $0x100000, s0;
	[bflag:$0x2] =	sbarrier.arrive $0xFFFF  }
0x4e: {  	[sflag:s0] =	ssyncadd.tile.s32 @!p0 $0x1;
	_ =	shalt  }
.Lfunc_end1:
_tile_overlayer_lowered:
.L_overlay_start_2:
0x4f: {  	(tag) =	ssettag $0x2  }
0x50: {  	s0 =	rddreg [dreg:$0x0];
	s2 =	stileid.u32  }
0x51: {  	s1 =	rddreg [dreg:$0x1];
	p0 =	sne.s32 s2, $0x0  }
0x52: {  	s3 =	rddreg [dreg:$0x2];
	[bflag:$0x3] =	sbarrier.arrive $0xFFFF;
	s2 =	simm.s32 @!p0 $0x1C01  }
0x53: {  	[timem:s3], [sflag:s2] =	dma.local @!p0 [hbm:s0], s1  }
0x54: {  	s0 =	simm.s32 @!p0 $0x1  }
0x55: {  	_ =	swait.ge @!p0 [sflag:s0], s1  }
0x56: {  	s1 =	ssub.s32 @!p0 $0x0, s1;
	[sflag:s0] =	ssyncset.done @!p0 $0x0  }
0x57: {  	[sflag:s0] =	ssyncadd.s32 @!p0 s1  }
0x58: {  	[bflag:$0x3] =	sbarrier.arrive $0xFFFF  }
0x59: {  	_ =	shalt  }

</sc_bundles>
